<compile_context>
chip_gen: v7x
topology: tpu7x:2x2x1
jax: 0.10.2.dev20260603
libtpu: 0.0.44.dev20260713+nightly
codegen_flags: <defaults>
</compile_context>

<pallas_src>
import functools

import jax
import jax.numpy as jnp
from jax import lax
from jax.experimental import pallas as pl
from jax.experimental.pallas import tpu as pltpu
from jax.experimental.pallas import tpu_sc as plsc

C = 1000
CPAD = 1024
N = 16384
D = 1024
NC, NS = 2, 16
NT = NC * NS
TCOLS = D // NT
K = 256
NCHUNK = N // K
CHUNKS_PER_S = NCHUNK // NS
CG = CPAD // 16
CGS = CG // NS


def _seg_body(emb, lab, refc, out_loss,
              rb0, rb1, ib0, ib1, acc_a, acc_b, cnt2, refv, sumb,
              invw_loc, invwv, lossb,
              sr0, si0, sr1, si1, sref,
              cnt_sh, invw_sh):
    c = lax.axis_index("c")
    s = lax.axis_index("s")
    t = c * NS + s
    col0 = t * TCOLS

    zvec = jnp.zeros((16,), jnp.float32)
    onevec = jnp.ones((16,), jnp.float32)

    for i in range(C, CPAD):
        refv[i, pl.ds(0, 16)] = zvec
        refv[i, pl.ds(16, 16)] = zvec
    pltpu.async_copy(refc.at[pl.ds(0, C), pl.ds(col0, TCOLS)],
                     refv.at[pl.ds(0, C)], sref)

    def zbody(i, _):
        acc_a[i, :] = zvec
        acc_b[i, :] = zvec
        return 0
    lax.fori_loop(0, CPAD, zbody, 0, unroll=4)
    for i in range(CG):
        cnt2[i, :] = zvec

    def start(kc, rb, ib, sr, si):
        r0 = kc * K
        pltpu.async_copy(lab.at[pl.ds(r0, K)], ib, si)
        pltpu.async_copy(emb.at[pl.ds(r0, K), pl.ds(col0, TCOLS)], rb, sr)

    def wait(rb, ib, sr, si):
        pltpu.make_async_copy(lab.at[pl.ds(0, K)], ib, si).wait()
        pltpu.make_async_copy(emb.at[pl.ds(0, K), pl.ds(col0, TCOLS)], rb, sr).wait()

    def process(k, rb, ib):
        @plsc.parallel_loop(0, K // 16, unroll=2)
        def grp(g):
            j0 = g * 16
            lblv = ib[pl.ds(j0, 16)]
            lbls = [lblv[i] for i in range(16)]
            for i in range(16):
                plsc.addupdate(acc_a.at[lbls[i], :], rb[j0 + i, pl.ds(0, 16)])
            for i in range(16):
                plsc.addupdate(acc_b.at[lbls[i], :], rb[j0 + i, pl.ds(16, 16)])

        @pl.when((k >= s * CHUNKS_PER_S) & (k < (s + 1) * CHUNKS_PER_S))
        def _():
            def cgrp(g, _):
                lblv = ib[pl.ds(g * 16, 16)]
                plsc.addupdate_scatter(
                    cnt2, [lblv >> 4, lblv & 15], onevec)
                return 0
            lax.fori_loop(0, K // 16, cgrp, 0)

    start(0, rb0, ib0, sr0, si0)

    def outer(h, _):
        k0 = 2 * h
        start(jnp.minimum(k0 + 1, NCHUNK - 1), rb1, ib1, sr1, si1)
        wait(rb0, ib0, sr0, si0)
        process(k0, rb0, ib0)
        start(jnp.minimum(k0 + 2, NCHUNK - 1), rb0, ib0, sr0, si0)
        wait(rb1, ib1, sr1, si1)
        process(k0 + 1, rb1, ib1)
        return 0
    lax.fori_loop(0, NCHUNK // 2, outer, 0)

    wait(rb0, ib0, sr0, si0)

    pltpu.sync_copy(cnt2, cnt_sh.at[s])
    plsc.subcore_barrier()
    pltpu.sync_copy(cnt_sh.at[pl.ds(0, NS), pl.ds(s * CGS, CGS)], sumb)
    for r in range(CGS):
        tot = sumb[0, r, :]
        for p in range(1, NS):
            tot = tot + sumb[p, r, :]
        invw_loc[r, :] = 1.0 / jnp.maximum(tot, 1.0)
        invw_loc[CGS + r, :] = jnp.where(tot > 0.0, 1.0, 0.0)
    pltpu.sync_copy(invw_loc.at[pl.ds(0, CGS)], invw_sh.at[pl.ds(s * CGS, CGS)])
    pltpu.sync_copy(invw_loc.at[pl.ds(CGS, CGS)],
                    invw_sh.at[pl.ds(CG + s * CGS, CGS)])
    plsc.subcore_barrier()
    pltpu.sync_copy(invw_sh, invwv)

    pltpu.make_async_copy(
        refc.at[pl.ds(0, C), pl.ds(col0, TCOLS)],
        refv.at[pl.ds(0, C)], sref).wait()

    def loss_grp(g, carry):
        invv = invwv[g, :]
        wv = invwv[CG + g, :]
        for i in range(16):
            cc = g * 16 + i
            iv = jnp.broadcast_to(invv[i], (16,))
            wb = jnp.broadcast_to(wv[i], (16,))
            d0 = acc_a[cc, :] * iv - refv[cc, pl.ds(0, 16)]
            d1 = acc_b[cc, :] * iv - refv[cc, pl.ds(16, 16)]
            carry = carry + (d0 * d0 + d1 * d1) * wb
        return carry
    lossv = lax.fori_loop(0, CG, loss_grp, zvec)
    lossb[:] = lossv
    pltpu.sync_copy(lossb, out_loss.at[t])


@functools.lru_cache(maxsize=1)
def _make_seg_kernel():
    mesh = plsc.VectorSubcoreMesh(
        core_axis_name="c", subcore_axis_name="s",
        num_cores=NC, num_subcores=NS)
    return pl.kernel(
        _seg_body,
        out_type=jax.ShapeDtypeStruct((NT, 16), jnp.float32),
        mesh=mesh,
        compiler_params=pltpu.CompilerParams(
            use_tc_tiling_on_sc=False, needs_layout_passes=False),
        scratch_types=[
            pltpu.VMEM((K, TCOLS), jnp.float32),
            pltpu.VMEM((K, TCOLS), jnp.float32),
            pltpu.VMEM((K,), jnp.int32),
            pltpu.VMEM((K,), jnp.int32),
            pltpu.VMEM((CPAD, 16), jnp.float32),
            pltpu.VMEM((CPAD, 16), jnp.float32),
            pltpu.VMEM((CG, 16), jnp.float32),
            pltpu.VMEM((CPAD, TCOLS), jnp.float32),
            pltpu.VMEM((NS, CGS, 16), jnp.float32),
            pltpu.VMEM((2 * CGS, 16), jnp.float32),
            pltpu.VMEM((2 * CG, 16), jnp.float32),
            pltpu.VMEM((16,), jnp.float32),
            pltpu.SemaphoreType.DMA,
            pltpu.SemaphoreType.DMA,
            pltpu.SemaphoreType.DMA,
            pltpu.SemaphoreType.DMA,
            pltpu.SemaphoreType.DMA,
            pltpu.VMEM_SHARED((NS, CG, 16), jnp.float32),
            pltpu.VMEM_SHARED((2 * CG, 16), jnp.float32),
        ],
    )


def kernel(embeddings, labels, ref_centroids):
    seg = _make_seg_kernel()
    parts = seg(embeddings, labels, ref_centroids)
    return jnp.sum(parts) * (1.0 / D)

# --- scband reference (transcript-rebuilt; emitter-appended) ---
"""Pipeline reference for scband-flat-centroid-regularizer-73005854097882 (READ-ONLY COPY).

The authoritative reference and input builder live on the scoring server;
editing this copy changes nothing except your own understanding.
"""

import jax, jax.numpy as jnp
import numpy as np

NUM_CLASSES = 1000
N = 16384
D = 1024


def setup_inputs(seed: int = 0) -> dict:
    key = jax.random.key(seed)
    k1, k2, k3 = jax.random.split(key, 3)
    embeddings = jax.random.normal(k1, (N, D), dtype=jnp.float32)
    labels = jax.random.randint(k2, (N,), 0, NUM_CLASSES, dtype=jnp.int32)
    # reference_centroids state (set via set_reference in the torch module),
    # materialized here as a dense [C, D] table covering all classes.
    ref_centroids = jax.random.normal(k3, (NUM_CLASSES, D), dtype=jnp.float32)
    return {"embeddings": embeddings, "labels": labels, "ref_centroids": ref_centroids}


def reference(embeddings, labels, ref_centroids):
    # per-class sums and counts via segment reduction (scatter-add)
    sums = jax.ops.segment_sum(embeddings, labels, num_segments=NUM_CLASSES)
    counts = jax.ops.segment_sum(
        jnp.ones((embeddings.shape[0],), dtype=embeddings.dtype),
        labels,
        num_segments=NUM_CLASSES,
    )
    present = counts > 0  # torch loop skips classes with mask.sum() == 0
    means = sums / jnp.maximum(counts, 1.0)[:, None]
    # F.mse_loss(current, ref) == mean over D of squared diff
    mse_per_class = jnp.mean((means - ref_centroids) ** 2, axis=1)
    loss = jnp.sum(jnp.where(present, mse_per_class, jnp.zeros_like(mse_per_class)))
    return loss

if __name__ == "__main__":
    import jax
    _d = setup_inputs()
    print(jax.jit(kernel)(*tuple(_d.values())))

</pallas_src>

<mosaic_0001>
#map = affine_map<(d0, d1) -> (0, 0)>
#map1 = affine_map<(d0, d1) -> (0)>
module attributes {stable_mosaic.version = 14 : i64} {
  func.func @_seg_body(%arg0: i32, %arg1: i32, %arg2: memref<16384x1024xf32, #tpu.memory_space<hbm>>, %arg3: memref<16384xi32, #tpu.memory_space<hbm>>, %arg4: memref<1000x1024xf32, #tpu.memory_space<hbm>>, %arg5: memref<32x16xf32, #tpu.memory_space<hbm>>, %arg6: memref<256x32xf32, #tpu.memory_space<vmem>>, %arg7: memref<256x32xf32, #tpu.memory_space<vmem>>, %arg8: memref<256xi32, #tpu.memory_space<vmem>>, %arg9: memref<256xi32, #tpu.memory_space<vmem>>, %arg10: memref<1024x16xf32, #tpu.memory_space<vmem>>, %arg11: memref<1024x16xf32, #tpu.memory_space<vmem>>, %arg12: memref<64x16xf32, #tpu.memory_space<vmem>>, %arg13: memref<1024x32xf32, #tpu.memory_space<vmem>>, %arg14: memref<16x4x16xf32, #tpu.memory_space<vmem>>, %arg15: memref<8x16xf32, #tpu.memory_space<vmem>>, %arg16: memref<128x16xf32, #tpu.memory_space<vmem>>, %arg17: memref<16xf32, #tpu.memory_space<vmem>>, %arg18: memref<!tpu.dma_semaphore, #tpu.memory_space<semaphore_mem>>, %arg19: memref<!tpu.dma_semaphore, #tpu.memory_space<semaphore_mem>>, %arg20: memref<!tpu.dma_semaphore, #tpu.memory_space<semaphore_mem>>, %arg21: memref<!tpu.dma_semaphore, #tpu.memory_space<semaphore_mem>>, %arg22: memref<!tpu.dma_semaphore, #tpu.memory_space<semaphore_mem>>, %arg23: memref<16x64x16xf32, #tpu.memory_space<vmem_shared>>, %arg24: memref<128x16xf32, #tpu.memory_space<vmem_shared>>) attributes {dimension_semantics = [#tpu.dimension_semantics<core_parallel>, #tpu.dimension_semantics<subcore_parallel>], iteration_bounds = array<i64: 2, 16>, scalar_prefetch = 0 : i64, scratch_operands = 19 : i64, tpu.core_type = #tpu.core_type<sc_vector_subcore>, window_params = [{transform_indices = #map}, {transform_indices = #map1}, {transform_indices = #map}, {transform_indices = #map}]} {
    %mul3A = arith.constant 16 : i32
    %mul3A_0 = arith.muli %arg0, %mul3A : i32
    %add3A = arith.addi %mul3A_0, %arg1 : i32
    %mul3A_1 = arith.constant 32 : i32
    %mul3A_2 = arith.muli %add3A, %mul3A_1 : i32
    %broadcast_in_dim3A = arith.constant 0.000000e+00 : f32
    %broadcast_in_dim3A_3 = vector.broadcast %broadcast_in_dim3A : f32 to vector<16xf32>
    %broadcast_in_dim3A_4 = arith.constant 1.000000e+00 : f32
    %broadcast_in_dim3A_5 = vector.broadcast %broadcast_in_dim3A_4 : f32 to vector<16xf32>
    %swap3A = arith.constant 1000 : i32
    %swap3A_6 = arith.index_cast %swap3A : i32 to index
    %swap3A_7 = arith.constant 0 : index
    %swap3A_8 = tpu.vector_load %arg13[%swap3A_6, %swap3A_7] {strides = array<i32>} : memref<1024x32xf32, #tpu.memory_space<vmem>>, vector<16xf32>,
    tpu.vector_store %arg13[%swap3A_6, %swap3A_7], %broadcast_in_dim3A_3 {strides = array<i32>} : memref<1024x32xf32, #tpu.memory_space<vmem>>, vector<16xf32>,
    %swap3A_9 = arith.constant 1000 : i32
    %swap3A_10 = arith.index_cast %swap3A_9 : i32 to index
    %swap3A_11 = arith.constant 16 : index
    %swap3A_12 = tpu.vector_load %arg13[%swap3A_10, %swap3A_11] {strides = array<i32>} : memref<1024x32xf32, #tpu.memory_space<vmem>>, vector<16xf32>,
    tpu.vector_store %arg13[%swap3A_10, %swap3A_11], %broadcast_in_dim3A_3 {strides = array<i32>} : memref<1024x32xf32, #tpu.memory_space<vmem>>, vector<16xf32>,
    %swap3A_13 = arith.constant 1001 : i32
    %swap3A_14 = arith.index_cast %swap3A_13 : i32 to index
    %swap3A_15 = arith.constant 0 : index
    %swap3A_16 = tpu.vector_load %arg13[%swap3A_14, %swap3A_15] {strides = array<i32>} : memref<1024x32xf32, #tpu.memory_space<vmem>>, vector<16xf32>,
    tpu.vector_store %arg13[%swap3A_14, %swap3A_15], %broadcast_in_dim3A_3 {strides = array<i32>} : memref<1024x32xf32, #tpu.memory_space<vmem>>, vector<16xf32>,
    %swap3A_17 = arith.constant 1001 : i32
    %swap3A_18 = arith.index_cast %swap3A_17 : i32 to index
    %swap3A_19 = arith.constant 16 : index
    %swap3A_20 = tpu.vector_load %arg13[%swap3A_18, %swap3A_19] {strides = array<i32>} : memref<1024x32xf32, #tpu.memory_space<vmem>>, vector<16xf32>,
    tpu.vector_store %arg13[%swap3A_18, %swap3A_19], %broadcast_in_dim3A_3 {strides = array<i32>} : memref<1024x32xf32, #tpu.memory_space<vmem>>, vector<16xf32>,
    %swap3A_21 = arith.constant 1002 : i32
    %swap3A_22 = arith.index_cast %swap3A_21 : i32 to index
    %swap3A_23 = arith.constant 0 : index
    %swap3A_24 = tpu.vector_load %arg13[%swap3A_22, %swap3A_23] {strides = array<i32>} : memref<1024x32xf32, #tpu.memory_space<vmem>>, vector<16xf32>,
    tpu.vector_store %arg13[%swap3A_22, %swap3A_23], %broadcast_in_dim3A_3 {strides = array<i32>} : memref<1024x32xf32, #tpu.memory_space<vmem>>, vector<16xf32>,
    %swap3A_25 = arith.constant 1002 : i32
    %swap3A_26 = arith.index_cast %swap3A_25 : i32 to index
    %swap3A_27 = arith.constant 16 : index
    %swap3A_28 = tpu.vector_load %arg13[%swap3A_26, %swap3A_27] {strides = array<i32>} : memref<1024x32xf32, #tpu.memory_space<vmem>>, vector<16xf32>,
    tpu.vector_store %arg13[%swap3A_26, %swap3A_27], %broadcast_in_dim3A_3 {strides = array<i32>} : memref<1024x32xf32, #tpu.memory_space<vmem>>, vector<16xf32>,
    %swap3A_29 = arith.constant 1003 : i32
    %swap3A_30 = arith.index_cast %swap3A_29 : i32 to index
    %swap3A_31 = arith.constant 0 : index
    %swap3A_32 = tpu.vector_load %arg13[%swap3A_30, %swap3A_31] {strides = array<i32>} : memref<1024x32xf32, #tpu.memory_space<vmem>>, vector<16xf32>,
    tpu.vector_store %arg13[%swap3A_30, %swap3A_31], %broadcast_in_dim3A_3 {strides = array<i32>} : memref<1024x32xf32, #tpu.memory_space<vmem>>, vector<16xf32>,
    %swap3A_33 = arith.constant 1003 : i32
    %swap3A_34 = arith.index_cast %swap3A_33 : i32 to index
    %swap3A_35 = arith.constant 16 : index
    %swap3A_36 = tpu.vector_load %arg13[%swap3A_34, %swap3A_35] {strides = array<i32>} : memref<1024x32xf32, #tpu.memory_space<vmem>>, vector<16xf32>,
    tpu.vector_store %arg13[%swap3A_34, %swap3A_35], %broadcast_in_dim3A_3 {strides = array<i32>} : memref<1024x32xf32, #tpu.memory_space<vmem>>, vector<16xf32>,
    %swap3A_37 = arith.constant 1004 : i32
    %swap3A_38 = arith.index_cast %swap3A_37 : i32 to index
    %swap3A_39 = arith.constant 0 : index
    %swap3A_40 = tpu.vector_load %arg13[%swap3A_38, %swap3A_39] {strides = array<i32>} : memref<1024x32xf32, #tpu.memory_space<vmem>>, vector<16xf32>,
    tpu.vector_store %arg13[%swap3A_38, %swap3A_39], %broadcast_in_dim3A_3 {strides = array<i32>} : memref<1024x32xf32, #tpu.memory_space<vmem>>, vector<16xf32>,
    %swap3A_41 = arith.constant 1004 : i32
    %swap3A_42 = arith.index_cast %swap3A_41 : i32 to index
    %swap3A_43 = arith.constant 16 : index
    %swap3A_44 = tpu.vector_load %arg13[%swap3A_42, %swap3A_43] {strides = array<i32>} : memref<1024x32xf32, #tpu.memory_space<vmem>>, vector<16xf32>,
    tpu.vector_store %arg13[%swap3A_42, %swap3A_43], %broadcast_in_dim3A_3 {strides = array<i32>} : memref<1024x32xf32, #tpu.memory_space<vmem>>, vector<16xf32>,
    %swap3A_45 = arith.constant 1005 : i32
    %swap3A_46 = arith.index_cast %swap3A_45 : i32 to index
    %swap3A_47 = arith.constant 0 : index
    %swap3A_48 = tpu.vector_load %arg13[%swap3A_46, %swap3A_47] {strides = array<i32>} : memref<1024x32xf32, #tpu.memory_space<vmem>>, vector<16xf32>,
    tpu.vector_store %arg13[%swap3A_46, %swap3A_47], %broadcast_in_dim3A_3 {strides = array<i32>} : memref<1024x32xf32, #tpu.memory_space<vmem>>, vector<16xf32>,
    %swap3A_49 = arith.constant 1005 : i32
    %swap3A_50 = arith.index_cast %swap3A_49 : i32 to index
    %swap3A_51 = arith.constant 16 : index
    %swap3A_52 = tpu.vector_load %arg13[%swap3A_50, %swap3A_51] {strides = array<i32>} : memref<1024x32xf32, #tpu.memory_space<vmem>>, vector<16xf32>,
    tpu.vector_store %arg13[%swap3A_50, %swap3A_51], %broadcast_in_dim3A_3 {strides = array<i32>} : memref<1024x32xf32, #tpu.memory_space<vmem>>, vector<16xf32>,
    %swap3A_53 = arith.constant 1006 : i32
    %swap3A_54 = arith.index_cast %swap3A_53 : i32 to index
    %swap3A_55 = arith.constant 0 : index
    %swap3A_56 = tpu.vector_load %arg13[%swap3A_54, %swap3A_55] {strides = array<i32>} : memref<1024x32xf32, #tpu.memory_space<vmem>>, vector<16xf32>,
    tpu.vector_store %arg13[%swap3A_54, %swap3A_55], %broadcast_in_dim3A_3 {strides = array<i32>} : memref<1024x32xf32, #tpu.memory_space<vmem>>, vector<16xf32>,
    %swap3A_57 = arith.constant 1006 : i32
    %swap3A_58 = arith.index_cast %swap3A_57 : i32 to index
    %swap3A_59 = arith.constant 16 : index
    %swap3A_60 = tpu.vector_load %arg13[%swap3A_58, %swap3A_59] {strides = array<i32>} : memref<1024x32xf32, #tpu.memory_space<vmem>>, vector<16xf32>,
    tpu.vector_store %arg13[%swap3A_58, %swap3A_59], %broadcast_in_dim3A_3 {strides = array<i32>} : memref<1024x32xf32, #tpu.memory_space<vmem>>, vector<16xf32>,
    %swap3A_61 = arith.constant 1007 : i32
    %swap3A_62 = arith.index_cast %swap3A_61 : i32 to index
    %swap3A_63 = arith.constant 0 : index
    %swap3A_64 = tpu.vector_load %arg13[%swap3A_62, %swap3A_63] {strides = array<i32>} : memref<1024x32xf32, #tpu.memory_space<vmem>>, vector<16xf32>,
    tpu.vector_store %arg13[%swap3A_62, %swap3A_63], %broadcast_in_dim3A_3 {strides = array<i32>} : memref<1024x32xf32, #tpu.memory_space<vmem>>, vector<16xf32>,
    %swap3A_65 = arith.constant 1007 : i32
    %swap3A_66 = arith.index_cast %swap3A_65 : i32 to index
    %swap3A_67 = arith.constant 16 : index
    %swap3A_68 = tpu.vector_load %arg13[%swap3A_66, %swap3A_67] {strides = array<i32>} : memref<1024x32xf32, #tpu.memory_space<vmem>>, vector<16xf32>,
    tpu.vector_store %arg13[%swap3A_66, %swap3A_67], %broadcast_in_dim3A_3 {strides = array<i32>} : memref<1024x32xf32, #tpu.memory_space<vmem>>, vector<16xf32>,
    %swap3A_69 = arith.constant 1008 : i32
    %swap3A_70 = arith.index_cast %swap3A_69 : i32 to index
    %swap3A_71 = arith.constant 0 : index
    %swap3A_72 = tpu.vector_load %arg13[%swap3A_70, %swap3A_71] {strides = array<i32>} : memref<1024x32xf32, #tpu.memory_space<vmem>>, vector<16xf32>,
    tpu.vector_store %arg13[%swap3A_70, %swap3A_71], %broadcast_in_dim3A_3 {strides = array<i32>} : memref<1024x32xf32, #tpu.memory_space<vmem>>, vector<16xf32>,
    %swap3A_73 = arith.constant 1008 : i32
    %swap3A_74 = arith.index_cast %swap3A_73 : i32 to index
    %swap3A_75 = arith.constant 16 : index
    %swap3A_76 = tpu.vector_load %arg13[%swap3A_74, %swap3A_75] {strides = array<i32>} : memref<1024x32xf32, #tpu.memory_space<vmem>>, vector<16xf32>,
    tpu.vector_store %arg13[%swap3A_74, %swap3A_75], %broadcast_in_dim3A_3 {strides = array<i32>} : memref<1024x32xf32, #tpu.memory_space<vmem>>, vector<16xf32>,
    %swap3A_77 = arith.constant 1009 : i32
    %swap3A_78 = arith.index_cast %swap3A_77 : i32 to index
    %swap3A_79 = arith.constant 0 : index
    %swap3A_80 = tpu.vector_load %arg13[%swap3A_78, %swap3A_79] {strides = array<i32>} : memref<1024x32xf32, #tpu.memory_space<vmem>>, vector<16xf32>,
    tpu.vector_store %arg13[%swap3A_78, %swap3A_79], %broadcast_in_dim3A_3 {strides = array<i32>} : memref<1024x32xf32, #tpu.memory_space<vmem>>, vector<16xf32>,
    %swap3A_81 = arith.constant 1009 : i32
    %swap3A_82 = arith.index_cast %swap3A_81 : i32 to index
    %swap3A_83 = arith.constant 16 : index
    %swap3A_84 = tpu.vector_load %arg13[%swap3A_82, %swap3A_83] {strides = array<i32>} : memref<1024x32xf32, #tpu.memory_space<vmem>>, vector<16xf32>,
    tpu.vector_store %arg13[%swap3A_82, %swap3A_83], %broadcast_in_dim3A_3 {strides = array<i32>} : memref<1024x32xf32, #tpu.memory_space<vmem>>, vector<16xf32>,
    %swap3A_85 = arith.constant 1010 : i32
    %swap3A_86 = arith.index_cast %swap3A_85 : i32 to index
    %swap3A_87 = arith.constant 0 : index
    %swap3A_88 = tpu.vector_load %arg13[%swap3A_86, %swap3A_87] {strides = array<i32>} : memref<1024x32xf32, #tpu.memory_space<vmem>>, vector<16xf32>,
    tpu.vector_store %arg13[%swap3A_86, %swap3A_87], %broadcast_in_dim3A_3 {strides = array<i32>} : memref<1024x32xf32, #tpu.memory_space<vmem>>, vector<16xf32>,
    %swap3A_89 = arith.constant 1010 : i32
    %swap3A_90 = arith.index_cast %swap3A_89 : i32 to index
    %swap3A_91 = arith.constant 16 : index
    %swap3A_92 = tpu.vector_load %arg13[%swap3A_90, %swap3A_91] {strides = array<i32>} : memref<1024x32xf32, #tpu.memory_space<vmem>>, vector<16xf32>,
    tpu.vector_store %arg13[%swap3A_90, %swap3A_91], %broadcast_in_dim3A_3 {strides = array<i32>} : memref<1024x32xf32, #tpu.memory_space<vmem>>, vector<16xf32>,
    %swap3A_93 = arith.constant 1011 : i32
    %swap3A_94 = arith.index_cast %swap3A_93 : i32 to index
    %swap3A_95 = arith.constant 0 : index
    %swap3A_96 = tpu.vector_load %arg13[%swap3A_94, %swap3A_95] {strides = array<i32>} : memref<1024x32xf32, #tpu.memory_space<vmem>>, vector<16xf32>,
    tpu.vector_store %arg13[%swap3A_94, %swap3A_95], %broadcast_in_dim3A_3 {strides = array<i32>} : memref<1024x32xf32, #tpu.memory_space<vmem>>, vector<16xf32>,
    %swap3A_97 = arith.constant 1011 : i32
    %swap3A_98 = arith.index_cast %swap3A_97 : i32 to index
    %swap3A_99 = arith.constant 16 : index
    %swap3A_100 = tpu.vector_load %arg13[%swap3A_98, %swap3A_99] {strides = array<i32>} : memref<1024x32xf32, #tpu.memory_space<vmem>>, vector<16xf32>,
    tpu.vector_store %arg13[%swap3A_98, %swap3A_99], %broadcast_in_dim3A_3 {strides = array<i32>} : memref<1024x32xf32, #tpu.memory_space<vmem>>, vector<16xf32>,
    %swap3A_101 = arith.constant 1012 : i32
    %swap3A_102 = arith.index_cast %swap3A_101 : i32 to index
    %swap3A_103 = arith.constant 0 : index
    %swap3A_104 = tpu.vector_load %arg13[%swap3A_102, %swap3A_103] {strides = array<i32>} : memref<1024x32xf32, #tpu.memory_space<vmem>>, vector<16xf32>,
    tpu.vector_store %arg13[%swap3A_102, %swap3A_103], %broadcast_in_dim3A_3 {strides = array<i32>} : memref<1024x32xf32, #tpu.memory_space<vmem>>, vector<16xf32>,
    %swap3A_105 = arith.constant 1012 : i32
    %swap3A_106 = arith.index_cast %swap3A_105 : i32 to index
    %swap3A_107 = arith.constant 16 : index
    %swap3A_108 = tpu.vector_load %arg13[%swap3A_106, %swap3A_107] {strides = array<i32>} : memref<1024x32xf32, #tpu.memory_space<vmem>>, vector<16xf32>,
    tpu.vector_store %arg13[%swap3A_106, %swap3A_107], %broadcast_in_dim3A_3 {strides = array<i32>} : memref<1024x32xf32, #tpu.memory_space<vmem>>, vector<16xf32>,
    %swap3A_109 = arith.constant 1013 : i32
    %swap3A_110 = arith.index_cast %swap3A_109 : i32 to index
    %swap3A_111 = arith.constant 0 : index
    %swap3A_112 = tpu.vector_load %arg13[%swap3A_110, %swap3A_111] {strides = array<i32>} : memref<1024x32xf32, #tpu.memory_space<vmem>>, vector<16xf32>,
    tpu.vector_store %arg13[%swap3A_110, %swap3A_111], %broadcast_in_dim3A_3 {strides = array<i32>} : memref<1024x32xf32, #tpu.memory_space<vmem>>, vector<16xf32>,
    %swap3A_113 = arith.constant 1013 : i32
    %swap3A_114 = arith.index_cast %swap3A_113 : i32 to index
    %swap3A_115 = arith.constant 16 : index
    %swap3A_116 = tpu.vector_load %arg13[%swap3A_114, %swap3A_115] {strides = array<i32>} : memref<1024x32xf32, #tpu.memory_space<vmem>>, vector<16xf32>,
    tpu.vector_store %arg13[%swap3A_114, %swap3A_115], %broadcast_in_dim3A_3 {strides = array<i32>} : memref<1024x32xf32, #tpu.memory_space<vmem>>, vector<16xf32>,
    %swap3A_117 = arith.constant 1014 : i32
    %swap3A_118 = arith.index_cast %swap3A_117 : i32 to index
    %swap3A_119 = arith.constant 0 : index
    %swap3A_120 = tpu.vector_load %arg13[%swap3A_118, %swap3A_119] {strides = array<i32>} : memref<1024x32xf32, #tpu.memory_space<vmem>>, vector<16xf32>,
    tpu.vector_store %arg13[%swap3A_118, %swap3A_119], %broadcast_in_dim3A_3 {strides = array<i32>} : memref<1024x32xf32, #tpu.memory_space<vmem>>, vector<16xf32>,
    %swap3A_121 = arith.constant 1014 : i32
    %swap3A_122 = arith.index_cast %swap3A_121 : i32 to index
    %swap3A_123 = arith.constant 16 : index
    %swap3A_124 = tpu.vector_load %arg13[%swap3A_122, %swap3A_123] {strides = array<i32>} : memref<1024x32xf32, #tpu.memory_space<vmem>>, vector<16xf32>,
    tpu.vector_store %arg13[%swap3A_122, %swap3A_123], %broadcast_in_dim3A_3 {strides = array<i32>} : memref<1024x32xf32, #tpu.memory_space<vmem>>, vector<16xf32>,
    %swap3A_125 = arith.constant 1015 : i32
    %swap3A_126 = arith.index_cast %swap3A_125 : i32 to index
    %swap3A_127 = arith.constant 0 : index
    %swap3A_128 = tpu.vector_load %arg13[%swap3A_126, %swap3A_127] {strides = array<i32>} : memref<1024x32xf32, #tpu.memory_space<vmem>>, vector<16xf32>,
    tpu.vector_store %arg13[%swap3A_126, %swap3A_127], %broadcast_in_dim3A_3 {strides = array<i32>} : memref<1024x32xf32, #tpu.memory_space<vmem>>, vector<16xf32>,
    %swap3A_129 = arith.constant 1015 : i32
    %swap3A_130 = arith.index_cast %swap3A_129 : i32 to index
    %swap3A_131 = arith.constant 16 : index
    %swap3A_132 = tpu.vector_load %arg13[%swap3A_130, %swap3A_131] {strides = array<i32>} : memref<1024x32xf32, #tpu.memory_space<vmem>>, vector<16xf32>,
    tpu.vector_store %arg13[%swap3A_130, %swap3A_131], %broadcast_in_dim3A_3 {strides = array<i32>} : memref<1024x32xf32, #tpu.memory_space<vmem>>, vector<16xf32>,
    %swap3A_133 = arith.constant 1016 : i32
    %swap3A_134 = arith.index_cast %swap3A_133 : i32 to index
    %swap3A_135 = arith.constant 0 : index
    %swap3A_136 = tpu.vector_load %arg13[%swap3A_134, %swap3A_135] {strides = array<i32>} : memref<1024x32xf32, #tpu.memory_space<vmem>>, vector<16xf32>,
    tpu.vector_store %arg13[%swap3A_134, %swap3A_135], %broadcast_in_dim3A_3 {strides = array<i32>} : memref<1024x32xf32, #tpu.memory_space<vmem>>, vector<16xf32>,
    %swap3A_137 = arith.constant 1016 : i32
    %swap3A_138 = arith.index_cast %swap3A_137 : i32 to index
    %swap3A_139 = arith.constant 16 : index
    %swap3A_140 = tpu.vector_load %arg13[%swap3A_138, %swap3A_139] {strides = array<i32>} : memref<1024x32xf32, #tpu.memory_space<vmem>>, vector<16xf32>,
    tpu.vector_store %arg13[%swap3A_138, %swap3A_139], %broadcast_in_dim3A_3 {strides = array<i32>} : memref<1024x32xf32, #tpu.memory_space<vmem>>, vector<16xf32>,
    %swap3A_141 = arith.constant 1017 : i32
    %swap3A_142 = arith.index_cast %swap3A_141 : i32 to index
    %swap3A_143 = arith.constant 0 : index
    %swap3A_144 = tpu.vector_load %arg13[%swap3A_142, %swap3A_143] {strides = array<i32>} : memref<1024x32xf32, #tpu.memory_space<vmem>>, vector<16xf32>,
    tpu.vector_store %arg13[%swap3A_142, %swap3A_143], %broadcast_in_dim3A_3 {strides = array<i32>} : memref<1024x32xf32, #tpu.memory_space<vmem>>, vector<16xf32>,
    %swap3A_145 = arith.constant 1017 : i32
    %swap3A_146 = arith.index_cast %swap3A_145 : i32 to index
    %swap3A_147 = arith.constant 16 : index
    %swap3A_148 = tpu.vector_load %arg13[%swap3A_146, %swap3A_147] {strides = array<i32>} : memref<1024x32xf32, #tpu.memory_space<vmem>>, vector<16xf32>,
    tpu.vector_store %arg13[%swap3A_146, %swap3A_147], %broadcast_in_dim3A_3 {strides = array<i32>} : memref<1024x32xf32, #tpu.memory_space<vmem>>, vector<16xf32>,
    %swap3A_149 = arith.constant 1018 : i32
    %swap3A_150 = arith.index_cast %swap3A_149 : i32 to index
    %swap3A_151 = arith.constant 0 : index
    %swap3A_152 = tpu.vector_load %arg13[%swap3A_150, %swap3A_151] {strides = array<i32>} : memref<1024x32xf32, #tpu.memory_space<vmem>>, vector<16xf32>,
    tpu.vector_store %arg13[%swap3A_150, %swap3A_151], %broadcast_in_dim3A_3 {strides = array<i32>} : memref<1024x32xf32, #tpu.memory_space<vmem>>, vector<16xf32>,
    %swap3A_153 = arith.constant 1018 : i32
    %swap3A_154 = arith.index_cast %swap3A_153 : i32 to index
    %swap3A_155 = arith.constant 16 : index
    %swap3A_156 = tpu.vector_load %arg13[%swap3A_154, %swap3A_155] {strides = array<i32>} : memref<1024x32xf32, #tpu.memory_space<vmem>>, vector<16xf32>,
    tpu.vector_store %arg13[%swap3A_154, %swap3A_155], %broadcast_in_dim3A_3 {strides = array<i32>} : memref<1024x32xf32, #tpu.memory_space<vmem>>, vector<16xf32>,
    %swap3A_157 = arith.constant 1019 : i32
    %swap3A_158 = arith.index_cast %swap3A_157 : i32 to index
    %swap3A_159 = arith.constant 0 : index
    %swap3A_160 = tpu.vector_load %arg13[%swap3A_158, %swap3A_159] {strides = array<i32>} : memref<1024x32xf32, #tpu.memory_space<vmem>>, vector<16xf32>,
    tpu.vector_store %arg13[%swap3A_158, %swap3A_159], %broadcast_in_dim3A_3 {strides = array<i32>} : memref<1024x32xf32, #tpu.memory_space<vmem>>, vector<16xf32>,
    %swap3A_161 = arith.constant 1019 : i32
    %swap3A_162 = arith.index_cast %swap3A_161 : i32 to index
    %swap3A_163 = arith.constant 16 : index
    %swap3A_164 = tpu.vector_load %arg13[%swap3A_162, %swap3A_163] {strides = array<i32>} : memref<1024x32xf32, #tpu.memory_space<vmem>>, vector<16xf32>,
    tpu.vector_store %arg13[%swap3A_162, %swap3A_163], %broadcast_in_dim3A_3 {strides = array<i32>} : memref<1024x32xf32, #tpu.memory_space<vmem>>, vector<16xf32>,
    %swap3A_165 = arith.constant 1020 : i32
    %swap3A_166 = arith.index_cast %swap3A_165 : i32 to index
    %swap3A_167 = arith.constant 0 : index
    %swap3A_168 = tpu.vector_load %arg13[%swap3A_166, %swap3A_167] {strides = array<i32>} : memref<1024x32xf32, #tpu.memory_space<vmem>>, vector<16xf32>,
    tpu.vector_store %arg13[%swap3A_166, %swap3A_167], %broadcast_in_dim3A_3 {strides = array<i32>} : memref<1024x32xf32, #tpu.memory_space<vmem>>, vector<16xf32>,
    %swap3A_169 = arith.constant 1020 : i32
    %swap3A_170 = arith.index_cast %swap3A_169 : i32 to index
    %swap3A_171 = arith.constant 16 : index
    %swap3A_172 = tpu.vector_load %arg13[%swap3A_170, %swap3A_171] {strides = array<i32>} : memref<1024x32xf32, #tpu.memory_space<vmem>>, vector<16xf32>,
    tpu.vector_store %arg13[%swap3A_170, %swap3A_171], %broadcast_in_dim3A_3 {strides = array<i32>} : memref<1024x32xf32, #tpu.memory_space<vmem>>, vector<16xf32>,
    %swap3A_173 = arith.constant 1021 : i32
    %swap3A_174 = arith.index_cast %swap3A_173 : i32 to index
    %swap3A_175 = arith.constant 0 : index
    %swap3A_176 = tpu.vector_load %arg13[%swap3A_174, %swap3A_175] {strides = array<i32>} : memref<1024x32xf32, #tpu.memory_space<vmem>>, vector<16xf32>,
    tpu.vector_store %arg13[%swap3A_174, %swap3A_175], %broadcast_in_dim3A_3 {strides = array<i32>} : memref<1024x32xf32, #tpu.memory_space<vmem>>, vector<16xf32>,
    %swap3A_177 = arith.constant 1021 : i32
    %swap3A_178 = arith.index_cast %swap3A_177 : i32 to index
    %swap3A_179 = arith.constant 16 : index
    %swap3A_180 = tpu.vector_load %arg13[%swap3A_178, %swap3A_179] {strides = array<i32>} : memref<1024x32xf32, #tpu.memory_space<vmem>>, vector<16xf32>,
    tpu.vector_store %arg13[%swap3A_178, %swap3A_179], %broadcast_in_dim3A_3 {strides = array<i32>} : memref<1024x32xf32, #tpu.memory_space<vmem>>, vector<16xf32>,
    %swap3A_181 = arith.constant 1022 : i32
    %swap3A_182 = arith.index_cast %swap3A_181 : i32 to index
    %swap3A_183 = arith.constant 0 : index
    %swap3A_184 = tpu.vector_load %arg13[%swap3A_182, %swap3A_183] {strides = array<i32>} : memref<1024x32xf32, #tpu.memory_space<vmem>>, vector<16xf32>,
    tpu.vector_store %arg13[%swap3A_182, %swap3A_183], %broadcast_in_dim3A_3 {strides = array<i32>} : memref<1024x32xf32, #tpu.memory_space<vmem>>, vector<16xf32>,
    %swap3A_185 = arith.constant 1022 : i32
    %swap3A_186 = arith.index_cast %swap3A_185 : i32 to index
    %swap3A_187 = arith.constant 16 : index
    %swap3A_188 = tpu.vector_load %arg13[%swap3A_186, %swap3A_187] {strides = array<i32>} : memref<1024x32xf32, #tpu.memory_space<vmem>>, vector<16xf32>,
    tpu.vector_store %arg13[%swap3A_186, %swap3A_187], %broadcast_in_dim3A_3 {strides = array<i32>} : memref<1024x32xf32, #tpu.memory_space<vmem>>, vector<16xf32>,
    %swap3A_189 = arith.constant 1023 : i32
    %swap3A_190 = arith.index_cast %swap3A_189 : i32 to index
    %swap3A_191 = arith.constant 0 : index
    %swap3A_192 = tpu.vector_load %arg13[%swap3A_190, %swap3A_191] {strides = array<i32>} : memref<1024x32xf32, #tpu.memory_space<vmem>>, vector<16xf32>,
    tpu.vector_store %arg13[%swap3A_190, %swap3A_191], %broadcast_in_dim3A_3 {strides = array<i32>} : memref<1024x32xf32, #tpu.memory_space<vmem>>, vector<16xf32>,
    %swap3A_193 = arith.constant 1023 : i32
    %swap3A_194 = arith.index_cast %swap3A_193 : i32 to index
    %swap3A_195 = arith.constant 16 : index
    %swap3A_196 = tpu.vector_load %arg13[%swap3A_194, %swap3A_195] {strides = array<i32>} : memref<1024x32xf32, #tpu.memory_space<vmem>>, vector<16xf32>,
    tpu.vector_store %arg13[%swap3A_194, %swap3A_195], %broadcast_in_dim3A_3 {strides = array<i32>} : memref<1024x32xf32, #tpu.memory_space<vmem>>, vector<16xf32>,
    %dma_start3A = arith.constant 0 : i32
    %dma_start3A_197 = arith.constant 0 : i32
    %dma_start3A_198 = tpu.memref_slice %arg13[%dma_start3A, %dma_start3A_197] : memref<1024x32xf32, #tpu.memory_space<vmem>> -> memref<1000x32xf32, #tpu.memory_space<vmem>>
    %dma_start3A_199 = arith.constant 0 : i32
    %dma_start3A_200 = tpu.memref_slice %arg4[%dma_start3A_199, %mul3A_2] : memref<1000x1024xf32, #tpu.memory_space<hbm>> -> memref<1000x32xf32, #tpu.memory_space<hbm>>
    %dma_start3A_201 = arith.constant 0 : i32
    %dma_start3A_202 = arith.constant 0 : i32
    %dma_start3A_203 = tpu.memref_slice %arg13[%dma_start3A_201, %dma_start3A_202] : memref<1024x32xf32, #tpu.memory_space<vmem>> -> memref<1000x32xf32, #tpu.memory_space<vmem>>
    %dma_start3A_204 = arith.constant 0 : i32
    %dma_start3A_205 = tpu.memref_slice %arg4[%dma_start3A_204, %mul3A_2] : memref<1000x1024xf32, #tpu.memory_space<hbm>> -> memref<1000x32xf32, #tpu.memory_space<hbm>>
    tpu.enqueue_dma source(%dma_start3A_205 : memref<1000x32xf32, #tpu.memory_space<hbm>>) target(%dma_start3A_203 : memref<1000x32xf32, #tpu.memory_space<vmem>>) target_semaphore(%arg22 : memref<!tpu.dma_semaphore, #tpu.memory_space<semaphore_mem>>)
    %scan3A = arith.constant 0 : i32
    %scan3A_206 = arith.constant 0 : i32
    %scan3A_207 = arith.constant 1024 : i32
    %scan3A_208 = arith.addi %scan3A_206, %scan3A_207 : i32
    %scan3A_209 = arith.constant 4 : i32
    %scan3A_210 = scf.for %scan3A_1043 = %scan3A_206 to %scan3A_208 step %scan3A_209 iter_args(%scan3A_1044 = %scan3A) -> (i32)  : i32 {
      %swap3A_1045 = arith.index_cast %scan3A_1043 : i32 to index
      %swap3A_1046 = arith.constant 0 : index
      %swap3A_1047 = tpu.vector_load %arg10[%swap3A_1045, %swap3A_1046] {strides = array<i32>} : memref<1024x16xf32, #tpu.memory_space<vmem>>, vector<16xf32>,
      tpu.vector_store %arg10[%swap3A_1045, %swap3A_1046], %broadcast_in_dim3A_3 {strides = array<i32>} : memref<1024x16xf32, #tpu.memory_space<vmem>>, vector<16xf32>,
      %swap3A_1048 = arith.index_cast %scan3A_1043 : i32 to index
      %swap3A_1049 = arith.constant 0 : index
      %swap3A_1050 = tpu.vector_load %arg11[%swap3A_1048, %swap3A_1049] {strides = array<i32>} : memref<1024x16xf32, #tpu.memory_space<vmem>>, vector<16xf32>,
      tpu.vector_store %arg11[%swap3A_1048, %swap3A_1049], %broadcast_in_dim3A_3 {strides = array<i32>} : memref<1024x16xf32, #tpu.memory_space<vmem>>, vector<16xf32>,
      %scan3A_1051 = arith.constant 0 : i32
      %scan3A_1052 = arith.constant 1 : i32
      %scan3A_1053 = arith.addi %scan3A_1043, %scan3A_1052 : i32
      %swap3A_1054 = arith.index_cast %scan3A_1053 : i32 to index
      %swap3A_1055 = arith.constant 0 : index
      %swap3A_1056 = tpu.vector_load %arg10[%swap3A_1054, %swap3A_1055] {strides = array<i32>} : memref<1024x16xf32, #tpu.memory_space<vmem>>, vector<16xf32>,
      tpu.vector_store %arg10[%swap3A_1054, %swap3A_1055], %broadcast_in_dim3A_3 {strides = array<i32>} : memref<1024x16xf32, #tpu.memory_space<vmem>>, vector<16xf32>,
      %swap3A_1057 = arith.index_cast %scan3A_1053 : i32 to index
      %swap3A_1058 = arith.constant 0 : index
      %swap3A_1059 = tpu.vector_load %arg11[%swap3A_1057, %swap3A_1058] {strides = array<i32>} : memref<1024x16xf32, #tpu.memory_space<vmem>>, vector<16xf32>,
      tpu.vector_store %arg11[%swap3A_1057, %swap3A_1058], %broadcast_in_dim3A_3 {strides = array<i32>} : memref<1024x16xf32, #tpu.memory_space<vmem>>, vector<16xf32>,
      %scan3A_1060 = arith.constant 0 : i32
      %scan3A_1061 = arith.constant 2 : i32
      %scan3A_1062 = arith.addi %scan3A_1043, %scan3A_1061 : i32
      %swap3A_1063 = arith.index_cast %scan3A_1062 : i32 to index
      %swap3A_1064 = arith.constant 0 : index
      %swap3A_1065 = tpu.vector_load %arg10[%swap3A_1063, %swap3A_1064] {strides = array<i32>} : memref<1024x16xf32, #tpu.memory_space<vmem>>, vector<16xf32>,
      tpu.vector_store %arg10[%swap3A_1063, %swap3A_1064], %broadcast_in_dim3A_3 {strides = array<i32>} : memref<1024x16xf32, #tpu.memory_space<vmem>>, vector<16xf32>,
      %swap3A_1066 = arith.index_cast %scan3A_1062 : i32 to index
      %swap3A_1067 = arith.constant 0 : index
      %swap3A_1068 = tpu.vector_load %arg11[%swap3A_1066, %swap3A_1067] {strides = array<i32>} : memref<1024x16xf32, #tpu.memory_space<vmem>>, vector<16xf32>,
      tpu.vector_store %arg11[%swap3A_1066, %swap3A_1067], %broadcast_in_dim3A_3 {strides = array<i32>} : memref<1024x16xf32, #tpu.memory_space<vmem>>, vector<16xf32>,
      %scan3A_1069 = arith.constant 0 : i32
      %scan3A_1070 = arith.constant 3 : i32
      %scan3A_1071 = arith.addi %scan3A_1043, %scan3A_1070 : i32
      %swap3A_1072 = arith.index_cast %scan3A_1071 : i32 to index
      %swap3A_1073 = arith.constant 0 : index
      %swap3A_1074 = tpu.vector_load %arg10[%swap3A_1072, %swap3A_1073] {strides = array<i32>} : memref<1024x16xf32, #tpu.memory_space<vmem>>, vector<16xf32>,
      tpu.vector_store %arg10[%swap3A_1072, %swap3A_1073], %broadcast_in_dim3A_3 {strides = array<i32>} : memref<1024x16xf32, #tpu.memory_space<vmem>>, vector<16xf32>,
      %swap3A_1075 = arith.index_cast %scan3A_1071 : i32 to index
      %swap3A_1076 = arith.constant 0 : index
      %swap3A_1077 = tpu.vector_load %arg11[%swap3A_1075, %swap3A_1076] {strides = array<i32>} : memref<1024x16xf32, #tpu.memory_space<vmem>>, vector<16xf32>,
      tpu.vector_store %arg11[%swap3A_1075, %swap3A_1076], %broadcast_in_dim3A_3 {strides = array<i32>} : memref<1024x16xf32, #tpu.memory_space<vmem>>, vector<16xf32>,
      %scan3A_1078 = arith.constant 0 : i32
      scf.yield %scan3A_1078 : i32
    }
    %scan3A_211 = arith.constant 1024 : i32
    %swap3A_212 = arith.constant 0 : i32
    %swap3A_213 = arith.index_cast %swap3A_212 : i32 to index
    %swap3A_214 = arith.constant 0 : index
    %swap3A_215 = tpu.vector_load %arg12[%swap3A_213, %swap3A_214] {strides = array<i32>} : memref<64x16xf32, #tpu.memory_space<vmem>>, vector<16xf32>,
    tpu.vector_store %arg12[%swap3A_213, %swap3A_214], %broadcast_in_dim3A_3 {strides = array<i32>} : memref<64x16xf32, #tpu.memory_space<vmem>>, vector<16xf32>,
    %swap3A_216 = arith.constant 1 : i32
    %swap3A_217 = arith.index_cast %swap3A_216 : i32 to index
    %swap3A_218 = arith.constant 0 : index
    %swap3A_219 = tpu.vector_load %arg12[%swap3A_217, %swap3A_218] {strides = array<i32>} : memref<64x16xf32, #tpu.memory_space<vmem>>, vector<16xf32>,
    tpu.vector_store %arg12[%swap3A_217, %swap3A_218], %broadcast_in_dim3A_3 {strides = array<i32>} : memref<64x16xf32, #tpu.memory_space<vmem>>, vector<16xf32>,
    %swap3A_220 = arith.constant 2 : i32
    %swap3A_221 = arith.index_cast %swap3A_220 : i32 to index
    %swap3A_222 = arith.constant 0 : index
    %swap3A_223 = tpu.vector_load %arg12[%swap3A_221, %swap3A_222] {strides = array<i32>} : memref<64x16xf32, #tpu.memory_space<vmem>>, vector<16xf32>,
    tpu.vector_store %arg12[%swap3A_221, %swap3A_222], %broadcast_in_dim3A_3 {strides = array<i32>} : memref<64x16xf32, #tpu.memory_space<vmem>>, vector<16xf32>,
    %swap3A_224 = arith.constant 3 : i32
    %swap3A_225 = arith.index_cast %swap3A_224 : i32 to index
    %swap3A_226 = arith.constant 0 : index
    %swap3A_227 = tpu.vector_load %arg12[%swap3A_225, %swap3A_226] {strides = array<i32>} : memref<64x16xf32, #tpu.memory_space<vmem>>, vector<16xf32>,
    tpu.vector_store %arg12[%swap3A_225, %swap3A_226], %broadcast_in_dim3A_3 {strides = array<i32>} : memref<64x16xf32, #tpu.memory_space<vmem>>, vector<16xf32>,
    %swap3A_228 = arith.constant 4 : i32
    %swap3A_229 = arith.index_cast %swap3A_228 : i32 to index
    %swap3A_230 = arith.constant 0 : index
    %swap3A_231 = tpu.vector_load %arg12[%swap3A_229, %swap3A_230] {strides = array<i32>} : memref<64x16xf32, #tpu.memory_space<vmem>>, vector<16xf32>,
    tpu.vector_store %arg12[%swap3A_229, %swap3A_230], %broadcast_in_dim3A_3 {strides = array<i32>} : memref<64x16xf32, #tpu.memory_space<vmem>>, vector<16xf32>,
    %swap3A_232 = arith.constant 5 : i32
    %swap3A_233 = arith.index_cast %swap3A_232 : i32 to index
    %swap3A_234 = arith.constant 0 : index
    %swap3A_235 = tpu.vector_load %arg12[%swap3A_233, %swap3A_234] {strides = array<i32>} : memref<64x16xf32, #tpu.memory_space<vmem>>, vector<16xf32>,
    tpu.vector_store %arg12[%swap3A_233, %swap3A_234], %broadcast_in_dim3A_3 {strides = array<i32>} : memref<64x16xf32, #tpu.memory_space<vmem>>, vector<16xf32>,
    %swap3A_236 = arith.constant 6 : i32
    %swap3A_237 = arith.index_cast %swap3A_236 : i32 to index
    %swap3A_238 = arith.constant 0 : index
    %swap3A_239 = tpu.vector_load %arg12[%swap3A_237, %swap3A_238] {strides = array<i32>} : memref<64x16xf32, #tpu.memory_space<vmem>>, vector<16xf32>,
    tpu.vector_store %arg12[%swap3A_237, %swap3A_238], %broadcast_in_dim3A_3 {strides = array<i32>} : memref<64x16xf32, #tpu.memory_space<vmem>>, vector<16xf32>,
    %swap3A_240 = arith.constant 7 : i32
    %swap3A_241 = arith.index_cast %swap3A_240 : i32 to index
    %swap3A_242 = arith.constant 0 : index
    %swap3A_243 = tpu.vector_load %arg12[%swap3A_241, %swap3A_242] {strides = array<i32>} : memref<64x16xf32, #tpu.memory_space<vmem>>, vector<16xf32>,
    tpu.vector_store %arg12[%swap3A_241, %swap3A_242], %broadcast_in_dim3A_3 {strides = array<i32>} : memref<64x16xf32, #tpu.memory_space<vmem>>, vector<16xf32>,
    %swap3A_244 = arith.constant 8 : i32
    %swap3A_245 = arith.index_cast %swap3A_244 : i32 to index
    %swap3A_246 = arith.constant 0 : index
    %swap3A_247 = tpu.vector_load %arg12[%swap3A_245, %swap3A_246] {strides = array<i32>} : memref<64x16xf32, #tpu.memory_space<vmem>>, vector<16xf32>,
    tpu.vector_store %arg12[%swap3A_245, %swap3A_246], %broadcast_in_dim3A_3 {strides = array<i32>} : memref<64x16xf32, #tpu.memory_space<vmem>>, vector<16xf32>,
    %swap3A_248 = arith.constant 9 : i32
    %swap3A_249 = arith.index_cast %swap3A_248 : i32 to index
    %swap3A_250 = arith.constant 0 : index
    %swap3A_251 = tpu.vector_load %arg12[%swap3A_249, %swap3A_250] {strides = array<i32>} : memref<64x16xf32, #tpu.memory_space<vmem>>, vector<16xf32>,
    tpu.vector_store %arg12[%swap3A_249, %swap3A_250], %broadcast_in_dim3A_3 {strides = array<i32>} : memref<64x16xf32, #tpu.memory_space<vmem>>, vector<16xf32>,
    %swap3A_252 = arith.constant 10 : i32
    %swap3A_253 = arith.index_cast %swap3A_252 : i32 to index
    %swap3A_254 = arith.constant 0 : index
    %swap3A_255 = tpu.vector_load %arg12[%swap3A_253, %swap3A_254] {strides = array<i32>} : memref<64x16xf32, #tpu.memory_space<vmem>>, vector<16xf32>,
    tpu.vector_store %arg12[%swap3A_253, %swap3A_254], %broadcast_in_dim3A_3 {strides = array<i32>} : memref<64x16xf32, #tpu.memory_space<vmem>>, vector<16xf32>,
    %swap3A_256 = arith.constant 11 : i32
    %swap3A_257 = arith.index_cast %swap3A_256 : i32 to index
    %swap3A_258 = arith.constant 0 : index
    %swap3A_259 = tpu.vector_load %arg12[%swap3A_257, %swap3A_258] {strides = array<i32>} : memref<64x16xf32, #tpu.memory_space<vmem>>, vector<16xf32>,
    tpu.vector_store %arg12[%swap3A_257, %swap3A_258], %broadcast_in_dim3A_3 {strides = array<i32>} : memref<64x16xf32, #tpu.memory_space<vmem>>, vector<16xf32>,
    %swap3A_260 = arith.constant 12 : i32
    %swap3A_261 = arith.index_cast %swap3A_260 : i32 to index
    %swap3A_262 = arith.constant 0 : index
    %swap3A_263 = tpu.vector_load %arg12[%swap3A_261, %swap3A_262] {strides = array<i32>} : memref<64x16xf32, #tpu.memory_space<vmem>>, vector<16xf32>,
    tpu.vector_store %arg12[%swap3A_261, %swap3A_262], %broadcast_in_dim3A_3 {strides = array<i32>} : memref<64x16xf32, #tpu.memory_space<vmem>>, vector<16xf32>,
    %swap3A_264 = arith.constant 13 : i32
    %swap3A_265 = arith.index_cast %swap3A_264 : i32 to index
    %swap3A_266 = arith.constant 0 : index
    %swap3A_267 = tpu.vector_load %arg12[%swap3A_265, %swap3A_266] {strides = array<i32>} : memref<64x16xf32, #tpu.memory_space<vmem>>, vector<16xf32>,
    tpu.vector_store %arg12[%swap3A_265, %swap3A_266], %broadcast_in_dim3A_3 {strides = array<i32>} : memref<64x16xf32, #tpu.memory_space<vmem>>, vector<16xf32>,
    %swap3A_268 = arith.constant 14 : i32
    %swap3A_269 = arith.index_cast %swap3A_268 : i32 to index
    %swap3A_270 = arith.constant 0 : index
    %swap3A_271 = tpu.vector_load %arg12[%swap3A_269, %swap3A_270] {strides = array<i32>} : memref<64x16xf32, #tpu.memory_space<vmem>>, vector<16xf32>,
    tpu.vector_store %arg12[%swap3A_269, %swap3A_270], %broadcast_in_dim3A_3 {strides = array<i32>} : memref<64x16xf32, #tpu.memory_space<vmem>>, vector<16xf32>,
    %swap3A_272 = arith.constant 15 : i32
    %swap3A_273 = arith.index_cast %swap3A_272 : i32 to index
    %swap3A_274 = arith.constant 0 : index
    %swap3A_275 = tpu.vector_load %arg12[%swap3A_273, %swap3A_274] {strides = array<i32>} : memref<64x16xf32, #tpu.memory_space<vmem>>, vector<16xf32>,
    tpu.vector_store %arg12[%swap3A_273, %swap3A_274], %broadcast_in_dim3A_3 {strides = array<i32>} : memref<64x16xf32, #tpu.memory_space<vmem>>, vector<16xf32>,
    %swap3A_276 = arith.constant 16 : i32
    %swap3A_277 = arith.index_cast %swap3A_276 : i32 to index
    %swap3A_278 = arith.constant 0 : index
    %swap3A_279 = tpu.vector_load %arg12[%swap3A_277, %swap3A_278] {strides = array<i32>} : memref<64x16xf32, #tpu.memory_space<vmem>>, vector<16xf32>,
    tpu.vector_store %arg12[%swap3A_277, %swap3A_278], %broadcast_in_dim3A_3 {strides = array<i32>} : memref<64x16xf32, #tpu.memory_space<vmem>>, vector<16xf32>,
    %swap3A_280 = arith.constant 17 : i32
    %swap3A_281 = arith.index_cast %swap3A_280 : i32 to index
    %swap3A_282 = arith.constant 0 : index
    %swap3A_283 = tpu.vector_load %arg12[%swap3A_281, %swap3A_282] {strides = array<i32>} : memref<64x16xf32, #tpu.memory_space<vmem>>, vector<16xf32>,
    tpu.vector_store %arg12[%swap3A_281, %swap3A_282], %broadcast_in_dim3A_3 {strides = array<i32>} : memref<64x16xf32, #tpu.memory_space<vmem>>, vector<16xf32>,
    %swap3A_284 = arith.constant 18 : i32
    %swap3A_285 = arith.index_cast %swap3A_284 : i32 to index
    %swap3A_286 = arith.constant 0 : index
    %swap3A_287 = tpu.vector_load %arg12[%swap3A_285, %swap3A_286] {strides = array<i32>} : memref<64x16xf32, #tpu.memory_space<vmem>>, vector<16xf32>,
    tpu.vector_store %arg12[%swap3A_285, %swap3A_286], %broadcast_in_dim3A_3 {strides = array<i32>} : memref<64x16xf32, #tpu.memory_space<vmem>>, vector<16xf32>,
    %swap3A_288 = arith.constant 19 : i32
    %swap3A_289 = arith.index_cast %swap3A_288 : i32 to index
    %swap3A_290 = arith.constant 0 : index
    %swap3A_291 = tpu.vector_load %arg12[%swap3A_289, %swap3A_290] {strides = array<i32>} : memref<64x16xf32, #tpu.memory_space<vmem>>, vector<16xf32>,
    tpu.vector_store %arg12[%swap3A_289, %swap3A_290], %broadcast_in_dim3A_3 {strides = array<i32>} : memref<64x16xf32, #tpu.memory_space<vmem>>, vector<16xf32>,
    %swap3A_292 = arith.constant 20 : i32
    %swap3A_293 = arith.index_cast %swap3A_292 : i32 to index
    %swap3A_294 = arith.constant 0 : index
    %swap3A_295 = tpu.vector_load %arg12[%swap3A_293, %swap3A_294] {strides = array<i32>} : memref<64x16xf32, #tpu.memory_space<vmem>>, vector<16xf32>,
    tpu.vector_store %arg12[%swap3A_293, %swap3A_294], %broadcast_in_dim3A_3 {strides = array<i32>} : memref<64x16xf32, #tpu.memory_space<vmem>>, vector<16xf32>,
    %swap3A_296 = arith.constant 21 : i32
    %swap3A_297 = arith.index_cast %swap3A_296 : i32 to index
    %swap3A_298 = arith.constant 0 : index
    %swap3A_299 = tpu.vector_load %arg12[%swap3A_297, %swap3A_298] {strides = array<i32>} : memref<64x16xf32, #tpu.memory_space<vmem>>, vector<16xf32>,
    tpu.vector_store %arg12[%swap3A_297, %swap3A_298], %broadcast_in_dim3A_3 {strides = array<i32>} : memref<64x16xf32, #tpu.memory_space<vmem>>, vector<16xf32>,
    %swap3A_300 = arith.constant 22 : i32
    %swap3A_301 = arith.index_cast %swap3A_300 : i32 to index
    %swap3A_302 = arith.constant 0 : index
    %swap3A_303 = tpu.vector_load %arg12[%swap3A_301, %swap3A_302] {strides = array<i32>} : memref<64x16xf32, #tpu.memory_space<vmem>>, vector<16xf32>,
    tpu.vector_store %arg12[%swap3A_301, %swap3A_302], %broadcast_in_dim3A_3 {strides = array<i32>} : memref<64x16xf32, #tpu.memory_space<vmem>>, vector<16xf32>,
    %swap3A_304 = arith.constant 23 : i32
    %swap3A_305 = arith.index_cast %swap3A_304 : i32 to index
    %swap3A_306 = arith.constant 0 : index
    %swap3A_307 = tpu.vector_load %arg12[%swap3A_305, %swap3A_306] {strides = array<i32>} : memref<64x16xf32, #tpu.memory_space<vmem>>, vector<16xf32>,
    tpu.vector_store %arg12[%swap3A_305, %swap3A_306], %broadcast_in_dim3A_3 {strides = array<i32>} : memref<64x16xf32, #tpu.memory_space<vmem>>, vector<16xf32>,
    %swap3A_308 = arith.constant 24 : i32
    %swap3A_309 = arith.index_cast %swap3A_308 : i32 to index
    %swap3A_310 = arith.constant 0 : index
    %swap3A_311 = tpu.vector_load %arg12[%swap3A_309, %swap3A_310] {strides = array<i32>} : memref<64x16xf32, #tpu.memory_space<vmem>>, vector<16xf32>,
    tpu.vector_store %arg12[%swap3A_309, %swap3A_310], %broadcast_in_dim3A_3 {strides = array<i32>} : memref<64x16xf32, #tpu.memory_space<vmem>>, vector<16xf32>,
    %swap3A_312 = arith.constant 25 : i32
    %swap3A_313 = arith.index_cast %swap3A_312 : i32 to index
    %swap3A_314 = arith.constant 0 : index
    %swap3A_315 = tpu.vector_load %arg12[%swap3A_313, %swap3A_314] {strides = array<i32>} : memref<64x16xf32, #tpu.memory_space<vmem>>, vector<16xf32>,
    tpu.vector_store %arg12[%swap3A_313, %swap3A_314], %broadcast_in_dim3A_3 {strides = array<i32>} : memref<64x16xf32, #tpu.memory_space<vmem>>, vector<16xf32>,
    %swap3A_316 = arith.constant 26 : i32
    %swap3A_317 = arith.index_cast %swap3A_316 : i32 to index
    %swap3A_318 = arith.constant 0 : index
    %swap3A_319 = tpu.vector_load %arg12[%swap3A_317, %swap3A_318] {strides = array<i32>} : memref<64x16xf32, #tpu.memory_space<vmem>>, vector<16xf32>,
    tpu.vector_store %arg12[%swap3A_317, %swap3A_318], %broadcast_in_dim3A_3 {strides = array<i32>} : memref<64x16xf32, #tpu.memory_space<vmem>>, vector<16xf32>,
    %swap3A_320 = arith.constant 27 : i32
    %swap3A_321 = arith.index_cast %swap3A_320 : i32 to index
    %swap3A_322 = arith.constant 0 : index
    %swap3A_323 = tpu.vector_load %arg12[%swap3A_321, %swap3A_322] {strides = array<i32>} : memref<64x16xf32, #tpu.memory_space<vmem>>, vector<16xf32>,
    tpu.vector_store %arg12[%swap3A_321, %swap3A_322], %broadcast_in_dim3A_3 {strides = array<i32>} : memref<64x16xf32, #tpu.memory_space<vmem>>, vector<16xf32>,
    %swap3A_324 = arith.constant 28 : i32
    %swap3A_325 = arith.index_cast %swap3A_324 : i32 to index
    %swap3A_326 = arith.constant 0 : index
    %swap3A_327 = tpu.vector_load %arg12[%swap3A_325, %swap3A_326] {strides = array<i32>} : memref<64x16xf32, #tpu.memory_space<vmem>>, vector<16xf32>,
    tpu.vector_store %arg12[%swap3A_325, %swap3A_326], %broadcast_in_dim3A_3 {strides = array<i32>} : memref<64x16xf32, #tpu.memory_space<vmem>>, vector<16xf32>,
    %swap3A_328 = arith.constant 29 : i32
    %swap3A_329 = arith.index_cast %swap3A_328 : i32 to index
    %swap3A_330 = arith.constant 0 : index
    %swap3A_331 = tpu.vector_load %arg12[%swap3A_329, %swap3A_330] {strides = array<i32>} : memref<64x16xf32, #tpu.memory_space<vmem>>, vector<16xf32>,
    tpu.vector_store %arg12[%swap3A_329, %swap3A_330], %broadcast_in_dim3A_3 {strides = array<i32>} : memref<64x16xf32, #tpu.memory_space<vmem>>, vector<16xf32>,
    %swap3A_332 = arith.constant 30 : i32
    %swap3A_333 = arith.index_cast %swap3A_332 : i32 to index
    %swap3A_334 = arith.constant 0 : index
    %swap3A_335 = tpu.vector_load %arg12[%swap3A_333, %swap3A_334] {strides = array<i32>} : memref<64x16xf32, #tpu.memory_space<vmem>>, vector<16xf32>,
    tpu.vector_store %arg12[%swap3A_333, %swap3A_334], %broadcast_in_dim3A_3 {strides = array<i32>} : memref<64x16xf32, #tpu.memory_space<vmem>>, vector<16xf32>,
    %swap3A_336 = arith.constant 31 : i32
    %swap3A_337 = arith.index_cast %swap3A_336 : i32 to index
    %swap3A_338 = arith.constant 0 : index
    %swap3A_339 = tpu.vector_load %arg12[%swap3A_337, %swap3A_338] {strides = array<i32>} : memref<64x16xf32, #tpu.memory_space<vmem>>, vector<16xf32>,
    tpu.vector_store %arg12[%swap3A_337, %swap3A_338], %broadcast_in_dim3A_3 {strides = array<i32>} : memref<64x16xf32, #tpu.memory_space<vmem>>, vector<16xf32>,
    %swap3A_340 = arith.constant 32 : i32
    %swap3A_341 = arith.index_cast %swap3A_340 : i32 to index
    %swap3A_342 = arith.constant 0 : index
    %swap3A_343 = tpu.vector_load %arg12[%swap3A_341, %swap3A_342] {strides = array<i32>} : memref<64x16xf32, #tpu.memory_space<vmem>>, vector<16xf32>,
    tpu.vector_store %arg12[%swap3A_341, %swap3A_342], %broadcast_in_dim3A_3 {strides = array<i32>} : memref<64x16xf32, #tpu.memory_space<vmem>>, vector<16xf32>,
    %swap3A_344 = arith.constant 33 : i32
    %swap3A_345 = arith.index_cast %swap3A_344 : i32 to index
    %swap3A_346 = arith.constant 0 : index
    %swap3A_347 = tpu.vector_load %arg12[%swap3A_345, %swap3A_346] {strides = array<i32>} : memref<64x16xf32, #tpu.memory_space<vmem>>, vector<16xf32>,
    tpu.vector_store %arg12[%swap3A_345, %swap3A_346], %broadcast_in_dim3A_3 {strides = array<i32>} : memref<64x16xf32, #tpu.memory_space<vmem>>, vector<16xf32>,
    %swap3A_348 = arith.constant 34 : i32
    %swap3A_349 = arith.index_cast %swap3A_348 : i32 to index
    %swap3A_350 = arith.constant 0 : index
    %swap3A_351 = tpu.vector_load %arg12[%swap3A_349, %swap3A_350] {strides = array<i32>} : memref<64x16xf32, #tpu.memory_space<vmem>>, vector<16xf32>,
    tpu.vector_store %arg12[%swap3A_349, %swap3A_350], %broadcast_in_dim3A_3 {strides = array<i32>} : memref<64x16xf32, #tpu.memory_space<vmem>>, vector<16xf32>,
    %swap3A_352 = arith.constant 35 : i32
    %swap3A_353 = arith.index_cast %swap3A_352 : i32 to index
    %swap3A_354 = arith.constant 0 : index
    %swap3A_355 = tpu.vector_load %arg12[%swap3A_353, %swap3A_354] {strides = array<i32>} : memref<64x16xf32, #tpu.memory_space<vmem>>, vector<16xf32>,
    tpu.vector_store %arg12[%swap3A_353, %swap3A_354], %broadcast_in_dim3A_3 {strides = array<i32>} : memref<64x16xf32, #tpu.memory_space<vmem>>, vector<16xf32>,
    %swap3A_356 = arith.constant 36 : i32
    %swap3A_357 = arith.index_cast %swap3A_356 : i32 to index
    %swap3A_358 = arith.constant 0 : index
    %swap3A_359 = tpu.vector_load %arg12[%swap3A_357, %swap3A_358] {strides = array<i32>} : memref<64x16xf32, #tpu.memory_space<vmem>>, vector<16xf32>,
    tpu.vector_store %arg12[%swap3A_357, %swap3A_358], %broadcast_in_dim3A_3 {strides = array<i32>} : memref<64x16xf32, #tpu.memory_space<vmem>>, vector<16xf32>,
    %swap3A_360 = arith.constant 37 : i32
    %swap3A_361 = arith.index_cast %swap3A_360 : i32 to index
    %swap3A_362 = arith.constant 0 : index
    %swap3A_363 = tpu.vector_load %arg12[%swap3A_361, %swap3A_362] {strides = array<i32>} : memref<64x16xf32, #tpu.memory_space<vmem>>, vector<16xf32>,
    tpu.vector_store %arg12[%swap3A_361, %swap3A_362], %broadcast_in_dim3A_3 {strides = array<i32>} : memref<64x16xf32, #tpu.memory_space<vmem>>, vector<16xf32>,
    %swap3A_364 = arith.constant 38 : i32
    %swap3A_365 = arith.index_cast %swap3A_364 : i32 to index
    %swap3A_366 = arith.constant 0 : index
    %swap3A_367 = tpu.vector_load %arg12[%swap3A_365, %swap3A_366] {strides = array<i32>} : memref<64x16xf32, #tpu.memory_space<vmem>>, vector<16xf32>,
    tpu.vector_store %arg12[%swap3A_365, %swap3A_366], %broadcast_in_dim3A_3 {strides = array<i32>} : memref<64x16xf32, #tpu.memory_space<vmem>>, vector<16xf32>,
    %swap3A_368 = arith.constant 39 : i32
    %swap3A_369 = arith.index_cast %swap3A_368 : i32 to index
    %swap3A_370 = arith.constant 0 : index
    %swap3A_371 = tpu.vector_load %arg12[%swap3A_369, %swap3A_370] {strides = array<i32>} : memref<64x16xf32, #tpu.memory_space<vmem>>, vector<16xf32>,
    tpu.vector_store %arg12[%swap3A_369, %swap3A_370], %broadcast_in_dim3A_3 {strides = array<i32>} : memref<64x16xf32, #tpu.memory_space<vmem>>, vector<16xf32>,
    %swap3A_372 = arith.constant 40 : i32
    %swap3A_373 = arith.index_cast %swap3A_372 : i32 to index
    %swap3A_374 = arith.constant 0 : index
    %swap3A_375 = tpu.vector_load %arg12[%swap3A_373, %swap3A_374] {strides = array<i32>} : memref<64x16xf32, #tpu.memory_space<vmem>>, vector<16xf32>,
    tpu.vector_store %arg12[%swap3A_373, %swap3A_374], %broadcast_in_dim3A_3 {strides = array<i32>} : memref<64x16xf32, #tpu.memory_space<vmem>>, vector<16xf32>,
    %swap3A_376 = arith.constant 41 : i32
    %swap3A_377 = arith.index_cast %swap3A_376 : i32 to index
    %swap3A_378 = arith.constant 0 : index
    %swap3A_379 = tpu.vector_load %arg12[%swap3A_377, %swap3A_378] {strides = array<i32>} : memref<64x16xf32, #tpu.memory_space<vmem>>, vector<16xf32>,
    tpu.vector_store %arg12[%swap3A_377, %swap3A_378], %broadcast_in_dim3A_3 {strides = array<i32>} : memref<64x16xf32, #tpu.memory_space<vmem>>, vector<16xf32>,
    %swap3A_380 = arith.constant 42 : i32
    %swap3A_381 = arith.index_cast %swap3A_380 : i32 to index
    %swap3A_382 = arith.constant 0 : index
    %swap3A_383 = tpu.vector_load %arg12[%swap3A_381, %swap3A_382] {strides = array<i32>} : memref<64x16xf32, #tpu.memory_space<vmem>>, vector<16xf32>,
    tpu.vector_store %arg12[%swap3A_381, %swap3A_382], %broadcast_in_dim3A_3 {strides = array<i32>} : memref<64x16xf32, #tpu.memory_space<vmem>>, vector<16xf32>,
    %swap3A_384 = arith.constant 43 : i32
    %swap3A_385 = arith.index_cast %swap3A_384 : i32 to index
    %swap3A_386 = arith.constant 0 : index
    %swap3A_387 = tpu.vector_load %arg12[%swap3A_385, %swap3A_386] {strides = array<i32>} : memref<64x16xf32, #tpu.memory_space<vmem>>, vector<16xf32>,
    tpu.vector_store %arg12[%swap3A_385, %swap3A_386], %broadcast_in_dim3A_3 {strides = array<i32>} : memref<64x16xf32, #tpu.memory_space<vmem>>, vector<16xf32>,
    %swap3A_388 = arith.constant 44 : i32
    %swap3A_389 = arith.index_cast %swap3A_388 : i32 to index
    %swap3A_390 = arith.constant 0 : index
    %swap3A_391 = tpu.vector_load %arg12[%swap3A_389, %swap3A_390] {strides = array<i32>} : memref<64x16xf32, #tpu.memory_space<vmem>>, vector<16xf32>,
    tpu.vector_store %arg12[%swap3A_389, %swap3A_390], %broadcast_in_dim3A_3 {strides = array<i32>} : memref<64x16xf32, #tpu.memory_space<vmem>>, vector<16xf32>,
    %swap3A_392 = arith.constant 45 : i32
    %swap3A_393 = arith.index_cast %swap3A_392 : i32 to index
    %swap3A_394 = arith.constant 0 : index
    %swap3A_395 = tpu.vector_load %arg12[%swap3A_393, %swap3A_394] {strides = array<i32>} : memref<64x16xf32, #tpu.memory_space<vmem>>, vector<16xf32>,
    tpu.vector_store %arg12[%swap3A_393, %swap3A_394], %broadcast_in_dim3A_3 {strides = array<i32>} : memref<64x16xf32, #tpu.memory_space<vmem>>, vector<16xf32>,
    %swap3A_396 = arith.constant 46 : i32
    %swap3A_397 = arith.index_cast %swap3A_396 : i32 to index
    %swap3A_398 = arith.constant 0 : index
    %swap3A_399 = tpu.vector_load %arg12[%swap3A_397, %swap3A_398] {strides = array<i32>} : memref<64x16xf32, #tpu.memory_space<vmem>>, vector<16xf32>,
    tpu.vector_store %arg12[%swap3A_397, %swap3A_398], %broadcast_in_dim3A_3 {strides = array<i32>} : memref<64x16xf32, #tpu.memory_space<vmem>>, vector<16xf32>,
    %swap3A_400 = arith.constant 47 : i32
    %swap3A_401 = arith.index_cast %swap3A_400 : i32 to index
    %swap3A_402 = arith.constant 0 : index
    %swap3A_403 = tpu.vector_load %arg12[%swap3A_401, %swap3A_402] {strides = array<i32>} : memref<64x16xf32, #tpu.memory_space<vmem>>, vector<16xf32>,
    tpu.vector_store %arg12[%swap3A_401, %swap3A_402], %broadcast_in_dim3A_3 {strides = array<i32>} : memref<64x16xf32, #tpu.memory_space<vmem>>, vector<16xf32>,
    %swap3A_404 = arith.constant 48 : i32
    %swap3A_405 = arith.index_cast %swap3A_404 : i32 to index
    %swap3A_406 = arith.constant 0 : index
    %swap3A_407 = tpu.vector_load %arg12[%swap3A_405, %swap3A_406] {strides = array<i32>} : memref<64x16xf32, #tpu.memory_space<vmem>>, vector<16xf32>,
    tpu.vector_store %arg12[%swap3A_405, %swap3A_406], %broadcast_in_dim3A_3 {strides = array<i32>} : memref<64x16xf32, #tpu.memory_space<vmem>>, vector<16xf32>,
    %swap3A_408 = arith.constant 49 : i32
    %swap3A_409 = arith.index_cast %swap3A_408 : i32 to index
    %swap3A_410 = arith.constant 0 : index
    %swap3A_411 = tpu.vector_load %arg12[%swap3A_409, %swap3A_410] {strides = array<i32>} : memref<64x16xf32, #tpu.memory_space<vmem>>, vector<16xf32>,
    tpu.vector_store %arg12[%swap3A_409, %swap3A_410], %broadcast_in_dim3A_3 {strides = array<i32>} : memref<64x16xf32, #tpu.memory_space<vmem>>, vector<16xf32>,
    %swap3A_412 = arith.constant 50 : i32
    %swap3A_413 = arith.index_cast %swap3A_412 : i32 to index
    %swap3A_414 = arith.constant 0 : index
    %swap3A_415 = tpu.vector_load %arg12[%swap3A_413, %swap3A_414] {strides = array<i32>} : memref<64x16xf32, #tpu.memory_space<vmem>>, vector<16xf32>,
    tpu.vector_store %arg12[%swap3A_413, %swap3A_414], %broadcast_in_dim3A_3 {strides = array<i32>} : memref<64x16xf32, #tpu.memory_space<vmem>>, vector<16xf32>,
    %swap3A_416 = arith.constant 51 : i32
    %swap3A_417 = arith.index_cast %swap3A_416 : i32 to index
    %swap3A_418 = arith.constant 0 : index
    %swap3A_419 = tpu.vector_load %arg12[%swap3A_417, %swap3A_418] {strides = array<i32>} : memref<64x16xf32, #tpu.memory_space<vmem>>, vector<16xf32>,
    tpu.vector_store %arg12[%swap3A_417, %swap3A_418], %broadcast_in_dim3A_3 {strides = array<i32>} : memref<64x16xf32, #tpu.memory_space<vmem>>, vector<16xf32>,
    %swap3A_420 = arith.constant 52 : i32
    %swap3A_421 = arith.index_cast %swap3A_420 : i32 to index
    %swap3A_422 = arith.constant 0 : index
    %swap3A_423 = tpu.vector_load %arg12[%swap3A_421, %swap3A_422] {strides = array<i32>} : memref<64x16xf32, #tpu.memory_space<vmem>>, vector<16xf32>,
    tpu.vector_store %arg12[%swap3A_421, %swap3A_422], %broadcast_in_dim3A_3 {strides = array<i32>} : memref<64x16xf32, #tpu.memory_space<vmem>>, vector<16xf32>,
    %swap3A_424 = arith.constant 53 : i32
    %swap3A_425 = arith.index_cast %swap3A_424 : i32 to index
    %swap3A_426 = arith.constant 0 : index
    %swap3A_427 = tpu.vector_load %arg12[%swap3A_425, %swap3A_426] {strides = array<i32>} : memref<64x16xf32, #tpu.memory_space<vmem>>, vector<16xf32>,
    tpu.vector_store %arg12[%swap3A_425, %swap3A_426], %broadcast_in_dim3A_3 {strides = array<i32>} : memref<64x16xf32, #tpu.memory_space<vmem>>, vector<16xf32>,
    %swap3A_428 = arith.constant 54 : i32
    %swap3A_429 = arith.index_cast %swap3A_428 : i32 to index
    %swap3A_430 = arith.constant 0 : index
    %swap3A_431 = tpu.vector_load %arg12[%swap3A_429, %swap3A_430] {strides = array<i32>} : memref<64x16xf32, #tpu.memory_space<vmem>>, vector<16xf32>,
    tpu.vector_store %arg12[%swap3A_429, %swap3A_430], %broadcast_in_dim3A_3 {strides = array<i32>} : memref<64x16xf32, #tpu.memory_space<vmem>>, vector<16xf32>,
    %swap3A_432 = arith.constant 55 : i32
    %swap3A_433 = arith.index_cast %swap3A_432 : i32 to index
    %swap3A_434 = arith.constant 0 : index
    %swap3A_435 = tpu.vector_load %arg12[%swap3A_433, %swap3A_434] {strides = array<i32>} : memref<64x16xf32, #tpu.memory_space<vmem>>, vector<16xf32>,
    tpu.vector_store %arg12[%swap3A_433, %swap3A_434], %broadcast_in_dim3A_3 {strides = array<i32>} : memref<64x16xf32, #tpu.memory_space<vmem>>, vector<16xf32>,
    %swap3A_436 = arith.constant 56 : i32
    %swap3A_437 = arith.index_cast %swap3A_436 : i32 to index
    %swap3A_438 = arith.constant 0 : index
    %swap3A_439 = tpu.vector_load %arg12[%swap3A_437, %swap3A_438] {strides = array<i32>} : memref<64x16xf32, #tpu.memory_space<vmem>>, vector<16xf32>,
    tpu.vector_store %arg12[%swap3A_437, %swap3A_438], %broadcast_in_dim3A_3 {strides = array<i32>} : memref<64x16xf32, #tpu.memory_space<vmem>>, vector<16xf32>,
    %swap3A_440 = arith.constant 57 : i32
    %swap3A_441 = arith.index_cast %swap3A_440 : i32 to index
    %swap3A_442 = arith.constant 0 : index
    %swap3A_443 = tpu.vector_load %arg12[%swap3A_441, %swap3A_442] {strides = array<i32>} : memref<64x16xf32, #tpu.memory_space<vmem>>, vector<16xf32>,
    tpu.vector_store %arg12[%swap3A_441, %swap3A_442], %broadcast_in_dim3A_3 {strides = array<i32>} : memref<64x16xf32, #tpu.memory_space<vmem>>, vector<16xf32>,
    %swap3A_444 = arith.constant 58 : i32
    %swap3A_445 = arith.index_cast %swap3A_444 : i32 to index
    %swap3A_446 = arith.constant 0 : index
    %swap3A_447 = tpu.vector_load %arg12[%swap3A_445, %swap3A_446] {strides = array<i32>} : memref<64x16xf32, #tpu.memory_space<vmem>>, vector<16xf32>,
    tpu.vector_store %arg12[%swap3A_445, %swap3A_446], %broadcast_in_dim3A_3 {strides = array<i32>} : memref<64x16xf32, #tpu.memory_space<vmem>>, vector<16xf32>,
    %swap3A_448 = arith.constant 59 : i32
    %swap3A_449 = arith.index_cast %swap3A_448 : i32 to index
    %swap3A_450 = arith.constant 0 : index
    %swap3A_451 = tpu.vector_load %arg12[%swap3A_449, %swap3A_450] {strides = array<i32>} : memref<64x16xf32, #tpu.memory_space<vmem>>, vector<16xf32>,
    tpu.vector_store %arg12[%swap3A_449, %swap3A_450], %broadcast_in_dim3A_3 {strides = array<i32>} : memref<64x16xf32, #tpu.memory_space<vmem>>, vector<16xf32>,
    %swap3A_452 = arith.constant 60 : i32
    %swap3A_453 = arith.index_cast %swap3A_452 : i32 to index
    %swap3A_454 = arith.constant 0 : index
    %swap3A_455 = tpu.vector_load %arg12[%swap3A_453, %swap3A_454] {strides = array<i32>} : memref<64x16xf32, #tpu.memory_space<vmem>>, vector<16xf32>,
    tpu.vector_store %arg12[%swap3A_453, %swap3A_454], %broadcast_in_dim3A_3 {strides = array<i32>} : memref<64x16xf32, #tpu.memory_space<vmem>>, vector<16xf32>,
    %swap3A_456 = arith.constant 61 : i32
    %swap3A_457 = arith.index_cast %swap3A_456 : i32 to index
    %swap3A_458 = arith.constant 0 : index
    %swap3A_459 = tpu.vector_load %arg12[%swap3A_457, %swap3A_458] {strides = array<i32>} : memref<64x16xf32, #tpu.memory_space<vmem>>, vector<16xf32>,
    tpu.vector_store %arg12[%swap3A_457, %swap3A_458], %broadcast_in_dim3A_3 {strides = array<i32>} : memref<64x16xf32, #tpu.memory_space<vmem>>, vector<16xf32>,
    %swap3A_460 = arith.constant 62 : i32
    %swap3A_461 = arith.index_cast %swap3A_460 : i32 to index
    %swap3A_462 = arith.constant 0 : index
    %swap3A_463 = tpu.vector_load %arg12[%swap3A_461, %swap3A_462] {strides = array<i32>} : memref<64x16xf32, #tpu.memory_space<vmem>>, vector<16xf32>,
    tpu.vector_store %arg12[%swap3A_461, %swap3A_462], %broadcast_in_dim3A_3 {strides = array<i32>} : memref<64x16xf32, #tpu.memory_space<vmem>>, vector<16xf32>,
    %swap3A_464 = arith.constant 63 : i32
    %swap3A_465 = arith.index_cast %swap3A_464 : i32 to index
    %swap3A_466 = arith.constant 0 : index
    %swap3A_467 = tpu.vector_load %arg12[%swap3A_465, %swap3A_466] {strides = array<i32>} : memref<64x16xf32, #tpu.memory_space<vmem>>, vector<16xf32>,
    tpu.vector_store %arg12[%swap3A_465, %swap3A_466], %broadcast_in_dim3A_3 {strides = array<i32>} : memref<64x16xf32, #tpu.memory_space<vmem>>, vector<16xf32>,
    %dma_start3A_468 = arith.constant 0 : i32
    %dma_start3A_469 = tpu.memref_slice %arg3[%dma_start3A_468] : memref<16384xi32, #tpu.memory_space<hbm>> -> memref<256xi32, #tpu.memory_space<hbm>>
    %dma_start3A_470 = arith.constant 0 : i32
    %dma_start3A_471 = tpu.memref_slice %arg3[%dma_start3A_470] : memref<16384xi32, #tpu.memory_space<hbm>> -> memref<256xi32, #tpu.memory_space<hbm>>
    tpu.enqueue_dma source(%dma_start3A_471 : memref<256xi32, #tpu.memory_space<hbm>>) target(%arg8 : memref<256xi32, #tpu.memory_space<vmem>>) target_semaphore(%arg19 : memref<!tpu.dma_semaphore, #tpu.memory_space<semaphore_mem>>)
    %dma_start3A_472 = arith.constant 0 : i32
    %dma_start3A_473 = tpu.memref_slice %arg2[%dma_start3A_472, %mul3A_2] : memref<16384x1024xf32, #tpu.memory_space<hbm>> -> memref<256x32xf32, #tpu.memory_space<hbm>>
    %dma_start3A_474 = arith.constant 0 : i32
    %dma_start3A_475 = tpu.memref_slice %arg2[%dma_start3A_474, %mul3A_2] : memref<16384x1024xf32, #tpu.memory_space<hbm>> -> memref<256x32xf32, #tpu.memory_space<hbm>>
    tpu.enqueue_dma source(%dma_start3A_475 : memref<256x32xf32, #tpu.memory_space<hbm>>) target(%arg6 : memref<256x32xf32, #tpu.memory_space<vmem>>) target_semaphore(%arg18 : memref<!tpu.dma_semaphore, #tpu.memory_space<semaphore_mem>>)
    %scan3A_476 = arith.constant 0 : i32
    %scan3A_477 = arith.constant 0 : i32
    %scan3A_478 = arith.constant 32 : i32
    %scan3A_479 = arith.addi %scan3A_477, %scan3A_478 : i32
    %scan3A_480 = arith.constant 1 : i32
    %scan3A_481 = scf.for %scan3A_1043 = %scan3A_477 to %scan3A_479 step %scan3A_480 iter_args(%scan3A_1044 = %scan3A_476) -> (i32)  : i32 {
      %mul3A_1045 = arith.constant 2 : i32
      %mul3A_1046 = arith.muli %mul3A_1045, %scan3A_1043 : i32
      %add3A_1047 = arith.constant 1 : i32
      %add3A_1048 = arith.addi %mul3A_1046, %add3A_1047 : i32
      %min3A = arith.constant 63 : i32
      %min3A_1049 = arith.minsi %add3A_1048, %min3A : i32
      %mul3A_1050 = arith.constant 256 : i32
      %mul3A_1051 = arith.muli %min3A_1049, %mul3A_1050 : i32
      %dma_start3A_1052 = tpu.memref_slice %arg3[%mul3A_1051] : memref<16384xi32, #tpu.memory_space<hbm>> -> memref<256xi32, #tpu.memory_space<hbm>>
      %dma_start3A_1053 = tpu.memref_slice %arg3[%mul3A_1051] : memref<16384xi32, #tpu.memory_space<hbm>> -> memref<256xi32, #tpu.memory_space<hbm>>
      tpu.enqueue_dma source(%dma_start3A_1053 : memref<256xi32, #tpu.memory_space<hbm>>) target(%arg9 : memref<256xi32, #tpu.memory_space<vmem>>) target_semaphore(%arg21 : memref<!tpu.dma_semaphore, #tpu.memory_space<semaphore_mem>>)
      %dma_start3A_1054 = tpu.memref_slice %arg2[%mul3A_1051, %mul3A_2] : memref<16384x1024xf32, #tpu.memory_space<hbm>> -> memref<256x32xf32, #tpu.memory_space<hbm>>
      %dma_start3A_1055 = tpu.memref_slice %arg2[%mul3A_1051, %mul3A_2] : memref<16384x1024xf32, #tpu.memory_space<hbm>> -> memref<256x32xf32, #tpu.memory_space<hbm>>
      tpu.enqueue_dma source(%dma_start3A_1055 : memref<256x32xf32, #tpu.memory_space<hbm>>) target(%arg7 : memref<256x32xf32, #tpu.memory_space<vmem>>) target_semaphore(%arg20 : memref<!tpu.dma_semaphore, #tpu.memory_space<semaphore_mem>>)
      %dma_wait3A_1056 = arith.constant 0 : i32
      %dma_wait3A_1057 = tpu.memref_slice %arg3[%dma_wait3A_1056] : memref<16384xi32, #tpu.memory_space<hbm>> -> memref<256xi32, #tpu.memory_space<hbm>>
      %dma_wait3A_1058 = arith.constant 0 : i32
      %dma_wait3A_1059 = tpu.memref_slice %arg3[%dma_wait3A_1058] : memref<16384xi32, #tpu.memory_space<hbm>> -> memref<256xi32, #tpu.memory_space<hbm>>
      tpu.wait_dma2 semaphore(%arg19 : memref<!tpu.dma_semaphore, #tpu.memory_space<semaphore_mem>>) src(%dma_wait3A_1059 : memref<256xi32, #tpu.memory_space<hbm>>) dst(%arg8 : memref<256xi32, #tpu.memory_space<vmem>>)
      %dma_wait3A_1060 = arith.constant 0 : i32
      %dma_wait3A_1061 = tpu.memref_slice %arg2[%dma_wait3A_1060, %mul3A_2] : memref<16384x1024xf32, #tpu.memory_space<hbm>> -> memref<256x32xf32, #tpu.memory_space<hbm>>
      %dma_wait3A_1062 = arith.constant 0 : i32
      %dma_wait3A_1063 = tpu.memref_slice %arg2[%dma_wait3A_1062, %mul3A_2] : memref<16384x1024xf32, #tpu.memory_space<hbm>> -> memref<256x32xf32, #tpu.memory_space<hbm>>
      tpu.wait_dma2 semaphore(%arg18 : memref<!tpu.dma_semaphore, #tpu.memory_space<semaphore_mem>>) src(%dma_wait3A_1063 : memref<256x32xf32, #tpu.memory_space<hbm>>) dst(%arg6 : memref<256x32xf32, #tpu.memory_space<vmem>>)
      %parallel_loop3A = arith.constant 0 : i32
      %parallel_loop3A_1064 = arith.constant 16 : i32
      %parallel_loop3A_1065 = arith.constant 1 : i32
      scf.for %parallel_loop3A_1109 = %parallel_loop3A to %parallel_loop3A_1064 step %parallel_loop3A_1065  : i32 {
        %parallel_loop3A_1110 = arith.constant 16 : i32
        %parallel_loop3A_1111 = arith.muli %parallel_loop3A_1109, %parallel_loop3A_1110 : i32
        %parallel_loop3A_1112 = arith.index_cast %parallel_loop3A_1111 : i32 to index
        %parallel_loop3A_1113 = tpu.vector_load %arg8[%parallel_loop3A_1112] {strides = array<i32>} : memref<256xi32, #tpu.memory_space<vmem>>, vector<16xi32>,
        %parallel_loop3A_1114 = vector.extract_strided_slice %parallel_loop3A_1113 {offsets = [0], sizes = [1], strides = [1]} : vector<16xi32> to vector<1xi32>
        %parallel_loop3A_1115 = vector.extract %parallel_loop3A_1114[0] : i32 from vector<1xi32>
        %parallel_loop3A_1116 = vector.extract_strided_slice %parallel_loop3A_1113 {offsets = [1], sizes = [1], strides = [1]} : vector<16xi32> to vector<1xi32>
        %parallel_loop3A_1117 = vector.extract %parallel_loop3A_1116[0] : i32 from vector<1xi32>
        %parallel_loop3A_1118 = vector.extract_strided_slice %parallel_loop3A_1113 {offsets = [2], sizes = [1], strides = [1]} : vector<16xi32> to vector<1xi32>
        %parallel_loop3A_1119 = vector.extract %parallel_loop3A_1118[0] : i32 from vector<1xi32>
        %parallel_loop3A_1120 = vector.extract_strided_slice %parallel_loop3A_1113 {offsets = [3], sizes = [1], strides = [1]} : vector<16xi32> to vector<1xi32>
        %parallel_loop3A_1121 = vector.extract %parallel_loop3A_1120[0] : i32 from vector<1xi32>
        %parallel_loop3A_1122 = vector.extract_strided_slice %parallel_loop3A_1113 {offsets = [4], sizes = [1], strides = [1]} : vector<16xi32> to vector<1xi32>
        %parallel_loop3A_1123 = vector.extract %parallel_loop3A_1122[0] : i32 from vector<1xi32>
        %parallel_loop3A_1124 = vector.extract_strided_slice %parallel_loop3A_1113 {offsets = [5], sizes = [1], strides = [1]} : vector<16xi32> to vector<1xi32>
        %parallel_loop3A_1125 = vector.extract %parallel_loop3A_1124[0] : i32 from vector<1xi32>
        %parallel_loop3A_1126 = vector.extract_strided_slice %parallel_loop3A_1113 {offsets = [6], sizes = [1], strides = [1]} : vector<16xi32> to vector<1xi32>
        %parallel_loop3A_1127 = vector.extract %parallel_loop3A_1126[0] : i32 from vector<1xi32>
        %parallel_loop3A_1128 = vector.extract_strided_slice %parallel_loop3A_1113 {offsets = [7], sizes = [1], strides = [1]} : vector<16xi32> to vector<1xi32>
        %parallel_loop3A_1129 = vector.extract %parallel_loop3A_1128[0] : i32 from vector<1xi32>
        %parallel_loop3A_1130 = vector.extract_strided_slice %parallel_loop3A_1113 {offsets = [8], sizes = [1], strides = [1]} : vector<16xi32> to vector<1xi32>
        %parallel_loop3A_1131 = vector.extract %parallel_loop3A_1130[0] : i32 from vector<1xi32>
        %parallel_loop3A_1132 = vector.extract_strided_slice %parallel_loop3A_1113 {offsets = [9], sizes = [1], strides = [1]} : vector<16xi32> to vector<1xi32>
        %parallel_loop3A_1133 = vector.extract %parallel_loop3A_1132[0] : i32 from vector<1xi32>
        %parallel_loop3A_1134 = vector.extract_strided_slice %parallel_loop3A_1113 {offsets = [10], sizes = [1], strides = [1]} : vector<16xi32> to vector<1xi32>
        %parallel_loop3A_1135 = vector.extract %parallel_loop3A_1134[0] : i32 from vector<1xi32>
        %parallel_loop3A_1136 = vector.extract_strided_slice %parallel_loop3A_1113 {offsets = [11], sizes = [1], strides = [1]} : vector<16xi32> to vector<1xi32>
        %parallel_loop3A_1137 = vector.extract %parallel_loop3A_1136[0] : i32 from vector<1xi32>
        %parallel_loop3A_1138 = vector.extract_strided_slice %parallel_loop3A_1113 {offsets = [12], sizes = [1], strides = [1]} : vector<16xi32> to vector<1xi32>
        %parallel_loop3A_1139 = vector.extract %parallel_loop3A_1138[0] : i32 from vector<1xi32>
        %parallel_loop3A_1140 = vector.extract_strided_slice %parallel_loop3A_1113 {offsets = [13], sizes = [1], strides = [1]} : vector<16xi32> to vector<1xi32>
        %parallel_loop3A_1141 = vector.extract %parallel_loop3A_1140[0] : i32 from vector<1xi32>
        %parallel_loop3A_1142 = vector.extract_strided_slice %parallel_loop3A_1113 {offsets = [14], sizes = [1], strides = [1]} : vector<16xi32> to vector<1xi32>
        %parallel_loop3A_1143 = vector.extract %parallel_loop3A_1142[0] : i32 from vector<1xi32>
        %parallel_loop3A_1144 = vector.extract_strided_slice %parallel_loop3A_1113 {offsets = [15], sizes = [1], strides = [1]} : vector<16xi32> to vector<1xi32>
        %parallel_loop3A_1145 = vector.extract %parallel_loop3A_1144[0] : i32 from vector<1xi32>
        %parallel_loop3A_1146 = arith.constant 0 : i32
        %parallel_loop3A_1147 = arith.addi %parallel_loop3A_1111, %parallel_loop3A_1146 : i32
        %parallel_loop3A_1148 = arith.index_cast %parallel_loop3A_1147 : i32 to index
        %parallel_loop3A_1149 = arith.constant 0 : index
        %parallel_loop3A_1150 = tpu.vector_load %arg6[%parallel_loop3A_1148, %parallel_loop3A_1149] {strides = array<i32>} : memref<256x32xf32, #tpu.memory_space<vmem>>, vector<16xf32>,
        %parallel_loop3A_1151 = arith.index_cast %parallel_loop3A_1115 : i32 to index
        %parallel_loop3A_1152 = arith.constant 0 : index
        %parallel_loop3A_1153 = tpu.vector_load %arg10[%parallel_loop3A_1151, %parallel_loop3A_1152] {strides = array<i32>} : memref<1024x16xf32, #tpu.memory_space<vmem>>, vector<16xf32>,
        tpu.vector_store %arg10[%parallel_loop3A_1151, %parallel_loop3A_1152], %parallel_loop3A_1150 {add = true, strides = array<i32>} : memref<1024x16xf32, #tpu.memory_space<vmem>>, vector<16xf32>,
        %parallel_loop3A_1154 = arith.constant 1 : i32
        %parallel_loop3A_1155 = arith.addi %parallel_loop3A_1111, %parallel_loop3A_1154 : i32
        %parallel_loop3A_1156 = arith.index_cast %parallel_loop3A_1155 : i32 to index
        %parallel_loop3A_1157 = arith.constant 0 : index
        %parallel_loop3A_1158 = tpu.vector_load %arg6[%parallel_loop3A_1156, %parallel_loop3A_1157] {strides = array<i32>} : memref<256x32xf32, #tpu.memory_space<vmem>>, vector<16xf32>,
        %parallel_loop3A_1159 = arith.index_cast %parallel_loop3A_1117 : i32 to index
        %parallel_loop3A_1160 = arith.constant 0 : index
        %parallel_loop3A_1161 = tpu.vector_load %arg10[%parallel_loop3A_1159, %parallel_loop3A_1160] {strides = array<i32>} : memref<1024x16xf32, #tpu.memory_space<vmem>>, vector<16xf32>,
        tpu.vector_store %arg10[%parallel_loop3A_1159, %parallel_loop3A_1160], %parallel_loop3A_1158 {add = true, strides = array<i32>} : memref<1024x16xf32, #tpu.memory_space<vmem>>, vector<16xf32>,
        %parallel_loop3A_1162 = arith.constant 2 : i32
        %parallel_loop3A_1163 = arith.addi %parallel_loop3A_1111, %parallel_loop3A_1162 : i32
        %parallel_loop3A_1164 = arith.index_cast %parallel_loop3A_1163 : i32 to index
        %parallel_loop3A_1165 = arith.constant 0 : index
        %parallel_loop3A_1166 = tpu.vector_load %arg6[%parallel_loop3A_1164, %parallel_loop3A_1165] {strides = array<i32>} : memref<256x32xf32, #tpu.memory_space<vmem>>, vector<16xf32>,
        %parallel_loop3A_1167 = arith.index_cast %parallel_loop3A_1119 : i32 to index
        %parallel_loop3A_1168 = arith.constant 0 : index
        %parallel_loop3A_1169 = tpu.vector_load %arg10[%parallel_loop3A_1167, %parallel_loop3A_1168] {strides = array<i32>} : memref<1024x16xf32, #tpu.memory_space<vmem>>, vector<16xf32>,
        tpu.vector_store %arg10[%parallel_loop3A_1167, %parallel_loop3A_1168], %parallel_loop3A_1166 {add = true, strides = array<i32>} : memref<1024x16xf32, #tpu.memory_space<vmem>>, vector<16xf32>,
        %parallel_loop3A_1170 = arith.constant 3 : i32
        %parallel_loop3A_1171 = arith.addi %parallel_loop3A_1111, %parallel_loop3A_1170 : i32
        %parallel_loop3A_1172 = arith.index_cast %parallel_loop3A_1171 : i32 to index
        %parallel_loop3A_1173 = arith.constant 0 : index
        %parallel_loop3A_1174 = tpu.vector_load %arg6[%parallel_loop3A_1172, %parallel_loop3A_1173] {strides = array<i32>} : memref<256x32xf32, #tpu.memory_space<vmem>>, vector<16xf32>,
        %parallel_loop3A_1175 = arith.index_cast %parallel_loop3A_1121 : i32 to index
        %parallel_loop3A_1176 = arith.constant 0 : index
        %parallel_loop3A_1177 = tpu.vector_load %arg10[%parallel_loop3A_1175, %parallel_loop3A_1176] {strides = array<i32>} : memref<1024x16xf32, #tpu.memory_space<vmem>>, vector<16xf32>,
        tpu.vector_store %arg10[%parallel_loop3A_1175, %parallel_loop3A_1176], %parallel_loop3A_1174 {add = true, strides = array<i32>} : memref<1024x16xf32, #tpu.memory_space<vmem>>, vector<16xf32>,
        %parallel_loop3A_1178 = arith.constant 4 : i32
        %parallel_loop3A_1179 = arith.addi %parallel_loop3A_1111, %parallel_loop3A_1178 : i32
        %parallel_loop3A_1180 = arith.index_cast %parallel_loop3A_1179 : i32 to index
        %parallel_loop3A_1181 = arith.constant 0 : index
        %parallel_loop3A_1182 = tpu.vector_load %arg6[%parallel_loop3A_1180, %parallel_loop3A_1181] {strides = array<i32>} : memref<256x32xf32, #tpu.memory_space<vmem>>, vector<16xf32>,
        %parallel_loop3A_1183 = arith.index_cast %parallel_loop3A_1123 : i32 to index
        %parallel_loop3A_1184 = arith.constant 0 : index
        %parallel_loop3A_1185 = tpu.vector_load %arg10[%parallel_loop3A_1183, %parallel_loop3A_1184] {strides = array<i32>} : memref<1024x16xf32, #tpu.memory_space<vmem>>, vector<16xf32>,
        tpu.vector_store %arg10[%parallel_loop3A_1183, %parallel_loop3A_1184], %parallel_loop3A_1182 {add = true, strides = array<i32>} : memref<1024x16xf32, #tpu.memory_space<vmem>>, vector<16xf32>,
        %parallel_loop3A_1186 = arith.constant 5 : i32
        %parallel_loop3A_1187 = arith.addi %parallel_loop3A_1111, %parallel_loop3A_1186 : i32
        %parallel_loop3A_1188 = arith.index_cast %parallel_loop3A_1187 : i32 to index
        %parallel_loop3A_1189 = arith.constant 0 : index
        %parallel_loop3A_1190 = tpu.vector_load %arg6[%parallel_loop3A_1188, %parallel_loop3A_1189] {strides = array<i32>} : memref<256x32xf32, #tpu.memory_space<vmem>>, vector<16xf32>,
        %parallel_loop3A_1191 = arith.index_cast %parallel_loop3A_1125 : i32 to index
        %parallel_loop3A_1192 = arith.constant 0 : index
        %parallel_loop3A_1193 = tpu.vector_load %arg10[%parallel_loop3A_1191, %parallel_loop3A_1192] {strides = array<i32>} : memref<1024x16xf32, #tpu.memory_space<vmem>>, vector<16xf32>,
        tpu.vector_store %arg10[%parallel_loop3A_1191, %parallel_loop3A_1192], %parallel_loop3A_1190 {add = true, strides = array<i32>} : memref<1024x16xf32, #tpu.memory_space<vmem>>, vector<16xf32>,
        %parallel_loop3A_1194 = arith.constant 6 : i32
        %parallel_loop3A_1195 = arith.addi %parallel_loop3A_1111, %parallel_loop3A_1194 : i32
        %parallel_loop3A_1196 = arith.index_cast %parallel_loop3A_1195 : i32 to index
        %parallel_loop3A_1197 = arith.constant 0 : index
        %parallel_loop3A_1198 = tpu.vector_load %arg6[%parallel_loop3A_1196, %parallel_loop3A_1197] {strides = array<i32>} : memref<256x32xf32, #tpu.memory_space<vmem>>, vector<16xf32>,
        %parallel_loop3A_1199 = arith.index_cast %parallel_loop3A_1127 : i32 to index
        %parallel_loop3A_1200 = arith.constant 0 : index
        %parallel_loop3A_1201 = tpu.vector_load %arg10[%parallel_loop3A_1199, %parallel_loop3A_1200] {strides = array<i32>} : memref<1024x16xf32, #tpu.memory_space<vmem>>, vector<16xf32>,
        tpu.vector_store %arg10[%parallel_loop3A_1199, %parallel_loop3A_1200], %parallel_loop3A_1198 {add = true, strides = array<i32>} : memref<1024x16xf32, #tpu.memory_space<vmem>>, vector<16xf32>,
        %parallel_loop3A_1202 = arith.constant 7 : i32
        %parallel_loop3A_1203 = arith.addi %parallel_loop3A_1111, %parallel_loop3A_1202 : i32
        %parallel_loop3A_1204 = arith.index_cast %parallel_loop3A_1203 : i32 to index
        %parallel_loop3A_1205 = arith.constant 0 : index
        %parallel_loop3A_1206 = tpu.vector_load %arg6[%parallel_loop3A_1204, %parallel_loop3A_1205] {strides = array<i32>} : memref<256x32xf32, #tpu.memory_space<vmem>>, vector<16xf32>,
        %parallel_loop3A_1207 = arith.index_cast %parallel_loop3A_1129 : i32 to index
        %parallel_loop3A_1208 = arith.constant 0 : index
        %parallel_loop3A_1209 = tpu.vector_load %arg10[%parallel_loop3A_1207, %parallel_loop3A_1208] {strides = array<i32>} : memref<1024x16xf32, #tpu.memory_space<vmem>>, vector<16xf32>,
        tpu.vector_store %arg10[%parallel_loop3A_1207, %parallel_loop3A_1208], %parallel_loop3A_1206 {add = true, strides = array<i32>} : memref<1024x16xf32, #tpu.memory_space<vmem>>, vector<16xf32>,
        %parallel_loop3A_1210 = arith.constant 8 : i32
        %parallel_loop3A_1211 = arith.addi %parallel_loop3A_1111, %parallel_loop3A_1210 : i32
        %parallel_loop3A_1212 = arith.index_cast %parallel_loop3A_1211 : i32 to index
        %parallel_loop3A_1213 = arith.constant 0 : index
        %parallel_loop3A_1214 = tpu.vector_load %arg6[%parallel_loop3A_1212, %parallel_loop3A_1213] {strides = array<i32>} : memref<256x32xf32, #tpu.memory_space<vmem>>, vector<16xf32>,
        %parallel_loop3A_1215 = arith.index_cast %parallel_loop3A_1131 : i32 to index
        %parallel_loop3A_1216 = arith.constant 0 : index
        %parallel_loop3A_1217 = tpu.vector_load %arg10[%parallel_loop3A_1215, %parallel_loop3A_1216] {strides = array<i32>} : memref<1024x16xf32, #tpu.memory_space<vmem>>, vector<16xf32>,
        tpu.vector_store %arg10[%parallel_loop3A_1215, %parallel_loop3A_1216], %parallel_loop3A_1214 {add = true, strides = array<i32>} : memref<1024x16xf32, #tpu.memory_space<vmem>>, vector<16xf32>,
        %parallel_loop3A_1218 = arith.constant 9 : i32
        %parallel_loop3A_1219 = arith.addi %parallel_loop3A_1111, %parallel_loop3A_1218 : i32
        %parallel_loop3A_1220 = arith.index_cast %parallel_loop3A_1219 : i32 to index
        %parallel_loop3A_1221 = arith.constant 0 : index
        %parallel_loop3A_1222 = tpu.vector_load %arg6[%parallel_loop3A_1220, %parallel_loop3A_1221] {strides = array<i32>} : memref<256x32xf32, #tpu.memory_space<vmem>>, vector<16xf32>,
        %parallel_loop3A_1223 = arith.index_cast %parallel_loop3A_1133 : i32 to index
        %parallel_loop3A_1224 = arith.constant 0 : index
        %parallel_loop3A_1225 = tpu.vector_load %arg10[%parallel_loop3A_1223, %parallel_loop3A_1224] {strides = array<i32>} : memref<1024x16xf32, #tpu.memory_space<vmem>>, vector<16xf32>,
        tpu.vector_store %arg10[%parallel_loop3A_1223, %parallel_loop3A_1224], %parallel_loop3A_1222 {add = true, strides = array<i32>} : memref<1024x16xf32, #tpu.memory_space<vmem>>, vector<16xf32>,
        %parallel_loop3A_1226 = arith.constant 10 : i32
        %parallel_loop3A_1227 = arith.addi %parallel_loop3A_1111, %parallel_loop3A_1226 : i32
        %parallel_loop3A_1228 = arith.index_cast %parallel_loop3A_1227 : i32 to index
        %parallel_loop3A_1229 = arith.constant 0 : index
        %parallel_loop3A_1230 = tpu.vector_load %arg6[%parallel_loop3A_1228, %parallel_loop3A_1229] {strides = array<i32>} : memref<256x32xf32, #tpu.memory_space<vmem>>, vector<16xf32>,
        %parallel_loop3A_1231 = arith.index_cast %parallel_loop3A_1135 : i32 to index
        %parallel_loop3A_1232 = arith.constant 0 : index
        %parallel_loop3A_1233 = tpu.vector_load %arg10[%parallel_loop3A_1231, %parallel_loop3A_1232] {strides = array<i32>} : memref<1024x16xf32, #tpu.memory_space<vmem>>, vector<16xf32>,
        tpu.vector_store %arg10[%parallel_loop3A_1231, %parallel_loop3A_1232], %parallel_loop3A_1230 {add = true, strides = array<i32>} : memref<1024x16xf32, #tpu.memory_space<vmem>>, vector<16xf32>,
        %parallel_loop3A_1234 = arith.constant 11 : i32
        %parallel_loop3A_1235 = arith.addi %parallel_loop3A_1111, %parallel_loop3A_1234 : i32
        %parallel_loop3A_1236 = arith.index_cast %parallel_loop3A_1235 : i32 to index
        %parallel_loop3A_1237 = arith.constant 0 : index
        %parallel_loop3A_1238 = tpu.vector_load %arg6[%parallel_loop3A_1236, %parallel_loop3A_1237] {strides = array<i32>} : memref<256x32xf32, #tpu.memory_space<vmem>>, vector<16xf32>,
        %parallel_loop3A_1239 = arith.index_cast %parallel_loop3A_1137 : i32 to index
        %parallel_loop3A_1240 = arith.constant 0 : index
        %parallel_loop3A_1241 = tpu.vector_load %arg10[%parallel_loop3A_1239, %parallel_loop3A_1240] {strides = array<i32>} : memref<1024x16xf32, #tpu.memory_space<vmem>>, vector<16xf32>,
        tpu.vector_store %arg10[%parallel_loop3A_1239, %parallel_loop3A_1240], %parallel_loop3A_1238 {add = true, strides = array<i32>} : memref<1024x16xf32, #tpu.memory_space<vmem>>, vector<16xf32>,
        %parallel_loop3A_1242 = arith.constant 12 : i32
        %parallel_loop3A_1243 = arith.addi %parallel_loop3A_1111, %parallel_loop3A_1242 : i32
        %parallel_loop3A_1244 = arith.index_cast %parallel_loop3A_1243 : i32 to index
        %parallel_loop3A_1245 = arith.constant 0 : index
        %parallel_loop3A_1246 = tpu.vector_load %arg6[%parallel_loop3A_1244, %parallel_loop3A_1245] {strides = array<i32>} : memref<256x32xf32, #tpu.memory_space<vmem>>, vector<16xf32>,
        %parallel_loop3A_1247 = arith.index_cast %parallel_loop3A_1139 : i32 to index
        %parallel_loop3A_1248 = arith.constant 0 : index
        %parallel_loop3A_1249 = tpu.vector_load %arg10[%parallel_loop3A_1247, %parallel_loop3A_1248] {strides = array<i32>} : memref<1024x16xf32, #tpu.memory_space<vmem>>, vector<16xf32>,
        tpu.vector_store %arg10[%parallel_loop3A_1247, %parallel_loop3A_1248], %parallel_loop3A_1246 {add = true, strides = array<i32>} : memref<1024x16xf32, #tpu.memory_space<vmem>>, vector<16xf32>,
        %parallel_loop3A_1250 = arith.constant 13 : i32
        %parallel_loop3A_1251 = arith.addi %parallel_loop3A_1111, %parallel_loop3A_1250 : i32
        %parallel_loop3A_1252 = arith.index_cast %parallel_loop3A_1251 : i32 to index
        %parallel_loop3A_1253 = arith.constant 0 : index
        %parallel_loop3A_1254 = tpu.vector_load %arg6[%parallel_loop3A_1252, %parallel_loop3A_1253] {strides = array<i32>} : memref<256x32xf32, #tpu.memory_space<vmem>>, vector<16xf32>,
        %parallel_loop3A_1255 = arith.index_cast %parallel_loop3A_1141 : i32 to index
        %parallel_loop3A_1256 = arith.constant 0 : index
        %parallel_loop3A_1257 = tpu.vector_load %arg10[%parallel_loop3A_1255, %parallel_loop3A_1256] {strides = array<i32>} : memref<1024x16xf32, #tpu.memory_space<vmem>>, vector<16xf32>,
        tpu.vector_store %arg10[%parallel_loop3A_1255, %parallel_loop3A_1256], %parallel_loop3A_1254 {add = true, strides = array<i32>} : memref<1024x16xf32, #tpu.memory_space<vmem>>, vector<16xf32>,
        %parallel_loop3A_1258 = arith.constant 14 : i32
        %parallel_loop3A_1259 = arith.addi %parallel_loop3A_1111, %parallel_loop3A_1258 : i32
        %parallel_loop3A_1260 = arith.index_cast %parallel_loop3A_1259 : i32 to index
        %parallel_loop3A_1261 = arith.constant 0 : index
        %parallel_loop3A_1262 = tpu.vector_load %arg6[%parallel_loop3A_1260, %parallel_loop3A_1261] {strides = array<i32>} : memref<256x32xf32, #tpu.memory_space<vmem>>, vector<16xf32>,
        %parallel_loop3A_1263 = arith.index_cast %parallel_loop3A_1143 : i32 to index
        %parallel_loop3A_1264 = arith.constant 0 : index
        %parallel_loop3A_1265 = tpu.vector_load %arg10[%parallel_loop3A_1263, %parallel_loop3A_1264] {strides = array<i32>} : memref<1024x16xf32, #tpu.memory_space<vmem>>, vector<16xf32>,
        tpu.vector_store %arg10[%parallel_loop3A_1263, %parallel_loop3A_1264], %parallel_loop3A_1262 {add = true, strides = array<i32>} : memref<1024x16xf32, #tpu.memory_space<vmem>>, vector<16xf32>,
        %parallel_loop3A_1266 = arith.constant 15 : i32
        %parallel_loop3A_1267 = arith.addi %parallel_loop3A_1111, %parallel_loop3A_1266 : i32
        %parallel_loop3A_1268 = arith.index_cast %parallel_loop3A_1267 : i32 to index
        %parallel_loop3A_1269 = arith.constant 0 : index
        %parallel_loop3A_1270 = tpu.vector_load %arg6[%parallel_loop3A_1268, %parallel_loop3A_1269] {strides = array<i32>} : memref<256x32xf32, #tpu.memory_space<vmem>>, vector<16xf32>,
        %parallel_loop3A_1271 = arith.index_cast %parallel_loop3A_1145 : i32 to index
        %parallel_loop3A_1272 = arith.constant 0 : index
        %parallel_loop3A_1273 = tpu.vector_load %arg10[%parallel_loop3A_1271, %parallel_loop3A_1272] {strides = array<i32>} : memref<1024x16xf32, #tpu.memory_space<vmem>>, vector<16xf32>,
        tpu.vector_store %arg10[%parallel_loop3A_1271, %parallel_loop3A_1272], %parallel_loop3A_1270 {add = true, strides = array<i32>} : memref<1024x16xf32, #tpu.memory_space<vmem>>, vector<16xf32>,
        %parallel_loop3A_1274 = arith.constant 0 : i32
        %parallel_loop3A_1275 = arith.addi %parallel_loop3A_1111, %parallel_loop3A_1274 : i32
        %parallel_loop3A_1276 = arith.index_cast %parallel_loop3A_1275 : i32 to index
        %parallel_loop3A_1277 = arith.constant 16 : index
        %parallel_loop3A_1278 = tpu.vector_load %arg6[%parallel_loop3A_1276, %parallel_loop3A_1277] {strides = array<i32>} : memref<256x32xf32, #tpu.memory_space<vmem>>, vector<16xf32>,
        %parallel_loop3A_1279 = arith.index_cast %parallel_loop3A_1115 : i32 to index
        %parallel_loop3A_1280 = arith.constant 0 : index
        %parallel_loop3A_1281 = tpu.vector_load %arg11[%parallel_loop3A_1279, %parallel_loop3A_1280] {strides = array<i32>} : memref<1024x16xf32, #tpu.memory_space<vmem>>, vector<16xf32>,
        tpu.vector_store %arg11[%parallel_loop3A_1279, %parallel_loop3A_1280], %parallel_loop3A_1278 {add = true, strides = array<i32>} : memref<1024x16xf32, #tpu.memory_space<vmem>>, vector<16xf32>,
        %parallel_loop3A_1282 = arith.constant 1 : i32
        %parallel_loop3A_1283 = arith.addi %parallel_loop3A_1111, %parallel_loop3A_1282 : i32
        %parallel_loop3A_1284 = arith.index_cast %parallel_loop3A_1283 : i32 to index
        %parallel_loop3A_1285 = arith.constant 16 : index
        %parallel_loop3A_1286 = tpu.vector_load %arg6[%parallel_loop3A_1284, %parallel_loop3A_1285] {strides = array<i32>} : memref<256x32xf32, #tpu.memory_space<vmem>>, vector<16xf32>,
        %parallel_loop3A_1287 = arith.index_cast %parallel_loop3A_1117 : i32 to index
        %parallel_loop3A_1288 = arith.constant 0 : index
        %parallel_loop3A_1289 = tpu.vector_load %arg11[%parallel_loop3A_1287, %parallel_loop3A_1288] {strides = array<i32>} : memref<1024x16xf32, #tpu.memory_space<vmem>>, vector<16xf32>,
        tpu.vector_store %arg11[%parallel_loop3A_1287, %parallel_loop3A_1288], %parallel_loop3A_1286 {add = true, strides = array<i32>} : memref<1024x16xf32, #tpu.memory_space<vmem>>, vector<16xf32>,
        %parallel_loop3A_1290 = arith.constant 2 : i32
        %parallel_loop3A_1291 = arith.addi %parallel_loop3A_1111, %parallel_loop3A_1290 : i32
        %parallel_loop3A_1292 = arith.index_cast %parallel_loop3A_1291 : i32 to index
        %parallel_loop3A_1293 = arith.constant 16 : index
        %parallel_loop3A_1294 = tpu.vector_load %arg6[%parallel_loop3A_1292, %parallel_loop3A_1293] {strides = array<i32>} : memref<256x32xf32, #tpu.memory_space<vmem>>, vector<16xf32>,
        %parallel_loop3A_1295 = arith.index_cast %parallel_loop3A_1119 : i32 to index
        %parallel_loop3A_1296 = arith.constant 0 : index
        %parallel_loop3A_1297 = tpu.vector_load %arg11[%parallel_loop3A_1295, %parallel_loop3A_1296] {strides = array<i32>} : memref<1024x16xf32, #tpu.memory_space<vmem>>, vector<16xf32>,
        tpu.vector_store %arg11[%parallel_loop3A_1295, %parallel_loop3A_1296], %parallel_loop3A_1294 {add = true, strides = array<i32>} : memref<1024x16xf32, #tpu.memory_space<vmem>>, vector<16xf32>,
        %parallel_loop3A_1298 = arith.constant 3 : i32
        %parallel_loop3A_1299 = arith.addi %parallel_loop3A_1111, %parallel_loop3A_1298 : i32
        %parallel_loop3A_1300 = arith.index_cast %parallel_loop3A_1299 : i32 to index
        %parallel_loop3A_1301 = arith.constant 16 : index
        %parallel_loop3A_1302 = tpu.vector_load %arg6[%parallel_loop3A_1300, %parallel_loop3A_1301] {strides = array<i32>} : memref<256x32xf32, #tpu.memory_space<vmem>>, vector<16xf32>,
        %parallel_loop3A_1303 = arith.index_cast %parallel_loop3A_1121 : i32 to index
        %parallel_loop3A_1304 = arith.constant 0 : index
        %parallel_loop3A_1305 = tpu.vector_load %arg11[%parallel_loop3A_1303, %parallel_loop3A_1304] {strides = array<i32>} : memref<1024x16xf32, #tpu.memory_space<vmem>>, vector<16xf32>,
        tpu.vector_store %arg11[%parallel_loop3A_1303, %parallel_loop3A_1304], %parallel_loop3A_1302 {add = true, strides = array<i32>} : memref<1024x16xf32, #tpu.memory_space<vmem>>, vector<16xf32>,
        %parallel_loop3A_1306 = arith.constant 4 : i32
        %parallel_loop3A_1307 = arith.addi %parallel_loop3A_1111, %parallel_loop3A_1306 : i32
        %parallel_loop3A_1308 = arith.index_cast %parallel_loop3A_1307 : i32 to index
        %parallel_loop3A_1309 = arith.constant 16 : index
        %parallel_loop3A_1310 = tpu.vector_load %arg6[%parallel_loop3A_1308, %parallel_loop3A_1309] {strides = array<i32>} : memref<256x32xf32, #tpu.memory_space<vmem>>, vector<16xf32>,
        %parallel_loop3A_1311 = arith.index_cast %parallel_loop3A_1123 : i32 to index
        %parallel_loop3A_1312 = arith.constant 0 : index
        %parallel_loop3A_1313 = tpu.vector_load %arg11[%parallel_loop3A_1311, %parallel_loop3A_1312] {strides = array<i32>} : memref<1024x16xf32, #tpu.memory_space<vmem>>, vector<16xf32>,
        tpu.vector_store %arg11[%parallel_loop3A_1311, %parallel_loop3A_1312], %parallel_loop3A_1310 {add = true, strides = array<i32>} : memref<1024x16xf32, #tpu.memory_space<vmem>>, vector<16xf32>,
        %parallel_loop3A_1314 = arith.constant 5 : i32
        %parallel_loop3A_1315 = arith.addi %parallel_loop3A_1111, %parallel_loop3A_1314 : i32
        %parallel_loop3A_1316 = arith.index_cast %parallel_loop3A_1315 : i32 to index
        %parallel_loop3A_1317 = arith.constant 16 : index
        %parallel_loop3A_1318 = tpu.vector_load %arg6[%parallel_loop3A_1316, %parallel_loop3A_1317] {strides = array<i32>} : memref<256x32xf32, #tpu.memory_space<vmem>>, vector<16xf32>,
        %parallel_loop3A_1319 = arith.index_cast %parallel_loop3A_1125 : i32 to index
        %parallel_loop3A_1320 = arith.constant 0 : index
        %parallel_loop3A_1321 = tpu.vector_load %arg11[%parallel_loop3A_1319, %parallel_loop3A_1320] {strides = array<i32>} : memref<1024x16xf32, #tpu.memory_space<vmem>>, vector<16xf32>,
        tpu.vector_store %arg11[%parallel_loop3A_1319, %parallel_loop3A_1320], %parallel_loop3A_1318 {add = true, strides = array<i32>} : memref<1024x16xf32, #tpu.memory_space<vmem>>, vector<16xf32>,
        %parallel_loop3A_1322 = arith.constant 6 : i32
        %parallel_loop3A_1323 = arith.addi %parallel_loop3A_1111, %parallel_loop3A_1322 : i32
        %parallel_loop3A_1324 = arith.index_cast %parallel_loop3A_1323 : i32 to index
        %parallel_loop3A_1325 = arith.constant 16 : index
        %parallel_loop3A_1326 = tpu.vector_load %arg6[%parallel_loop3A_1324, %parallel_loop3A_1325] {strides = array<i32>} : memref<256x32xf32, #tpu.memory_space<vmem>>, vector<16xf32>,
        %parallel_loop3A_1327 = arith.index_cast %parallel_loop3A_1127 : i32 to index
        %parallel_loop3A_1328 = arith.constant 0 : index
        %parallel_loop3A_1329 = tpu.vector_load %arg11[%parallel_loop3A_1327, %parallel_loop3A_1328] {strides = array<i32>} : memref<1024x16xf32, #tpu.memory_space<vmem>>, vector<16xf32>,
        tpu.vector_store %arg11[%parallel_loop3A_1327, %parallel_loop3A_1328], %parallel_loop3A_1326 {add = true, strides = array<i32>} : memref<1024x16xf32, #tpu.memory_space<vmem>>, vector<16xf32>,
        %parallel_loop3A_1330 = arith.constant 7 : i32
        %parallel_loop3A_1331 = arith.addi %parallel_loop3A_1111, %parallel_loop3A_1330 : i32
        %parallel_loop3A_1332 = arith.index_cast %parallel_loop3A_1331 : i32 to index
        %parallel_loop3A_1333 = arith.constant 16 : index
        %parallel_loop3A_1334 = tpu.vector_load %arg6[%parallel_loop3A_1332, %parallel_loop3A_1333] {strides = array<i32>} : memref<256x32xf32, #tpu.memory_space<vmem>>, vector<16xf32>,
        %parallel_loop3A_1335 = arith.index_cast %parallel_loop3A_1129 : i32 to index
        %parallel_loop3A_1336 = arith.constant 0 : index
        %parallel_loop3A_1337 = tpu.vector_load %arg11[%parallel_loop3A_1335, %parallel_loop3A_1336] {strides = array<i32>} : memref<1024x16xf32, #tpu.memory_space<vmem>>, vector<16xf32>,
        tpu.vector_store %arg11[%parallel_loop3A_1335, %parallel_loop3A_1336], %parallel_loop3A_1334 {add = true, strides = array<i32>} : memref<1024x16xf32, #tpu.memory_space<vmem>>, vector<16xf32>,
        %parallel_loop3A_1338 = arith.constant 8 : i32
        %parallel_loop3A_1339 = arith.addi %parallel_loop3A_1111, %parallel_loop3A_1338 : i32
        %parallel_loop3A_1340 = arith.index_cast %parallel_loop3A_1339 : i32 to index
        %parallel_loop3A_1341 = arith.constant 16 : index
        %parallel_loop3A_1342 = tpu.vector_load %arg6[%parallel_loop3A_1340, %parallel_loop3A_1341] {strides = array<i32>} : memref<256x32xf32, #tpu.memory_space<vmem>>, vector<16xf32>,
        %parallel_loop3A_1343 = arith.index_cast %parallel_loop3A_1131 : i32 to index
        %parallel_loop3A_1344 = arith.constant 0 : index
        %parallel_loop3A_1345 = tpu.vector_load %arg11[%parallel_loop3A_1343, %parallel_loop3A_1344] {strides = array<i32>} : memref<1024x16xf32, #tpu.memory_space<vmem>>, vector<16xf32>,
        tpu.vector_store %arg11[%parallel_loop3A_1343, %parallel_loop3A_1344], %parallel_loop3A_1342 {add = true, strides = array<i32>} : memref<1024x16xf32, #tpu.memory_space<vmem>>, vector<16xf32>,
        %parallel_loop3A_1346 = arith.constant 9 : i32
        %parallel_loop3A_1347 = arith.addi %parallel_loop3A_1111, %parallel_loop3A_1346 : i32
        %parallel_loop3A_1348 = arith.index_cast %parallel_loop3A_1347 : i32 to index
        %parallel_loop3A_1349 = arith.constant 16 : index
        %parallel_loop3A_1350 = tpu.vector_load %arg6[%parallel_loop3A_1348, %parallel_loop3A_1349] {strides = array<i32>} : memref<256x32xf32, #tpu.memory_space<vmem>>, vector<16xf32>,
        %parallel_loop3A_1351 = arith.index_cast %parallel_loop3A_1133 : i32 to index
        %parallel_loop3A_1352 = arith.constant 0 : index
        %parallel_loop3A_1353 = tpu.vector_load %arg11[%parallel_loop3A_1351, %parallel_loop3A_1352] {strides = array<i32>} : memref<1024x16xf32, #tpu.memory_space<vmem>>, vector<16xf32>,
        tpu.vector_store %arg11[%parallel_loop3A_1351, %parallel_loop3A_1352], %parallel_loop3A_1350 {add = true, strides = array<i32>} : memref<1024x16xf32, #tpu.memory_space<vmem>>, vector<16xf32>,
        %parallel_loop3A_1354 = arith.constant 10 : i32
        %parallel_loop3A_1355 = arith.addi %parallel_loop3A_1111, %parallel_loop3A_1354 : i32
        %parallel_loop3A_1356 = arith.index_cast %parallel_loop3A_1355 : i32 to index
        %parallel_loop3A_1357 = arith.constant 16 : index
        %parallel_loop3A_1358 = tpu.vector_load %arg6[%parallel_loop3A_1356, %parallel_loop3A_1357] {strides = array<i32>} : memref<256x32xf32, #tpu.memory_space<vmem>>, vector<16xf32>,
        %parallel_loop3A_1359 = arith.index_cast %parallel_loop3A_1135 : i32 to index
        %parallel_loop3A_1360 = arith.constant 0 : index
        %parallel_loop3A_1361 = tpu.vector_load %arg11[%parallel_loop3A_1359, %parallel_loop3A_1360] {strides = array<i32>} : memref<1024x16xf32, #tpu.memory_space<vmem>>, vector<16xf32>,
        tpu.vector_store %arg11[%parallel_loop3A_1359, %parallel_loop3A_1360], %parallel_loop3A_1358 {add = true, strides = array<i32>} : memref<1024x16xf32, #tpu.memory_space<vmem>>, vector<16xf32>,
        %parallel_loop3A_1362 = arith.constant 11 : i32
        %parallel_loop3A_1363 = arith.addi %parallel_loop3A_1111, %parallel_loop3A_1362 : i32
        %parallel_loop3A_1364 = arith.index_cast %parallel_loop3A_1363 : i32 to index
        %parallel_loop3A_1365 = arith.constant 16 : index
        %parallel_loop3A_1366 = tpu.vector_load %arg6[%parallel_loop3A_1364, %parallel_loop3A_1365] {strides = array<i32>} : memref<256x32xf32, #tpu.memory_space<vmem>>, vector<16xf32>,
        %parallel_loop3A_1367 = arith.index_cast %parallel_loop3A_1137 : i32 to index
        %parallel_loop3A_1368 = arith.constant 0 : index
        %parallel_loop3A_1369 = tpu.vector_load %arg11[%parallel_loop3A_1367, %parallel_loop3A_1368] {strides = array<i32>} : memref<1024x16xf32, #tpu.memory_space<vmem>>, vector<16xf32>,
        tpu.vector_store %arg11[%parallel_loop3A_1367, %parallel_loop3A_1368], %parallel_loop3A_1366 {add = true, strides = array<i32>} : memref<1024x16xf32, #tpu.memory_space<vmem>>, vector<16xf32>,
        %parallel_loop3A_1370 = arith.constant 12 : i32
        %parallel_loop3A_1371 = arith.addi %parallel_loop3A_1111, %parallel_loop3A_1370 : i32
        %parallel_loop3A_1372 = arith.index_cast %parallel_loop3A_1371 : i32 to index
        %parallel_loop3A_1373 = arith.constant 16 : index
        %parallel_loop3A_1374 = tpu.vector_load %arg6[%parallel_loop3A_1372, %parallel_loop3A_1373] {strides = array<i32>} : memref<256x32xf32, #tpu.memory_space<vmem>>, vector<16xf32>,
        %parallel_loop3A_1375 = arith.index_cast %parallel_loop3A_1139 : i32 to index
        %parallel_loop3A_1376 = arith.constant 0 : index
        %parallel_loop3A_1377 = tpu.vector_load %arg11[%parallel_loop3A_1375, %parallel_loop3A_1376] {strides = array<i32>} : memref<1024x16xf32, #tpu.memory_space<vmem>>, vector<16xf32>,
        tpu.vector_store %arg11[%parallel_loop3A_1375, %parallel_loop3A_1376], %parallel_loop3A_1374 {add = true, strides = array<i32>} : memref<1024x16xf32, #tpu.memory_space<vmem>>, vector<16xf32>,
        %parallel_loop3A_1378 = arith.constant 13 : i32
        %parallel_loop3A_1379 = arith.addi %parallel_loop3A_1111, %parallel_loop3A_1378 : i32
        %parallel_loop3A_1380 = arith.index_cast %parallel_loop3A_1379 : i32 to index
        %parallel_loop3A_1381 = arith.constant 16 : index
        %parallel_loop3A_1382 = tpu.vector_load %arg6[%parallel_loop3A_1380, %parallel_loop3A_1381] {strides = array<i32>} : memref<256x32xf32, #tpu.memory_space<vmem>>, vector<16xf32>,
        %parallel_loop3A_1383 = arith.index_cast %parallel_loop3A_1141 : i32 to index
        %parallel_loop3A_1384 = arith.constant 0 : index
        %parallel_loop3A_1385 = tpu.vector_load %arg11[%parallel_loop3A_1383, %parallel_loop3A_1384] {strides = array<i32>} : memref<1024x16xf32, #tpu.memory_space<vmem>>, vector<16xf32>,
        tpu.vector_store %arg11[%parallel_loop3A_1383, %parallel_loop3A_1384], %parallel_loop3A_1382 {add = true, strides = array<i32>} : memref<1024x16xf32, #tpu.memory_space<vmem>>, vector<16xf32>,
        %parallel_loop3A_1386 = arith.constant 14 : i32
        %parallel_loop3A_1387 = arith.addi %parallel_loop3A_1111, %parallel_loop3A_1386 : i32
        %parallel_loop3A_1388 = arith.index_cast %parallel_loop3A_1387 : i32 to index
        %parallel_loop3A_1389 = arith.constant 16 : index
        %parallel_loop3A_1390 = tpu.vector_load %arg6[%parallel_loop3A_1388, %parallel_loop3A_1389] {strides = array<i32>} : memref<256x32xf32, #tpu.memory_space<vmem>>, vector<16xf32>,
        %parallel_loop3A_1391 = arith.index_cast %parallel_loop3A_1143 : i32 to index
        %parallel_loop3A_1392 = arith.constant 0 : index
        %parallel_loop3A_1393 = tpu.vector_load %arg11[%parallel_loop3A_1391, %parallel_loop3A_1392] {strides = array<i32>} : memref<1024x16xf32, #tpu.memory_space<vmem>>, vector<16xf32>,
        tpu.vector_store %arg11[%parallel_loop3A_1391, %parallel_loop3A_1392], %parallel_loop3A_1390 {add = true, strides = array<i32>} : memref<1024x16xf32, #tpu.memory_space<vmem>>, vector<16xf32>,
        %parallel_loop3A_1394 = arith.constant 15 : i32
        %parallel_loop3A_1395 = arith.addi %parallel_loop3A_1111, %parallel_loop3A_1394 : i32
        %parallel_loop3A_1396 = arith.index_cast %parallel_loop3A_1395 : i32 to index
        %parallel_loop3A_1397 = arith.constant 16 : index
        %parallel_loop3A_1398 = tpu.vector_load %arg6[%parallel_loop3A_1396, %parallel_loop3A_1397] {strides = array<i32>} : memref<256x32xf32, #tpu.memory_space<vmem>>, vector<16xf32>,
        %parallel_loop3A_1399 = arith.index_cast %parallel_loop3A_1145 : i32 to index
        %parallel_loop3A_1400 = arith.constant 0 : index
        %parallel_loop3A_1401 = tpu.vector_load %arg11[%parallel_loop3A_1399, %parallel_loop3A_1400] {strides = array<i32>} : memref<1024x16xf32, #tpu.memory_space<vmem>>, vector<16xf32>,
        tpu.vector_store %arg11[%parallel_loop3A_1399, %parallel_loop3A_1400], %parallel_loop3A_1398 {add = true, strides = array<i32>} : memref<1024x16xf32, #tpu.memory_space<vmem>>, vector<16xf32>,
      } {sc.loop_unroll_factor = 2 : i64, sc.parallel_access}
      %mul3A_1066 = arith.constant 4 : i32
      %mul3A_1067 = arith.muli %arg1, %mul3A_1066 : i32
      %ge3A = arith.cmpi sge, %mul3A_1046, %mul3A_1067 : i32
      %add3A_1068 = arith.constant 1 : i32
      %add3A_1069 = arith.addi %arg1, %add3A_1068 : i32
      %mul3A_1070 = arith.constant 4 : i32
      %mul3A_1071 = arith.muli %add3A_1069, %mul3A_1070 : i32
      %lt3A = arith.cmpi slt, %mul3A_1046, %mul3A_1071 : i32
      %and3A = arith.andi %ge3A, %lt3A : i1
      %convert_element_type3A = arith.extui %and3A : i1 to i32
      %cond3A = arith.constant 0 : i32
      %cond3A_1072 = arith.cmpi ne, %convert_element_type3A, %cond3A : i32
      scf.if %cond3A_1072 {
        %scan3A_1109 = arith.constant 0 : i32
        %scan3A_1110 = arith.constant 0 : i32
        %scan3A_1111 = arith.constant 16 : i32
        %scan3A_1112 = arith.addi %scan3A_1110, %scan3A_1111 : i32
        %scan3A_1113 = arith.constant 1 : i32
        %scan3A_1114 = scf.for %scan3A_1116 = %scan3A_1110 to %scan3A_1112 step %scan3A_1113 iter_args(%scan3A_1117 = %scan3A_1109) -> (i32)  : i32 {
          %mul3A_1118 = arith.constant 16 : i32
          %mul3A_1119 = arith.muli %scan3A_1116, %mul3A_1118 : i32
          %get3A_1120 = arith.index_cast %mul3A_1119 : i32 to index
          %get3A_1121 = tpu.vector_load %arg8[%get3A_1120] {strides = array<i32>} : memref<256xi32, #tpu.memory_space<vmem>>, vector<16xi32>,
          %shift_right_arithmetic3A = arith.constant 4 : i32
          %shift_right_arithmetic3A_1122 = vector.broadcast %shift_right_arithmetic3A : i32 to vector<16xi32>
          %shift_right_arithmetic3A_1123 = arith.shrsi %get3A_1121, %shift_right_arithmetic3A_1122 : vector<16xi32>
          %and3A_1124 = arith.constant 15 : i32
          %and3A_1125 = vector.broadcast %and3A_1124 : i32 to vector<16xi32>
          %and3A_1126 = arith.andi %get3A_1121, %and3A_1125 : vector<16xi32>
          tpu.vector_store_idx %arg12[%shift_right_arithmetic3A_1123, %and3A_1126], %broadcast_in_dim3A_5 {add = true} : memref<64x16xf32, #tpu.memory_space<vmem>>[vector<16xi32>, vector<16xi32>], vector<16xf32>,
          %scan3A_1127 = arith.constant 0 : i32
          scf.yield %scan3A_1127 : i32
        }
        %scan3A_1115 = arith.constant 16 : i32
      } else {
      }
      %add3A_1073 = arith.constant 2 : i32
      %add3A_1074 = arith.addi %mul3A_1046, %add3A_1073 : i32
      %min3A_1075 = arith.constant 63 : i32
      %min3A_1076 = arith.minsi %add3A_1074, %min3A_1075 : i32
      %mul3A_1077 = arith.constant 256 : i32
      %mul3A_1078 = arith.muli %min3A_1076, %mul3A_1077 : i32
      %dma_start3A_1079 = tpu.memref_slice %arg3[%mul3A_1078] : memref<16384xi32, #tpu.memory_space<hbm>> -> memref<256xi32, #tpu.memory_space<hbm>>
      %dma_start3A_1080 = tpu.memref_slice %arg3[%mul3A_1078] : memref<16384xi32, #tpu.memory_space<hbm>> -> memref<256xi32, #tpu.memory_space<hbm>>
      tpu.enqueue_dma source(%dma_start3A_1080 : memref<256xi32, #tpu.memory_space<hbm>>) target(%arg8 : memref<256xi32, #tpu.memory_space<vmem>>) target_semaphore(%arg19 : memref<!tpu.dma_semaphore, #tpu.memory_space<semaphore_mem>>)
      %dma_start3A_1081 = tpu.memref_slice %arg2[%mul3A_1078, %mul3A_2] : memref<16384x1024xf32, #tpu.memory_space<hbm>> -> memref<256x32xf32, #tpu.memory_space<hbm>>
      %dma_start3A_1082 = tpu.memref_slice %arg2[%mul3A_1078, %mul3A_2] : memref<16384x1024xf32, #tpu.memory_space<hbm>> -> memref<256x32xf32, #tpu.memory_space<hbm>>
      tpu.enqueue_dma source(%dma_start3A_1082 : memref<256x32xf32, #tpu.memory_space<hbm>>) target(%arg6 : memref<256x32xf32, #tpu.memory_space<vmem>>) target_semaphore(%arg18 : memref<!tpu.dma_semaphore, #tpu.memory_space<semaphore_mem>>)
      %dma_wait3A_1083 = arith.constant 0 : i32
      %dma_wait3A_1084 = tpu.memref_slice %arg3[%dma_wait3A_1083] : memref<16384xi32, #tpu.memory_space<hbm>> -> memref<256xi32, #tpu.memory_space<hbm>>
      %dma_wait3A_1085 = arith.constant 0 : i32
      %dma_wait3A_1086 = tpu.memref_slice %arg3[%dma_wait3A_1085] : memref<16384xi32, #tpu.memory_space<hbm>> -> memref<256xi32, #tpu.memory_space<hbm>>
      tpu.wait_dma2 semaphore(%arg21 : memref<!tpu.dma_semaphore, #tpu.memory_space<semaphore_mem>>) src(%dma_wait3A_1086 : memref<256xi32, #tpu.memory_space<hbm>>) dst(%arg9 : memref<256xi32, #tpu.memory_space<vmem>>)
      %dma_wait3A_1087 = arith.constant 0 : i32
      %dma_wait3A_1088 = tpu.memref_slice %arg2[%dma_wait3A_1087, %mul3A_2] : memref<16384x1024xf32, #tpu.memory_space<hbm>> -> memref<256x32xf32, #tpu.memory_space<hbm>>
      %dma_wait3A_1089 = arith.constant 0 : i32
      %dma_wait3A_1090 = tpu.memref_slice %arg2[%dma_wait3A_1089, %mul3A_2] : memref<16384x1024xf32, #tpu.memory_space<hbm>> -> memref<256x32xf32, #tpu.memory_space<hbm>>
      tpu.wait_dma2 semaphore(%arg20 : memref<!tpu.dma_semaphore, #tpu.memory_space<semaphore_mem>>) src(%dma_wait3A_1090 : memref<256x32xf32, #tpu.memory_space<hbm>>) dst(%arg7 : memref<256x32xf32, #tpu.memory_space<vmem>>)
      %add3A_1091 = arith.constant 1 : i32
      %add3A_1092 = arith.addi %mul3A_1046, %add3A_1091 : i32
      %parallel_loop3A_1093 = arith.constant 0 : i32
      %parallel_loop3A_1094 = arith.constant 16 : i32
      %parallel_loop3A_1095 = arith.constant 1 : i32
      scf.for %parallel_loop3A_1109 = %parallel_loop3A_1093 to %parallel_loop3A_1094 step %parallel_loop3A_1095  : i32 {
        %parallel_loop3A_1110 = arith.constant 16 : i32
        %parallel_loop3A_1111 = arith.muli %parallel_loop3A_1109, %parallel_loop3A_1110 : i32
        %parallel_loop3A_1112 = arith.index_cast %parallel_loop3A_1111 : i32 to index
        %parallel_loop3A_1113 = tpu.vector_load %arg9[%parallel_loop3A_1112] {strides = array<i32>} : memref<256xi32, #tpu.memory_space<vmem>>, vector<16xi32>,
        %parallel_loop3A_1114 = vector.extract_strided_slice %parallel_loop3A_1113 {offsets = [0], sizes = [1], strides = [1]} : vector<16xi32> to vector<1xi32>
        %parallel_loop3A_1115 = vector.extract %parallel_loop3A_1114[0] : i32 from vector<1xi32>
        %parallel_loop3A_1116 = vector.extract_strided_slice %parallel_loop3A_1113 {offsets = [1], sizes = [1], strides = [1]} : vector<16xi32> to vector<1xi32>
        %parallel_loop3A_1117 = vector.extract %parallel_loop3A_1116[0] : i32 from vector<1xi32>
        %parallel_loop3A_1118 = vector.extract_strided_slice %parallel_loop3A_1113 {offsets = [2], sizes = [1], strides = [1]} : vector<16xi32> to vector<1xi32>
        %parallel_loop3A_1119 = vector.extract %parallel_loop3A_1118[0] : i32 from vector<1xi32>
        %parallel_loop3A_1120 = vector.extract_strided_slice %parallel_loop3A_1113 {offsets = [3], sizes = [1], strides = [1]} : vector<16xi32> to vector<1xi32>
        %parallel_loop3A_1121 = vector.extract %parallel_loop3A_1120[0] : i32 from vector<1xi32>
        %parallel_loop3A_1122 = vector.extract_strided_slice %parallel_loop3A_1113 {offsets = [4], sizes = [1], strides = [1]} : vector<16xi32> to vector<1xi32>
        %parallel_loop3A_1123 = vector.extract %parallel_loop3A_1122[0] : i32 from vector<1xi32>
        %parallel_loop3A_1124 = vector.extract_strided_slice %parallel_loop3A_1113 {offsets = [5], sizes = [1], strides = [1]} : vector<16xi32> to vector<1xi32>
        %parallel_loop3A_1125 = vector.extract %parallel_loop3A_1124[0] : i32 from vector<1xi32>
        %parallel_loop3A_1126 = vector.extract_strided_slice %parallel_loop3A_1113 {offsets = [6], sizes = [1], strides = [1]} : vector<16xi32> to vector<1xi32>
        %parallel_loop3A_1127 = vector.extract %parallel_loop3A_1126[0] : i32 from vector<1xi32>
        %parallel_loop3A_1128 = vector.extract_strided_slice %parallel_loop3A_1113 {offsets = [7], sizes = [1], strides = [1]} : vector<16xi32> to vector<1xi32>
        %parallel_loop3A_1129 = vector.extract %parallel_loop3A_1128[0] : i32 from vector<1xi32>
        %parallel_loop3A_1130 = vector.extract_strided_slice %parallel_loop3A_1113 {offsets = [8], sizes = [1], strides = [1]} : vector<16xi32> to vector<1xi32>
        %parallel_loop3A_1131 = vector.extract %parallel_loop3A_1130[0] : i32 from vector<1xi32>
        %parallel_loop3A_1132 = vector.extract_strided_slice %parallel_loop3A_1113 {offsets = [9], sizes = [1], strides = [1]} : vector<16xi32> to vector<1xi32>
        %parallel_loop3A_1133 = vector.extract %parallel_loop3A_1132[0] : i32 from vector<1xi32>
        %parallel_loop3A_1134 = vector.extract_strided_slice %parallel_loop3A_1113 {offsets = [10], sizes = [1], strides = [1]} : vector<16xi32> to vector<1xi32>
        %parallel_loop3A_1135 = vector.extract %parallel_loop3A_1134[0] : i32 from vector<1xi32>
        %parallel_loop3A_1136 = vector.extract_strided_slice %parallel_loop3A_1113 {offsets = [11], sizes = [1], strides = [1]} : vector<16xi32> to vector<1xi32>
        %parallel_loop3A_1137 = vector.extract %parallel_loop3A_1136[0] : i32 from vector<1xi32>
        %parallel_loop3A_1138 = vector.extract_strided_slice %parallel_loop3A_1113 {offsets = [12], sizes = [1], strides = [1]} : vector<16xi32> to vector<1xi32>
        %parallel_loop3A_1139 = vector.extract %parallel_loop3A_1138[0] : i32 from vector<1xi32>
        %parallel_loop3A_1140 = vector.extract_strided_slice %parallel_loop3A_1113 {offsets = [13], sizes = [1], strides = [1]} : vector<16xi32> to vector<1xi32>
        %parallel_loop3A_1141 = vector.extract %parallel_loop3A_1140[0] : i32 from vector<1xi32>
        %parallel_loop3A_1142 = vector.extract_strided_slice %parallel_loop3A_1113 {offsets = [14], sizes = [1], strides = [1]} : vector<16xi32> to vector<1xi32>
        %parallel_loop3A_1143 = vector.extract %parallel_loop3A_1142[0] : i32 from vector<1xi32>
        %parallel_loop3A_1144 = vector.extract_strided_slice %parallel_loop3A_1113 {offsets = [15], sizes = [1], strides = [1]} : vector<16xi32> to vector<1xi32>
        %parallel_loop3A_1145 = vector.extract %parallel_loop3A_1144[0] : i32 from vector<1xi32>
        %parallel_loop3A_1146 = arith.constant 0 : i32
        %parallel_loop3A_1147 = arith.addi %parallel_loop3A_1111, %parallel_loop3A_1146 : i32
        %parallel_loop3A_1148 = arith.index_cast %parallel_loop3A_1147 : i32 to index
        %parallel_loop3A_1149 = arith.constant 0 : index
        %parallel_loop3A_1150 = tpu.vector_load %arg7[%parallel_loop3A_1148, %parallel_loop3A_1149] {strides = array<i32>} : memref<256x32xf32, #tpu.memory_space<vmem>>, vector<16xf32>,
        %parallel_loop3A_1151 = arith.index_cast %parallel_loop3A_1115 : i32 to index
        %parallel_loop3A_1152 = arith.constant 0 : index
        %parallel_loop3A_1153 = tpu.vector_load %arg10[%parallel_loop3A_1151, %parallel_loop3A_1152] {strides = array<i32>} : memref<1024x16xf32, #tpu.memory_space<vmem>>, vector<16xf32>,
        tpu.vector_store %arg10[%parallel_loop3A_1151, %parallel_loop3A_1152], %parallel_loop3A_1150 {add = true, strides = array<i32>} : memref<1024x16xf32, #tpu.memory_space<vmem>>, vector<16xf32>,
        %parallel_loop3A_1154 = arith.constant 1 : i32
        %parallel_loop3A_1155 = arith.addi %parallel_loop3A_1111, %parallel_loop3A_1154 : i32
        %parallel_loop3A_1156 = arith.index_cast %parallel_loop3A_1155 : i32 to index
        %parallel_loop3A_1157 = arith.constant 0 : index
        %parallel_loop3A_1158 = tpu.vector_load %arg7[%parallel_loop3A_1156, %parallel_loop3A_1157] {strides = array<i32>} : memref<256x32xf32, #tpu.memory_space<vmem>>, vector<16xf32>,
        %parallel_loop3A_1159 = arith.index_cast %parallel_loop3A_1117 : i32 to index
        %parallel_loop3A_1160 = arith.constant 0 : index
        %parallel_loop3A_1161 = tpu.vector_load %arg10[%parallel_loop3A_1159, %parallel_loop3A_1160] {strides = array<i32>} : memref<1024x16xf32, #tpu.memory_space<vmem>>, vector<16xf32>,
        tpu.vector_store %arg10[%parallel_loop3A_1159, %parallel_loop3A_1160], %parallel_loop3A_1158 {add = true, strides = array<i32>} : memref<1024x16xf32, #tpu.memory_space<vmem>>, vector<16xf32>,
        %parallel_loop3A_1162 = arith.constant 2 : i32
        %parallel_loop3A_1163 = arith.addi %parallel_loop3A_1111, %parallel_loop3A_1162 : i32
        %parallel_loop3A_1164 = arith.index_cast %parallel_loop3A_1163 : i32 to index
        %parallel_loop3A_1165 = arith.constant 0 : index
        %parallel_loop3A_1166 = tpu.vector_load %arg7[%parallel_loop3A_1164, %parallel_loop3A_1165] {strides = array<i32>} : memref<256x32xf32, #tpu.memory_space<vmem>>, vector<16xf32>,
        %parallel_loop3A_1167 = arith.index_cast %parallel_loop3A_1119 : i32 to index
        %parallel_loop3A_1168 = arith.constant 0 : index
        %parallel_loop3A_1169 = tpu.vector_load %arg10[%parallel_loop3A_1167, %parallel_loop3A_1168] {strides = array<i32>} : memref<1024x16xf32, #tpu.memory_space<vmem>>, vector<16xf32>,
        tpu.vector_store %arg10[%parallel_loop3A_1167, %parallel_loop3A_1168], %parallel_loop3A_1166 {add = true, strides = array<i32>} : memref<1024x16xf32, #tpu.memory_space<vmem>>, vector<16xf32>,
        %parallel_loop3A_1170 = arith.constant 3 : i32
        %parallel_loop3A_1171 = arith.addi %parallel_loop3A_1111, %parallel_loop3A_1170 : i32
        %parallel_loop3A_1172 = arith.index_cast %parallel_loop3A_1171 : i32 to index
        %parallel_loop3A_1173 = arith.constant 0 : index
        %parallel_loop3A_1174 = tpu.vector_load %arg7[%parallel_loop3A_1172, %parallel_loop3A_1173] {strides = array<i32>} : memref<256x32xf32, #tpu.memory_space<vmem>>, vector<16xf32>,
        %parallel_loop3A_1175 = arith.index_cast %parallel_loop3A_1121 : i32 to index
        %parallel_loop3A_1176 = arith.constant 0 : index
        %parallel_loop3A_1177 = tpu.vector_load %arg10[%parallel_loop3A_1175, %parallel_loop3A_1176] {strides = array<i32>} : memref<1024x16xf32, #tpu.memory_space<vmem>>, vector<16xf32>,
        tpu.vector_store %arg10[%parallel_loop3A_1175, %parallel_loop3A_1176], %parallel_loop3A_1174 {add = true, strides = array<i32>} : memref<1024x16xf32, #tpu.memory_space<vmem>>, vector<16xf32>,
        %parallel_loop3A_1178 = arith.constant 4 : i32
        %parallel_loop3A_1179 = arith.addi %parallel_loop3A_1111, %parallel_loop3A_1178 : i32
        %parallel_loop3A_1180 = arith.index_cast %parallel_loop3A_1179 : i32 to index
        %parallel_loop3A_1181 = arith.constant 0 : index
        %parallel_loop3A_1182 = tpu.vector_load %arg7[%parallel_loop3A_1180, %parallel_loop3A_1181] {strides = array<i32>} : memref<256x32xf32, #tpu.memory_space<vmem>>, vector<16xf32>,
        %parallel_loop3A_1183 = arith.index_cast %parallel_loop3A_1123 : i32 to index
        %parallel_loop3A_1184 = arith.constant 0 : index
        %parallel_loop3A_1185 = tpu.vector_load %arg10[%parallel_loop3A_1183, %parallel_loop3A_1184] {strides = array<i32>} : memref<1024x16xf32, #tpu.memory_space<vmem>>, vector<16xf32>,
        tpu.vector_store %arg10[%parallel_loop3A_1183, %parallel_loop3A_1184], %parallel_loop3A_1182 {add = true, strides = array<i32>} : memref<1024x16xf32, #tpu.memory_space<vmem>>, vector<16xf32>,
        %parallel_loop3A_1186 = arith.constant 5 : i32
        %parallel_loop3A_1187 = arith.addi %parallel_loop3A_1111, %parallel_loop3A_1186 : i32
        %parallel_loop3A_1188 = arith.index_cast %parallel_loop3A_1187 : i32 to index
        %parallel_loop3A_1189 = arith.constant 0 : index
        %parallel_loop3A_1190 = tpu.vector_load %arg7[%parallel_loop3A_1188, %parallel_loop3A_1189] {strides = array<i32>} : memref<256x32xf32, #tpu.memory_space<vmem>>, vector<16xf32>,
        %parallel_loop3A_1191 = arith.index_cast %parallel_loop3A_1125 : i32 to index
        %parallel_loop3A_1192 = arith.constant 0 : index
        %parallel_loop3A_1193 = tpu.vector_load %arg10[%parallel_loop3A_1191, %parallel_loop3A_1192] {strides = array<i32>} : memref<1024x16xf32, #tpu.memory_space<vmem>>, vector<16xf32>,
        tpu.vector_store %arg10[%parallel_loop3A_1191, %parallel_loop3A_1192], %parallel_loop3A_1190 {add = true, strides = array<i32>} : memref<1024x16xf32, #tpu.memory_space<vmem>>, vector<16xf32>,
        %parallel_loop3A_1194 = arith.constant 6 : i32
        %parallel_loop3A_1195 = arith.addi %parallel_loop3A_1111, %parallel_loop3A_1194 : i32
        %parallel_loop3A_1196 = arith.index_cast %parallel_loop3A_1195 : i32 to index
        %parallel_loop3A_1197 = arith.constant 0 : index
        %parallel_loop3A_1198 = tpu.vector_load %arg7[%parallel_loop3A_1196, %parallel_loop3A_1197] {strides = array<i32>} : memref<256x32xf32, #tpu.memory_space<vmem>>, vector<16xf32>,
        %parallel_loop3A_1199 = arith.index_cast %parallel_loop3A_1127 : i32 to index
        %parallel_loop3A_1200 = arith.constant 0 : index
        %parallel_loop3A_1201 = tpu.vector_load %arg10[%parallel_loop3A_1199, %parallel_loop3A_1200] {strides = array<i32>} : memref<1024x16xf32, #tpu.memory_space<vmem>>, vector<16xf32>,
        tpu.vector_store %arg10[%parallel_loop3A_1199, %parallel_loop3A_1200], %parallel_loop3A_1198 {add = true, strides = array<i32>} : memref<1024x16xf32, #tpu.memory_space<vmem>>, vector<16xf32>,
        %parallel_loop3A_1202 = arith.constant 7 : i32
        %parallel_loop3A_1203 = arith.addi %parallel_loop3A_1111, %parallel_loop3A_1202 : i32
        %parallel_loop3A_1204 = arith.index_cast %parallel_loop3A_1203 : i32 to index
        %parallel_loop3A_1205 = arith.constant 0 : index
        %parallel_loop3A_1206 = tpu.vector_load %arg7[%parallel_loop3A_1204, %parallel_loop3A_1205] {strides = array<i32>} : memref<256x32xf32, #tpu.memory_space<vmem>>, vector<16xf32>,
        %parallel_loop3A_1207 = arith.index_cast %parallel_loop3A_1129 : i32 to index
        %parallel_loop3A_1208 = arith.constant 0 : index
        %parallel_loop3A_1209 = tpu.vector_load %arg10[%parallel_loop3A_1207, %parallel_loop3A_1208] {strides = array<i32>} : memref<1024x16xf32, #tpu.memory_space<vmem>>, vector<16xf32>,
        tpu.vector_store %arg10[%parallel_loop3A_1207, %parallel_loop3A_1208], %parallel_loop3A_1206 {add = true, strides = array<i32>} : memref<1024x16xf32, #tpu.memory_space<vmem>>, vector<16xf32>,
        %parallel_loop3A_1210 = arith.constant 8 : i32
        %parallel_loop3A_1211 = arith.addi %parallel_loop3A_1111, %parallel_loop3A_1210 : i32
        %parallel_loop3A_1212 = arith.index_cast %parallel_loop3A_1211 : i32 to index
        %parallel_loop3A_1213 = arith.constant 0 : index
        %parallel_loop3A_1214 = tpu.vector_load %arg7[%parallel_loop3A_1212, %parallel_loop3A_1213] {strides = array<i32>} : memref<256x32xf32, #tpu.memory_space<vmem>>, vector<16xf32>,
        %parallel_loop3A_1215 = arith.index_cast %parallel_loop3A_1131 : i32 to index
        %parallel_loop3A_1216 = arith.constant 0 : index
        %parallel_loop3A_1217 = tpu.vector_load %arg10[%parallel_loop3A_1215, %parallel_loop3A_1216] {strides = array<i32>} : memref<1024x16xf32, #tpu.memory_space<vmem>>, vector<16xf32>,
        tpu.vector_store %arg10[%parallel_loop3A_1215, %parallel_loop3A_1216], %parallel_loop3A_1214 {add = true, strides = array<i32>} : memref<1024x16xf32, #tpu.memory_space<vmem>>, vector<16xf32>,
        %parallel_loop3A_1218 = arith.constant 9 : i32
        %parallel_loop3A_1219 = arith.addi %parallel_loop3A_1111, %parallel_loop3A_1218 : i32
        %parallel_loop3A_1220 = arith.index_cast %parallel_loop3A_1219 : i32 to index
        %parallel_loop3A_1221 = arith.constant 0 : index
        %parallel_loop3A_1222 = tpu.vector_load %arg7[%parallel_loop3A_1220, %parallel_loop3A_1221] {strides = array<i32>} : memref<256x32xf32, #tpu.memory_space<vmem>>, vector<16xf32>,
        %parallel_loop3A_1223 = arith.index_cast %parallel_loop3A_1133 : i32 to index
        %parallel_loop3A_1224 = arith.constant 0 : index
        %parallel_loop3A_1225 = tpu.vector_load %arg10[%parallel_loop3A_1223, %parallel_loop3A_1224] {strides = array<i32>} : memref<1024x16xf32, #tpu.memory_space<vmem>>, vector<16xf32>,
        tpu.vector_store %arg10[%parallel_loop3A_1223, %parallel_loop3A_1224], %parallel_loop3A_1222 {add = true, strides = array<i32>} : memref<1024x16xf32, #tpu.memory_space<vmem>>, vector<16xf32>,
        %parallel_loop3A_1226 = arith.constant 10 : i32
        %parallel_loop3A_1227 = arith.addi %parallel_loop3A_1111, %parallel_loop3A_1226 : i32
        %parallel_loop3A_1228 = arith.index_cast %parallel_loop3A_1227 : i32 to index
        %parallel_loop3A_1229 = arith.constant 0 : index
        %parallel_loop3A_1230 = tpu.vector_load %arg7[%parallel_loop3A_1228, %parallel_loop3A_1229] {strides = array<i32>} : memref<256x32xf32, #tpu.memory_space<vmem>>, vector<16xf32>,
        %parallel_loop3A_1231 = arith.index_cast %parallel_loop3A_1135 : i32 to index
        %parallel_loop3A_1232 = arith.constant 0 : index
        %parallel_loop3A_1233 = tpu.vector_load %arg10[%parallel_loop3A_1231, %parallel_loop3A_1232] {strides = array<i32>} : memref<1024x16xf32, #tpu.memory_space<vmem>>, vector<16xf32>,
        tpu.vector_store %arg10[%parallel_loop3A_1231, %parallel_loop3A_1232], %parallel_loop3A_1230 {add = true, strides = array<i32>} : memref<1024x16xf32, #tpu.memory_space<vmem>>, vector<16xf32>,
        %parallel_loop3A_1234 = arith.constant 11 : i32
        %parallel_loop3A_1235 = arith.addi %parallel_loop3A_1111, %parallel_loop3A_1234 : i32
        %parallel_loop3A_1236 = arith.index_cast %parallel_loop3A_1235 : i32 to index
        %parallel_loop3A_1237 = arith.constant 0 : index
        %parallel_loop3A_1238 = tpu.vector_load %arg7[%parallel_loop3A_1236, %parallel_loop3A_1237] {strides = array<i32>} : memref<256x32xf32, #tpu.memory_space<vmem>>, vector<16xf32>,
        %parallel_loop3A_1239 = arith.index_cast %parallel_loop3A_1137 : i32 to index
        %parallel_loop3A_1240 = arith.constant 0 : index
        %parallel_loop3A_1241 = tpu.vector_load %arg10[%parallel_loop3A_1239, %parallel_loop3A_1240] {strides = array<i32>} : memref<1024x16xf32, #tpu.memory_space<vmem>>, vector<16xf32>,
        tpu.vector_store %arg10[%parallel_loop3A_1239, %parallel_loop3A_1240], %parallel_loop3A_1238 {add = true, strides = array<i32>} : memref<1024x16xf32, #tpu.memory_space<vmem>>, vector<16xf32>,
        %parallel_loop3A_1242 = arith.constant 12 : i32
        %parallel_loop3A_1243 = arith.addi %parallel_loop3A_1111, %parallel_loop3A_1242 : i32
        %parallel_loop3A_1244 = arith.index_cast %parallel_loop3A_1243 : i32 to index
        %parallel_loop3A_1245 = arith.constant 0 : index
        %parallel_loop3A_1246 = tpu.vector_load %arg7[%parallel_loop3A_1244, %parallel_loop3A_1245] {strides = array<i32>} : memref<256x32xf32, #tpu.memory_space<vmem>>, vector<16xf32>,
        %parallel_loop3A_1247 = arith.index_cast %parallel_loop3A_1139 : i32 to index
        %parallel_loop3A_1248 = arith.constant 0 : index
        %parallel_loop3A_1249 = tpu.vector_load %arg10[%parallel_loop3A_1247, %parallel_loop3A_1248] {strides = array<i32>} : memref<1024x16xf32, #tpu.memory_space<vmem>>, vector<16xf32>,
        tpu.vector_store %arg10[%parallel_loop3A_1247, %parallel_loop3A_1248], %parallel_loop3A_1246 {add = true, strides = array<i32>} : memref<1024x16xf32, #tpu.memory_space<vmem>>, vector<16xf32>,
        %parallel_loop3A_1250 = arith.constant 13 : i32
        %parallel_loop3A_1251 = arith.addi %parallel_loop3A_1111, %parallel_loop3A_1250 : i32
        %parallel_loop3A_1252 = arith.index_cast %parallel_loop3A_1251 : i32 to index
        %parallel_loop3A_1253 = arith.constant 0 : index
        %parallel_loop3A_1254 = tpu.vector_load %arg7[%parallel_loop3A_1252, %parallel_loop3A_1253] {strides = array<i32>} : memref<256x32xf32, #tpu.memory_space<vmem>>, vector<16xf32>,
        %parallel_loop3A_1255 = arith.index_cast %parallel_loop3A_1141 : i32 to index
        %parallel_loop3A_1256 = arith.constant 0 : index
        %parallel_loop3A_1257 = tpu.vector_load %arg10[%parallel_loop3A_1255, %parallel_loop3A_1256] {strides = array<i32>} : memref<1024x16xf32, #tpu.memory_space<vmem>>, vector<16xf32>,
        tpu.vector_store %arg10[%parallel_loop3A_1255, %parallel_loop3A_1256], %parallel_loop3A_1254 {add = true, strides = array<i32>} : memref<1024x16xf32, #tpu.memory_space<vmem>>, vector<16xf32>,
        %parallel_loop3A_1258 = arith.constant 14 : i32
        %parallel_loop3A_1259 = arith.addi %parallel_loop3A_1111, %parallel_loop3A_1258 : i32
        %parallel_loop3A_1260 = arith.index_cast %parallel_loop3A_1259 : i32 to index
        %parallel_loop3A_1261 = arith.constant 0 : index
        %parallel_loop3A_1262 = tpu.vector_load %arg7[%parallel_loop3A_1260, %parallel_loop3A_1261] {strides = array<i32>} : memref<256x32xf32, #tpu.memory_space<vmem>>, vector<16xf32>,
        %parallel_loop3A_1263 = arith.index_cast %parallel_loop3A_1143 : i32 to index
        %parallel_loop3A_1264 = arith.constant 0 : index
        %parallel_loop3A_1265 = tpu.vector_load %arg10[%parallel_loop3A_1263, %parallel_loop3A_1264] {strides = array<i32>} : memref<1024x16xf32, #tpu.memory_space<vmem>>, vector<16xf32>,
        tpu.vector_store %arg10[%parallel_loop3A_1263, %parallel_loop3A_1264], %parallel_loop3A_1262 {add = true, strides = array<i32>} : memref<1024x16xf32, #tpu.memory_space<vmem>>, vector<16xf32>,
        %parallel_loop3A_1266 = arith.constant 15 : i32
        %parallel_loop3A_1267 = arith.addi %parallel_loop3A_1111, %parallel_loop3A_1266 : i32
        %parallel_loop3A_1268 = arith.index_cast %parallel_loop3A_1267 : i32 to index
        %parallel_loop3A_1269 = arith.constant 0 : index
        %parallel_loop3A_1270 = tpu.vector_load %arg7[%parallel_loop3A_1268, %parallel_loop3A_1269] {strides = array<i32>} : memref<256x32xf32, #tpu.memory_space<vmem>>, vector<16xf32>,
        %parallel_loop3A_1271 = arith.index_cast %parallel_loop3A_1145 : i32 to index
        %parallel_loop3A_1272 = arith.constant 0 : index
        %parallel_loop3A_1273 = tpu.vector_load %arg10[%parallel_loop3A_1271, %parallel_loop3A_1272] {strides = array<i32>} : memref<1024x16xf32, #tpu.memory_space<vmem>>, vector<16xf32>,
        tpu.vector_store %arg10[%parallel_loop3A_1271, %parallel_loop3A_1272], %parallel_loop3A_1270 {add = true, strides = array<i32>} : memref<1024x16xf32, #tpu.memory_space<vmem>>, vector<16xf32>,
        %parallel_loop3A_1274 = arith.constant 0 : i32
        %parallel_loop3A_1275 = arith.addi %parallel_loop3A_1111, %parallel_loop3A_1274 : i32
        %parallel_loop3A_1276 = arith.index_cast %parallel_loop3A_1275 : i32 to index
        %parallel_loop3A_1277 = arith.constant 16 : index
        %parallel_loop3A_1278 = tpu.vector_load %arg7[%parallel_loop3A_1276, %parallel_loop3A_1277] {strides = array<i32>} : memref<256x32xf32, #tpu.memory_space<vmem>>, vector<16xf32>,
        %parallel_loop3A_1279 = arith.index_cast %parallel_loop3A_1115 : i32 to index
        %parallel_loop3A_1280 = arith.constant 0 : index
        %parallel_loop3A_1281 = tpu.vector_load %arg11[%parallel_loop3A_1279, %parallel_loop3A_1280] {strides = array<i32>} : memref<1024x16xf32, #tpu.memory_space<vmem>>, vector<16xf32>,
        tpu.vector_store %arg11[%parallel_loop3A_1279, %parallel_loop3A_1280], %parallel_loop3A_1278 {add = true, strides = array<i32>} : memref<1024x16xf32, #tpu.memory_space<vmem>>, vector<16xf32>,
        %parallel_loop3A_1282 = arith.constant 1 : i32
        %parallel_loop3A_1283 = arith.addi %parallel_loop3A_1111, %parallel_loop3A_1282 : i32
        %parallel_loop3A_1284 = arith.index_cast %parallel_loop3A_1283 : i32 to index
        %parallel_loop3A_1285 = arith.constant 16 : index
        %parallel_loop3A_1286 = tpu.vector_load %arg7[%parallel_loop3A_1284, %parallel_loop3A_1285] {strides = array<i32>} : memref<256x32xf32, #tpu.memory_space<vmem>>, vector<16xf32>,
        %parallel_loop3A_1287 = arith.index_cast %parallel_loop3A_1117 : i32 to index
        %parallel_loop3A_1288 = arith.constant 0 : index
        %parallel_loop3A_1289 = tpu.vector_load %arg11[%parallel_loop3A_1287, %parallel_loop3A_1288] {strides = array<i32>} : memref<1024x16xf32, #tpu.memory_space<vmem>>, vector<16xf32>,
        tpu.vector_store %arg11[%parallel_loop3A_1287, %parallel_loop3A_1288], %parallel_loop3A_1286 {add = true, strides = array<i32>} : memref<1024x16xf32, #tpu.memory_space<vmem>>, vector<16xf32>,
        %parallel_loop3A_1290 = arith.constant 2 : i32
        %parallel_loop3A_1291 = arith.addi %parallel_loop3A_1111, %parallel_loop3A_1290 : i32
        %parallel_loop3A_1292 = arith.index_cast %parallel_loop3A_1291 : i32 to index
        %parallel_loop3A_1293 = arith.constant 16 : index
        %parallel_loop3A_1294 = tpu.vector_load %arg7[%parallel_loop3A_1292, %parallel_loop3A_1293] {strides = array<i32>} : memref<256x32xf32, #tpu.memory_space<vmem>>, vector<16xf32>,
        %parallel_loop3A_1295 = arith.index_cast %parallel_loop3A_1119 : i32 to index
        %parallel_loop3A_1296 = arith.constant 0 : index
        %parallel_loop3A_1297 = tpu.vector_load %arg11[%parallel_loop3A_1295, %parallel_loop3A_1296] {strides = array<i32>} : memref<1024x16xf32, #tpu.memory_space<vmem>>, vector<16xf32>,
        tpu.vector_store %arg11[%parallel_loop3A_1295, %parallel_loop3A_1296], %parallel_loop3A_1294 {add = true, strides = array<i32>} : memref<1024x16xf32, #tpu.memory_space<vmem>>, vector<16xf32>,
        %parallel_loop3A_1298 = arith.constant 3 : i32
        %parallel_loop3A_1299 = arith.addi %parallel_loop3A_1111, %parallel_loop3A_1298 : i32
        %parallel_loop3A_1300 = arith.index_cast %parallel_loop3A_1299 : i32 to index
        %parallel_loop3A_1301 = arith.constant 16 : index
        %parallel_loop3A_1302 = tpu.vector_load %arg7[%parallel_loop3A_1300, %parallel_loop3A_1301] {strides = array<i32>} : memref<256x32xf32, #tpu.memory_space<vmem>>, vector<16xf32>,
        %parallel_loop3A_1303 = arith.index_cast %parallel_loop3A_1121 : i32 to index
        %parallel_loop3A_1304 = arith.constant 0 : index
        %parallel_loop3A_1305 = tpu.vector_load %arg11[%parallel_loop3A_1303, %parallel_loop3A_1304] {strides = array<i32>} : memref<1024x16xf32, #tpu.memory_space<vmem>>, vector<16xf32>,
        tpu.vector_store %arg11[%parallel_loop3A_1303, %parallel_loop3A_1304], %parallel_loop3A_1302 {add = true, strides = array<i32>} : memref<1024x16xf32, #tpu.memory_space<vmem>>, vector<16xf32>,
        %parallel_loop3A_1306 = arith.constant 4 : i32
        %parallel_loop3A_1307 = arith.addi %parallel_loop3A_1111, %parallel_loop3A_1306 : i32
        %parallel_loop3A_1308 = arith.index_cast %parallel_loop3A_1307 : i32 to index
        %parallel_loop3A_1309 = arith.constant 16 : index
        %parallel_loop3A_1310 = tpu.vector_load %arg7[%parallel_loop3A_1308, %parallel_loop3A_1309] {strides = array<i32>} : memref<256x32xf32, #tpu.memory_space<vmem>>, vector<16xf32>,
        %parallel_loop3A_1311 = arith.index_cast %parallel_loop3A_1123 : i32 to index
        %parallel_loop3A_1312 = arith.constant 0 : index
        %parallel_loop3A_1313 = tpu.vector_load %arg11[%parallel_loop3A_1311, %parallel_loop3A_1312] {strides = array<i32>} : memref<1024x16xf32, #tpu.memory_space<vmem>>, vector<16xf32>,
        tpu.vector_store %arg11[%parallel_loop3A_1311, %parallel_loop3A_1312], %parallel_loop3A_1310 {add = true, strides = array<i32>} : memref<1024x16xf32, #tpu.memory_space<vmem>>, vector<16xf32>,
        %parallel_loop3A_1314 = arith.constant 5 : i32
        %parallel_loop3A_1315 = arith.addi %parallel_loop3A_1111, %parallel_loop3A_1314 : i32
        %parallel_loop3A_1316 = arith.index_cast %parallel_loop3A_1315 : i32 to index
        %parallel_loop3A_1317 = arith.constant 16 : index
        %parallel_loop3A_1318 = tpu.vector_load %arg7[%parallel_loop3A_1316, %parallel_loop3A_1317] {strides = array<i32>} : memref<256x32xf32, #tpu.memory_space<vmem>>, vector<16xf32>,
        %parallel_loop3A_1319 = arith.index_cast %parallel_loop3A_1125 : i32 to index
        %parallel_loop3A_1320 = arith.constant 0 : index
        %parallel_loop3A_1321 = tpu.vector_load %arg11[%parallel_loop3A_1319, %parallel_loop3A_1320] {strides = array<i32>} : memref<1024x16xf32, #tpu.memory_space<vmem>>, vector<16xf32>,
        tpu.vector_store %arg11[%parallel_loop3A_1319, %parallel_loop3A_1320], %parallel_loop3A_1318 {add = true, strides = array<i32>} : memref<1024x16xf32, #tpu.memory_space<vmem>>, vector<16xf32>,
        %parallel_loop3A_1322 = arith.constant 6 : i32
        %parallel_loop3A_1323 = arith.addi %parallel_loop3A_1111, %parallel_loop3A_1322 : i32
        %parallel_loop3A_1324 = arith.index_cast %parallel_loop3A_1323 : i32 to index
        %parallel_loop3A_1325 = arith.constant 16 : index
        %parallel_loop3A_1326 = tpu.vector_load %arg7[%parallel_loop3A_1324, %parallel_loop3A_1325] {strides = array<i32>} : memref<256x32xf32, #tpu.memory_space<vmem>>, vector<16xf32>,
        %parallel_loop3A_1327 = arith.index_cast %parallel_loop3A_1127 : i32 to index
        %parallel_loop3A_1328 = arith.constant 0 : index
        %parallel_loop3A_1329 = tpu.vector_load %arg11[%parallel_loop3A_1327, %parallel_loop3A_1328] {strides = array<i32>} : memref<1024x16xf32, #tpu.memory_space<vmem>>, vector<16xf32>,
        tpu.vector_store %arg11[%parallel_loop3A_1327, %parallel_loop3A_1328], %parallel_loop3A_1326 {add = true, strides = array<i32>} : memref<1024x16xf32, #tpu.memory_space<vmem>>, vector<16xf32>,
        %parallel_loop3A_1330 = arith.constant 7 : i32
        %parallel_loop3A_1331 = arith.addi %parallel_loop3A_1111, %parallel_loop3A_1330 : i32
        %parallel_loop3A_1332 = arith.index_cast %parallel_loop3A_1331 : i32 to index
        %parallel_loop3A_1333 = arith.constant 16 : index
        %parallel_loop3A_1334 = tpu.vector_load %arg7[%parallel_loop3A_1332, %parallel_loop3A_1333] {strides = array<i32>} : memref<256x32xf32, #tpu.memory_space<vmem>>, vector<16xf32>,
        %parallel_loop3A_1335 = arith.index_cast %parallel_loop3A_1129 : i32 to index
        %parallel_loop3A_1336 = arith.constant 0 : index
        %parallel_loop3A_1337 = tpu.vector_load %arg11[%parallel_loop3A_1335, %parallel_loop3A_1336] {strides = array<i32>} : memref<1024x16xf32, #tpu.memory_space<vmem>>, vector<16xf32>,
        tpu.vector_store %arg11[%parallel_loop3A_1335, %parallel_loop3A_1336], %parallel_loop3A_1334 {add = true, strides = array<i32>} : memref<1024x16xf32, #tpu.memory_space<vmem>>, vector<16xf32>,
        %parallel_loop3A_1338 = arith.constant 8 : i32
        %parallel_loop3A_1339 = arith.addi %parallel_loop3A_1111, %parallel_loop3A_1338 : i32
        %parallel_loop3A_1340 = arith.index_cast %parallel_loop3A_1339 : i32 to index
        %parallel_loop3A_1341 = arith.constant 16 : index
        %parallel_loop3A_1342 = tpu.vector_load %arg7[%parallel_loop3A_1340, %parallel_loop3A_1341] {strides = array<i32>} : memref<256x32xf32, #tpu.memory_space<vmem>>, vector<16xf32>,
        %parallel_loop3A_1343 = arith.index_cast %parallel_loop3A_1131 : i32 to index
        %parallel_loop3A_1344 = arith.constant 0 : index
        %parallel_loop3A_1345 = tpu.vector_load %arg11[%parallel_loop3A_1343, %parallel_loop3A_1344] {strides = array<i32>} : memref<1024x16xf32, #tpu.memory_space<vmem>>, vector<16xf32>,
        tpu.vector_store %arg11[%parallel_loop3A_1343, %parallel_loop3A_1344], %parallel_loop3A_1342 {add = true, strides = array<i32>} : memref<1024x16xf32, #tpu.memory_space<vmem>>, vector<16xf32>,
        %parallel_loop3A_1346 = arith.constant 9 : i32
        %parallel_loop3A_1347 = arith.addi %parallel_loop3A_1111, %parallel_loop3A_1346 : i32
        %parallel_loop3A_1348 = arith.index_cast %parallel_loop3A_1347 : i32 to index
        %parallel_loop3A_1349 = arith.constant 16 : index
        %parallel_loop3A_1350 = tpu.vector_load %arg7[%parallel_loop3A_1348, %parallel_loop3A_1349] {strides = array<i32>} : memref<256x32xf32, #tpu.memory_space<vmem>>, vector<16xf32>,
        %parallel_loop3A_1351 = arith.index_cast %parallel_loop3A_1133 : i32 to index
        %parallel_loop3A_1352 = arith.constant 0 : index
        %parallel_loop3A_1353 = tpu.vector_load %arg11[%parallel_loop3A_1351, %parallel_loop3A_1352] {strides = array<i32>} : memref<1024x16xf32, #tpu.memory_space<vmem>>, vector<16xf32>,
        tpu.vector_store %arg11[%parallel_loop3A_1351, %parallel_loop3A_1352], %parallel_loop3A_1350 {add = true, strides = array<i32>} : memref<1024x16xf32, #tpu.memory_space<vmem>>, vector<16xf32>,
        %parallel_loop3A_1354 = arith.constant 10 : i32
        %parallel_loop3A_1355 = arith.addi %parallel_loop3A_1111, %parallel_loop3A_1354 : i32
        %parallel_loop3A_1356 = arith.index_cast %parallel_loop3A_1355 : i32 to index
        %parallel_loop3A_1357 = arith.constant 16 : index
        %parallel_loop3A_1358 = tpu.vector_load %arg7[%parallel_loop3A_1356, %parallel_loop3A_1357] {strides = array<i32>} : memref<256x32xf32, #tpu.memory_space<vmem>>, vector<16xf32>,
        %parallel_loop3A_1359 = arith.index_cast %parallel_loop3A_1135 : i32 to index
        %parallel_loop3A_1360 = arith.constant 0 : index
        %parallel_loop3A_1361 = tpu.vector_load %arg11[%parallel_loop3A_1359, %parallel_loop3A_1360] {strides = array<i32>} : memref<1024x16xf32, #tpu.memory_space<vmem>>, vector<16xf32>,
        tpu.vector_store %arg11[%parallel_loop3A_1359, %parallel_loop3A_1360], %parallel_loop3A_1358 {add = true, strides = array<i32>} : memref<1024x16xf32, #tpu.memory_space<vmem>>, vector<16xf32>,
        %parallel_loop3A_1362 = arith.constant 11 : i32
        %parallel_loop3A_1363 = arith.addi %parallel_loop3A_1111, %parallel_loop3A_1362 : i32
        %parallel_loop3A_1364 = arith.index_cast %parallel_loop3A_1363 : i32 to index
        %parallel_loop3A_1365 = arith.constant 16 : index
        %parallel_loop3A_1366 = tpu.vector_load %arg7[%parallel_loop3A_1364, %parallel_loop3A_1365] {strides = array<i32>} : memref<256x32xf32, #tpu.memory_space<vmem>>, vector<16xf32>,
        %parallel_loop3A_1367 = arith.index_cast %parallel_loop3A_1137 : i32 to index
        %parallel_loop3A_1368 = arith.constant 0 : index
        %parallel_loop3A_1369 = tpu.vector_load %arg11[%parallel_loop3A_1367, %parallel_loop3A_1368] {strides = array<i32>} : memref<1024x16xf32, #tpu.memory_space<vmem>>, vector<16xf32>,
        tpu.vector_store %arg11[%parallel_loop3A_1367, %parallel_loop3A_1368], %parallel_loop3A_1366 {add = true, strides = array<i32>} : memref<1024x16xf32, #tpu.memory_space<vmem>>, vector<16xf32>,
        %parallel_loop3A_1370 = arith.constant 12 : i32
        %parallel_loop3A_1371 = arith.addi %parallel_loop3A_1111, %parallel_loop3A_1370 : i32
        %parallel_loop3A_1372 = arith.index_cast %parallel_loop3A_1371 : i32 to index
        %parallel_loop3A_1373 = arith.constant 16 : index
        %parallel_loop3A_1374 = tpu.vector_load %arg7[%parallel_loop3A_1372, %parallel_loop3A_1373] {strides = array<i32>} : memref<256x32xf32, #tpu.memory_space<vmem>>, vector<16xf32>,
        %parallel_loop3A_1375 = arith.index_cast %parallel_loop3A_1139 : i32 to index
        %parallel_loop3A_1376 = arith.constant 0 : index
        %parallel_loop3A_1377 = tpu.vector_load %arg11[%parallel_loop3A_1375, %parallel_loop3A_1376] {strides = array<i32>} : memref<1024x16xf32, #tpu.memory_space<vmem>>, vector<16xf32>,
        tpu.vector_store %arg11[%parallel_loop3A_1375, %parallel_loop3A_1376], %parallel_loop3A_1374 {add = true, strides = array<i32>} : memref<1024x16xf32, #tpu.memory_space<vmem>>, vector<16xf32>,
        %parallel_loop3A_1378 = arith.constant 13 : i32
        %parallel_loop3A_1379 = arith.addi %parallel_loop3A_1111, %parallel_loop3A_1378 : i32
        %parallel_loop3A_1380 = arith.index_cast %parallel_loop3A_1379 : i32 to index
        %parallel_loop3A_1381 = arith.constant 16 : index
        %parallel_loop3A_1382 = tpu.vector_load %arg7[%parallel_loop3A_1380, %parallel_loop3A_1381] {strides = array<i32>} : memref<256x32xf32, #tpu.memory_space<vmem>>, vector<16xf32>,
        %parallel_loop3A_1383 = arith.index_cast %parallel_loop3A_1141 : i32 to index
        %parallel_loop3A_1384 = arith.constant 0 : index
        %parallel_loop3A_1385 = tpu.vector_load %arg11[%parallel_loop3A_1383, %parallel_loop3A_1384] {strides = array<i32>} : memref<1024x16xf32, #tpu.memory_space<vmem>>, vector<16xf32>,
        tpu.vector_store %arg11[%parallel_loop3A_1383, %parallel_loop3A_1384], %parallel_loop3A_1382 {add = true, strides = array<i32>} : memref<1024x16xf32, #tpu.memory_space<vmem>>, vector<16xf32>,
        %parallel_loop3A_1386 = arith.constant 14 : i32
        %parallel_loop3A_1387 = arith.addi %parallel_loop3A_1111, %parallel_loop3A_1386 : i32
        %parallel_loop3A_1388 = arith.index_cast %parallel_loop3A_1387 : i32 to index
        %parallel_loop3A_1389 = arith.constant 16 : index
        %parallel_loop3A_1390 = tpu.vector_load %arg7[%parallel_loop3A_1388, %parallel_loop3A_1389] {strides = array<i32>} : memref<256x32xf32, #tpu.memory_space<vmem>>, vector<16xf32>,
        %parallel_loop3A_1391 = arith.index_cast %parallel_loop3A_1143 : i32 to index
        %parallel_loop3A_1392 = arith.constant 0 : index
        %parallel_loop3A_1393 = tpu.vector_load %arg11[%parallel_loop3A_1391, %parallel_loop3A_1392] {strides = array<i32>} : memref<1024x16xf32, #tpu.memory_space<vmem>>, vector<16xf32>,
        tpu.vector_store %arg11[%parallel_loop3A_1391, %parallel_loop3A_1392], %parallel_loop3A_1390 {add = true, strides = array<i32>} : memref<1024x16xf32, #tpu.memory_space<vmem>>, vector<16xf32>,
        %parallel_loop3A_1394 = arith.constant 15 : i32
        %parallel_loop3A_1395 = arith.addi %parallel_loop3A_1111, %parallel_loop3A_1394 : i32
        %parallel_loop3A_1396 = arith.index_cast %parallel_loop3A_1395 : i32 to index
        %parallel_loop3A_1397 = arith.constant 16 : index
        %parallel_loop3A_1398 = tpu.vector_load %arg7[%parallel_loop3A_1396, %parallel_loop3A_1397] {strides = array<i32>} : memref<256x32xf32, #tpu.memory_space<vmem>>, vector<16xf32>,
        %parallel_loop3A_1399 = arith.index_cast %parallel_loop3A_1145 : i32 to index
        %parallel_loop3A_1400 = arith.constant 0 : index
        %parallel_loop3A_1401 = tpu.vector_load %arg11[%parallel_loop3A_1399, %parallel_loop3A_1400] {strides = array<i32>} : memref<1024x16xf32, #tpu.memory_space<vmem>>, vector<16xf32>,
        tpu.vector_store %arg11[%parallel_loop3A_1399, %parallel_loop3A_1400], %parallel_loop3A_1398 {add = true, strides = array<i32>} : memref<1024x16xf32, #tpu.memory_space<vmem>>, vector<16xf32>,
      } {sc.loop_unroll_factor = 2 : i64, sc.parallel_access}
      %mul3A_1096 = arith.constant 4 : i32
      %mul3A_1097 = arith.muli %arg1, %mul3A_1096 : i32
      %ge3A_1098 = arith.cmpi sge, %add3A_1092, %mul3A_1097 : i32
      %add3A_1099 = arith.constant 1 : i32
      %add3A_1100 = arith.addi %arg1, %add3A_1099 : i32
      %mul3A_1101 = arith.constant 4 : i32
      %mul3A_1102 = arith.muli %add3A_1100, %mul3A_1101 : i32
      %lt3A_1103 = arith.cmpi slt, %add3A_1092, %mul3A_1102 : i32
      %and3A_1104 = arith.andi %ge3A_1098, %lt3A_1103 : i1
      %convert_element_type3A_1105 = arith.extui %and3A_1104 : i1 to i32
      %cond3A_1106 = arith.constant 0 : i32
      %cond3A_1107 = arith.cmpi ne, %convert_element_type3A_1105, %cond3A_1106 : i32
      scf.if %cond3A_1107 {
        %scan3A_1109 = arith.constant 0 : i32
        %scan3A_1110 = arith.constant 0 : i32
        %scan3A_1111 = arith.constant 16 : i32
        %scan3A_1112 = arith.addi %scan3A_1110, %scan3A_1111 : i32
        %scan3A_1113 = arith.constant 1 : i32
        %scan3A_1114 = scf.for %scan3A_1116 = %scan3A_1110 to %scan3A_1112 step %scan3A_1113 iter_args(%scan3A_1117 = %scan3A_1109) -> (i32)  : i32 {
          %mul3A_1118 = arith.constant 16 : i32
          %mul3A_1119 = arith.muli %scan3A_1116, %mul3A_1118 : i32
          %get3A_1120 = arith.index_cast %mul3A_1119 : i32 to index
          %get3A_1121 = tpu.vector_load %arg9[%get3A_1120] {strides = array<i32>} : memref<256xi32, #tpu.memory_space<vmem>>, vector<16xi32>,
          %shift_right_arithmetic3A = arith.constant 4 : i32
          %shift_right_arithmetic3A_1122 = vector.broadcast %shift_right_arithmetic3A : i32 to vector<16xi32>
          %shift_right_arithmetic3A_1123 = arith.shrsi %get3A_1121, %shift_right_arithmetic3A_1122 : vector<16xi32>
          %and3A_1124 = arith.constant 15 : i32
          %and3A_1125 = vector.broadcast %and3A_1124 : i32 to vector<16xi32>
          %and3A_1126 = arith.andi %get3A_1121, %and3A_1125 : vector<16xi32>
          tpu.vector_store_idx %arg12[%shift_right_arithmetic3A_1123, %and3A_1126], %broadcast_in_dim3A_5 {add = true} : memref<64x16xf32, #tpu.memory_space<vmem>>[vector<16xi32>, vector<16xi32>], vector<16xf32>,
          %scan3A_1127 = arith.constant 0 : i32
          scf.yield %scan3A_1127 : i32
        }
        %scan3A_1115 = arith.constant 16 : i32
      } else {
      }
      %scan3A_1108 = arith.constant 0 : i32
      scf.yield %scan3A_1108 : i32
    }
    %scan3A_482 = arith.constant 32 : i32
    %dma_wait3A = arith.constant 0 : i32
    %dma_wait3A_483 = tpu.memref_slice %arg3[%dma_wait3A] : memref<16384xi32, #tpu.memory_space<hbm>> -> memref<256xi32, #tpu.memory_space<hbm>>
    %dma_wait3A_484 = arith.constant 0 : i32
    %dma_wait3A_485 = tpu.memref_slice %arg3[%dma_wait3A_484] : memref<16384xi32, #tpu.memory_space<hbm>> -> memref<256xi32, #tpu.memory_space<hbm>>
    tpu.wait_dma2 semaphore(%arg19 : memref<!tpu.dma_semaphore, #tpu.memory_space<semaphore_mem>>) src(%dma_wait3A_485 : memref<256xi32, #tpu.memory_space<hbm>>) dst(%arg8 : memref<256xi32, #tpu.memory_space<vmem>>)
    %dma_wait3A_486 = arith.constant 0 : i32
    %dma_wait3A_487 = tpu.memref_slice %arg2[%dma_wait3A_486, %mul3A_2] : memref<16384x1024xf32, #tpu.memory_space<hbm>> -> memref<256x32xf32, #tpu.memory_space<hbm>>
    %dma_wait3A_488 = arith.constant 0 : i32
    %dma_wait3A_489 = tpu.memref_slice %arg2[%dma_wait3A_488, %mul3A_2] : memref<16384x1024xf32, #tpu.memory_space<hbm>> -> memref<256x32xf32, #tpu.memory_space<hbm>>
    tpu.wait_dma2 semaphore(%arg18 : memref<!tpu.dma_semaphore, #tpu.memory_space<semaphore_mem>>) src(%dma_wait3A_489 : memref<256x32xf32, #tpu.memory_space<hbm>>) dst(%arg6 : memref<256x32xf32, #tpu.memory_space<vmem>>)
    "tpu.region"() ({
      %run_scoped3A = tpu.sem_alloc : memref<!tpu.dma_semaphore, #tpu.memory_space<semaphore_mem>>
      %dma_start3A_1043 = arith.constant 0 : i32
      %dma_start3A_1044 = arith.constant 0 : i32
      %dma_start3A_1045 = tpu.memref_slice %arg23[%arg1, %dma_start3A_1043, %dma_start3A_1044] : memref<16x64x16xf32, #tpu.memory_space<vmem_shared>> -> memref<1x64x16xf32, #tpu.memory_space<vmem_shared>>
      %dma_start3A_1046 = tpu.memref_squeeze %dma_start3A_1045 : memref<1x64x16xf32, #tpu.memory_space<vmem_shared>> -> memref<64x16xf32, #tpu.memory_space<vmem_shared>>
      %dma_start3A_1047 = arith.constant 0 : i32
      %dma_start3A_1048 = arith.constant 0 : i32
      %dma_start3A_1049 = tpu.memref_slice %arg23[%arg1, %dma_start3A_1047, %dma_start3A_1048] : memref<16x64x16xf32, #tpu.memory_space<vmem_shared>> -> memref<1x64x16xf32, #tpu.memory_space<vmem_shared>>
      %dma_start3A_1050 = tpu.memref_squeeze %dma_start3A_1049 : memref<1x64x16xf32, #tpu.memory_space<vmem_shared>> -> memref<64x16xf32, #tpu.memory_space<vmem_shared>>
      tpu.enqueue_dma source(%arg12 : memref<64x16xf32, #tpu.memory_space<vmem>>) target(%dma_start3A_1050 : memref<64x16xf32, #tpu.memory_space<vmem_shared>>) target_semaphore(%run_scoped3A : memref<!tpu.dma_semaphore, #tpu.memory_space<semaphore_mem>>)
      %dma_wait3A_1051 = arith.constant 0 : i32
      %dma_wait3A_1052 = arith.constant 0 : i32
      %dma_wait3A_1053 = tpu.memref_slice %arg23[%arg1, %dma_wait3A_1051, %dma_wait3A_1052] : memref<16x64x16xf32, #tpu.memory_space<vmem_shared>> -> memref<1x64x16xf32, #tpu.memory_space<vmem_shared>>
      %dma_wait3A_1054 = tpu.memref_squeeze %dma_wait3A_1053 : memref<1x64x16xf32, #tpu.memory_space<vmem_shared>> -> memref<64x16xf32, #tpu.memory_space<vmem_shared>>
      %dma_wait3A_1055 = arith.constant 0 : i32
      %dma_wait3A_1056 = arith.constant 0 : i32
      %dma_wait3A_1057 = tpu.memref_slice %arg23[%arg1, %dma_wait3A_1055, %dma_wait3A_1056] : memref<16x64x16xf32, #tpu.memory_space<vmem_shared>> -> memref<1x64x16xf32, #tpu.memory_space<vmem_shared>>
      %dma_wait3A_1058 = tpu.memref_squeeze %dma_wait3A_1057 : memref<1x64x16xf32, #tpu.memory_space<vmem_shared>> -> memref<64x16xf32, #tpu.memory_space<vmem_shared>>
      tpu.wait_dma2 semaphore(%run_scoped3A : memref<!tpu.dma_semaphore, #tpu.memory_space<semaphore_mem>>) src(%arg12 : memref<64x16xf32, #tpu.memory_space<vmem>>) dst(%dma_wait3A_1058 : memref<64x16xf32, #tpu.memory_space<vmem_shared>>)
      tpu.yield
    }) : () -> ()
    %barrier3A = arith.constant 0 : index
    tpu.barrier barrier_id(%barrier3A)
    %mul3A_490 = arith.constant 4 : i32
    %mul3A_491 = arith.muli %arg1, %mul3A_490 : i32
    "tpu.region"() ({
      %run_scoped3A = tpu.sem_alloc : memref<!tpu.dma_semaphore, #tpu.memory_space<semaphore_mem>>
      %dma_start3A_1043 = arith.constant 0 : i32
      %dma_start3A_1044 = arith.constant 0 : i32
      %dma_start3A_1045 = tpu.memref_slice %arg23[%dma_start3A_1043, %mul3A_491, %dma_start3A_1044] : memref<16x64x16xf32, #tpu.memory_space<vmem_shared>> -> memref<16x4x16xf32, #tpu.memory_space<vmem_shared>>
      %dma_start3A_1046 = arith.constant 0 : i32
      %dma_start3A_1047 = arith.constant 0 : i32
      %dma_start3A_1048 = tpu.memref_slice %arg23[%dma_start3A_1046, %mul3A_491, %dma_start3A_1047] : memref<16x64x16xf32, #tpu.memory_space<vmem_shared>> -> memref<16x4x16xf32, #tpu.memory_space<vmem_shared>>
      tpu.enqueue_dma source(%dma_start3A_1048 : memref<16x4x16xf32, #tpu.memory_space<vmem_shared>>) target(%arg14 : memref<16x4x16xf32, #tpu.memory_space<vmem>>) target_semaphore(%run_scoped3A : memref<!tpu.dma_semaphore, #tpu.memory_space<semaphore_mem>>)
      %dma_wait3A_1049 = arith.constant 0 : i32
      %dma_wait3A_1050 = arith.constant 0 : i32
      %dma_wait3A_1051 = tpu.memref_slice %arg23[%dma_wait3A_1049, %mul3A_491, %dma_wait3A_1050] : memref<16x64x16xf32, #tpu.memory_space<vmem_shared>> -> memref<16x4x16xf32, #tpu.memory_space<vmem_shared>>
      %dma_wait3A_1052 = arith.constant 0 : i32
      %dma_wait3A_1053 = arith.constant 0 : i32
      %dma_wait3A_1054 = tpu.memref_slice %arg23[%dma_wait3A_1052, %mul3A_491, %dma_wait3A_1053] : memref<16x64x16xf32, #tpu.memory_space<vmem_shared>> -> memref<16x4x16xf32, #tpu.memory_space<vmem_shared>>
      tpu.wait_dma2 semaphore(%run_scoped3A : memref<!tpu.dma_semaphore, #tpu.memory_space<semaphore_mem>>) src(%dma_wait3A_1054 : memref<16x4x16xf32, #tpu.memory_space<vmem_shared>>) dst(%arg14 : memref<16x4x16xf32, #tpu.memory_space<vmem>>)
      tpu.yield
    }) : () -> ()
    %get3A = arith.constant 0 : i32
    %get3A_492 = arith.constant 0 : i32
    %get3A_493 = arith.index_cast %get3A : i32 to index
    %get3A_494 = arith.index_cast %get3A_492 : i32 to index
    %get3A_495 = arith.constant 0 : index
    %get3A_496 = tpu.vector_load %arg14[%get3A_493, %get3A_494, %get3A_495] {strides = array<i32>} : memref<16x4x16xf32, #tpu.memory_space<vmem>>, vector<16xf32>,
    %get3A_497 = arith.constant 1 : i32
    %get3A_498 = arith.constant 0 : i32
    %get3A_499 = arith.index_cast %get3A_497 : i32 to index
    %get3A_500 = arith.index_cast %get3A_498 : i32 to index
    %get3A_501 = arith.constant 0 : index
    %get3A_502 = tpu.vector_load %arg14[%get3A_499, %get3A_500, %get3A_501] {strides = array<i32>} : memref<16x4x16xf32, #tpu.memory_space<vmem>>, vector<16xf32>,
    %add3A_503 = arith.addf %get3A_496, %get3A_502 : vector<16xf32>
    %get3A_504 = arith.constant 2 : i32
    %get3A_505 = arith.constant 0 : i32
    %get3A_506 = arith.index_cast %get3A_504 : i32 to index
    %get3A_507 = arith.index_cast %get3A_505 : i32 to index
    %get3A_508 = arith.constant 0 : index
    %get3A_509 = tpu.vector_load %arg14[%get3A_506, %get3A_507, %get3A_508] {strides = array<i32>} : memref<16x4x16xf32, #tpu.memory_space<vmem>>, vector<16xf32>,
    %add3A_510 = arith.addf %add3A_503, %get3A_509 : vector<16xf32>
    %get3A_511 = arith.constant 3 : i32
    %get3A_512 = arith.constant 0 : i32
    %get3A_513 = arith.index_cast %get3A_511 : i32 to index
    %get3A_514 = arith.index_cast %get3A_512 : i32 to index
    %get3A_515 = arith.constant 0 : index
    %get3A_516 = tpu.vector_load %arg14[%get3A_513, %get3A_514, %get3A_515] {strides = array<i32>} : memref<16x4x16xf32, #tpu.memory_space<vmem>>, vector<16xf32>,
    %add3A_517 = arith.addf %add3A_510, %get3A_516 : vector<16xf32>
    %get3A_518 = arith.constant 4 : i32
    %get3A_519 = arith.constant 0 : i32
    %get3A_520 = arith.index_cast %get3A_518 : i32 to index
    %get3A_521 = arith.index_cast %get3A_519 : i32 to index
    %get3A_522 = arith.constant 0 : index
    %get3A_523 = tpu.vector_load %arg14[%get3A_520, %get3A_521, %get3A_522] {strides = array<i32>} : memref<16x4x16xf32, #tpu.memory_space<vmem>>, vector<16xf32>,
    %add3A_524 = arith.addf %add3A_517, %get3A_523 : vector<16xf32>
    %get3A_525 = arith.constant 5 : i32
    %get3A_526 = arith.constant 0 : i32
    %get3A_527 = arith.index_cast %get3A_525 : i32 to index
    %get3A_528 = arith.index_cast %get3A_526 : i32 to index
    %get3A_529 = arith.constant 0 : index
    %get3A_530 = tpu.vector_load %arg14[%get3A_527, %get3A_528, %get3A_529] {strides = array<i32>} : memref<16x4x16xf32, #tpu.memory_space<vmem>>, vector<16xf32>,
    %add3A_531 = arith.addf %add3A_524, %get3A_530 : vector<16xf32>
    %get3A_532 = arith.constant 6 : i32
    %get3A_533 = arith.constant 0 : i32
    %get3A_534 = arith.index_cast %get3A_532 : i32 to index
    %get3A_535 = arith.index_cast %get3A_533 : i32 to index
    %get3A_536 = arith.constant 0 : index
    %get3A_537 = tpu.vector_load %arg14[%get3A_534, %get3A_535, %get3A_536] {strides = array<i32>} : memref<16x4x16xf32, #tpu.memory_space<vmem>>, vector<16xf32>,
    %add3A_538 = arith.addf %add3A_531, %get3A_537 : vector<16xf32>
    %get3A_539 = arith.constant 7 : i32
    %get3A_540 = arith.constant 0 : i32
    %get3A_541 = arith.index_cast %get3A_539 : i32 to index
    %get3A_542 = arith.index_cast %get3A_540 : i32 to index
    %get3A_543 = arith.constant 0 : index
    %get3A_544 = tpu.vector_load %arg14[%get3A_541, %get3A_542, %get3A_543] {strides = array<i32>} : memref<16x4x16xf32, #tpu.memory_space<vmem>>, vector<16xf32>,
    %add3A_545 = arith.addf %add3A_538, %get3A_544 : vector<16xf32>
    %get3A_546 = arith.constant 8 : i32
    %get3A_547 = arith.constant 0 : i32
    %get3A_548 = arith.index_cast %get3A_546 : i32 to index
    %get3A_549 = arith.index_cast %get3A_547 : i32 to index
    %get3A_550 = arith.constant 0 : index
    %get3A_551 = tpu.vector_load %arg14[%get3A_548, %get3A_549, %get3A_550] {strides = array<i32>} : memref<16x4x16xf32, #tpu.memory_space<vmem>>, vector<16xf32>,
    %add3A_552 = arith.addf %add3A_545, %get3A_551 : vector<16xf32>
    %get3A_553 = arith.constant 9 : i32
    %get3A_554 = arith.constant 0 : i32
    %get3A_555 = arith.index_cast %get3A_553 : i32 to index
    %get3A_556 = arith.index_cast %get3A_554 : i32 to index
    %get3A_557 = arith.constant 0 : index
    %get3A_558 = tpu.vector_load %arg14[%get3A_555, %get3A_556, %get3A_557] {strides = array<i32>} : memref<16x4x16xf32, #tpu.memory_space<vmem>>, vector<16xf32>,
    %add3A_559 = arith.addf %add3A_552, %get3A_558 : vector<16xf32>
    %get3A_560 = arith.constant 10 : i32
    %get3A_561 = arith.constant 0 : i32
    %get3A_562 = arith.index_cast %get3A_560 : i32 to index
    %get3A_563 = arith.index_cast %get3A_561 : i32 to index
    %get3A_564 = arith.constant 0 : index
    %get3A_565 = tpu.vector_load %arg14[%get3A_562, %get3A_563, %get3A_564] {strides = array<i32>} : memref<16x4x16xf32, #tpu.memory_space<vmem>>, vector<16xf32>,
    %add3A_566 = arith.addf %add3A_559, %get3A_565 : vector<16xf32>
    %get3A_567 = arith.constant 11 : i32
    %get3A_568 = arith.constant 0 : i32
    %get3A_569 = arith.index_cast %get3A_567 : i32 to index
    %get3A_570 = arith.index_cast %get3A_568 : i32 to index
    %get3A_571 = arith.constant 0 : index
    %get3A_572 = tpu.vector_load %arg14[%get3A_569, %get3A_570, %get3A_571] {strides = array<i32>} : memref<16x4x16xf32, #tpu.memory_space<vmem>>, vector<16xf32>,
    %add3A_573 = arith.addf %add3A_566, %get3A_572 : vector<16xf32>
    %get3A_574 = arith.constant 12 : i32
    %get3A_575 = arith.constant 0 : i32
    %get3A_576 = arith.index_cast %get3A_574 : i32 to index
    %get3A_577 = arith.index_cast %get3A_575 : i32 to index
    %get3A_578 = arith.constant 0 : index
    %get3A_579 = tpu.vector_load %arg14[%get3A_576, %get3A_577, %get3A_578] {strides = array<i32>} : memref<16x4x16xf32, #tpu.memory_space<vmem>>, vector<16xf32>,
    %add3A_580 = arith.addf %add3A_573, %get3A_579 : vector<16xf32>
    %get3A_581 = arith.constant 13 : i32
    %get3A_582 = arith.constant 0 : i32
    %get3A_583 = arith.index_cast %get3A_581 : i32 to index
    %get3A_584 = arith.index_cast %get3A_582 : i32 to index
    %get3A_585 = arith.constant 0 : index
    %get3A_586 = tpu.vector_load %arg14[%get3A_583, %get3A_584, %get3A_585] {strides = array<i32>} : memref<16x4x16xf32, #tpu.memory_space<vmem>>, vector<16xf32>,
    %add3A_587 = arith.addf %add3A_580, %get3A_586 : vector<16xf32>
    %get3A_588 = arith.constant 14 : i32
    %get3A_589 = arith.constant 0 : i32
    %get3A_590 = arith.index_cast %get3A_588 : i32 to index
    %get3A_591 = arith.index_cast %get3A_589 : i32 to index
    %get3A_592 = arith.constant 0 : index
    %get3A_593 = tpu.vector_load %arg14[%get3A_590, %get3A_591, %get3A_592] {strides = array<i32>} : memref<16x4x16xf32, #tpu.memory_space<vmem>>, vector<16xf32>,
    %add3A_594 = arith.addf %add3A_587, %get3A_593 : vector<16xf32>
    %get3A_595 = arith.constant 15 : i32
    %get3A_596 = arith.constant 0 : i32
    %get3A_597 = arith.index_cast %get3A_595 : i32 to index
    %get3A_598 = arith.index_cast %get3A_596 : i32 to index
    %get3A_599 = arith.constant 0 : index
    %get3A_600 = tpu.vector_load %arg14[%get3A_597, %get3A_598, %get3A_599] {strides = array<i32>} : memref<16x4x16xf32, #tpu.memory_space<vmem>>, vector<16xf32>,
    %add3A_601 = arith.addf %add3A_594, %get3A_600 : vector<16xf32>
    %max3A = arith.constant 1.000000e+00 : f32
    %max3A_602 = vector.broadcast %max3A : f32 to vector<16xf32>
    %max3A_603 = arith.maximumf %add3A_601, %max3A_602 : vector<16xf32>
    %div3A = arith.constant 1.000000e+00 : f32
    %div3A_604 = vector.broadcast %div3A : f32 to vector<16xf32>
    %div3A_605 = arith.divf %div3A_604, %max3A_603 : vector<16xf32>
    %swap3A_606 = arith.constant 0 : i32
    %swap3A_607 = arith.index_cast %swap3A_606 : i32 to index
    %swap3A_608 = arith.constant 0 : index
    %swap3A_609 = tpu.vector_load %arg15[%swap3A_607, %swap3A_608] {strides = array<i32>} : memref<8x16xf32, #tpu.memory_space<vmem>>, vector<16xf32>,
    tpu.vector_store %arg15[%swap3A_607, %swap3A_608], %div3A_605 {strides = array<i32>} : memref<8x16xf32, #tpu.memory_space<vmem>>, vector<16xf32>,
    %gt3A = arith.constant 0.000000e+00 : f32
    %gt3A_610 = vector.broadcast %gt3A : f32 to vector<16xf32>
    %gt3A_611 = arith.cmpf ogt, %add3A_601, %gt3A_610 : vector<16xf32>
    %jit3A = arith.constant 1.000000e+00 : f32
    %jit3A_612 = arith.constant 0.000000e+00 : f32
    %broadcast_in_dim3A_613 = vector.broadcast %jit3A : f32 to vector<16xf32>
    %broadcast_in_dim3A_614 = vector.broadcast %jit3A_612 : f32 to vector<16xf32>
    %select_n3A = arith.select %gt3A_611, %broadcast_in_dim3A_613, %broadcast_in_dim3A_614 : vector<16xi1>, vector<16xf32>
    %swap3A_615 = arith.constant 4 : i32
    %swap3A_616 = arith.index_cast %swap3A_615 : i32 to index
    %swap3A_617 = arith.constant 0 : index
    %swap3A_618 = tpu.vector_load %arg15[%swap3A_616, %swap3A_617] {strides = array<i32>} : memref<8x16xf32, #tpu.memory_space<vmem>>, vector<16xf32>,
    tpu.vector_store %arg15[%swap3A_616, %swap3A_617], %select_n3A {strides = array<i32>} : memref<8x16xf32, #tpu.memory_space<vmem>>, vector<16xf32>,
    %get3A_619 = arith.constant 0 : i32
    %get3A_620 = arith.constant 1 : i32
    %get3A_621 = arith.index_cast %get3A_619 : i32 to index
    %get3A_622 = arith.index_cast %get3A_620 : i32 to index
    %get3A_623 = arith.constant 0 : index
    %get3A_624 = tpu.vector_load %arg14[%get3A_621, %get3A_622, %get3A_623] {strides = array<i32>} : memref<16x4x16xf32, #tpu.memory_space<vmem>>, vector<16xf32>,
    %get3A_625 = arith.constant 1 : i32
    %get3A_626 = arith.constant 1 : i32
    %get3A_627 = arith.index_cast %get3A_625 : i32 to index
    %get3A_628 = arith.index_cast %get3A_626 : i32 to index
    %get3A_629 = arith.constant 0 : index
    %get3A_630 = tpu.vector_load %arg14[%get3A_627, %get3A_628, %get3A_629] {strides = array<i32>} : memref<16x4x16xf32, #tpu.memory_space<vmem>>, vector<16xf32>,
    %add3A_631 = arith.addf %get3A_624, %get3A_630 : vector<16xf32>
    %get3A_632 = arith.constant 2 : i32
    %get3A_633 = arith.constant 1 : i32
    %get3A_634 = arith.index_cast %get3A_632 : i32 to index
    %get3A_635 = arith.index_cast %get3A_633 : i32 to index
    %get3A_636 = arith.constant 0 : index
    %get3A_637 = tpu.vector_load %arg14[%get3A_634, %get3A_635, %get3A_636] {strides = array<i32>} : memref<16x4x16xf32, #tpu.memory_space<vmem>>, vector<16xf32>,
    %add3A_638 = arith.addf %add3A_631, %get3A_637 : vector<16xf32>
    %get3A_639 = arith.constant 3 : i32
    %get3A_640 = arith.constant 1 : i32
    %get3A_641 = arith.index_cast %get3A_639 : i32 to index
    %get3A_642 = arith.index_cast %get3A_640 : i32 to index
    %get3A_643 = arith.constant 0 : index
    %get3A_644 = tpu.vector_load %arg14[%get3A_641, %get3A_642, %get3A_643] {strides = array<i32>} : memref<16x4x16xf32, #tpu.memory_space<vmem>>, vector<16xf32>,
    %add3A_645 = arith.addf %add3A_638, %get3A_644 : vector<16xf32>
    %get3A_646 = arith.constant 4 : i32
    %get3A_647 = arith.constant 1 : i32
    %get3A_648 = arith.index_cast %get3A_646 : i32 to index
    %get3A_649 = arith.index_cast %get3A_647 : i32 to index
    %get3A_650 = arith.constant 0 : index
    %get3A_651 = tpu.vector_load %arg14[%get3A_648, %get3A_649, %get3A_650] {strides = array<i32>} : memref<16x4x16xf32, #tpu.memory_space<vmem>>, vector<16xf32>,
    %add3A_652 = arith.addf %add3A_645, %get3A_651 : vector<16xf32>
    %get3A_653 = arith.constant 5 : i32
    %get3A_654 = arith.constant 1 : i32
    %get3A_655 = arith.index_cast %get3A_653 : i32 to index
    %get3A_656 = arith.index_cast %get3A_654 : i32 to index
    %get3A_657 = arith.constant 0 : index
    %get3A_658 = tpu.vector_load %arg14[%get3A_655, %get3A_656, %get3A_657] {strides = array<i32>} : memref<16x4x16xf32, #tpu.memory_space<vmem>>, vector<16xf32>,
    %add3A_659 = arith.addf %add3A_652, %get3A_658 : vector<16xf32>
    %get3A_660 = arith.constant 6 : i32
    %get3A_661 = arith.constant 1 : i32
    %get3A_662 = arith.index_cast %get3A_660 : i32 to index
    %get3A_663 = arith.index_cast %get3A_661 : i32 to index
    %get3A_664 = arith.constant 0 : index
    %get3A_665 = tpu.vector_load %arg14[%get3A_662, %get3A_663, %get3A_664] {strides = array<i32>} : memref<16x4x16xf32, #tpu.memory_space<vmem>>, vector<16xf32>,
    %add3A_666 = arith.addf %add3A_659, %get3A_665 : vector<16xf32>
    %get3A_667 = arith.constant 7 : i32
    %get3A_668 = arith.constant 1 : i32
    %get3A_669 = arith.index_cast %get3A_667 : i32 to index
    %get3A_670 = arith.index_cast %get3A_668 : i32 to index
    %get3A_671 = arith.constant 0 : index
    %get3A_672 = tpu.vector_load %arg14[%get3A_669, %get3A_670, %get3A_671] {strides = array<i32>} : memref<16x4x16xf32, #tpu.memory_space<vmem>>, vector<16xf32>,
    %add3A_673 = arith.addf %add3A_666, %get3A_672 : vector<16xf32>
    %get3A_674 = arith.constant 8 : i32
    %get3A_675 = arith.constant 1 : i32
    %get3A_676 = arith.index_cast %get3A_674 : i32 to index
    %get3A_677 = arith.index_cast %get3A_675 : i32 to index
    %get3A_678 = arith.constant 0 : index
    %get3A_679 = tpu.vector_load %arg14[%get3A_676, %get3A_677, %get3A_678] {strides = array<i32>} : memref<16x4x16xf32, #tpu.memory_space<vmem>>, vector<16xf32>,
    %add3A_680 = arith.addf %add3A_673, %get3A_679 : vector<16xf32>
    %get3A_681 = arith.constant 9 : i32
    %get3A_682 = arith.constant 1 : i32
    %get3A_683 = arith.index_cast %get3A_681 : i32 to index
    %get3A_684 = arith.index_cast %get3A_682 : i32 to index
    %get3A_685 = arith.constant 0 : index
    %get3A_686 = tpu.vector_load %arg14[%get3A_683, %get3A_684, %get3A_685] {strides = array<i32>} : memref<16x4x16xf32, #tpu.memory_space<vmem>>, vector<16xf32>,
    %add3A_687 = arith.addf %add3A_680, %get3A_686 : vector<16xf32>
    %get3A_688 = arith.constant 10 : i32
    %get3A_689 = arith.constant 1 : i32
    %get3A_690 = arith.index_cast %get3A_688 : i32 to index
    %get3A_691 = arith.index_cast %get3A_689 : i32 to index
    %get3A_692 = arith.constant 0 : index
    %get3A_693 = tpu.vector_load %arg14[%get3A_690, %get3A_691, %get3A_692] {strides = array<i32>} : memref<16x4x16xf32, #tpu.memory_space<vmem>>, vector<16xf32>,
    %add3A_694 = arith.addf %add3A_687, %get3A_693 : vector<16xf32>
    %get3A_695 = arith.constant 11 : i32
    %get3A_696 = arith.constant 1 : i32
    %get3A_697 = arith.index_cast %get3A_695 : i32 to index
    %get3A_698 = arith.index_cast %get3A_696 : i32 to index
    %get3A_699 = arith.constant 0 : index
    %get3A_700 = tpu.vector_load %arg14[%get3A_697, %get3A_698, %get3A_699] {strides = array<i32>} : memref<16x4x16xf32, #tpu.memory_space<vmem>>, vector<16xf32>,
    %add3A_701 = arith.addf %add3A_694, %get3A_700 : vector<16xf32>
    %get3A_702 = arith.constant 12 : i32
    %get3A_703 = arith.constant 1 : i32
    %get3A_704 = arith.index_cast %get3A_702 : i32 to index
    %get3A_705 = arith.index_cast %get3A_703 : i32 to index
    %get3A_706 = arith.constant 0 : index
    %get3A_707 = tpu.vector_load %arg14[%get3A_704, %get3A_705, %get3A_706] {strides = array<i32>} : memref<16x4x16xf32, #tpu.memory_space<vmem>>, vector<16xf32>,
    %add3A_708 = arith.addf %add3A_701, %get3A_707 : vector<16xf32>
    %get3A_709 = arith.constant 13 : i32
    %get3A_710 = arith.constant 1 : i32
    %get3A_711 = arith.index_cast %get3A_709 : i32 to index
    %get3A_712 = arith.index_cast %get3A_710 : i32 to index
    %get3A_713 = arith.constant 0 : index
    %get3A_714 = tpu.vector_load %arg14[%get3A_711, %get3A_712, %get3A_713] {strides = array<i32>} : memref<16x4x16xf32, #tpu.memory_space<vmem>>, vector<16xf32>,
    %add3A_715 = arith.addf %add3A_708, %get3A_714 : vector<16xf32>
    %get3A_716 = arith.constant 14 : i32
    %get3A_717 = arith.constant 1 : i32
    %get3A_718 = arith.index_cast %get3A_716 : i32 to index
    %get3A_719 = arith.index_cast %get3A_717 : i32 to index
    %get3A_720 = arith.constant 0 : index
    %get3A_721 = tpu.vector_load %arg14[%get3A_718, %get3A_719, %get3A_720] {strides = array<i32>} : memref<16x4x16xf32, #tpu.memory_space<vmem>>, vector<16xf32>,
    %add3A_722 = arith.addf %add3A_715, %get3A_721 : vector<16xf32>
    %get3A_723 = arith.constant 15 : i32
    %get3A_724 = arith.constant 1 : i32
    %get3A_725 = arith.index_cast %get3A_723 : i32 to index
    %get3A_726 = arith.index_cast %get3A_724 : i32 to index
    %get3A_727 = arith.constant 0 : index
    %get3A_728 = tpu.vector_load %arg14[%get3A_725, %get3A_726, %get3A_727] {strides = array<i32>} : memref<16x4x16xf32, #tpu.memory_space<vmem>>, vector<16xf32>,
    %add3A_729 = arith.addf %add3A_722, %get3A_728 : vector<16xf32>
    %max3A_730 = arith.constant 1.000000e+00 : f32
    %max3A_731 = vector.broadcast %max3A_730 : f32 to vector<16xf32>
    %max3A_732 = arith.maximumf %add3A_729, %max3A_731 : vector<16xf32>
    %div3A_733 = arith.constant 1.000000e+00 : f32
    %div3A_734 = vector.broadcast %div3A_733 : f32 to vector<16xf32>
    %div3A_735 = arith.divf %div3A_734, %max3A_732 : vector<16xf32>
    %swap3A_736 = arith.constant 1 : i32
    %swap3A_737 = arith.index_cast %swap3A_736 : i32 to index
    %swap3A_738 = arith.constant 0 : index
    %swap3A_739 = tpu.vector_load %arg15[%swap3A_737, %swap3A_738] {strides = array<i32>} : memref<8x16xf32, #tpu.memory_space<vmem>>, vector<16xf32>,
    tpu.vector_store %arg15[%swap3A_737, %swap3A_738], %div3A_735 {strides = array<i32>} : memref<8x16xf32, #tpu.memory_space<vmem>>, vector<16xf32>,
    %gt3A_740 = arith.constant 0.000000e+00 : f32
    %gt3A_741 = vector.broadcast %gt3A_740 : f32 to vector<16xf32>
    %gt3A_742 = arith.cmpf ogt, %add3A_729, %gt3A_741 : vector<16xf32>
    %jit3A_743 = arith.constant 1.000000e+00 : f32
    %jit3A_744 = arith.constant 0.000000e+00 : f32
    %broadcast_in_dim3A_745 = vector.broadcast %jit3A_743 : f32 to vector<16xf32>
    %broadcast_in_dim3A_746 = vector.broadcast %jit3A_744 : f32 to vector<16xf32>
    %select_n3A_747 = arith.select %gt3A_742, %broadcast_in_dim3A_745, %broadcast_in_dim3A_746 : vector<16xi1>, vector<16xf32>
    %swap3A_748 = arith.constant 5 : i32
    %swap3A_749 = arith.index_cast %swap3A_748 : i32 to index
    %swap3A_750 = arith.constant 0 : index
    %swap3A_751 = tpu.vector_load %arg15[%swap3A_749, %swap3A_750] {strides = array<i32>} : memref<8x16xf32, #tpu.memory_space<vmem>>, vector<16xf32>,
    tpu.vector_store %arg15[%swap3A_749, %swap3A_750], %select_n3A_747 {strides = array<i32>} : memref<8x16xf32, #tpu.memory_space<vmem>>, vector<16xf32>,
    %get3A_752 = arith.constant 0 : i32
    %get3A_753 = arith.constant 2 : i32
    %get3A_754 = arith.index_cast %get3A_752 : i32 to index
    %get3A_755 = arith.index_cast %get3A_753 : i32 to index
    %get3A_756 = arith.constant 0 : index
    %get3A_757 = tpu.vector_load %arg14[%get3A_754, %get3A_755, %get3A_756] {strides = array<i32>} : memref<16x4x16xf32, #tpu.memory_space<vmem>>, vector<16xf32>,
    %get3A_758 = arith.constant 1 : i32
    %get3A_759 = arith.constant 2 : i32
    %get3A_760 = arith.index_cast %get3A_758 : i32 to index
    %get3A_761 = arith.index_cast %get3A_759 : i32 to index
    %get3A_762 = arith.constant 0 : index
    %get3A_763 = tpu.vector_load %arg14[%get3A_760, %get3A_761, %get3A_762] {strides = array<i32>} : memref<16x4x16xf32, #tpu.memory_space<vmem>>, vector<16xf32>,
    %add3A_764 = arith.addf %get3A_757, %get3A_763 : vector<16xf32>
    %get3A_765 = arith.constant 2 : i32
    %get3A_766 = arith.constant 2 : i32
    %get3A_767 = arith.index_cast %get3A_765 : i32 to index
    %get3A_768 = arith.index_cast %get3A_766 : i32 to index
    %get3A_769 = arith.constant 0 : index
    %get3A_770 = tpu.vector_load %arg14[%get3A_767, %get3A_768, %get3A_769] {strides = array<i32>} : memref<16x4x16xf32, #tpu.memory_space<vmem>>, vector<16xf32>,
    %add3A_771 = arith.addf %add3A_764, %get3A_770 : vector<16xf32>
    %get3A_772 = arith.constant 3 : i32
    %get3A_773 = arith.constant 2 : i32
    %get3A_774 = arith.index_cast %get3A_772 : i32 to index
    %get3A_775 = arith.index_cast %get3A_773 : i32 to index
    %get3A_776 = arith.constant 0 : index
    %get3A_777 = tpu.vector_load %arg14[%get3A_774, %get3A_775, %get3A_776] {strides = array<i32>} : memref<16x4x16xf32, #tpu.memory_space<vmem>>, vector<16xf32>,
    %add3A_778 = arith.addf %add3A_771, %get3A_777 : vector<16xf32>
    %get3A_779 = arith.constant 4 : i32
    %get3A_780 = arith.constant 2 : i32
    %get3A_781 = arith.index_cast %get3A_779 : i32 to index
    %get3A_782 = arith.index_cast %get3A_780 : i32 to index
    %get3A_783 = arith.constant 0 : index
    %get3A_784 = tpu.vector_load %arg14[%get3A_781, %get3A_782, %get3A_783] {strides = array<i32>} : memref<16x4x16xf32, #tpu.memory_space<vmem>>, vector<16xf32>,
    %add3A_785 = arith.addf %add3A_778, %get3A_784 : vector<16xf32>
    %get3A_786 = arith.constant 5 : i32
    %get3A_787 = arith.constant 2 : i32
    %get3A_788 = arith.index_cast %get3A_786 : i32 to index
    %get3A_789 = arith.index_cast %get3A_787 : i32 to index
    %get3A_790 = arith.constant 0 : index
    %get3A_791 = tpu.vector_load %arg14[%get3A_788, %get3A_789, %get3A_790] {strides = array<i32>} : memref<16x4x16xf32, #tpu.memory_space<vmem>>, vector<16xf32>,
    %add3A_792 = arith.addf %add3A_785, %get3A_791 : vector<16xf32>
    %get3A_793 = arith.constant 6 : i32
    %get3A_794 = arith.constant 2 : i32
    %get3A_795 = arith.index_cast %get3A_793 : i32 to index
    %get3A_796 = arith.index_cast %get3A_794 : i32 to index
    %get3A_797 = arith.constant 0 : index
    %get3A_798 = tpu.vector_load %arg14[%get3A_795, %get3A_796, %get3A_797] {strides = array<i32>} : memref<16x4x16xf32, #tpu.memory_space<vmem>>, vector<16xf32>,
    %add3A_799 = arith.addf %add3A_792, %get3A_798 : vector<16xf32>
    %get3A_800 = arith.constant 7 : i32
    %get3A_801 = arith.constant 2 : i32
    %get3A_802 = arith.index_cast %get3A_800 : i32 to index
    %get3A_803 = arith.index_cast %get3A_801 : i32 to index
    %get3A_804 = arith.constant 0 : index
    %get3A_805 = tpu.vector_load %arg14[%get3A_802, %get3A_803, %get3A_804] {strides = array<i32>} : memref<16x4x16xf32, #tpu.memory_space<vmem>>, vector<16xf32>,
    %add3A_806 = arith.addf %add3A_799, %get3A_805 : vector<16xf32>
    %get3A_807 = arith.constant 8 : i32
    %get3A_808 = arith.constant 2 : i32
    %get3A_809 = arith.index_cast %get3A_807 : i32 to index
    %get3A_810 = arith.index_cast %get3A_808 : i32 to index
    %get3A_811 = arith.constant 0 : index
    %get3A_812 = tpu.vector_load %arg14[%get3A_809, %get3A_810, %get3A_811] {strides = array<i32>} : memref<16x4x16xf32, #tpu.memory_space<vmem>>, vector<16xf32>,
    %add3A_813 = arith.addf %add3A_806, %get3A_812 : vector<16xf32>
    %get3A_814 = arith.constant 9 : i32
    %get3A_815 = arith.constant 2 : i32
    %get3A_816 = arith.index_cast %get3A_814 : i32 to index
    %get3A_817 = arith.index_cast %get3A_815 : i32 to index
    %get3A_818 = arith.constant 0 : index
    %get3A_819 = tpu.vector_load %arg14[%get3A_816, %get3A_817, %get3A_818] {strides = array<i32>} : memref<16x4x16xf32, #tpu.memory_space<vmem>>, vector<16xf32>,
    %add3A_820 = arith.addf %add3A_813, %get3A_819 : vector<16xf32>
    %get3A_821 = arith.constant 10 : i32
    %get3A_822 = arith.constant 2 : i32
    %get3A_823 = arith.index_cast %get3A_821 : i32 to index
    %get3A_824 = arith.index_cast %get3A_822 : i32 to index
    %get3A_825 = arith.constant 0 : index
    %get3A_826 = tpu.vector_load %arg14[%get3A_823, %get3A_824, %get3A_825] {strides = array<i32>} : memref<16x4x16xf32, #tpu.memory_space<vmem>>, vector<16xf32>,
    %add3A_827 = arith.addf %add3A_820, %get3A_826 : vector<16xf32>
    %get3A_828 = arith.constant 11 : i32
    %get3A_829 = arith.constant 2 : i32
    %get3A_830 = arith.index_cast %get3A_828 : i32 to index
    %get3A_831 = arith.index_cast %get3A_829 : i32 to index
    %get3A_832 = arith.constant 0 : index
    %get3A_833 = tpu.vector_load %arg14[%get3A_830, %get3A_831, %get3A_832] {strides = array<i32>} : memref<16x4x16xf32, #tpu.memory_space<vmem>>, vector<16xf32>,
    %add3A_834 = arith.addf %add3A_827, %get3A_833 : vector<16xf32>
    %get3A_835 = arith.constant 12 : i32
    %get3A_836 = arith.constant 2 : i32
    %get3A_837 = arith.index_cast %get3A_835 : i32 to index
    %get3A_838 = arith.index_cast %get3A_836 : i32 to index
    %get3A_839 = arith.constant 0 : index
    %get3A_840 = tpu.vector_load %arg14[%get3A_837, %get3A_838, %get3A_839] {strides = array<i32>} : memref<16x4x16xf32, #tpu.memory_space<vmem>>, vector<16xf32>,
    %add3A_841 = arith.addf %add3A_834, %get3A_840 : vector<16xf32>
    %get3A_842 = arith.constant 13 : i32
    %get3A_843 = arith.constant 2 : i32
    %get3A_844 = arith.index_cast %get3A_842 : i32 to index
    %get3A_845 = arith.index_cast %get3A_843 : i32 to index
    %get3A_846 = arith.constant 0 : index
    %get3A_847 = tpu.vector_load %arg14[%get3A_844, %get3A_845, %get3A_846] {strides = array<i32>} : memref<16x4x16xf32, #tpu.memory_space<vmem>>, vector<16xf32>,
    %add3A_848 = arith.addf %add3A_841, %get3A_847 : vector<16xf32>
    %get3A_849 = arith.constant 14 : i32
    %get3A_850 = arith.constant 2 : i32
    %get3A_851 = arith.index_cast %get3A_849 : i32 to index
    %get3A_852 = arith.index_cast %get3A_850 : i32 to index
    %get3A_853 = arith.constant 0 : index
    %get3A_854 = tpu.vector_load %arg14[%get3A_851, %get3A_852, %get3A_853] {strides = array<i32>} : memref<16x4x16xf32, #tpu.memory_space<vmem>>, vector<16xf32>,
    %add3A_855 = arith.addf %add3A_848, %get3A_854 : vector<16xf32>
    %get3A_856 = arith.constant 15 : i32
    %get3A_857 = arith.constant 2 : i32
    %get3A_858 = arith.index_cast %get3A_856 : i32 to index
    %get3A_859 = arith.index_cast %get3A_857 : i32 to index
    %get3A_860 = arith.constant 0 : index
    %get3A_861 = tpu.vector_load %arg14[%get3A_858, %get3A_859, %get3A_860] {strides = array<i32>} : memref<16x4x16xf32, #tpu.memory_space<vmem>>, vector<16xf32>,
    %add3A_862 = arith.addf %add3A_855, %get3A_861 : vector<16xf32>
    %max3A_863 = arith.constant 1.000000e+00 : f32
    %max3A_864 = vector.broadcast %max3A_863 : f32 to vector<16xf32>
    %max3A_865 = arith.maximumf %add3A_862, %max3A_864 : vector<16xf32>
    %div3A_866 = arith.constant 1.000000e+00 : f32
    %div3A_867 = vector.broadcast %div3A_866 : f32 to vector<16xf32>
    %div3A_868 = arith.divf %div3A_867, %max3A_865 : vector<16xf32>
    %swap3A_869 = arith.constant 2 : i32
    %swap3A_870 = arith.index_cast %swap3A_869 : i32 to index
    %swap3A_871 = arith.constant 0 : index
    %swap3A_872 = tpu.vector_load %arg15[%swap3A_870, %swap3A_871] {strides = array<i32>} : memref<8x16xf32, #tpu.memory_space<vmem>>, vector<16xf32>,
    tpu.vector_store %arg15[%swap3A_870, %swap3A_871], %div3A_868 {strides = array<i32>} : memref<8x16xf32, #tpu.memory_space<vmem>>, vector<16xf32>,
    %gt3A_873 = arith.constant 0.000000e+00 : f32
    %gt3A_874 = vector.broadcast %gt3A_873 : f32 to vector<16xf32>
    %gt3A_875 = arith.cmpf ogt, %add3A_862, %gt3A_874 : vector<16xf32>
    %jit3A_876 = arith.constant 1.000000e+00 : f32
    %jit3A_877 = arith.constant 0.000000e+00 : f32
    %broadcast_in_dim3A_878 = vector.broadcast %jit3A_876 : f32 to vector<16xf32>
    %broadcast_in_dim3A_879 = vector.broadcast %jit3A_877 : f32 to vector<16xf32>
    %select_n3A_880 = arith.select %gt3A_875, %broadcast_in_dim3A_878, %broadcast_in_dim3A_879 : vector<16xi1>, vector<16xf32>
    %swap3A_881 = arith.constant 6 : i32
    %swap3A_882 = arith.index_cast %swap3A_881 : i32 to index
    %swap3A_883 = arith.constant 0 : index
    %swap3A_884 = tpu.vector_load %arg15[%swap3A_882, %swap3A_883] {strides = array<i32>} : memref<8x16xf32, #tpu.memory_space<vmem>>, vector<16xf32>,
    tpu.vector_store %arg15[%swap3A_882, %swap3A_883], %select_n3A_880 {strides = array<i32>} : memref<8x16xf32, #tpu.memory_space<vmem>>, vector<16xf32>,
    %get3A_885 = arith.constant 0 : i32
    %get3A_886 = arith.constant 3 : i32
    %get3A_887 = arith.index_cast %get3A_885 : i32 to index
    %get3A_888 = arith.index_cast %get3A_886 : i32 to index
    %get3A_889 = arith.constant 0 : index
    %get3A_890 = tpu.vector_load %arg14[%get3A_887, %get3A_888, %get3A_889] {strides = array<i32>} : memref<16x4x16xf32, #tpu.memory_space<vmem>>, vector<16xf32>,
    %get3A_891 = arith.constant 1 : i32
    %get3A_892 = arith.constant 3 : i32
    %get3A_893 = arith.index_cast %get3A_891 : i32 to index
    %get3A_894 = arith.index_cast %get3A_892 : i32 to index
    %get3A_895 = arith.constant 0 : index
    %get3A_896 = tpu.vector_load %arg14[%get3A_893, %get3A_894, %get3A_895] {strides = array<i32>} : memref<16x4x16xf32, #tpu.memory_space<vmem>>, vector<16xf32>,
    %add3A_897 = arith.addf %get3A_890, %get3A_896 : vector<16xf32>
    %get3A_898 = arith.constant 2 : i32
    %get3A_899 = arith.constant 3 : i32
    %get3A_900 = arith.index_cast %get3A_898 : i32 to index
    %get3A_901 = arith.index_cast %get3A_899 : i32 to index
    %get3A_902 = arith.constant 0 : index
    %get3A_903 = tpu.vector_load %arg14[%get3A_900, %get3A_901, %get3A_902] {strides = array<i32>} : memref<16x4x16xf32, #tpu.memory_space<vmem>>, vector<16xf32>,
    %add3A_904 = arith.addf %add3A_897, %get3A_903 : vector<16xf32>
    %get3A_905 = arith.constant 3 : i32
    %get3A_906 = arith.constant 3 : i32
    %get3A_907 = arith.index_cast %get3A_905 : i32 to index
    %get3A_908 = arith.index_cast %get3A_906 : i32 to index
    %get3A_909 = arith.constant 0 : index
    %get3A_910 = tpu.vector_load %arg14[%get3A_907, %get3A_908, %get3A_909] {strides = array<i32>} : memref<16x4x16xf32, #tpu.memory_space<vmem>>, vector<16xf32>,
    %add3A_911 = arith.addf %add3A_904, %get3A_910 : vector<16xf32>
    %get3A_912 = arith.constant 4 : i32
    %get3A_913 = arith.constant 3 : i32
    %get3A_914 = arith.index_cast %get3A_912 : i32 to index
    %get3A_915 = arith.index_cast %get3A_913 : i32 to index
    %get3A_916 = arith.constant 0 : index
    %get3A_917 = tpu.vector_load %arg14[%get3A_914, %get3A_915, %get3A_916] {strides = array<i32>} : memref<16x4x16xf32, #tpu.memory_space<vmem>>, vector<16xf32>,
    %add3A_918 = arith.addf %add3A_911, %get3A_917 : vector<16xf32>
    %get3A_919 = arith.constant 5 : i32
    %get3A_920 = arith.constant 3 : i32
    %get3A_921 = arith.index_cast %get3A_919 : i32 to index
    %get3A_922 = arith.index_cast %get3A_920 : i32 to index
    %get3A_923 = arith.constant 0 : index
    %get3A_924 = tpu.vector_load %arg14[%get3A_921, %get3A_922, %get3A_923] {strides = array<i32>} : memref<16x4x16xf32, #tpu.memory_space<vmem>>, vector<16xf32>,
    %add3A_925 = arith.addf %add3A_918, %get3A_924 : vector<16xf32>
    %get3A_926 = arith.constant 6 : i32
    %get3A_927 = arith.constant 3 : i32
    %get3A_928 = arith.index_cast %get3A_926 : i32 to index
    %get3A_929 = arith.index_cast %get3A_927 : i32 to index
    %get3A_930 = arith.constant 0 : index
    %get3A_931 = tpu.vector_load %arg14[%get3A_928, %get3A_929, %get3A_930] {strides = array<i32>} : memref<16x4x16xf32, #tpu.memory_space<vmem>>, vector<16xf32>,
    %add3A_932 = arith.addf %add3A_925, %get3A_931 : vector<16xf32>
    %get3A_933 = arith.constant 7 : i32
    %get3A_934 = arith.constant 3 : i32
    %get3A_935 = arith.index_cast %get3A_933 : i32 to index
    %get3A_936 = arith.index_cast %get3A_934 : i32 to index
    %get3A_937 = arith.constant 0 : index
    %get3A_938 = tpu.vector_load %arg14[%get3A_935, %get3A_936, %get3A_937] {strides = array<i32>} : memref<16x4x16xf32, #tpu.memory_space<vmem>>, vector<16xf32>,
    %add3A_939 = arith.addf %add3A_932, %get3A_938 : vector<16xf32>
    %get3A_940 = arith.constant 8 : i32
    %get3A_941 = arith.constant 3 : i32
    %get3A_942 = arith.index_cast %get3A_940 : i32 to index
    %get3A_943 = arith.index_cast %get3A_941 : i32 to index
    %get3A_944 = arith.constant 0 : index
    %get3A_945 = tpu.vector_load %arg14[%get3A_942, %get3A_943, %get3A_944] {strides = array<i32>} : memref<16x4x16xf32, #tpu.memory_space<vmem>>, vector<16xf32>,
    %add3A_946 = arith.addf %add3A_939, %get3A_945 : vector<16xf32>
    %get3A_947 = arith.constant 9 : i32
    %get3A_948 = arith.constant 3 : i32
    %get3A_949 = arith.index_cast %get3A_947 : i32 to index
    %get3A_950 = arith.index_cast %get3A_948 : i32 to index
    %get3A_951 = arith.constant 0 : index
    %get3A_952 = tpu.vector_load %arg14[%get3A_949, %get3A_950, %get3A_951] {strides = array<i32>} : memref<16x4x16xf32, #tpu.memory_space<vmem>>, vector<16xf32>,
    %add3A_953 = arith.addf %add3A_946, %get3A_952 : vector<16xf32>
    %get3A_954 = arith.constant 10 : i32
    %get3A_955 = arith.constant 3 : i32
    %get3A_956 = arith.index_cast %get3A_954 : i32 to index
    %get3A_957 = arith.index_cast %get3A_955 : i32 to index
    %get3A_958 = arith.constant 0 : index
    %get3A_959 = tpu.vector_load %arg14[%get3A_956, %get3A_957, %get3A_958] {strides = array<i32>} : memref<16x4x16xf32, #tpu.memory_space<vmem>>, vector<16xf32>,
    %add3A_960 = arith.addf %add3A_953, %get3A_959 : vector<16xf32>
    %get3A_961 = arith.constant 11 : i32
    %get3A_962 = arith.constant 3 : i32
    %get3A_963 = arith.index_cast %get3A_961 : i32 to index
    %get3A_964 = arith.index_cast %get3A_962 : i32 to index
    %get3A_965 = arith.constant 0 : index
    %get3A_966 = tpu.vector_load %arg14[%get3A_963, %get3A_964, %get3A_965] {strides = array<i32>} : memref<16x4x16xf32, #tpu.memory_space<vmem>>, vector<16xf32>,
    %add3A_967 = arith.addf %add3A_960, %get3A_966 : vector<16xf32>
    %get3A_968 = arith.constant 12 : i32
    %get3A_969 = arith.constant 3 : i32
    %get3A_970 = arith.index_cast %get3A_968 : i32 to index
    %get3A_971 = arith.index_cast %get3A_969 : i32 to index
    %get3A_972 = arith.constant 0 : index
    %get3A_973 = tpu.vector_load %arg14[%get3A_970, %get3A_971, %get3A_972] {strides = array<i32>} : memref<16x4x16xf32, #tpu.memory_space<vmem>>, vector<16xf32>,
    %add3A_974 = arith.addf %add3A_967, %get3A_973 : vector<16xf32>
    %get3A_975 = arith.constant 13 : i32
    %get3A_976 = arith.constant 3 : i32
    %get3A_977 = arith.index_cast %get3A_975 : i32 to index
    %get3A_978 = arith.index_cast %get3A_976 : i32 to index
    %get3A_979 = arith.constant 0 : index
    %get3A_980 = tpu.vector_load %arg14[%get3A_977, %get3A_978, %get3A_979] {strides = array<i32>} : memref<16x4x16xf32, #tpu.memory_space<vmem>>, vector<16xf32>,
    %add3A_981 = arith.addf %add3A_974, %get3A_980 : vector<16xf32>
    %get3A_982 = arith.constant 14 : i32
    %get3A_983 = arith.constant 3 : i32
    %get3A_984 = arith.index_cast %get3A_982 : i32 to index
    %get3A_985 = arith.index_cast %get3A_983 : i32 to index
    %get3A_986 = arith.constant 0 : index
    %get3A_987 = tpu.vector_load %arg14[%get3A_984, %get3A_985, %get3A_986] {strides = array<i32>} : memref<16x4x16xf32, #tpu.memory_space<vmem>>, vector<16xf32>,
    %add3A_988 = arith.addf %add3A_981, %get3A_987 : vector<16xf32>
    %get3A_989 = arith.constant 15 : i32
    %get3A_990 = arith.constant 3 : i32
    %get3A_991 = arith.index_cast %get3A_989 : i32 to index
    %get3A_992 = arith.index_cast %get3A_990 : i32 to index
    %get3A_993 = arith.constant 0 : index
    %get3A_994 = tpu.vector_load %arg14[%get3A_991, %get3A_992, %get3A_993] {strides = array<i32>} : memref<16x4x16xf32, #tpu.memory_space<vmem>>, vector<16xf32>,
    %add3A_995 = arith.addf %add3A_988, %get3A_994 : vector<16xf32>
    %max3A_996 = arith.constant 1.000000e+00 : f32
    %max3A_997 = vector.broadcast %max3A_996 : f32 to vector<16xf32>
    %max3A_998 = arith.maximumf %add3A_995, %max3A_997 : vector<16xf32>
    %div3A_999 = arith.constant 1.000000e+00 : f32
    %div3A_1000 = vector.broadcast %div3A_999 : f32 to vector<16xf32>
    %div3A_1001 = arith.divf %div3A_1000, %max3A_998 : vector<16xf32>
    %swap3A_1002 = arith.constant 3 : i32
    %swap3A_1003 = arith.index_cast %swap3A_1002 : i32 to index
    %swap3A_1004 = arith.constant 0 : index
    %swap3A_1005 = tpu.vector_load %arg15[%swap3A_1003, %swap3A_1004] {strides = array<i32>} : memref<8x16xf32, #tpu.memory_space<vmem>>, vector<16xf32>,
    tpu.vector_store %arg15[%swap3A_1003, %swap3A_1004], %div3A_1001 {strides = array<i32>} : memref<8x16xf32, #tpu.memory_space<vmem>>, vector<16xf32>,
    %gt3A_1006 = arith.constant 0.000000e+00 : f32
    %gt3A_1007 = vector.broadcast %gt3A_1006 : f32 to vector<16xf32>
    %gt3A_1008 = arith.cmpf ogt, %add3A_995, %gt3A_1007 : vector<16xf32>
    %jit3A_1009 = arith.constant 1.000000e+00 : f32
    %jit3A_1010 = arith.constant 0.000000e+00 : f32
    %broadcast_in_dim3A_1011 = vector.broadcast %jit3A_1009 : f32 to vector<16xf32>
    %broadcast_in_dim3A_1012 = vector.broadcast %jit3A_1010 : f32 to vector<16xf32>
    %select_n3A_1013 = arith.select %gt3A_1008, %broadcast_in_dim3A_1011, %broadcast_in_dim3A_1012 : vector<16xi1>, vector<16xf32>
    %swap3A_1014 = arith.constant 7 : i32
    %swap3A_1015 = arith.index_cast %swap3A_1014 : i32 to index
    %swap3A_1016 = arith.constant 0 : index
    %swap3A_1017 = tpu.vector_load %arg15[%swap3A_1015, %swap3A_1016] {strides = array<i32>} : memref<8x16xf32, #tpu.memory_space<vmem>>, vector<16xf32>,
    tpu.vector_store %arg15[%swap3A_1015, %swap3A_1016], %select_n3A_1013 {strides = array<i32>} : memref<8x16xf32, #tpu.memory_space<vmem>>, vector<16xf32>,
    %mul3A_1018 = arith.constant 4 : i32
    %mul3A_1019 = arith.muli %arg1, %mul3A_1018 : i32
    "tpu.region"() ({
      %run_scoped3A = tpu.sem_alloc : memref<!tpu.dma_semaphore, #tpu.memory_space<semaphore_mem>>
      %dma_start3A_1043 = arith.constant 0 : i32
      %dma_start3A_1044 = arith.constant 0 : i32
      %dma_start3A_1045 = tpu.memref_slice %arg15[%dma_start3A_1043, %dma_start3A_1044] : memref<8x16xf32, #tpu.memory_space<vmem>> -> memref<4x16xf32, #tpu.memory_space<vmem>>
      %dma_start3A_1046 = arith.constant 0 : i32
      %dma_start3A_1047 = tpu.memref_slice %arg24[%mul3A_1019, %dma_start3A_1046] : memref<128x16xf32, #tpu.memory_space<vmem_shared>> -> memref<4x16xf32, #tpu.memory_space<vmem_shared>>
      %dma_start3A_1048 = arith.constant 0 : i32
      %dma_start3A_1049 = tpu.memref_slice %arg24[%mul3A_1019, %dma_start3A_1048] : memref<128x16xf32, #tpu.memory_space<vmem_shared>> -> memref<4x16xf32, #tpu.memory_space<vmem_shared>>
      %dma_start3A_1050 = arith.constant 0 : i32
      %dma_start3A_1051 = arith.constant 0 : i32
      %dma_start3A_1052 = tpu.memref_slice %arg15[%dma_start3A_1050, %dma_start3A_1051] : memref<8x16xf32, #tpu.memory_space<vmem>> -> memref<4x16xf32, #tpu.memory_space<vmem>>
      tpu.enqueue_dma source(%dma_start3A_1052 : memref<4x16xf32, #tpu.memory_space<vmem>>) target(%dma_start3A_1049 : memref<4x16xf32, #tpu.memory_space<vmem_shared>>) target_semaphore(%run_scoped3A : memref<!tpu.dma_semaphore, #tpu.memory_space<semaphore_mem>>)
      %dma_wait3A_1053 = arith.constant 0 : i32
      %dma_wait3A_1054 = arith.constant 0 : i32
      %dma_wait3A_1055 = tpu.memref_slice %arg15[%dma_wait3A_1053, %dma_wait3A_1054] : memref<8x16xf32, #tpu.memory_space<vmem>> -> memref<4x16xf32, #tpu.memory_space<vmem>>
      %dma_wait3A_1056 = arith.constant 0 : i32
      %dma_wait3A_1057 = tpu.memref_slice %arg24[%mul3A_1019, %dma_wait3A_1056] : memref<128x16xf32, #tpu.memory_space<vmem_shared>> -> memref<4x16xf32, #tpu.memory_space<vmem_shared>>
      %dma_wait3A_1058 = arith.constant 0 : i32
      %dma_wait3A_1059 = tpu.memref_slice %arg24[%mul3A_1019, %dma_wait3A_1058] : memref<128x16xf32, #tpu.memory_space<vmem_shared>> -> memref<4x16xf32, #tpu.memory_space<vmem_shared>>
      %dma_wait3A_1060 = arith.constant 0 : i32
      %dma_wait3A_1061 = arith.constant 0 : i32
      %dma_wait3A_1062 = tpu.memref_slice %arg15[%dma_wait3A_1060, %dma_wait3A_1061] : memref<8x16xf32, #tpu.memory_space<vmem>> -> memref<4x16xf32, #tpu.memory_space<vmem>>
      tpu.wait_dma2 semaphore(%run_scoped3A : memref<!tpu.dma_semaphore, #tpu.memory_space<semaphore_mem>>) src(%dma_wait3A_1062 : memref<4x16xf32, #tpu.memory_space<vmem>>) dst(%dma_wait3A_1059 : memref<4x16xf32, #tpu.memory_space<vmem_shared>>)
      tpu.yield
    }) : () -> ()
    %mul3A_1020 = arith.constant 4 : i32
    %mul3A_1021 = arith.muli %arg1, %mul3A_1020 : i32
    %add3A_1022 = arith.constant 64 : i32
    %add3A_1023 = arith.addi %add3A_1022, %mul3A_1021 : i32
    "tpu.region"() ({
      %run_scoped3A = tpu.sem_alloc : memref<!tpu.dma_semaphore, #tpu.memory_space<semaphore_mem>>
      %dma_start3A_1043 = arith.constant 4 : i32
      %dma_start3A_1044 = arith.constant 0 : i32
      %dma_start3A_1045 = tpu.memref_slice %arg15[%dma_start3A_1043, %dma_start3A_1044] : memref<8x16xf32, #tpu.memory_space<vmem>> -> memref<4x16xf32, #tpu.memory_space<vmem>>
      %dma_start3A_1046 = arith.constant 0 : i32
      %dma_start3A_1047 = tpu.memref_slice %arg24[%add3A_1023, %dma_start3A_1046] : memref<128x16xf32, #tpu.memory_space<vmem_shared>> -> memref<4x16xf32, #tpu.memory_space<vmem_shared>>
      %dma_start3A_1048 = arith.constant 0 : i32
      %dma_start3A_1049 = tpu.memref_slice %arg24[%add3A_1023, %dma_start3A_1048] : memref<128x16xf32, #tpu.memory_space<vmem_shared>> -> memref<4x16xf32, #tpu.memory_space<vmem_shared>>
      %dma_start3A_1050 = arith.constant 4 : i32
      %dma_start3A_1051 = arith.constant 0 : i32
      %dma_start3A_1052 = tpu.memref_slice %arg15[%dma_start3A_1050, %dma_start3A_1051] : memref<8x16xf32, #tpu.memory_space<vmem>> -> memref<4x16xf32, #tpu.memory_space<vmem>>
      tpu.enqueue_dma source(%dma_start3A_1052 : memref<4x16xf32, #tpu.memory_space<vmem>>) target(%dma_start3A_1049 : memref<4x16xf32, #tpu.memory_space<vmem_shared>>) target_semaphore(%run_scoped3A : memref<!tpu.dma_semaphore, #tpu.memory_space<semaphore_mem>>)
      %dma_wait3A_1053 = arith.constant 4 : i32
      %dma_wait3A_1054 = arith.constant 0 : i32
      %dma_wait3A_1055 = tpu.memref_slice %arg15[%dma_wait3A_1053, %dma_wait3A_1054] : memref<8x16xf32, #tpu.memory_space<vmem>> -> memref<4x16xf32, #tpu.memory_space<vmem>>
      %dma_wait3A_1056 = arith.constant 0 : i32
      %dma_wait3A_1057 = tpu.memref_slice %arg24[%add3A_1023, %dma_wait3A_1056] : memref<128x16xf32, #tpu.memory_space<vmem_shared>> -> memref<4x16xf32, #tpu.memory_space<vmem_shared>>
      %dma_wait3A_1058 = arith.constant 0 : i32
      %dma_wait3A_1059 = tpu.memref_slice %arg24[%add3A_1023, %dma_wait3A_1058] : memref<128x16xf32, #tpu.memory_space<vmem_shared>> -> memref<4x16xf32, #tpu.memory_space<vmem_shared>>
      %dma_wait3A_1060 = arith.constant 4 : i32
      %dma_wait3A_1061 = arith.constant 0 : i32
      %dma_wait3A_1062 = tpu.memref_slice %arg15[%dma_wait3A_1060, %dma_wait3A_1061] : memref<8x16xf32, #tpu.memory_space<vmem>> -> memref<4x16xf32, #tpu.memory_space<vmem>>
      tpu.wait_dma2 semaphore(%run_scoped3A : memref<!tpu.dma_semaphore, #tpu.memory_space<semaphore_mem>>) src(%dma_wait3A_1062 : memref<4x16xf32, #tpu.memory_space<vmem>>) dst(%dma_wait3A_1059 : memref<4x16xf32, #tpu.memory_space<vmem_shared>>)
      tpu.yield
    }) : () -> ()
    %barrier3A_1024 = arith.constant 0 : index
    tpu.barrier barrier_id(%barrier3A_1024)
    "tpu.region"() ({
      %run_scoped3A = tpu.sem_alloc : memref<!tpu.dma_semaphore, #tpu.memory_space<semaphore_mem>>
      tpu.enqueue_dma source(%arg24 : memref<128x16xf32, #tpu.memory_space<vmem_shared>>) target(%arg16 : memref<128x16xf32, #tpu.memory_space<vmem>>) target_semaphore(%run_scoped3A : memref<!tpu.dma_semaphore, #tpu.memory_space<semaphore_mem>>)
      tpu.wait_dma2 semaphore(%run_scoped3A : memref<!tpu.dma_semaphore, #tpu.memory_space<semaphore_mem>>) src(%arg24 : memref<128x16xf32, #tpu.memory_space<vmem_shared>>) dst(%arg16 : memref<128x16xf32, #tpu.memory_space<vmem>>)
      tpu.yield
    }) : () -> ()
    %dma_wait3A_1025 = arith.constant 0 : i32
    %dma_wait3A_1026 = arith.constant 0 : i32
    %dma_wait3A_1027 = tpu.memref_slice %arg13[%dma_wait3A_1025, %dma_wait3A_1026] : memref<1024x32xf32, #tpu.memory_space<vmem>> -> memref<1000x32xf32, #tpu.memory_space<vmem>>
    %dma_wait3A_1028 = arith.constant 0 : i32
    %dma_wait3A_1029 = tpu.memref_slice %arg4[%dma_wait3A_1028, %mul3A_2] : memref<1000x1024xf32, #tpu.memory_space<hbm>> -> memref<1000x32xf32, #tpu.memory_space<hbm>>
    %dma_wait3A_1030 = arith.constant 0 : i32
    %dma_wait3A_1031 = arith.constant 0 : i32
    %dma_wait3A_1032 = tpu.memref_slice %arg13[%dma_wait3A_1030, %dma_wait3A_1031] : memref<1024x32xf32, #tpu.memory_space<vmem>> -> memref<1000x32xf32, #tpu.memory_space<vmem>>
    %dma_wait3A_1033 = arith.constant 0 : i32
    %dma_wait3A_1034 = tpu.memref_slice %arg4[%dma_wait3A_1033, %mul3A_2] : memref<1000x1024xf32, #tpu.memory_space<hbm>> -> memref<1000x32xf32, #tpu.memory_space<hbm>>
    tpu.wait_dma2 semaphore(%arg22 : memref<!tpu.dma_semaphore, #tpu.memory_space<semaphore_mem>>) src(%dma_wait3A_1034 : memref<1000x32xf32, #tpu.memory_space<hbm>>) dst(%dma_wait3A_1032 : memref<1000x32xf32, #tpu.memory_space<vmem>>)
    %scan3A_1035 = arith.constant 0 : i32
    %scan3A_1036 = arith.constant 64 : i32
    %scan3A_1037 = arith.addi %scan3A_1035, %scan3A_1036 : i32
    %scan3A_1038 = arith.constant 1 : i32
    %scan3A_1039 = scf.for %scan3A_1043 = %scan3A_1035 to %scan3A_1037 step %scan3A_1038 iter_args(%scan3A_1044 = %broadcast_in_dim3A_3) -> (vector<16xf32>)  : i32 {
      %get3A_1045 = arith.index_cast %scan3A_1043 : i32 to index
      %get3A_1046 = arith.constant 0 : index
      %get3A_1047 = tpu.vector_load %arg16[%get3A_1045, %get3A_1046] {strides = array<i32>} : memref<128x16xf32, #tpu.memory_space<vmem>>, vector<16xf32>,
      %add3A_1048 = arith.constant 64 : i32
      %add3A_1049 = arith.addi %add3A_1048, %scan3A_1043 : i32
      %get3A_1050 = arith.index_cast %add3A_1049 : i32 to index
      %get3A_1051 = arith.constant 0 : index
      %get3A_1052 = tpu.vector_load %arg16[%get3A_1050, %get3A_1051] {strides = array<i32>} : memref<128x16xf32, #tpu.memory_space<vmem>>, vector<16xf32>,
      %mul3A_1053 = arith.constant 16 : i32
      %mul3A_1054 = arith.muli %scan3A_1043, %mul3A_1053 : i32
      %add3A_1055 = arith.constant 0 : i32
      %add3A_1056 = arith.addi %mul3A_1054, %add3A_1055 : i32
      %slice3A = vector.extract_strided_slice %get3A_1047 {offsets = [0], sizes = [1], strides = [1]} : vector<16xf32> to vector<1xf32>
      %squeeze3A = vector.extract %slice3A[0] : f32 from vector<1xf32>
      %broadcast_in_dim3A_1057 = vector.broadcast %squeeze3A : f32 to vector<16xf32>
      %slice3A_1058 = vector.extract_strided_slice %get3A_1052 {offsets = [0], sizes = [1], strides = [1]} : vector<16xf32> to vector<1xf32>
      %squeeze3A_1059 = vector.extract %slice3A_1058[0] : f32 from vector<1xf32>
      %broadcast_in_dim3A_1060 = vector.broadcast %squeeze3A_1059 : f32 to vector<16xf32>
      %get3A_1061 = arith.index_cast %add3A_1056 : i32 to index
      %get3A_1062 = arith.constant 0 : index
      %get3A_1063 = tpu.vector_load %arg10[%get3A_1061, %get3A_1062] {strides = array<i32>} : memref<1024x16xf32, #tpu.memory_space<vmem>>, vector<16xf32>,
      %mul3A_1064 = arith.mulf %get3A_1063, %broadcast_in_dim3A_1057 : vector<16xf32>
      %get3A_1065 = arith.index_cast %add3A_1056 : i32 to index
      %get3A_1066 = arith.constant 0 : index
      %get3A_1067 = tpu.vector_load %arg13[%get3A_1065, %get3A_1066] {strides = array<i32>} : memref<1024x32xf32, #tpu.memory_space<vmem>>, vector<16xf32>,
      %sub3A = arith.subf %mul3A_1064, %get3A_1067 : vector<16xf32>
      %get3A_1068 = arith.index_cast %add3A_1056 : i32 to index
      %get3A_1069 = arith.constant 0 : index
      %get3A_1070 = tpu.vector_load %arg11[%get3A_1068, %get3A_1069] {strides = array<i32>} : memref<1024x16xf32, #tpu.memory_space<vmem>>, vector<16xf32>,
      %mul3A_1071 = arith.mulf %get3A_1070, %broadcast_in_dim3A_1057 : vector<16xf32>
      %get3A_1072 = arith.index_cast %add3A_1056 : i32 to index
      %get3A_1073 = arith.constant 16 : index
      %get3A_1074 = tpu.vector_load %arg13[%get3A_1072, %get3A_1073] {strides = array<i32>} : memref<1024x32xf32, #tpu.memory_space<vmem>>, vector<16xf32>,
      %sub3A_1075 = arith.subf %mul3A_1071, %get3A_1074 : vector<16xf32>
      %mul3A_1076 = arith.mulf %sub3A, %sub3A : vector<16xf32>
      %mul3A_1077 = arith.mulf %sub3A_1075, %sub3A_1075 : vector<16xf32>
      %add3A_1078 = arith.addf %mul3A_1076, %mul3A_1077 : vector<16xf32>
      %mul3A_1079 = arith.mulf %add3A_1078, %broadcast_in_dim3A_1060 : vector<16xf32>
      %add3A_1080 = arith.addf %scan3A_1044, %mul3A_1079 : vector<16xf32>
      %mul3A_1081 = arith.constant 16 : i32
      %mul3A_1082 = arith.muli %scan3A_1043, %mul3A_1081 : i32
      %add3A_1083 = arith.constant 1 : i32
      %add3A_1084 = arith.addi %mul3A_1082, %add3A_1083 : i32
      %slice3A_1085 = vector.extract_strided_slice %get3A_1047 {offsets = [1], sizes = [1], strides = [1]} : vector<16xf32> to vector<1xf32>
      %squeeze3A_1086 = vector.extract %slice3A_1085[0] : f32 from vector<1xf32>
      %broadcast_in_dim3A_1087 = vector.broadcast %squeeze3A_1086 : f32 to vector<16xf32>
      %slice3A_1088 = vector.extract_strided_slice %get3A_1052 {offsets = [1], sizes = [1], strides = [1]} : vector<16xf32> to vector<1xf32>
      %squeeze3A_1089 = vector.extract %slice3A_1088[0] : f32 from vector<1xf32>
      %broadcast_in_dim3A_1090 = vector.broadcast %squeeze3A_1089 : f32 to vector<16xf32>
      %get3A_1091 = arith.index_cast %add3A_1084 : i32 to index
      %get3A_1092 = arith.constant 0 : index
      %get3A_1093 = tpu.vector_load %arg10[%get3A_1091, %get3A_1092] {strides = array<i32>} : memref<1024x16xf32, #tpu.memory_space<vmem>>, vector<16xf32>,
      %mul3A_1094 = arith.mulf %get3A_1093, %broadcast_in_dim3A_1087 : vector<16xf32>
      %get3A_1095 = arith.index_cast %add3A_1084 : i32 to index
      %get3A_1096 = arith.constant 0 : index
      %get3A_1097 = tpu.vector_load %arg13[%get3A_1095, %get3A_1096] {strides = array<i32>} : memref<1024x32xf32, #tpu.memory_space<vmem>>, vector<16xf32>,
      %sub3A_1098 = arith.subf %mul3A_1094, %get3A_1097 : vector<16xf32>
      %get3A_1099 = arith.index_cast %add3A_1084 : i32 to index
      %get3A_1100 = arith.constant 0 : index
      %get3A_1101 = tpu.vector_load %arg11[%get3A_1099, %get3A_1100] {strides = array<i32>} : memref<1024x16xf32, #tpu.memory_space<vmem>>, vector<16xf32>,
      %mul3A_1102 = arith.mulf %get3A_1101, %broadcast_in_dim3A_1087 : vector<16xf32>
      %get3A_1103 = arith.index_cast %add3A_1084 : i32 to index
      %get3A_1104 = arith.constant 16 : index
      %get3A_1105 = tpu.vector_load %arg13[%get3A_1103, %get3A_1104] {strides = array<i32>} : memref<1024x32xf32, #tpu.memory_space<vmem>>, vector<16xf32>,
      %sub3A_1106 = arith.subf %mul3A_1102, %get3A_1105 : vector<16xf32>
      %mul3A_1107 = arith.mulf %sub3A_1098, %sub3A_1098 : vector<16xf32>
      %mul3A_1108 = arith.mulf %sub3A_1106, %sub3A_1106 : vector<16xf32>
      %add3A_1109 = arith.addf %mul3A_1107, %mul3A_1108 : vector<16xf32>
      %mul3A_1110 = arith.mulf %add3A_1109, %broadcast_in_dim3A_1090 : vector<16xf32>
      %add3A_1111 = arith.addf %add3A_1080, %mul3A_1110 : vector<16xf32>
      %mul3A_1112 = arith.constant 16 : i32
      %mul3A_1113 = arith.muli %scan3A_1043, %mul3A_1112 : i32
      %add3A_1114 = arith.constant 2 : i32
      %add3A_1115 = arith.addi %mul3A_1113, %add3A_1114 : i32
      %slice3A_1116 = vector.extract_strided_slice %get3A_1047 {offsets = [2], sizes = [1], strides = [1]} : vector<16xf32> to vector<1xf32>
      %squeeze3A_1117 = vector.extract %slice3A_1116[0] : f32 from vector<1xf32>
      %broadcast_in_dim3A_1118 = vector.broadcast %squeeze3A_1117 : f32 to vector<16xf32>
      %slice3A_1119 = vector.extract_strided_slice %get3A_1052 {offsets = [2], sizes = [1], strides = [1]} : vector<16xf32> to vector<1xf32>
      %squeeze3A_1120 = vector.extract %slice3A_1119[0] : f32 from vector<1xf32>
      %broadcast_in_dim3A_1121 = vector.broadcast %squeeze3A_1120 : f32 to vector<16xf32>
      %get3A_1122 = arith.index_cast %add3A_1115 : i32 to index
      %get3A_1123 = arith.constant 0 : index
      %get3A_1124 = tpu.vector_load %arg10[%get3A_1122, %get3A_1123] {strides = array<i32>} : memref<1024x16xf32, #tpu.memory_space<vmem>>, vector<16xf32>,
      %mul3A_1125 = arith.mulf %get3A_1124, %broadcast_in_dim3A_1118 : vector<16xf32>
      %get3A_1126 = arith.index_cast %add3A_1115 : i32 to index
      %get3A_1127 = arith.constant 0 : index
      %get3A_1128 = tpu.vector_load %arg13[%get3A_1126, %get3A_1127] {strides = array<i32>} : memref<1024x32xf32, #tpu.memory_space<vmem>>, vector<16xf32>,
      %sub3A_1129 = arith.subf %mul3A_1125, %get3A_1128 : vector<16xf32>
      %get3A_1130 = arith.index_cast %add3A_1115 : i32 to index
      %get3A_1131 = arith.constant 0 : index
      %get3A_1132 = tpu.vector_load %arg11[%get3A_1130, %get3A_1131] {strides = array<i32>} : memref<1024x16xf32, #tpu.memory_space<vmem>>, vector<16xf32>,
      %mul3A_1133 = arith.mulf %get3A_1132, %broadcast_in_dim3A_1118 : vector<16xf32>
      %get3A_1134 = arith.index_cast %add3A_1115 : i32 to index
      %get3A_1135 = arith.constant 16 : index
      %get3A_1136 = tpu.vector_load %arg13[%get3A_1134, %get3A_1135] {strides = array<i32>} : memref<1024x32xf32, #tpu.memory_space<vmem>>, vector<16xf32>,
      %sub3A_1137 = arith.subf %mul3A_1133, %get3A_1136 : vector<16xf32>
      %mul3A_1138 = arith.mulf %sub3A_1129, %sub3A_1129 : vector<16xf32>
      %mul3A_1139 = arith.mulf %sub3A_1137, %sub3A_1137 : vector<16xf32>
      %add3A_1140 = arith.addf %mul3A_1138, %mul3A_1139 : vector<16xf32>
      %mul3A_1141 = arith.mulf %add3A_1140, %broadcast_in_dim3A_1121 : vector<16xf32>
      %add3A_1142 = arith.addf %add3A_1111, %mul3A_1141 : vector<16xf32>
      %mul3A_1143 = arith.constant 16 : i32
      %mul3A_1144 = arith.muli %scan3A_1043, %mul3A_1143 : i32
      %add3A_1145 = arith.constant 3 : i32
      %add3A_1146 = arith.addi %mul3A_1144, %add3A_1145 : i32
      %slice3A_1147 = vector.extract_strided_slice %get3A_1047 {offsets = [3], sizes = [1], strides = [1]} : vector<16xf32> to vector<1xf32>
      %squeeze3A_1148 = vector.extract %slice3A_1147[0] : f32 from vector<1xf32>
      %broadcast_in_dim3A_1149 = vector.broadcast %squeeze3A_1148 : f32 to vector<16xf32>
      %slice3A_1150 = vector.extract_strided_slice %get3A_1052 {offsets = [3], sizes = [1], strides = [1]} : vector<16xf32> to vector<1xf32>
      %squeeze3A_1151 = vector.extract %slice3A_1150[0] : f32 from vector<1xf32>
      %broadcast_in_dim3A_1152 = vector.broadcast %squeeze3A_1151 : f32 to vector<16xf32>
      %get3A_1153 = arith.index_cast %add3A_1146 : i32 to index
      %get3A_1154 = arith.constant 0 : index
      %get3A_1155 = tpu.vector_load %arg10[%get3A_1153, %get3A_1154] {strides = array<i32>} : memref<1024x16xf32, #tpu.memory_space<vmem>>, vector<16xf32>,
      %mul3A_1156 = arith.mulf %get3A_1155, %broadcast_in_dim3A_1149 : vector<16xf32>
      %get3A_1157 = arith.index_cast %add3A_1146 : i32 to index
      %get3A_1158 = arith.constant 0 : index
      %get3A_1159 = tpu.vector_load %arg13[%get3A_1157, %get3A_1158] {strides = array<i32>} : memref<1024x32xf32, #tpu.memory_space<vmem>>, vector<16xf32>,
      %sub3A_1160 = arith.subf %mul3A_1156, %get3A_1159 : vector<16xf32>
      %get3A_1161 = arith.index_cast %add3A_1146 : i32 to index
      %get3A_1162 = arith.constant 0 : index
      %get3A_1163 = tpu.vector_load %arg11[%get3A_1161, %get3A_1162] {strides = array<i32>} : memref<1024x16xf32, #tpu.memory_space<vmem>>, vector<16xf32>,
      %mul3A_1164 = arith.mulf %get3A_1163, %broadcast_in_dim3A_1149 : vector<16xf32>
      %get3A_1165 = arith.index_cast %add3A_1146 : i32 to index
      %get3A_1166 = arith.constant 16 : index
      %get3A_1167 = tpu.vector_load %arg13[%get3A_1165, %get3A_1166] {strides = array<i32>} : memref<1024x32xf32, #tpu.memory_space<vmem>>, vector<16xf32>,
      %sub3A_1168 = arith.subf %mul3A_1164, %get3A_1167 : vector<16xf32>
      %mul3A_1169 = arith.mulf %sub3A_1160, %sub3A_1160 : vector<16xf32>
      %mul3A_1170 = arith.mulf %sub3A_1168, %sub3A_1168 : vector<16xf32>
      %add3A_1171 = arith.addf %mul3A_1169, %mul3A_1170 : vector<16xf32>
      %mul3A_1172 = arith.mulf %add3A_1171, %broadcast_in_dim3A_1152 : vector<16xf32>
      %add3A_1173 = arith.addf %add3A_1142, %mul3A_1172 : vector<16xf32>
      %mul3A_1174 = arith.constant 16 : i32
      %mul3A_1175 = arith.muli %scan3A_1043, %mul3A_1174 : i32
      %add3A_1176 = arith.constant 4 : i32
      %add3A_1177 = arith.addi %mul3A_1175, %add3A_1176 : i32
      %slice3A_1178 = vector.extract_strided_slice %get3A_1047 {offsets = [4], sizes = [1], strides = [1]} : vector<16xf32> to vector<1xf32>
      %squeeze3A_1179 = vector.extract %slice3A_1178[0] : f32 from vector<1xf32>
      %broadcast_in_dim3A_1180 = vector.broadcast %squeeze3A_1179 : f32 to vector<16xf32>
      %slice3A_1181 = vector.extract_strided_slice %get3A_1052 {offsets = [4], sizes = [1], strides = [1]} : vector<16xf32> to vector<1xf32>
      %squeeze3A_1182 = vector.extract %slice3A_1181[0] : f32 from vector<1xf32>
      %broadcast_in_dim3A_1183 = vector.broadcast %squeeze3A_1182 : f32 to vector<16xf32>
      %get3A_1184 = arith.index_cast %add3A_1177 : i32 to index
      %get3A_1185 = arith.constant 0 : index
      %get3A_1186 = tpu.vector_load %arg10[%get3A_1184, %get3A_1185] {strides = array<i32>} : memref<1024x16xf32, #tpu.memory_space<vmem>>, vector<16xf32>,
      %mul3A_1187 = arith.mulf %get3A_1186, %broadcast_in_dim3A_1180 : vector<16xf32>
      %get3A_1188 = arith.index_cast %add3A_1177 : i32 to index
      %get3A_1189 = arith.constant 0 : index
      %get3A_1190 = tpu.vector_load %arg13[%get3A_1188, %get3A_1189] {strides = array<i32>} : memref<1024x32xf32, #tpu.memory_space<vmem>>, vector<16xf32>,
      %sub3A_1191 = arith.subf %mul3A_1187, %get3A_1190 : vector<16xf32>
      %get3A_1192 = arith.index_cast %add3A_1177 : i32 to index
      %get3A_1193 = arith.constant 0 : index
      %get3A_1194 = tpu.vector_load %arg11[%get3A_1192, %get3A_1193] {strides = array<i32>} : memref<1024x16xf32, #tpu.memory_space<vmem>>, vector<16xf32>,
      %mul3A_1195 = arith.mulf %get3A_1194, %broadcast_in_dim3A_1180 : vector<16xf32>
      %get3A_1196 = arith.index_cast %add3A_1177 : i32 to index
      %get3A_1197 = arith.constant 16 : index
      %get3A_1198 = tpu.vector_load %arg13[%get3A_1196, %get3A_1197] {strides = array<i32>} : memref<1024x32xf32, #tpu.memory_space<vmem>>, vector<16xf32>,
      %sub3A_1199 = arith.subf %mul3A_1195, %get3A_1198 : vector<16xf32>
      %mul3A_1200 = arith.mulf %sub3A_1191, %sub3A_1191 : vector<16xf32>
      %mul3A_1201 = arith.mulf %sub3A_1199, %sub3A_1199 : vector<16xf32>
      %add3A_1202 = arith.addf %mul3A_1200, %mul3A_1201 : vector<16xf32>
      %mul3A_1203 = arith.mulf %add3A_1202, %broadcast_in_dim3A_1183 : vector<16xf32>
      %add3A_1204 = arith.addf %add3A_1173, %mul3A_1203 : vector<16xf32>
      %mul3A_1205 = arith.constant 16 : i32
      %mul3A_1206 = arith.muli %scan3A_1043, %mul3A_1205 : i32
      %add3A_1207 = arith.constant 5 : i32
      %add3A_1208 = arith.addi %mul3A_1206, %add3A_1207 : i32
      %slice3A_1209 = vector.extract_strided_slice %get3A_1047 {offsets = [5], sizes = [1], strides = [1]} : vector<16xf32> to vector<1xf32>
      %squeeze3A_1210 = vector.extract %slice3A_1209[0] : f32 from vector<1xf32>
      %broadcast_in_dim3A_1211 = vector.broadcast %squeeze3A_1210 : f32 to vector<16xf32>
      %slice3A_1212 = vector.extract_strided_slice %get3A_1052 {offsets = [5], sizes = [1], strides = [1]} : vector<16xf32> to vector<1xf32>
      %squeeze3A_1213 = vector.extract %slice3A_1212[0] : f32 from vector<1xf32>
      %broadcast_in_dim3A_1214 = vector.broadcast %squeeze3A_1213 : f32 to vector<16xf32>
      %get3A_1215 = arith.index_cast %add3A_1208 : i32 to index
      %get3A_1216 = arith.constant 0 : index
      %get3A_1217 = tpu.vector_load %arg10[%get3A_1215, %get3A_1216] {strides = array<i32>} : memref<1024x16xf32, #tpu.memory_space<vmem>>, vector<16xf32>,
      %mul3A_1218 = arith.mulf %get3A_1217, %broadcast_in_dim3A_1211 : vector<16xf32>
      %get3A_1219 = arith.index_cast %add3A_1208 : i32 to index
      %get3A_1220 = arith.constant 0 : index
      %get3A_1221 = tpu.vector_load %arg13[%get3A_1219, %get3A_1220] {strides = array<i32>} : memref<1024x32xf32, #tpu.memory_space<vmem>>, vector<16xf32>,
      %sub3A_1222 = arith.subf %mul3A_1218, %get3A_1221 : vector<16xf32>
      %get3A_1223 = arith.index_cast %add3A_1208 : i32 to index
      %get3A_1224 = arith.constant 0 : index
      %get3A_1225 = tpu.vector_load %arg11[%get3A_1223, %get3A_1224] {strides = array<i32>} : memref<1024x16xf32, #tpu.memory_space<vmem>>, vector<16xf32>,
      %mul3A_1226 = arith.mulf %get3A_1225, %broadcast_in_dim3A_1211 : vector<16xf32>
      %get3A_1227 = arith.index_cast %add3A_1208 : i32 to index
      %get3A_1228 = arith.constant 16 : index
      %get3A_1229 = tpu.vector_load %arg13[%get3A_1227, %get3A_1228] {strides = array<i32>} : memref<1024x32xf32, #tpu.memory_space<vmem>>, vector<16xf32>,
      %sub3A_1230 = arith.subf %mul3A_1226, %get3A_1229 : vector<16xf32>
      %mul3A_1231 = arith.mulf %sub3A_1222, %sub3A_1222 : vector<16xf32>
      %mul3A_1232 = arith.mulf %sub3A_1230, %sub3A_1230 : vector<16xf32>
      %add3A_1233 = arith.addf %mul3A_1231, %mul3A_1232 : vector<16xf32>
      %mul3A_1234 = arith.mulf %add3A_1233, %broadcast_in_dim3A_1214 : vector<16xf32>
      %add3A_1235 = arith.addf %add3A_1204, %mul3A_1234 : vector<16xf32>
      %mul3A_1236 = arith.constant 16 : i32
      %mul3A_1237 = arith.muli %scan3A_1043, %mul3A_1236 : i32
      %add3A_1238 = arith.constant 6 : i32
      %add3A_1239 = arith.addi %mul3A_1237, %add3A_1238 : i32
      %slice3A_1240 = vector.extract_strided_slice %get3A_1047 {offsets = [6], sizes = [1], strides = [1]} : vector<16xf32> to vector<1xf32>
      %squeeze3A_1241 = vector.extract %slice3A_1240[0] : f32 from vector<1xf32>
      %broadcast_in_dim3A_1242 = vector.broadcast %squeeze3A_1241 : f32 to vector<16xf32>
      %slice3A_1243 = vector.extract_strided_slice %get3A_1052 {offsets = [6], sizes = [1], strides = [1]} : vector<16xf32> to vector<1xf32>
      %squeeze3A_1244 = vector.extract %slice3A_1243[0] : f32 from vector<1xf32>
      %broadcast_in_dim3A_1245 = vector.broadcast %squeeze3A_1244 : f32 to vector<16xf32>
      %get3A_1246 = arith.index_cast %add3A_1239 : i32 to index
      %get3A_1247 = arith.constant 0 : index
      %get3A_1248 = tpu.vector_load %arg10[%get3A_1246, %get3A_1247] {strides = array<i32>} : memref<1024x16xf32, #tpu.memory_space<vmem>>, vector<16xf32>,
      %mul3A_1249 = arith.mulf %get3A_1248, %broadcast_in_dim3A_1242 : vector<16xf32>
      %get3A_1250 = arith.index_cast %add3A_1239 : i32 to index
      %get3A_1251 = arith.constant 0 : index
      %get3A_1252 = tpu.vector_load %arg13[%get3A_1250, %get3A_1251] {strides = array<i32>} : memref<1024x32xf32, #tpu.memory_space<vmem>>, vector<16xf32>,
      %sub3A_1253 = arith.subf %mul3A_1249, %get3A_1252 : vector<16xf32>
      %get3A_1254 = arith.index_cast %add3A_1239 : i32 to index
      %get3A_1255 = arith.constant 0 : index
      %get3A_1256 = tpu.vector_load %arg11[%get3A_1254, %get3A_1255] {strides = array<i32>} : memref<1024x16xf32, #tpu.memory_space<vmem>>, vector<16xf32>,
      %mul3A_1257 = arith.mulf %get3A_1256, %broadcast_in_dim3A_1242 : vector<16xf32>
      %get3A_1258 = arith.index_cast %add3A_1239 : i32 to index
      %get3A_1259 = arith.constant 16 : index
      %get3A_1260 = tpu.vector_load %arg13[%get3A_1258, %get3A_1259] {strides = array<i32>} : memref<1024x32xf32, #tpu.memory_space<vmem>>, vector<16xf32>,
      %sub3A_1261 = arith.subf %mul3A_1257, %get3A_1260 : vector<16xf32>
      %mul3A_1262 = arith.mulf %sub3A_1253, %sub3A_1253 : vector<16xf32>
      %mul3A_1263 = arith.mulf %sub3A_1261, %sub3A_1261 : vector<16xf32>
      %add3A_1264 = arith.addf %mul3A_1262, %mul3A_1263 : vector<16xf32>
      %mul3A_1265 = arith.mulf %add3A_1264, %broadcast_in_dim3A_1245 : vector<16xf32>
      %add3A_1266 = arith.addf %add3A_1235, %mul3A_1265 : vector<16xf32>
      %mul3A_1267 = arith.constant 16 : i32
      %mul3A_1268 = arith.muli %scan3A_1043, %mul3A_1267 : i32
      %add3A_1269 = arith.constant 7 : i32
      %add3A_1270 = arith.addi %mul3A_1268, %add3A_1269 : i32
      %slice3A_1271 = vector.extract_strided_slice %get3A_1047 {offsets = [7], sizes = [1], strides = [1]} : vector<16xf32> to vector<1xf32>
      %squeeze3A_1272 = vector.extract %slice3A_1271[0] : f32 from vector<1xf32>
      %broadcast_in_dim3A_1273 = vector.broadcast %squeeze3A_1272 : f32 to vector<16xf32>
      %slice3A_1274 = vector.extract_strided_slice %get3A_1052 {offsets = [7], sizes = [1], strides = [1]} : vector<16xf32> to vector<1xf32>
      %squeeze3A_1275 = vector.extract %slice3A_1274[0] : f32 from vector<1xf32>
      %broadcast_in_dim3A_1276 = vector.broadcast %squeeze3A_1275 : f32 to vector<16xf32>
      %get3A_1277 = arith.index_cast %add3A_1270 : i32 to index
      %get3A_1278 = arith.constant 0 : index
      %get3A_1279 = tpu.vector_load %arg10[%get3A_1277, %get3A_1278] {strides = array<i32>} : memref<1024x16xf32, #tpu.memory_space<vmem>>, vector<16xf32>,
      %mul3A_1280 = arith.mulf %get3A_1279, %broadcast_in_dim3A_1273 : vector<16xf32>
      %get3A_1281 = arith.index_cast %add3A_1270 : i32 to index
      %get3A_1282 = arith.constant 0 : index
      %get3A_1283 = tpu.vector_load %arg13[%get3A_1281, %get3A_1282] {strides = array<i32>} : memref<1024x32xf32, #tpu.memory_space<vmem>>, vector<16xf32>,
      %sub3A_1284 = arith.subf %mul3A_1280, %get3A_1283 : vector<16xf32>
      %get3A_1285 = arith.index_cast %add3A_1270 : i32 to index
      %get3A_1286 = arith.constant 0 : index
      %get3A_1287 = tpu.vector_load %arg11[%get3A_1285, %get3A_1286] {strides = array<i32>} : memref<1024x16xf32, #tpu.memory_space<vmem>>, vector<16xf32>,
      %mul3A_1288 = arith.mulf %get3A_1287, %broadcast_in_dim3A_1273 : vector<16xf32>
      %get3A_1289 = arith.index_cast %add3A_1270 : i32 to index
      %get3A_1290 = arith.constant 16 : index
      %get3A_1291 = tpu.vector_load %arg13[%get3A_1289, %get3A_1290] {strides = array<i32>} : memref<1024x32xf32, #tpu.memory_space<vmem>>, vector<16xf32>,
      %sub3A_1292 = arith.subf %mul3A_1288, %get3A_1291 : vector<16xf32>
      %mul3A_1293 = arith.mulf %sub3A_1284, %sub3A_1284 : vector<16xf32>
      %mul3A_1294 = arith.mulf %sub3A_1292, %sub3A_1292 : vector<16xf32>
      %add3A_1295 = arith.addf %mul3A_1293, %mul3A_1294 : vector<16xf32>
      %mul3A_1296 = arith.mulf %add3A_1295, %broadcast_in_dim3A_1276 : vector<16xf32>
      %add3A_1297 = arith.addf %add3A_1266, %mul3A_1296 : vector<16xf32>
      %mul3A_1298 = arith.constant 16 : i32
      %mul3A_1299 = arith.muli %scan3A_1043, %mul3A_1298 : i32
      %add3A_1300 = arith.constant 8 : i32
      %add3A_1301 = arith.addi %mul3A_1299, %add3A_1300 : i32
      %slice3A_1302 = vector.extract_strided_slice %get3A_1047 {offsets = [8], sizes = [1], strides = [1]} : vector<16xf32> to vector<1xf32>
      %squeeze3A_1303 = vector.extract %slice3A_1302[0] : f32 from vector<1xf32>
      %broadcast_in_dim3A_1304 = vector.broadcast %squeeze3A_1303 : f32 to vector<16xf32>
      %slice3A_1305 = vector.extract_strided_slice %get3A_1052 {offsets = [8], sizes = [1], strides = [1]} : vector<16xf32> to vector<1xf32>
      %squeeze3A_1306 = vector.extract %slice3A_1305[0] : f32 from vector<1xf32>
      %broadcast_in_dim3A_1307 = vector.broadcast %squeeze3A_1306 : f32 to vector<16xf32>
      %get3A_1308 = arith.index_cast %add3A_1301 : i32 to index
      %get3A_1309 = arith.constant 0 : index
      %get3A_1310 = tpu.vector_load %arg10[%get3A_1308, %get3A_1309] {strides = array<i32>} : memref<1024x16xf32, #tpu.memory_space<vmem>>, vector<16xf32>,
      %mul3A_1311 = arith.mulf %get3A_1310, %broadcast_in_dim3A_1304 : vector<16xf32>
      %get3A_1312 = arith.index_cast %add3A_1301 : i32 to index
      %get3A_1313 = arith.constant 0 : index
      %get3A_1314 = tpu.vector_load %arg13[%get3A_1312, %get3A_1313] {strides = array<i32>} : memref<1024x32xf32, #tpu.memory_space<vmem>>, vector<16xf32>,
      %sub3A_1315 = arith.subf %mul3A_1311, %get3A_1314 : vector<16xf32>
      %get3A_1316 = arith.index_cast %add3A_1301 : i32 to index
      %get3A_1317 = arith.constant 0 : index
      %get3A_1318 = tpu.vector_load %arg11[%get3A_1316, %get3A_1317] {strides = array<i32>} : memref<1024x16xf32, #tpu.memory_space<vmem>>, vector<16xf32>,
      %mul3A_1319 = arith.mulf %get3A_1318, %broadcast_in_dim3A_1304 : vector<16xf32>
      %get3A_1320 = arith.index_cast %add3A_1301 : i32 to index
      %get3A_1321 = arith.constant 16 : index
      %get3A_1322 = tpu.vector_load %arg13[%get3A_1320, %get3A_1321] {strides = array<i32>} : memref<1024x32xf32, #tpu.memory_space<vmem>>, vector<16xf32>,
      %sub3A_1323 = arith.subf %mul3A_1319, %get3A_1322 : vector<16xf32>
      %mul3A_1324 = arith.mulf %sub3A_1315, %sub3A_1315 : vector<16xf32>
      %mul3A_1325 = arith.mulf %sub3A_1323, %sub3A_1323 : vector<16xf32>
      %add3A_1326 = arith.addf %mul3A_1324, %mul3A_1325 : vector<16xf32>
      %mul3A_1327 = arith.mulf %add3A_1326, %broadcast_in_dim3A_1307 : vector<16xf32>
      %add3A_1328 = arith.addf %add3A_1297, %mul3A_1327 : vector<16xf32>
      %mul3A_1329 = arith.constant 16 : i32
      %mul3A_1330 = arith.muli %scan3A_1043, %mul3A_1329 : i32
      %add3A_1331 = arith.constant 9 : i32
      %add3A_1332 = arith.addi %mul3A_1330, %add3A_1331 : i32
      %slice3A_1333 = vector.extract_strided_slice %get3A_1047 {offsets = [9], sizes = [1], strides = [1]} : vector<16xf32> to vector<1xf32>
      %squeeze3A_1334 = vector.extract %slice3A_1333[0] : f32 from vector<1xf32>
      %broadcast_in_dim3A_1335 = vector.broadcast %squeeze3A_1334 : f32 to vector<16xf32>
      %slice3A_1336 = vector.extract_strided_slice %get3A_1052 {offsets = [9], sizes = [1], strides = [1]} : vector<16xf32> to vector<1xf32>
      %squeeze3A_1337 = vector.extract %slice3A_1336[0] : f32 from vector<1xf32>
      %broadcast_in_dim3A_1338 = vector.broadcast %squeeze3A_1337 : f32 to vector<16xf32>
      %get3A_1339 = arith.index_cast %add3A_1332 : i32 to index
      %get3A_1340 = arith.constant 0 : index
      %get3A_1341 = tpu.vector_load %arg10[%get3A_1339, %get3A_1340] {strides = array<i32>} : memref<1024x16xf32, #tpu.memory_space<vmem>>, vector<16xf32>,
      %mul3A_1342 = arith.mulf %get3A_1341, %broadcast_in_dim3A_1335 : vector<16xf32>
      %get3A_1343 = arith.index_cast %add3A_1332 : i32 to index
      %get3A_1344 = arith.constant 0 : index
      %get3A_1345 = tpu.vector_load %arg13[%get3A_1343, %get3A_1344] {strides = array<i32>} : memref<1024x32xf32, #tpu.memory_space<vmem>>, vector<16xf32>,
      %sub3A_1346 = arith.subf %mul3A_1342, %get3A_1345 : vector<16xf32>
      %get3A_1347 = arith.index_cast %add3A_1332 : i32 to index
      %get3A_1348 = arith.constant 0 : index
      %get3A_1349 = tpu.vector_load %arg11[%get3A_1347, %get3A_1348] {strides = array<i32>} : memref<1024x16xf32, #tpu.memory_space<vmem>>, vector<16xf32>,
      %mul3A_1350 = arith.mulf %get3A_1349, %broadcast_in_dim3A_1335 : vector<16xf32>
      %get3A_1351 = arith.index_cast %add3A_1332 : i32 to index
      %get3A_1352 = arith.constant 16 : index
      %get3A_1353 = tpu.vector_load %arg13[%get3A_1351, %get3A_1352] {strides = array<i32>} : memref<1024x32xf32, #tpu.memory_space<vmem>>, vector<16xf32>,
      %sub3A_1354 = arith.subf %mul3A_1350, %get3A_1353 : vector<16xf32>
      %mul3A_1355 = arith.mulf %sub3A_1346, %sub3A_1346 : vector<16xf32>
      %mul3A_1356 = arith.mulf %sub3A_1354, %sub3A_1354 : vector<16xf32>
      %add3A_1357 = arith.addf %mul3A_1355, %mul3A_1356 : vector<16xf32>
      %mul3A_1358 = arith.mulf %add3A_1357, %broadcast_in_dim3A_1338 : vector<16xf32>
      %add3A_1359 = arith.addf %add3A_1328, %mul3A_1358 : vector<16xf32>
      %mul3A_1360 = arith.constant 16 : i32
      %mul3A_1361 = arith.muli %scan3A_1043, %mul3A_1360 : i32
      %add3A_1362 = arith.constant 10 : i32
      %add3A_1363 = arith.addi %mul3A_1361, %add3A_1362 : i32
      %slice3A_1364 = vector.extract_strided_slice %get3A_1047 {offsets = [10], sizes = [1], strides = [1]} : vector<16xf32> to vector<1xf32>
      %squeeze3A_1365 = vector.extract %slice3A_1364[0] : f32 from vector<1xf32>
      %broadcast_in_dim3A_1366 = vector.broadcast %squeeze3A_1365 : f32 to vector<16xf32>
      %slice3A_1367 = vector.extract_strided_slice %get3A_1052 {offsets = [10], sizes = [1], strides = [1]} : vector<16xf32> to vector<1xf32>
      %squeeze3A_1368 = vector.extract %slice3A_1367[0] : f32 from vector<1xf32>
      %broadcast_in_dim3A_1369 = vector.broadcast %squeeze3A_1368 : f32 to vector<16xf32>
      %get3A_1370 = arith.index_cast %add3A_1363 : i32 to index
      %get3A_1371 = arith.constant 0 : index
      %get3A_1372 = tpu.vector_load %arg10[%get3A_1370, %get3A_1371] {strides = array<i32>} : memref<1024x16xf32, #tpu.memory_space<vmem>>, vector<16xf32>,
      %mul3A_1373 = arith.mulf %get3A_1372, %broadcast_in_dim3A_1366 : vector<16xf32>
      %get3A_1374 = arith.index_cast %add3A_1363 : i32 to index
      %get3A_1375 = arith.constant 0 : index
      %get3A_1376 = tpu.vector_load %arg13[%get3A_1374, %get3A_1375] {strides = array<i32>} : memref<1024x32xf32, #tpu.memory_space<vmem>>, vector<16xf32>,
      %sub3A_1377 = arith.subf %mul3A_1373, %get3A_1376 : vector<16xf32>
      %get3A_1378 = arith.index_cast %add3A_1363 : i32 to index
      %get3A_1379 = arith.constant 0 : index
      %get3A_1380 = tpu.vector_load %arg11[%get3A_1378, %get3A_1379] {strides = array<i32>} : memref<1024x16xf32, #tpu.memory_space<vmem>>, vector<16xf32>,
      %mul3A_1381 = arith.mulf %get3A_1380, %broadcast_in_dim3A_1366 : vector<16xf32>
      %get3A_1382 = arith.index_cast %add3A_1363 : i32 to index
      %get3A_1383 = arith.constant 16 : index
      %get3A_1384 = tpu.vector_load %arg13[%get3A_1382, %get3A_1383] {strides = array<i32>} : memref<1024x32xf32, #tpu.memory_space<vmem>>, vector<16xf32>,
      %sub3A_1385 = arith.subf %mul3A_1381, %get3A_1384 : vector<16xf32>
      %mul3A_1386 = arith.mulf %sub3A_1377, %sub3A_1377 : vector<16xf32>
      %mul3A_1387 = arith.mulf %sub3A_1385, %sub3A_1385 : vector<16xf32>
      %add3A_1388 = arith.addf %mul3A_1386, %mul3A_1387 : vector<16xf32>
      %mul3A_1389 = arith.mulf %add3A_1388, %broadcast_in_dim3A_1369 : vector<16xf32>
      %add3A_1390 = arith.addf %add3A_1359, %mul3A_1389 : vector<16xf32>
      %mul3A_1391 = arith.constant 16 : i32
      %mul3A_1392 = arith.muli %scan3A_1043, %mul3A_1391 : i32
      %add3A_1393 = arith.constant 11 : i32
      %add3A_1394 = arith.addi %mul3A_1392, %add3A_1393 : i32
      %slice3A_1395 = vector.extract_strided_slice %get3A_1047 {offsets = [11], sizes = [1], strides = [1]} : vector<16xf32> to vector<1xf32>
      %squeeze3A_1396 = vector.extract %slice3A_1395[0] : f32 from vector<1xf32>
      %broadcast_in_dim3A_1397 = vector.broadcast %squeeze3A_1396 : f32 to vector<16xf32>
      %slice3A_1398 = vector.extract_strided_slice %get3A_1052 {offsets = [11], sizes = [1], strides = [1]} : vector<16xf32> to vector<1xf32>
      %squeeze3A_1399 = vector.extract %slice3A_1398[0] : f32 from vector<1xf32>
      %broadcast_in_dim3A_1400 = vector.broadcast %squeeze3A_1399 : f32 to vector<16xf32>
      %get3A_1401 = arith.index_cast %add3A_1394 : i32 to index
      %get3A_1402 = arith.constant 0 : index
      %get3A_1403 = tpu.vector_load %arg10[%get3A_1401, %get3A_1402] {strides = array<i32>} : memref<1024x16xf32, #tpu.memory_space<vmem>>, vector<16xf32>,
      %mul3A_1404 = arith.mulf %get3A_1403, %broadcast_in_dim3A_1397 : vector<16xf32>
      %get3A_1405 = arith.index_cast %add3A_1394 : i32 to index
      %get3A_1406 = arith.constant 0 : index
      %get3A_1407 = tpu.vector_load %arg13[%get3A_1405, %get3A_1406] {strides = array<i32>} : memref<1024x32xf32, #tpu.memory_space<vmem>>, vector<16xf32>,
      %sub3A_1408 = arith.subf %mul3A_1404, %get3A_1407 : vector<16xf32>
      %get3A_1409 = arith.index_cast %add3A_1394 : i32 to index
      %get3A_1410 = arith.constant 0 : index
      %get3A_1411 = tpu.vector_load %arg11[%get3A_1409, %get3A_1410] {strides = array<i32>} : memref<1024x16xf32, #tpu.memory_space<vmem>>, vector<16xf32>,
      %mul3A_1412 = arith.mulf %get3A_1411, %broadcast_in_dim3A_1397 : vector<16xf32>
      %get3A_1413 = arith.index_cast %add3A_1394 : i32 to index
      %get3A_1414 = arith.constant 16 : index
      %get3A_1415 = tpu.vector_load %arg13[%get3A_1413, %get3A_1414] {strides = array<i32>} : memref<1024x32xf32, #tpu.memory_space<vmem>>, vector<16xf32>,
      %sub3A_1416 = arith.subf %mul3A_1412, %get3A_1415 : vector<16xf32>
      %mul3A_1417 = arith.mulf %sub3A_1408, %sub3A_1408 : vector<16xf32>
      %mul3A_1418 = arith.mulf %sub3A_1416, %sub3A_1416 : vector<16xf32>
      %add3A_1419 = arith.addf %mul3A_1417, %mul3A_1418 : vector<16xf32>
      %mul3A_1420 = arith.mulf %add3A_1419, %broadcast_in_dim3A_1400 : vector<16xf32>
      %add3A_1421 = arith.addf %add3A_1390, %mul3A_1420 : vector<16xf32>
      %mul3A_1422 = arith.constant 16 : i32
      %mul3A_1423 = arith.muli %scan3A_1043, %mul3A_1422 : i32
      %add3A_1424 = arith.constant 12 : i32
      %add3A_1425 = arith.addi %mul3A_1423, %add3A_1424 : i32
      %slice3A_1426 = vector.extract_strided_slice %get3A_1047 {offsets = [12], sizes = [1], strides = [1]} : vector<16xf32> to vector<1xf32>
      %squeeze3A_1427 = vector.extract %slice3A_1426[0] : f32 from vector<1xf32>
      %broadcast_in_dim3A_1428 = vector.broadcast %squeeze3A_1427 : f32 to vector<16xf32>
      %slice3A_1429 = vector.extract_strided_slice %get3A_1052 {offsets = [12], sizes = [1], strides = [1]} : vector<16xf32> to vector<1xf32>
      %squeeze3A_1430 = vector.extract %slice3A_1429[0] : f32 from vector<1xf32>
      %broadcast_in_dim3A_1431 = vector.broadcast %squeeze3A_1430 : f32 to vector<16xf32>
      %get3A_1432 = arith.index_cast %add3A_1425 : i32 to index
      %get3A_1433 = arith.constant 0 : index
      %get3A_1434 = tpu.vector_load %arg10[%get3A_1432, %get3A_1433] {strides = array<i32>} : memref<1024x16xf32, #tpu.memory_space<vmem>>, vector<16xf32>,
      %mul3A_1435 = arith.mulf %get3A_1434, %broadcast_in_dim3A_1428 : vector<16xf32>
      %get3A_1436 = arith.index_cast %add3A_1425 : i32 to index
      %get3A_1437 = arith.constant 0 : index
      %get3A_1438 = tpu.vector_load %arg13[%get3A_1436, %get3A_1437] {strides = array<i32>} : memref<1024x32xf32, #tpu.memory_space<vmem>>, vector<16xf32>,
      %sub3A_1439 = arith.subf %mul3A_1435, %get3A_1438 : vector<16xf32>
      %get3A_1440 = arith.index_cast %add3A_1425 : i32 to index
      %get3A_1441 = arith.constant 0 : index
      %get3A_1442 = tpu.vector_load %arg11[%get3A_1440, %get3A_1441] {strides = array<i32>} : memref<1024x16xf32, #tpu.memory_space<vmem>>, vector<16xf32>,
      %mul3A_1443 = arith.mulf %get3A_1442, %broadcast_in_dim3A_1428 : vector<16xf32>
      %get3A_1444 = arith.index_cast %add3A_1425 : i32 to index
      %get3A_1445 = arith.constant 16 : index
      %get3A_1446 = tpu.vector_load %arg13[%get3A_1444, %get3A_1445] {strides = array<i32>} : memref<1024x32xf32, #tpu.memory_space<vmem>>, vector<16xf32>,
      %sub3A_1447 = arith.subf %mul3A_1443, %get3A_1446 : vector<16xf32>
      %mul3A_1448 = arith.mulf %sub3A_1439, %sub3A_1439 : vector<16xf32>
      %mul3A_1449 = arith.mulf %sub3A_1447, %sub3A_1447 : vector<16xf32>
      %add3A_1450 = arith.addf %mul3A_1448, %mul3A_1449 : vector<16xf32>
      %mul3A_1451 = arith.mulf %add3A_1450, %broadcast_in_dim3A_1431 : vector<16xf32>
      %add3A_1452 = arith.addf %add3A_1421, %mul3A_1451 : vector<16xf32>
      %mul3A_1453 = arith.constant 16 : i32
      %mul3A_1454 = arith.muli %scan3A_1043, %mul3A_1453 : i32
      %add3A_1455 = arith.constant 13 : i32
      %add3A_1456 = arith.addi %mul3A_1454, %add3A_1455 : i32
      %slice3A_1457 = vector.extract_strided_slice %get3A_1047 {offsets = [13], sizes = [1], strides = [1]} : vector<16xf32> to vector<1xf32>
      %squeeze3A_1458 = vector.extract %slice3A_1457[0] : f32 from vector<1xf32>
      %broadcast_in_dim3A_1459 = vector.broadcast %squeeze3A_1458 : f32 to vector<16xf32>
      %slice3A_1460 = vector.extract_strided_slice %get3A_1052 {offsets = [13], sizes = [1], strides = [1]} : vector<16xf32> to vector<1xf32>
      %squeeze3A_1461 = vector.extract %slice3A_1460[0] : f32 from vector<1xf32>
      %broadcast_in_dim3A_1462 = vector.broadcast %squeeze3A_1461 : f32 to vector<16xf32>
      %get3A_1463 = arith.index_cast %add3A_1456 : i32 to index
      %get3A_1464 = arith.constant 0 : index
      %get3A_1465 = tpu.vector_load %arg10[%get3A_1463, %get3A_1464] {strides = array<i32>} : memref<1024x16xf32, #tpu.memory_space<vmem>>, vector<16xf32>,
      %mul3A_1466 = arith.mulf %get3A_1465, %broadcast_in_dim3A_1459 : vector<16xf32>
      %get3A_1467 = arith.index_cast %add3A_1456 : i32 to index
      %get3A_1468 = arith.constant 0 : index
      %get3A_1469 = tpu.vector_load %arg13[%get3A_1467, %get3A_1468] {strides = array<i32>} : memref<1024x32xf32, #tpu.memory_space<vmem>>, vector<16xf32>,
      %sub3A_1470 = arith.subf %mul3A_1466, %get3A_1469 : vector<16xf32>
      %get3A_1471 = arith.index_cast %add3A_1456 : i32 to index
      %get3A_1472 = arith.constant 0 : index
      %get3A_1473 = tpu.vector_load %arg11[%get3A_1471, %get3A_1472] {strides = array<i32>} : memref<1024x16xf32, #tpu.memory_space<vmem>>, vector<16xf32>,
      %mul3A_1474 = arith.mulf %get3A_1473, %broadcast_in_dim3A_1459 : vector<16xf32>
      %get3A_1475 = arith.index_cast %add3A_1456 : i32 to index
      %get3A_1476 = arith.constant 16 : index
      %get3A_1477 = tpu.vector_load %arg13[%get3A_1475, %get3A_1476] {strides = array<i32>} : memref<1024x32xf32, #tpu.memory_space<vmem>>, vector<16xf32>,
      %sub3A_1478 = arith.subf %mul3A_1474, %get3A_1477 : vector<16xf32>
      %mul3A_1479 = arith.mulf %sub3A_1470, %sub3A_1470 : vector<16xf32>
      %mul3A_1480 = arith.mulf %sub3A_1478, %sub3A_1478 : vector<16xf32>
      %add3A_1481 = arith.addf %mul3A_1479, %mul3A_1480 : vector<16xf32>
      %mul3A_1482 = arith.mulf %add3A_1481, %broadcast_in_dim3A_1462 : vector<16xf32>
      %add3A_1483 = arith.addf %add3A_1452, %mul3A_1482 : vector<16xf32>
      %mul3A_1484 = arith.constant 16 : i32
      %mul3A_1485 = arith.muli %scan3A_1043, %mul3A_1484 : i32
      %add3A_1486 = arith.constant 14 : i32
      %add3A_1487 = arith.addi %mul3A_1485, %add3A_1486 : i32
      %slice3A_1488 = vector.extract_strided_slice %get3A_1047 {offsets = [14], sizes = [1], strides = [1]} : vector<16xf32> to vector<1xf32>
      %squeeze3A_1489 = vector.extract %slice3A_1488[0] : f32 from vector<1xf32>
      %broadcast_in_dim3A_1490 = vector.broadcast %squeeze3A_1489 : f32 to vector<16xf32>
      %slice3A_1491 = vector.extract_strided_slice %get3A_1052 {offsets = [14], sizes = [1], strides = [1]} : vector<16xf32> to vector<1xf32>
      %squeeze3A_1492 = vector.extract %slice3A_1491[0] : f32 from vector<1xf32>
      %broadcast_in_dim3A_1493 = vector.broadcast %squeeze3A_1492 : f32 to vector<16xf32>
      %get3A_1494 = arith.index_cast %add3A_1487 : i32 to index
      %get3A_1495 = arith.constant 0 : index
      %get3A_1496 = tpu.vector_load %arg10[%get3A_1494, %get3A_1495] {strides = array<i32>} : memref<1024x16xf32, #tpu.memory_space<vmem>>, vector<16xf32>,
      %mul3A_1497 = arith.mulf %get3A_1496, %broadcast_in_dim3A_1490 : vector<16xf32>
      %get3A_1498 = arith.index_cast %add3A_1487 : i32 to index
      %get3A_1499 = arith.constant 0 : index
      %get3A_1500 = tpu.vector_load %arg13[%get3A_1498, %get3A_1499] {strides = array<i32>} : memref<1024x32xf32, #tpu.memory_space<vmem>>, vector<16xf32>,
      %sub3A_1501 = arith.subf %mul3A_1497, %get3A_1500 : vector<16xf32>
      %get3A_1502 = arith.index_cast %add3A_1487 : i32 to index
      %get3A_1503 = arith.constant 0 : index
      %get3A_1504 = tpu.vector_load %arg11[%get3A_1502, %get3A_1503] {strides = array<i32>} : memref<1024x16xf32, #tpu.memory_space<vmem>>, vector<16xf32>,
      %mul3A_1505 = arith.mulf %get3A_1504, %broadcast_in_dim3A_1490 : vector<16xf32>
      %get3A_1506 = arith.index_cast %add3A_1487 : i32 to index
      %get3A_1507 = arith.constant 16 : index
      %get3A_1508 = tpu.vector_load %arg13[%get3A_1506, %get3A_1507] {strides = array<i32>} : memref<1024x32xf32, #tpu.memory_space<vmem>>, vector<16xf32>,
      %sub3A_1509 = arith.subf %mul3A_1505, %get3A_1508 : vector<16xf32>
      %mul3A_1510 = arith.mulf %sub3A_1501, %sub3A_1501 : vector<16xf32>
      %mul3A_1511 = arith.mulf %sub3A_1509, %sub3A_1509 : vector<16xf32>
      %add3A_1512 = arith.addf %mul3A_1510, %mul3A_1511 : vector<16xf32>
      %mul3A_1513 = arith.mulf %add3A_1512, %broadcast_in_dim3A_1493 : vector<16xf32>
      %add3A_1514 = arith.addf %add3A_1483, %mul3A_1513 : vector<16xf32>
      %mul3A_1515 = arith.constant 16 : i32
      %mul3A_1516 = arith.muli %scan3A_1043, %mul3A_1515 : i32
      %add3A_1517 = arith.constant 15 : i32
      %add3A_1518 = arith.addi %mul3A_1516, %add3A_1517 : i32
      %slice3A_1519 = vector.extract_strided_slice %get3A_1047 {offsets = [15], sizes = [1], strides = [1]} : vector<16xf32> to vector<1xf32>
      %squeeze3A_1520 = vector.extract %slice3A_1519[0] : f32 from vector<1xf32>
      %broadcast_in_dim3A_1521 = vector.broadcast %squeeze3A_1520 : f32 to vector<16xf32>
      %slice3A_1522 = vector.extract_strided_slice %get3A_1052 {offsets = [15], sizes = [1], strides = [1]} : vector<16xf32> to vector<1xf32>
      %squeeze3A_1523 = vector.extract %slice3A_1522[0] : f32 from vector<1xf32>
      %broadcast_in_dim3A_1524 = vector.broadcast %squeeze3A_1523 : f32 to vector<16xf32>
      %get3A_1525 = arith.index_cast %add3A_1518 : i32 to index
      %get3A_1526 = arith.constant 0 : index
      %get3A_1527 = tpu.vector_load %arg10[%get3A_1525, %get3A_1526] {strides = array<i32>} : memref<1024x16xf32, #tpu.memory_space<vmem>>, vector<16xf32>,
      %mul3A_1528 = arith.mulf %get3A_1527, %broadcast_in_dim3A_1521 : vector<16xf32>
      %get3A_1529 = arith.index_cast %add3A_1518 : i32 to index
      %get3A_1530 = arith.constant 0 : index
      %get3A_1531 = tpu.vector_load %arg13[%get3A_1529, %get3A_1530] {strides = array<i32>} : memref<1024x32xf32, #tpu.memory_space<vmem>>, vector<16xf32>,
      %sub3A_1532 = arith.subf %mul3A_1528, %get3A_1531 : vector<16xf32>
      %get3A_1533 = arith.index_cast %add3A_1518 : i32 to index
      %get3A_1534 = arith.constant 0 : index
      %get3A_1535 = tpu.vector_load %arg11[%get3A_1533, %get3A_1534] {strides = array<i32>} : memref<1024x16xf32, #tpu.memory_space<vmem>>, vector<16xf32>,
      %mul3A_1536 = arith.mulf %get3A_1535, %broadcast_in_dim3A_1521 : vector<16xf32>
      %get3A_1537 = arith.index_cast %add3A_1518 : i32 to index
      %get3A_1538 = arith.constant 16 : index
      %get3A_1539 = tpu.vector_load %arg13[%get3A_1537, %get3A_1538] {strides = array<i32>} : memref<1024x32xf32, #tpu.memory_space<vmem>>, vector<16xf32>,
      %sub3A_1540 = arith.subf %mul3A_1536, %get3A_1539 : vector<16xf32>
      %mul3A_1541 = arith.mulf %sub3A_1532, %sub3A_1532 : vector<16xf32>
      %mul3A_1542 = arith.mulf %sub3A_1540, %sub3A_1540 : vector<16xf32>
      %add3A_1543 = arith.addf %mul3A_1541, %mul3A_1542 : vector<16xf32>
      %mul3A_1544 = arith.mulf %add3A_1543, %broadcast_in_dim3A_1524 : vector<16xf32>
      %add3A_1545 = arith.addf %add3A_1514, %mul3A_1544 : vector<16xf32>
      scf.yield %add3A_1545 : vector<16xf32>
    }
    %scan3A_1040 = arith.constant 64 : i32
    %swap3A_1041 = arith.constant 0 : index
    %swap3A_1042 = tpu.vector_load %arg17[%swap3A_1041] {strides = array<i32>} : memref<16xf32, #tpu.memory_space<vmem>>, vector<16xf32>,
    tpu.vector_store %arg17[%swap3A_1041], %scan3A_1039 {strides = array<i32>} : memref<16xf32, #tpu.memory_space<vmem>>, vector<16xf32>,
    "tpu.region"() ({
      %run_scoped3A = tpu.sem_alloc : memref<!tpu.dma_semaphore, #tpu.memory_space<semaphore_mem>>
      %dma_start3A_1043 = arith.constant 0 : i32
      %dma_start3A_1044 = tpu.memref_slice %arg5[%add3A, %dma_start3A_1043] : memref<32x16xf32, #tpu.memory_space<hbm>> -> memref<1x16xf32, #tpu.memory_space<hbm>>
      %dma_start3A_1045 = tpu.memref_squeeze %dma_start3A_1044 : memref<1x16xf32, #tpu.memory_space<hbm>> -> memref<16xf32, #tpu.memory_space<hbm>>
      %dma_start3A_1046 = arith.constant 0 : i32
      %dma_start3A_1047 = tpu.memref_slice %arg5[%add3A, %dma_start3A_1046] : memref<32x16xf32, #tpu.memory_space<hbm>> -> memref<1x16xf32, #tpu.memory_space<hbm>>
      %dma_start3A_1048 = tpu.memref_squeeze %dma_start3A_1047 : memref<1x16xf32, #tpu.memory_space<hbm>> -> memref<16xf32, #tpu.memory_space<hbm>>
      tpu.enqueue_dma source(%arg17 : memref<16xf32, #tpu.memory_space<vmem>>) target(%dma_start3A_1048 : memref<16xf32, #tpu.memory_space<hbm>>) target_semaphore(%run_scoped3A : memref<!tpu.dma_semaphore, #tpu.memory_space<semaphore_mem>>)
      %dma_wait3A_1049 = arith.constant 0 : i32
      %dma_wait3A_1050 = tpu.memref_slice %arg5[%add3A, %dma_wait3A_1049] : memref<32x16xf32, #tpu.memory_space<hbm>> -> memref<1x16xf32, #tpu.memory_space<hbm>>
      %dma_wait3A_1051 = tpu.memref_squeeze %dma_wait3A_1050 : memref<1x16xf32, #tpu.memory_space<hbm>> -> memref<16xf32, #tpu.memory_space<hbm>>
      %dma_wait3A_1052 = arith.constant 0 : i32
      %dma_wait3A_1053 = tpu.memref_slice %arg5[%add3A, %dma_wait3A_1052] : memref<32x16xf32, #tpu.memory_space<hbm>> -> memref<1x16xf32, #tpu.memory_space<hbm>>
      %dma_wait3A_1054 = tpu.memref_squeeze %dma_wait3A_1053 : memref<1x16xf32, #tpu.memory_space<hbm>> -> memref<16xf32, #tpu.memory_space<hbm>>
      tpu.wait_dma2 semaphore(%run_scoped3A : memref<!tpu.dma_semaphore, #tpu.memory_space<semaphore_mem>>) src(%arg17 : memref<16xf32, #tpu.memory_space<vmem>>) dst(%dma_wait3A_1054 : memref<16xf32, #tpu.memory_space<hbm>>)
      tpu.yield
    }) : () -> ()
    return
  }
}

</mosaic_0001>

<sc_bundles>
// kernel: kernel.3.cloned.1.call-start
scs
__scs_entry_jumppad:
0x0: {  	(pc) =	sbr.rel $0x88, $3  }
0x1: {  	(tag) =	ssettag $0x0;
	lr =	simm.s32 $0x1  }
0x2: {  	[smem:$0x3F9E] =	sst lr;
	_ =	strace $0xD0000000  }
0x3: {  	_ = 	snop  }
0x4: {  	_ = 	snop  }
0x5: {  	_ = 	snop  }
0x6: {  	_ = 	snop  }
0x7: {  	_ = 	snop  }
__scs_overlays_trampoline_lowered:
0x8: {  	[smem:$0x3FAD] =	sst s0  }
0x9: {  	[smem:$0x3FAE] =	sst s1  }
0xa: {  	[smem:$0x3FAF] =	sst s2  }
0xb: {  	[smem:$0x3FB0] =	sst s3  }
0xc: {  	[smem:$0x3FB1] =	sst s4  }
0xd: {  	[smem:$0x3FB2] =	sst s5  }
0xe: {  	[smem:$0x3FB3] =	sst s6  }
0xf: {  	[smem:$0x3FB4] =	sst s7  }
0x10: {  	[smem:$0x3FB5] =	sst s8  }
0x11: {  	[smem:$0x3FB6] =	sst s9;
	s0 =	simm.s32 @!p0 $0x0  }
0x12: {  	s1 =	sld [smem:$0x3F9C];
	s0 =	simm.s32 @p0 $0x1  }
0x13: {  	[smem:$0x3FB7] =	sst s0;
	s0 =	simm.s32 @!p1 $0x0  }
0x14: {  	s2 =	sld [smem:$0x3F9B];
	s0 =	simm.s32 @p1 $0x1  }
0x15: {  	[smem:$0x3FB8] =	sst s0;
	s0 =	simm.s32 @!p2 $0x0  }
0x16: {  	s3 =	sld [smem:$0x3FDB];
	s0 =	simm.s32 @p2 $0x1  }
0x17: {  	s4 =	simm.s32 $0x1BF5;
	[smem:$0x3FBA] =	sst s0  }
0x18: {  	s0 =	sld [smem:$0x3F9D];
	_ =	swait.ge [sflag:s4], $0x0  }
0x19: {  	s7 =	sld [smem:$0x3F9E]  }
0x1a: {  	s8 =	sadd.s32 $0xFFFFE003, lr  }
0x1b: {  	s9 =	sadd.s32 $0xFFFFFEF7, lr;
	s5 =	simm.s32 $0xFFFFFFFF;
	p2 =	slt.u32 s8, $0xFFFFF086  }
0x1c: {  	p1 =	slt.u32 s9, $0xF7A;
	s5 =	simm.s32 @!p2 $0x0  }
0x1d: {  	s5 =	simm.s32 @p1 $0x1;
	p0 =	seq.s32 s7, s2  }
0x1e: {  	s7 =	smul.u32 @!p0 $0xF7A, s2;
	p2 =	seq.s32 @!p0 s5, $0x0  }
0x1f: {  	s9 =	smul.u32 $0xF7A, s1;
	s8 =	simm.s32 @!p0 $0x1BF5;
	p2 =	por !p2, p0  }
0x20: {  	[sflag:s8] =	ssyncset.s32 @!p0 $0xFFFFF086;
	s6 =	sadd.s32 @!p0 s3, s7;
	s7 =	simm.s32 @!p0 $0x108  }
0x21: {  	s3 =	sadd.s32 s3, s9;
	s6 =	sadd.s32 @!p0 $0x88, s6;
	s7 =	simm.s32 @p2 $0x1082  }
0x22: {  	[simem:s7], [sflag:s8] =	dma.local @!p0 [hbm:s6], $0xF7A  }
0x23: {  	s9 =	sor.u32 $0xD0000000, s2;
	s6 =	simm.s32 $0x108;
	_ =	swait.ge @!p0 [sflag:s8], $0x0  }
0x24: {  	s3 =	sadd.s32 $0x88, s3;
	s6 =	simm.s32 @!p1 $0x1082;
	[sflag:s4] =	ssyncset.s32 $0xFFFFF086  }
0x25: {  	[simem:s6], [sflag:s4] =	dma.local [hbm:s3], $0xF7A  }
0x26: {  	[smem:$0x3F9E] =	sst s1;
	(tag) =	ssettag s2;
	_ =	strace s9  }
0x27: {  	s1 =	sld [smem:$0x3FAE]  }
0x28: {  	s2 =	sld [smem:$0x3FAF]  }
0x29: {  	s4 =	sld [smem:$0x3FB1]  }
0x2a: {  	p0 =	seq.s32 s5, $0x0;
	s5 =	sld [smem:$0x3FB2]  }
0x2b: {  	s6 =	sld [smem:$0x3FB3]  }
0x2c: {  	s7 =	sld [smem:$0x3FB4]  }
0x2d: {  	s3 =	simm.s32 $0x108;
	s8 =	sld [smem:$0x3FB5]  }
0x2e: {  	s3 =	simm.s32 @!p0 $0x1082;
	s9 =	sld [smem:$0x3FB6]  }
0x2f: {  	lr =	sadd.s32 s0, s3;
	s0 =	sld [smem:$0x3FAD]  }
0x30: {  	s3 =	sld [smem:$0x3FB0]  }
0x31: {  	[smem:$0x3FB9] =	sst s10  }
0x32: {  	s10 =	sld [smem:$0x3FB7];
	_ =	sdelay $0x3  }
0x33: {  	p0 =	seq.s32 s10, $0x1;
	s10 =	sld [smem:$0x3FB9];
	_ =	sdelay $0x3  }
0x34: {  	[smem:$0x3FB9] =	sst s10  }
0x35: {  	s10 =	sld [smem:$0x3FB8];
	_ =	sdelay $0x3  }
0x36: {  	p1 =	seq.s32 s10, $0x1;
	s10 =	sld [smem:$0x3FB9];
	_ =	sdelay $0x3  }
0x37: {  	[smem:$0x3FB9] =	sst s10  }
0x38: {  	s10 =	sld [smem:$0x3FBA]  }
0x39: {  	_ = 	snop;
	(pc) =	sbr.ind lr, $3  }
0x3a: {  	_ = 	snop  }
0x3b: {  	_ = 	snop  }
0x3c: {  	p2 =	seq.s32 s10, $0x1;
	s10 =	sld [smem:$0x3FB9]  }
0x3d: {  	_ =	shalt  }
0x3e: {  	_ =	shalt  }
0x3f: {  	_ =	shalt  }
0x40: {  	_ =	shalt  }
0x41: {  	_ =	shalt  }
0x42: {  	_ =	shalt  }
0x43: {  	_ =	shalt  }
0x44: {  	_ =	shalt  }
0x45: {  	_ =	shalt  }
0x46: {  	_ =	shalt  }
0x47: {  	_ =	shalt  }
0x48: {  	_ =	shalt  }
0x49: {  	_ =	shalt  }
0x4a: {  	_ =	shalt  }
0x4b: {  	_ =	shalt  }
0x4c: {  	_ =	shalt  }
0x4d: {  	_ =	shalt  }
0x4e: {  	_ =	shalt  }
0x4f: {  	_ =	shalt  }
0x50: {  	_ =	shalt  }
0x51: {  	_ =	shalt  }
0x52: {  	_ =	shalt  }
0x53: {  	_ =	shalt  }
0x54: {  	_ =	shalt  }
0x55: {  	_ =	shalt  }
0x56: {  	_ =	shalt  }
0x57: {  	_ =	shalt  }
0x58: {  	_ =	shalt  }
0x59: {  	_ =	shalt  }
0x5a: {  	_ =	shalt  }
0x5b: {  	_ =	shalt  }
0x5c: {  	_ =	shalt  }
0x5d: {  	_ =	shalt  }
0x5e: {  	_ =	shalt  }
0x5f: {  	_ =	shalt  }
0x60: {  	_ =	shalt  }
0x61: {  	_ =	shalt  }
0x62: {  	_ =	shalt  }
0x63: {  	_ =	shalt  }
0x64: {  	_ =	shalt  }
0x65: {  	_ =	shalt  }
0x66: {  	_ =	shalt  }
0x67: {  	_ =	shalt  }
0x68: {  	_ =	shalt  }
0x69: {  	_ =	shalt  }
0x6a: {  	_ =	shalt  }
0x6b: {  	_ =	shalt  }
0x6c: {  	_ =	shalt  }
0x6d: {  	_ =	shalt  }
0x6e: {  	_ =	shalt  }
0x6f: {  	_ =	shalt  }
0x70: {  	_ =	shalt  }
0x71: {  	_ =	shalt  }
0x72: {  	_ =	shalt  }
0x73: {  	_ =	shalt  }
0x74: {  	_ =	shalt  }
0x75: {  	_ =	shalt  }
0x76: {  	_ =	shalt  }
0x77: {  	_ =	shalt  }
0x78: {  	_ =	shalt  }
0x79: {  	_ =	shalt  }
0x7a: {  	_ =	shalt  }
0x7b: {  	_ =	shalt  }
0x7c: {  	_ =	shalt  }
0x7d: {  	_ =	shalt  }
0x7e: {  	_ =	shalt  }
0x7f: {  	_ =	shalt  }
0x80: {  	_ =	shalt  }
0x81: {  	_ =	shalt  }
0x82: {  	_ =	shalt  }
0x83: {  	_ =	shalt  }
0x84: {  	_ =	shalt  }
0x85: {  	_ =	shalt  }
0x86: {  	_ =	shalt  }
0x87: {  	_ =	shalt  }
.Lfunc_end0:
.L_simem_size_0:
called_computation.1_lowered:
.L_overlay_start_0:
0x88: {  	s2 =	sld [smem:$0x3FD9]  }
0x89: {  	s3 =	sld [smem:$0x3FFE];
	_ =	sdelay $0x1  }
0x8a: {  	s1 =	srdreg.scid  }
0x8b: {  	s0 =	sand.u32 $0x1, s1  }
0x8c: {  	s17 =	sshll.u32 s0, $0xA;
	s2 =	sadd.s32 s3, s2  }
0x8d: {  	s2 =	sadd.s32 s2, s17  }
0x8e: {  	[smem:$0x3FC5] =	sst s2  }
0x8f: {  	_ = 	snop  }
0x90: {  	s2 =	sld [smem:$0x3FC8];
	(tm) =	ssettm $0x1  }
0x91: {  	s18 =	sld [smem:$0x3FFB];
	_ =	sdelay $0x3  }
0x92: {  	_ =	strace s18  }
0x93: {  	s3 =	sld [smem:$0x3FFC];
	_ =	sdelay $0x3  }
0x94: {  	_ =	strace s3  }
0x95: {  	s3 =	sld [smem:$0x3FFD];
	_ =	sdelay $0x3  }
0x96: {  	_ =	strace s3  }
0x97: {  	_ =	strace $0x8FFFFFFF  }
0x98: {  	s19 =	sld [smem:$0x3FDB];
	_ =	sdelay $0x1  }
0x99: {  	s4 =	simm.s32 $_scs_section_size  }
0x9a: {  	s5 =	simm.s32 $_size__tile_overlayer_lowered;
	s6 =	simm.s32 $_tile_overlayer_lowered  }
0x9b: {  	s22 =	simm.s32 $0x1BFF;
	s21 =	sshll.u32 s6, $0x1;
	s3 =	sadd.s32 s4, s19  }
0x9c: {  	s7 =	simm.s32 $0x0;
	s20 =	sshll.u32 s5, $0x1;
	s5 =	sadd.s32 s21, s3  }
0x9d: {  	[timem:s7], [sflag:s22] =	dma.local [hbm:s5], s20  }
0x9e: {  	_ =	swait.ge [sflag:s22], s20  }
0x9f: {  	s4 =	ssub.s32 $0x0, s20;
	[sflag:s22] =	ssyncset.done $0x0  }
0xa0: {  	[sflag:s22] =	ssyncadd.s32 s4;
	_ =	sdelay $0x1  }
0xa1: {  	s23 =	simm.s32 $0x1B8B  }
0xa2: {  	_ =	swait.ge [sflag:s23], $0x1  }
0xa3: {  	[sflag:s23] =	ssyncset.done $0x0  }
0xa4: {  	s25 =	simm.s32 $0x1B8E;
	s24 =	sld [smem:$0x3FFE];
	[sflag:s23] =	ssyncadd.s32 $0xFFFFFFFF  }
0xa5: {  	s26 =	simm.s32 $execute0_lowered;
	[smem:$0x3FD2] =	sst s25  }
0xa6: {  	s5 =	sshll.u32 s26, $0x1;
	_ =	strace $0x80000049;
	[dreg:$0x1] =	wrdreg $0xFFFFFFFF  }
0xa7: {  	s28 =	simm.s32 $_size_execute0_lowered;
	s3 =	sadd.s32 s3, s5;
	[dreg:$0x0] =	wrdreg $0x0  }
0xa8: {  	s5 =	sshll.u32 s28, $0x1;
	[dreg:$0x2] =	wrdreg s3  }
0xa9: {  	[dreg:$0x3] =	wrdreg s5  }
0xaa: {  	[dreg:$0x4] =	wrdreg $0xC0  }
0xab: {  	_ =	task [dreg:s7], $0x5FFFF  }
0xac: {  	[dreg:$0x1] =	wrdreg $0xFFFFFFFF  }
0xad: {  	[dreg:$0x0] =	wrdreg $0x60  }
0xae: {  	[dreg:$0x2] =	wrdreg s24  }
0xaf: {  	[dreg:$0x3] =	wrdreg s2  }
0xb0: {  	[dreg:$0x4] =	wrdreg $0x152900  }
0xb1: {  	[dreg:$0x5] =	wrdreg $0x156900  }
0xb2: {  	[dreg:$0x6] =	wrdreg $0x9  }
0xb3: {  	_ =	task.clear_ibuf [dreg:s7], $0x7FFFF;
	_ =	strace $0x90000049  }
0xb4: {  	s29 =	simm.s32 $0x9;
	_ =	strace $0x8000004B  }
0xb5: {  	_ =	swait.ge [sflag:s29], $0x1  }
0xb6: {  	[sflag:s29] =	ssyncadd.s32 $0xFFFFFFFF  }
0xb7: {  	_ =	strace $0x9000004B  }
0xb8: {  	_ =	sfence  }
0xb9: {  	s30 =	sld [smem:$0x0];
	_ =	sdelay $0x2  }
0xba: {  	s31 =	sshll.u32 s1, $0xD;
	s1 =	sshrl.u32 s1, $0x2  }
0xbb: {  	s3 =	sand.u32 $0x4000, s31;
	s1 =	sadd.s32 s1, s30  }
0xbc: {  	s0 =	sor.u32 s3, s0;
	s1 =	sshll.u32 s1, $0x11  }
0xbd: {  	s0 =	sor.u32 s1, s0  }
0xbe: {  	s0 =	sadd.s32 $0x8F2B, s0  }
0xbf: {  	[sflag:s0] =	ssyncadd.remote.s32 $0x1  }
0xc0: {  	_ =	sfence.sel $0xFFFF  }
0xc1: {  	[dreg:$0x0] =	wrdreg $0xFFFFFFFF;
	(pc) =	sbr.abs _section_cstart, $3  }
0xc2: {  	[dreg:$0x1] =	wrdreg $0xFFFFFFFF  }
0xc3: {  	_ =	task.clear_ibuf [dreg:s7], $0x2FFFF;
	_ =	strace $0x9FFFFFFF  }
0xc4: {  	(tm) =	ssettm $0x7FFFFFFF  }
0xc5: {  	_ =	shalt  }
tec
execute0_lowered:
.L_overlay_start_1:
0x0: {  	(tag) =	ssettag $0x1  }
0x1: {  	s0 =	rddreg [dreg:$0x0]  }
0x2: {  	s1 =	rddreg [dreg:$0x2]  }
0x3: {  	s8 =	rddreg [dreg:$0x3];
	s3 =	simm.s32 $0x0;
	s2 =	srdreg.scid  }
0x4: {  	s9 =	stileid.u32;
	[smem:$0x7FF] =	sst s3  }
0x5: {  	s2 =	sand.u32 $0x1, s2;
	s10 =	sadd.s32 $0x600, s0;
	s25 =	sshll.u32 s9, $0x2  }
0x6: {  	s26 =	sshll.u32 s9, $0xA;
	s28 =	sshll.u32 s9, $0x6;
	_ =	strace $0x8000004A  }
0x7: {  	s22 =	sshll.u32 s2, $0x4;
	s2 =	ssub.s32 $0x2, s2;
	[smem:$0x7F4] =	sst s10  }
0x8: {  	[smem:$0x7F6] =	sst s25;
	s29 =	sadd.s32 s28, s8;
	s3 =	sor.u32 s9, s22  }
0x9: {  	[smem:$0x7FA] =	sst s29;
	s30 =	sadd.s32 $0x400, s29;
	s4 =	sshll.u32 s3, $0x2  }
0xa: {  	s5 =	sshll.u32 s3, $0x1;
	s3 =	sshll.u32 s3, $0x5;
	[smem:$0x7FB] =	sst s30  }
0xb: {  	s7 =	sadd.s32 s4, s0;
	[smem:$0x7F2] =	sst s3;
	s24 =	sadd.s32 s10, s4  }
0xc: {  	s0 =	sadd.s32 s5, s0;
	s5 =	sadd.s32 $0x4, s25;
	[smem:$0x7F5] =	sst s24  }
0xd: {  	s6 =	sshrl.u32 s2, $0x1;
	s3 =	sadd.s32 s26, s1;
	[smem:$0x7F7] =	sst s5  }
0xe: {  	s2 =	ssub.s32 s2, s6;
	s1 =	sadd.s32 s28, s1;
	[smem:$0x7F8] =	sst s3  }
0xf: {  	s31 =	smax.u32 s2, $0x1;
	[smem:$0x7F9] =	sst s1  }
0x10: {  	s23 =	sadd.s32 $0x200600, s7;
	[smem:$0x7FD] =	sst s31  }
0x11: {  	s0 =	sadd.s32 $0x21FA00, s0;
	[smem:$0x7F3] =	sst s23  }
0x12: {  	v0 =	vimm.f32 $0.0e+00;
	s1 =	simm.s32 $0x0;
	[smem:$0x7FC] =	sst s0  }
.LBB2_1:
0x13: {  	[tilespmem:$0x14300] =	vst v0  }
0x14: {  	[tilespmem:$0x14310] =	vst v0  }
0x15: {  	[tilespmem:$0x14320] =	vst v0  }
0x16: {  	[tilespmem:$0x14330] =	vst v0  }
0x17: {  	[tilespmem:$0x14340] =	vst v0  }
0x18: {  	[tilespmem:$0x14350] =	vst v0  }
0x19: {  	[tilespmem:$0x14360] =	vst v0  }
0x1a: {  	[tilespmem:$0x14370] =	vst v0  }
0x1b: {  	[tilespmem:$0x14380] =	vst v0  }
0x1c: {  	[tilespmem:$0x14390] =	vst v0  }
0x1d: {  	[tilespmem:$0x143A0] =	vst v0  }
0x1e: {  	[tilespmem:$0x143B0] =	vst v0  }
0x1f: {  	[tilespmem:$0x143C0] =	vst v0  }
0x20: {  	[tilespmem:$0x143D0] =	vst v0  }
0x21: {  	[tilespmem:$0x143E0] =	vst v0  }
0x22: {  	[tilespmem:$0x143F0] =	vst v0  }
0x23: {  	[tilespmem:$0x14400] =	vst v0  }
0x24: {  	[tilespmem:$0x14410] =	vst v0  }
0x25: {  	[tilespmem:$0x14420] =	vst v0  }
0x26: {  	[tilespmem:$0x14430] =	vst v0  }
0x27: {  	[tilespmem:$0x14440] =	vst v0  }
0x28: {  	[tilespmem:$0x14450] =	vst v0  }
0x29: {  	[tilespmem:$0x14460] =	vst v0  }
0x2a: {  	[tilespmem:$0x14470] =	vst v0  }
0x2b: {  	[tilespmem:$0x14480] =	vst v0  }
0x2c: {  	[tilespmem:$0x14490] =	vst v0  }
0x2d: {  	[tilespmem:$0x144A0] =	vst v0  }
0x2e: {  	[tilespmem:$0x144B0] =	vst v0  }
0x2f: {  	[tilespmem:$0x144C0] =	vst v0  }
0x30: {  	[tilespmem:$0x144D0] =	vst v0  }
0x31: {  	[tilespmem:$0x144E0] =	vst v0  }
0x32: {  	[tilespmem:$0x144F0] =	vst v0  }
0x33: {  	[tilespmem:$0x14500] =	vst v0  }
0x34: {  	[tilespmem:$0x14510] =	vst v0  }
0x35: {  	[tilespmem:$0x14520] =	vst v0  }
0x36: {  	[tilespmem:$0x14530] =	vst v0  }
0x37: {  	[tilespmem:$0x14540] =	vst v0  }
0x38: {  	[tilespmem:$0x14550] =	vst v0  }
0x39: {  	[tilespmem:$0x14560] =	vst v0  }
0x3a: {  	[tilespmem:$0x14570] =	vst v0  }
0x3b: {  	[tilespmem:$0x14580] =	vst v0  }
0x3c: {  	[tilespmem:$0x14590] =	vst v0  }
0x3d: {  	[tilespmem:$0x145A0] =	vst v0  }
0x3e: {  	[tilespmem:$0x145B0] =	vst v0  }
0x3f: {  	[tilespmem:$0x145C0] =	vst v0  }
0x40: {  	[tilespmem:$0x145D0] =	vst v0;
	s0 =	sld [smem:$0x7F3]  }
0x41: {  	[tilespmem:$0x145E0] =	vst v0;
	s30 =	simm.s32 $0x20  }
0x42: {  	[tilespmem:$0x145F0] =	vst v0;
	s2 =	simm.s32 $0x400;
	s3 =	simm.s32 $0xC600;
	s31 =	simm.s32 $0x4220  }
0x43: {  	[tilespmem:s3], [sflag:$0x5] =	stream.strided.gather [hbm4b:s0+s30], $0x7D00, s2, s30, $0x38;
	[tilespmem:$0x15710] =	vst v63  }
0x44: {  	s0 =	simm.s32 $0x8220;
	[tilespmem:s31+$0xFFFFFFE0] =	vst v0  }
0x45: {  	[tilespmem:s0+$0xFFFFFFE0] =	vst v0  }
0x46: {  	[tilespmem:s31+$0xFFFFFFF0] =	vst v0  }
0x47: {  	[tilespmem:s0+$0xFFFFFFF0] =	vst v0  }
0x48: {  	[tilespmem:s31+$0x0] =	vst v0  }
0x49: {  	[tilespmem:s0+$0x0] =	vst v0  }
0x4a: {  	[tilespmem:s31+$0x10] =	vst v0  }
0x4b: {  	[smem:$0x7F1] =	sst s1;
	s1 =	simm.s32 $0x0;
	s2 =	simm.s32 $0x4260;
	[tilespmem:s0+$0x10] =	vst v0  }
.LBB2_2:
0x4c: {  	[tilespmem:s2+$0xFFFFFFE0] =	vst v0;
	s0 =	sadd.s32 $0x40, s0  }
0x4d: {  	s1 =	sadd.s32 $0x4, s1;
	[tilespmem:s0+$0xFFFFFFE0] =	vst v0  }
0x4e: {  	p0 =	slt.u32 s1, $0x3FC;
	[tilespmem:s2+$0xFFFFFFF0] =	vst v0  }
.Ltmp0:
0x4f: {  	[tilespmem:s0+$0xFFFFFFF0] =	vst v0;
	(pc) =	sbr.rel @p0 .LBB2_2-.Ltmp0, $4  }
0x50: {  	[tilespmem:s2+$0x0] =	vst v0  }
0x51: {  	[tilespmem:s0+$0x0] =	vst v0  }
0x52: {  	[tilespmem:s2+$0x10] =	vst v0  }
0x53: {  	s2 =	sadd.s32 $0x40, s2;
	[tilespmem:s0+$0x10] =	vst v0  }
0x54: {  	[tilespmem:$0xC200] =	vst v0  }
0x55: {  	[tilespmem:$0xC210] =	vst v0  }
0x56: {  	[tilespmem:$0xC220] =	vst v0  }
0x57: {  	[tilespmem:$0xC230] =	vst v0  }
0x58: {  	[tilespmem:$0xC240] =	vst v0  }
0x59: {  	[tilespmem:$0xC250] =	vst v0  }
0x5a: {  	[tilespmem:$0xC260] =	vst v0  }
0x5b: {  	[tilespmem:$0xC270] =	vst v0  }
0x5c: {  	[tilespmem:$0xC280] =	vst v0  }
0x5d: {  	[tilespmem:$0xC290] =	vst v0  }
0x5e: {  	[tilespmem:$0xC2A0] =	vst v0  }
0x5f: {  	[tilespmem:$0xC2B0] =	vst v0  }
0x60: {  	[tilespmem:$0xC2C0] =	vst v0  }
0x61: {  	[tilespmem:$0xC2D0] =	vst v0  }
0x62: {  	[tilespmem:$0xC2E0] =	vst v0  }
0x63: {  	[tilespmem:$0xC2F0] =	vst v0  }
0x64: {  	[tilespmem:$0xC300] =	vst v0  }
0x65: {  	[tilespmem:$0xC310] =	vst v0  }
0x66: {  	[tilespmem:$0xC320] =	vst v0  }
0x67: {  	[tilespmem:$0xC330] =	vst v0  }
0x68: {  	[tilespmem:$0xC340] =	vst v0  }
0x69: {  	[tilespmem:$0xC350] =	vst v0  }
0x6a: {  	[tilespmem:$0xC360] =	vst v0  }
0x6b: {  	[tilespmem:$0xC370] =	vst v0  }
0x6c: {  	[tilespmem:$0xC380] =	vst v0  }
0x6d: {  	[tilespmem:$0xC390] =	vst v0  }
0x6e: {  	[tilespmem:$0xC3A0] =	vst v0  }
0x6f: {  	[tilespmem:$0xC3B0] =	vst v0  }
0x70: {  	[tilespmem:$0xC3C0] =	vst v0  }
0x71: {  	[tilespmem:$0xC3D0] =	vst v0  }
0x72: {  	[tilespmem:$0xC3E0] =	vst v0  }
0x73: {  	[tilespmem:$0xC3F0] =	vst v0  }
0x74: {  	[tilespmem:$0xC400] =	vst v0  }
0x75: {  	[tilespmem:$0xC410] =	vst v0  }
0x76: {  	[tilespmem:$0xC420] =	vst v0  }
0x77: {  	[tilespmem:$0xC430] =	vst v0  }
0x78: {  	[tilespmem:$0xC440] =	vst v0  }
0x79: {  	[tilespmem:$0xC450] =	vst v0  }
0x7a: {  	[tilespmem:$0xC460] =	vst v0  }
0x7b: {  	[tilespmem:$0xC470] =	vst v0  }
0x7c: {  	[tilespmem:$0xC480] =	vst v0  }
0x7d: {  	[tilespmem:$0xC490] =	vst v0  }
0x7e: {  	[tilespmem:$0xC4A0] =	vst v0  }
0x7f: {  	[tilespmem:$0xC4B0] =	vst v0  }
0x80: {  	[tilespmem:$0xC4C0] =	vst v0  }
0x81: {  	[tilespmem:$0xC4D0] =	vst v0  }
0x82: {  	[tilespmem:$0xC4E0] =	vst v0  }
0x83: {  	[tilespmem:$0xC4F0] =	vst v0  }
0x84: {  	[tilespmem:$0xC500] =	vst v0  }
0x85: {  	[tilespmem:$0xC510] =	vst v0  }
0x86: {  	[tilespmem:$0xC520] =	vst v0  }
0x87: {  	[tilespmem:$0xC530] =	vst v0  }
0x88: {  	[tilespmem:$0xC540] =	vst v0  }
0x89: {  	[tilespmem:$0xC550] =	vst v0  }
0x8a: {  	[tilespmem:$0xC560] =	vst v0  }
0x8b: {  	[tilespmem:$0xC570] =	vst v0  }
0x8c: {  	[tilespmem:$0xC580] =	vst v0  }
0x8d: {  	[tilespmem:$0xC590] =	vst v0  }
0x8e: {  	[tilespmem:$0xC5A0] =	vst v0  }
0x8f: {  	[tilespmem:$0xC5B0] =	vst v0  }
0x90: {  	[tilespmem:$0xC5C0] =	vst v0  }
0x91: {  	[tilespmem:$0xC5D0] =	vst v0  }
0x92: {  	[tilespmem:$0xC5E0] =	vst v0;
	s0 =	rddreg [dreg:$0x1]  }
0x93: {  	[tilespmem:$0xC5F0] =	vst v0;
	s15 =	simm.s32 $0x0;
	s1 =	simm.s32 $0x4000;
	s30 =	sld [smem:$0x7F5]  }
0x94: {  	[tilespmem:s1], [sflag:$0x2] =	stream.linear.gather [hbm4b:s0+s15], $0x100, $0x38;
	[tilespmem:$0x15710] =	vst v63  }
0x95: {  	s31 =	simm.s32 $0x20;
	s2 =	simm.s32 $0x400  }
0x96: {  	[tilespmem:s15], [sflag:$0x1] =	stream.strided.gather [hbm4b:s30+s31], $0x2000, s2, s31, $0x38;
	[tilespmem:$0x15710] =	vst v63  }
.LBB2_4:
0x97: {  	s3 =	sshllo.u32 s15, $0x1;
	s1 =	rddreg [dreg:$0x1];
	s20 =	simm.s32 $0x0  }
0x98: {  	s2 =	simm.s32 $0x4100;
	s22 =	sld [smem:$0x7F2];
	s0 =	sshll.u32 s3, $0x5  }
0x99: {  	s23 =	sld [smem:$0x7F4];
	s21 =	sshll.u32 s3, $0x12;
	s0 =	sadd.s32 s1, s0  }
0x9a: {  	[tilespmem:s2], [sflag:$0x4] =	stream.linear.gather [hbm4b:s0+s20], $0x100, $0x38;
	[tilespmem:$0x15710] =	vst v63  }
0x9b: {  	s24 =	simm.s32 $0x20;
	s0 =	sor.u32 s22, s21  }
0x9c: {  	s25 =	simm.s32 $0x400;
	s26 =	simm.s32 $0x2000;
	s0 =	sshrl.u32 s0, $0x3  }
0x9d: {  	s28 =	simm.s32 $0x2;
	[smem:$0x7E7] =	sst s3;
	s0 =	sadd.s32 s23, s0  }
0x9e: {  	[tilespmem:s26], [sflag:$0x3] =	stream.strided.gather [hbm4b:s0+s24], $0x2000, s25, s24, $0x38;
	[tilespmem:$0x15710] =	vst v63  }
0x9f: {  	_ =	swait.ge [sflag:s28], $0x100  }
0xa0: {  	[sflag:s28] =	ssyncset.done $0x0  }
0xa1: {  	s29 =	simm.s32 $0x1;
	[sflag:s28] =	ssyncadd.s32 $0xFFFFFF00  }
0xa2: {  	_ =	swait.ge [sflag:s29], $0x2000  }
0xa3: {  	[sflag:s29] =	ssyncset.done $0x0  }
0xa4: {  	s31 =	simm.s32 $0x4010;
	[sflag:s29] =	ssyncadd.s32 $0xFFFFE000  }
0xa5: {  	v1 =	vld [tilespmem:s31+$0x0];
	_ =	sdelay $0x1  }
0xa6: {  	v2 =	vld [tilespmem:s31+$0xFFFFFFF0];
	_ =	sdelay $0x2  }
0xa7: {  	v1 =	vshll.u32 v1, $0x4  }
0xa8: {  	(v2sf) =	vpush v1, $0x0  }
0xa9: {  	v2 =	vshll.u32 v2, $0x4  }
0xaa: {  	(v2sf) =	vpush v2, $0x0  }
0xab: {  	(v2sf) =	vpush v2, $0x1  }
0xac: {  	(v2sf) =	vpush v2, $0x2  }
0xad: {  	(v2sf) =	vpush v2, $0x3  }
0xae: {  	(v2sf) =	vpush v1, $0x1  }
0xaf: {  	(v2sf) =	vpush v2, $0x4  }
0xb0: {  	(v2sf) =	vpush v2, $0x5  }
0xb1: {  	(v2sf) =	vpush v2, $0x6  }
0xb2: {  	s19 =	simm.s32 $0x200;
	(v2sf) =	vpush v2, $0x7  }
0xb3: {  	v3 =	vld [tilespmem:s19+$0x0];
	(v2sf) =	vpush v2, $0x8  }
0xb4: {  	(v2sf) =	vpush v1, $0x2  }
0xb5: {  	(v2sf) =	vpush v2, $0x9  }
0xb6: {  	(v2sf) =	vpush v2, $0xA  }
0xb7: {  	s24 =	spop (v2sf)  }
0xb8: {  	(v2sf) =	vpush v2, $0xB;
	[tilespmem:s24+$0x4200] =	vst.add.f32.msk $0xffff, v3  }
0xb9: {  	s21 =	spop (v2sf);
	v3 =	vld [tilespmem:s19+$0x20]  }
0xba: {  	(v2sf) =	vpush v2, $0xC;
	s18 =	spop (v2sf)  }
0xbb: {  	(v2sf) =	vpush v2, $0xD;
	s8 =	spop (v2sf)  }
0xbc: {  	v4 =	vld [tilespmem:s19+$0xFFFFFE00];
	(v2sf) =	vpush v1, $0x3;
	s3 =	spop (v2sf)  }
0xbd: {  	s25 =	spop (v2sf)  }
0xbe: {  	(v2sf) =	vpush v2, $0xE;
	s2 =	spop (v2sf);
	[tilespmem:s25+$0x4200] =	vst.add.f32.msk $0xffff, v3  }
0xbf: {  	(v2sf) =	vpush v2, $0xF;
	s4 =	spop (v2sf);
	v2 =	vld [tilespmem:s19+$0x40]  }
0xc0: {  	s5 =	spop (v2sf)  }
0xc1: {  	[tilespmem:s21+$0x4200] =	vst.add.f32.msk $0xffff, v4;
	s9 =	spop (v2sf)  }
0xc2: {  	v3 =	vld [tilespmem:s19+$0xFFFFFE20];
	(v2sf) =	vpush v1, $0x4;
	[smem:$0x7E8] =	sst s9;
	s16 =	spop (v2sf)  }
0xc3: {  	[smem:$0x7E9] =	sst s16;
	s28 =	spop (v2sf)  }
0xc4: {  	s14 =	spop (v2sf);
	[tilespmem:s28+$0x4200] =	vst.add.f32.msk $0xffff, v2  }
0xc5: {  	s13 =	spop (v2sf);
	[smem:$0x7EA] =	sst s14  }
0xc6: {  	v2 =	vld [tilespmem:s19+$0x60];
	[smem:$0x7EB] =	sst s13  }
0xc7: {  	s11 =	spop (v2sf);
	[tilespmem:s18+$0x4200] =	vst.add.f32.msk $0xffff, v3  }
0xc8: {  	(v2sf) =	vpush v1, $0x5;
	[smem:$0x7ED] =	sst s11  }
0xc9: {  	s7 =	spop (v2sf);
	v3 =	vld [tilespmem:s19+$0xFFFFFE40]  }
0xca: {  	s12 =	spop (v2sf)  }
0xcb: {  	s30 =	spop (v2sf);
	[smem:$0x7EE] =	sst s7  }
0xcc: {  	[tilespmem:s30+$0x4200] =	vst.add.f32.msk $0xffff, v2  }
0xcd: {  	v2 =	vld [tilespmem:s19+$0x80]  }
0xce: {  	(v2sf) =	vpush v1, $0x6;
	[tilespmem:s8+$0x4200] =	vst.add.f32.msk $0xffff, v3  }
0xcf: {  	s1 =	spop (v2sf);
	v3 =	vld [tilespmem:s19+$0xFFFFFE60]  }
0xd0: {  	s20 =	spop (v2sf)  }
0xd1: {  	s29 =	spop (v2sf)  }
0xd2: {  	[tilespmem:s29+$0x4200] =	vst.add.f32.msk $0xffff, v2  }
0xd3: {  	v2 =	vld [tilespmem:s19+$0xA0]  }
0xd4: {  	(v2sf) =	vpush v1, $0x7;
	[tilespmem:s3+$0x4200] =	vst.add.f32.msk $0xffff, v3  }
0xd5: {  	v3 =	vld [tilespmem:s19+$0xFFFFFE80];
	_ =	sdelay $0x1  }
0xd6: {  	s26 =	spop (v2sf)  }
0xd7: {  	[tilespmem:s26+$0x4200] =	vst.add.f32.msk $0xffff, v2  }
0xd8: {  	v2 =	vld [tilespmem:s19+$0xC0]  }
0xd9: {  	(v2sf) =	vpush v1, $0x8;
	[tilespmem:s2+$0x4200] =	vst.add.f32.msk $0xffff, v3  }
0xda: {  	v3 =	vld [tilespmem:s19+$0xFFFFFEA0];
	_ =	sdelay $0x1  }
0xdb: {  	s17 =	spop (v2sf)  }
0xdc: {  	[tilespmem:s17+$0x4200] =	vst.add.f32.msk $0xffff, v2  }
0xdd: {  	v2 =	vld [tilespmem:s19+$0xE0]  }
0xde: {  	(v2sf) =	vpush v1, $0x9;
	[tilespmem:s4+$0x4200] =	vst.add.f32.msk $0xffff, v3  }
0xdf: {  	v3 =	vld [tilespmem:s19+$0xFFFFFEC0];
	_ =	sdelay $0x1  }
0xe0: {  	s6 =	spop (v2sf)  }
0xe1: {  	[tilespmem:s6+$0x4200] =	vst.add.f32.msk $0xffff, v2  }
0xe2: {  	v2 =	vld [tilespmem:s19+$0x100]  }
0xe3: {  	(v2sf) =	vpush v1, $0xA;
	[tilespmem:s5+$0x4200] =	vst.add.f32.msk $0xffff, v3  }
0xe4: {  	v3 =	vld [tilespmem:s19+$0xFFFFFEE0];
	_ =	sdelay $0x1  }
0xe5: {  	s10 =	spop (v2sf)  }
0xe6: {  	[tilespmem:s10+$0x4200] =	vst.add.f32.msk $0xffff, v2  }
0xe7: {  	v2 =	vld [tilespmem:s19+$0x120]  }
0xe8: {  	(v2sf) =	vpush v1, $0xB;
	[tilespmem:s9+$0x4200] =	vst.add.f32.msk $0xffff, v3  }
0xe9: {  	v3 =	vld [tilespmem:s19+$0xFFFFFF00];
	_ =	sdelay $0x1  }
0xea: {  	s9 =	spop (v2sf)  }
0xeb: {  	[tilespmem:s9+$0x4200] =	vst.add.f32.msk $0xffff, v2  }
0xec: {  	v2 =	vld [tilespmem:s19+$0x140]  }
0xed: {  	(v2sf) =	vpush v1, $0xC;
	[tilespmem:s16+$0x4200] =	vst.add.f32.msk $0xffff, v3  }
0xee: {  	v3 =	vld [tilespmem:s19+$0xFFFFFF20];
	_ =	sdelay $0x1  }
0xef: {  	s23 =	spop (v2sf)  }
0xf0: {  	[tilespmem:s23+$0x4200] =	vst.add.f32.msk $0xffff, v2  }
0xf1: {  	v2 =	vld [tilespmem:s19+$0x160]  }
0xf2: {  	(v2sf) =	vpush v1, $0xD;
	[tilespmem:s14+$0x4200] =	vst.add.f32.msk $0xffff, v3  }
0xf3: {  	v3 =	vld [tilespmem:s19+$0xFFFFFF40];
	_ =	sdelay $0x1  }
0xf4: {  	s22 =	spop (v2sf)  }
0xf5: {  	[tilespmem:s22+$0x4200] =	vst.add.f32.msk $0xffff, v2  }
0xf6: {  	(v2sf) =	vpush v1, $0xE;
	v2 =	vld [tilespmem:s19+$0x180]  }
0xf7: {  	[tilespmem:s13+$0x4200] =	vst.add.f32.msk $0xffff, v3  }
0xf8: {  	v3 =	vld [tilespmem:s19+$0xFFFFFF60];
	_ =	sdelay $0x1  }
0xf9: {  	s13 =	spop (v2sf)  }
0xfa: {  	[tilespmem:s13+$0x4200] =	vst.add.f32.msk $0xffff, v2  }
0xfb: {  	v2 =	vld [tilespmem:s19+$0x1A0]  }
0xfc: {  	(v2sf) =	vpush v1, $0xF;
	[tilespmem:s11+$0x4200] =	vst.add.f32.msk $0xffff, v3  }
0xfd: {  	v1 =	vld [tilespmem:s19+$0xFFFFFF80];
	_ =	sdelay $0x1  }
0xfe: {  	s16 =	spop (v2sf)  }
0xff: {  	[tilespmem:s16+$0x4200] =	vst.add.f32.msk $0xffff, v2  }
0x100: {  	v2 =	vld [tilespmem:s19+$0x1C0]  }
0x101: {  	[tilespmem:s7+$0x4200] =	vst.add.f32.msk $0xffff, v1  }
0x102: {  	v1 =	vld [tilespmem:s19+$0xFFFFFFA0]  }
0x103: {  	s31 =	spop (v2sf)  }
0x104: {  	[smem:$0x7EC] =	sst s31  }
0x105: {  	[tilespmem:s31+$0x4200] =	vst.add.f32.msk $0xffff, v2  }
0x106: {  	v2 =	vld [tilespmem:s19+$0x1E0];
	[dreg:$0x7] =	wrdreg s12  }
0x107: {  	[tilespmem:s12+$0x4200] =	vst.add.f32.msk $0xffff, v1  }
0x108: {  	v1 =	vld [tilespmem:s19+$0xFFFFFFC0];
	_ =	sdelay $0x1  }
0x109: {  	s12 =	spop (v2sf)  }
0x10a: {  	[tilespmem:s12+$0x4200] =	vst.add.f32.msk $0xffff, v2  }
0x10b: {  	v2 =	vld [tilespmem:s19+$0x10];
	[dreg:$0x8] =	wrdreg s1  }
0x10c: {  	[tilespmem:s1+$0x4200] =	vst.add.f32.msk $0xffff, v1  }
0x10d: {  	v1 =	vld [tilespmem:s19+$0xFFFFFFE0];
	_ =	sdelay $0x2  }
0x10e: {  	[tilespmem:s24+$0x8200] =	vst.add.f32.msk $0xffff, v2  }
0x10f: {  	v2 =	vld [tilespmem:s19+$0x30];
	[dreg:$0x5] =	wrdreg s20  }
0x110: {  	[tilespmem:s20+$0x4200] =	vst.add.f32.msk $0xffff, v1  }
0x111: {  	v1 =	vld [tilespmem:s19+$0xFFFFFE10];
	_ =	sdelay $0x2  }
0x112: {  	[tilespmem:s25+$0x8200] =	vst.add.f32.msk $0xffff, v2  }
0x113: {  	v2 =	vld [tilespmem:s19+$0x50]  }
0x114: {  	s7 =	simm.s32 $0x4030;
	[tilespmem:s21+$0x8200] =	vst.add.f32.msk $0xffff, v1  }
0x115: {  	v1 =	vld [tilespmem:s7+$0x0]  }
0x116: {  	v3 =	vld [tilespmem:s19+$0xFFFFFE30]  }
0x117: {  	v57 =	vld [tilespmem:s7+$0xFFFFFFF0]  }
0x118: {  	[tilespmem:s28+$0x8200] =	vst.add.f32.msk $0xffff, v2  }
0x119: {  	v2 =	vld [tilespmem:s19+$0x70]  }
0x11a: {  	v1 =	vshll.u32 v1, $0x4  }
0x11b: {  	[tilespmem:s18+$0x8200] =	vst.add.f32.msk $0xffff, v3;
	(v2sf) =	vpush v1, $0x0  }
0x11c: {  	v4 =	vshll.u32 v57, $0x4;
	v3 =	vld [tilespmem:s19+$0xFFFFFE50]  }
0x11d: {  	(v2sf) =	vpush v4, $0x0  }
0x11e: {  	(v2sf) =	vpush v4, $0x1;
	[tilespmem:s30+$0x8200] =	vst.add.f32.msk $0xffff, v2  }
0x11f: {  	(v2sf) =	vpush v4, $0x2;
	v2 =	vld [tilespmem:s19+$0x90]  }
0x120: {  	(v2sf) =	vpush v4, $0x3  }
0x121: {  	(v2sf) =	vpush v1, $0x1;
	[tilespmem:s8+$0x8200] =	vst.add.f32.msk $0xffff, v3  }
0x122: {  	(v2sf) =	vpush v4, $0x4;
	v3 =	vld [tilespmem:s19+$0xFFFFFE70]  }
0x123: {  	(v2sf) =	vpush v4, $0x5  }
0x124: {  	(v2sf) =	vpush v4, $0x6;
	[tilespmem:s29+$0x8200] =	vst.add.f32.msk $0xffff, v2  }
0x125: {  	s8 =	simm.s32 $0x600;
	(v2sf) =	vpush v4, $0x7;
	v2 =	vld [tilespmem:s19+$0xB0]  }
0x126: {  	v5 =	vld [tilespmem:s8+$0x0];
	(v2sf) =	vpush v4, $0x8  }
0x127: {  	(v2sf) =	vpush v1, $0x2;
	[tilespmem:s3+$0x8200] =	vst.add.f32.msk $0xffff, v3  }
0x128: {  	(v2sf) =	vpush v4, $0x9;
	v3 =	vld [tilespmem:s8+$0xFFFFFE00]  }
0x129: {  	v6 =	vld [tilespmem:s19+$0xFFFFFE90];
	(v2sf) =	vpush v4, $0xA  }
0x12a: {  	(v2sf) =	vpush v4, $0xB;
	[tilespmem:s26+$0x8200] =	vst.add.f32.msk $0xffff, v2;
	s28 =	spop (v2sf)  }
0x12b: {  	(v2sf) =	vpush v4, $0xC;
	[tilespmem:s28+$0x4200] =	vst.add.f32.msk $0xffff, v5  }
0x12c: {  	(v2sf) =	vpush v4, $0xD;
	s29 =	spop (v2sf);
	v2 =	vld [tilespmem:s8+$0x20]  }
0x12d: {  	(v2sf) =	vpush v1, $0x3;
	[tilespmem:s29+$0x4200] =	vst.add.f32.msk $0xffff, v3;
	s21 =	spop (v2sf)  }
0x12e: {  	v3 =	vld [tilespmem:s8+$0xFFFFFE20];
	s11 =	spop (v2sf)  }
0x12f: {  	v58 =	vld [tilespmem:s19+$0xD0];
	s14 =	spop (v2sf)  }
0x130: {  	[tilespmem:s2+$0x8200] =	vst.add.f32.msk $0xffff, v6;
	s7 =	spop (v2sf)  }
0x131: {  	(v2sf) =	vpush v4, $0xE;
	s20 =	spop (v2sf);
	[tilespmem:s7+$0x4200] =	vst.add.f32.msk $0xffff, v2  }
0x132: {  	(v2sf) =	vpush v4, $0xF;
	s24 =	spop (v2sf);
	v2 =	vld [tilespmem:s8+$0x40]  }
0x133: {  	(v2sf) =	vpush v1, $0x4;
	[tilespmem:s21+$0x4200] =	vst.add.f32.msk $0xffff, v3;
	s31 =	spop (v2sf)  }
0x134: {  	v3 =	vld [tilespmem:s8+$0xFFFFFE40];
	s0 =	spop (v2sf)  }
0x135: {  	[tilespmem:s17+$0x8200] =	vst.add.f32.msk $0xffff, v58;
	s26 =	spop (v2sf)  }
0x136: {  	v59 =	vld [tilespmem:s19+$0xF0];
	s3 =	spop (v2sf)  }
0x137: {  	s1 =	spop (v2sf);
	[tilespmem:s3+$0x4200] =	vst.add.f32.msk $0xffff, v2  }
0x138: {  	s30 =	spop (v2sf);
	v2 =	vld [tilespmem:s8+$0x60];
	[dreg:$0x1c] =	wrdreg s11  }
0x139: {  	(v2sf) =	vpush v1, $0x5;
	s2 =	spop (v2sf);
	[tilespmem:s11+$0x4200] =	vst.add.f32.msk $0xffff, v3  }
0x13a: {  	s25 =	spop (v2sf);
	v3 =	vld [tilespmem:s8+$0xFFFFFE60]  }
0x13b: {  	[tilespmem:s6+$0x8200] =	vst.add.f32.msk $0xffff, v59;
	s18 =	spop (v2sf)  }
0x13c: {  	v4 =	vld [tilespmem:s19+$0x110];
	s6 =	spop (v2sf)  }
0x13d: {  	[tilespmem:s6+$0x4200] =	vst.add.f32.msk $0xffff, v2  }
0x13e: {  	v2 =	vld [tilespmem:s8+$0x80];
	[dreg:$0x1a] =	wrdreg s14  }
0x13f: {  	(v2sf) =	vpush v1, $0x6;
	[tilespmem:s14+$0x4200] =	vst.add.f32.msk $0xffff, v3  }
0x140: {  	s14 =	spop (v2sf);
	v3 =	vld [tilespmem:s8+$0xFFFFFE80]  }
0x141: {  	[tilespmem:s10+$0x8200] =	vst.add.f32.msk $0xffff, v4;
	s17 =	spop (v2sf)  }
0x142: {  	v4 =	vld [tilespmem:s19+$0x130];
	s10 =	spop (v2sf)  }
0x143: {  	[tilespmem:s10+$0x4200] =	vst.add.f32.msk $0xffff, v2  }
0x144: {  	v2 =	vld [tilespmem:s8+$0xA0];
	[dreg:$0x18] =	wrdreg s20  }
0x145: {  	(v2sf) =	vpush v1, $0x7;
	[tilespmem:s20+$0x4200] =	vst.add.f32.msk $0xffff, v3  }
0x146: {  	v3 =	vld [tilespmem:s8+$0xFFFFFEA0]  }
0x147: {  	[tilespmem:s9+$0x8200] =	vst.add.f32.msk $0xffff, v4  }
0x148: {  	s9 =	spop (v2sf);
	v4 =	vld [tilespmem:s19+$0x150]  }
0x149: {  	[tilespmem:s9+$0x4200] =	vst.add.f32.msk $0xffff, v2  }
0x14a: {  	v2 =	vld [tilespmem:s8+$0xC0];
	[dreg:$0x15] =	wrdreg s24  }
0x14b: {  	(v2sf) =	vpush v1, $0x8;
	[tilespmem:s24+$0x4200] =	vst.add.f32.msk $0xffff, v3  }
0x14c: {  	v3 =	vld [tilespmem:s8+$0xFFFFFEC0]  }
0x14d: {  	[tilespmem:s23+$0x8200] =	vst.add.f32.msk $0xffff, v4  }
0x14e: {  	s24 =	spop (v2sf);
	v4 =	vld [tilespmem:s19+$0x170]  }
0x14f: {  	[tilespmem:s24+$0x4200] =	vst.add.f32.msk $0xffff, v2  }
0x150: {  	v2 =	vld [tilespmem:s8+$0xE0];
	[dreg:$0x14] =	wrdreg s31  }
0x151: {  	(v2sf) =	vpush v1, $0x9;
	[tilespmem:s31+$0x4200] =	vst.add.f32.msk $0xffff, v3  }
0x152: {  	v3 =	vld [tilespmem:s8+$0xFFFFFEE0]  }
0x153: {  	[tilespmem:s22+$0x8200] =	vst.add.f32.msk $0xffff, v4  }
0x154: {  	s23 =	spop (v2sf);
	v4 =	vld [tilespmem:s19+$0x190]  }
0x155: {  	[tilespmem:s23+$0x4200] =	vst.add.f32.msk $0xffff, v2  }
0x156: {  	v2 =	vld [tilespmem:s8+$0x100];
	[dreg:$0x12] =	wrdreg s0  }
0x157: {  	(v2sf) =	vpush v1, $0xA;
	[tilespmem:s0+$0x4200] =	vst.add.f32.msk $0xffff, v3  }
0x158: {  	v3 =	vld [tilespmem:s8+$0xFFFFFF00]  }
0x159: {  	[tilespmem:s13+$0x8200] =	vst.add.f32.msk $0xffff, v4  }
0x15a: {  	s13 =	smov.u32 s25;
	v60 =	vld [tilespmem:s19+$0xFFFFFEB0];
	s25 =	spop (v2sf)  }
0x15b: {  	[tilespmem:s25+$0x4200] =	vst.add.f32.msk $0xffff, v2  }
0x15c: {  	v2 =	vld [tilespmem:s8+$0x120];
	[dreg:$0xe] =	wrdreg s26  }
0x15d: {  	[tilespmem:s26+$0x4200] =	vst.add.f32.msk $0xffff, v3  }
0x15e: {  	(v2sf) =	vpush v1, $0xB;
	v3 =	vld [tilespmem:s8+$0xFFFFFF20]  }
0x15f: {  	[tilespmem:s4+$0x8200] =	vst.add.f32.msk $0xffff, v60  }
0x160: {  	s26 =	spop (v2sf);
	v4 =	vld [tilespmem:s19+$0xFFFFFED0]  }
0x161: {  	[tilespmem:s26+$0x4200] =	vst.add.f32.msk $0xffff, v2  }
0x162: {  	v2 =	vld [tilespmem:s8+$0x140];
	[dreg:$0xf] =	wrdreg s1  }
0x163: {  	[tilespmem:s1+$0x4200] =	vst.add.f32.msk $0xffff, v3  }
0x164: {  	v3 =	vld [tilespmem:s8+$0xFFFFFF40]  }
0x165: {  	[tilespmem:s5+$0x8200] =	vst.add.f32.msk $0xffff, v4  }
0x166: {  	s5 =	spop (v2sf);
	v4 =	vld [tilespmem:s19+$0xFFFFFEF0]  }
0x167: {  	(v2sf) =	vpush v1, $0xC;
	[tilespmem:s5+$0x4200] =	vst.add.f32.msk $0xffff, v2  }
0x168: {  	v2 =	vld [tilespmem:s8+$0x160];
	[dreg:$0xc] =	wrdreg s30  }
0x169: {  	[tilespmem:s30+$0x4200] =	vst.add.f32.msk $0xffff, v3  }
0x16a: {  	s0 =	sld [smem:$0x7E8];
	_ =	sdelay $0x1  }
0x16b: {  	v3 =	vld [tilespmem:s8+$0xFFFFFF60]  }
0x16c: {  	s4 =	spop (v2sf);
	[tilespmem:s0+$0x8200] =	vst.add.f32.msk $0xffff, v4  }
0x16d: {  	(v2sf) =	vpush v1, $0xD;
	[tilespmem:s4+$0x4200] =	vst.add.f32.msk $0xffff, v2  }
0x16e: {  	v4 =	vld [tilespmem:s19+$0xFFFFFF10]  }
0x16f: {  	v2 =	vld [tilespmem:s8+$0x180];
	[dreg:$0xb] =	wrdreg s2  }
0x170: {  	[tilespmem:s2+$0x4200] =	vst.add.f32.msk $0xffff, v3  }
0x171: {  	s0 =	sld [smem:$0x7E9];
	_ =	sdelay $0x1  }
0x172: {  	(v2sf) =	vpush v1, $0xE;
	v3 =	vld [tilespmem:s8+$0xFFFFFF80]  }
0x173: {  	[tilespmem:s0+$0x8200] =	vst.add.f32.msk $0xffff, v4  }
0x174: {  	s0 =	spop (v2sf);
	v4 =	vld [tilespmem:s19+$0xFFFFFF30]  }
0x175: {  	[tilespmem:s0+$0x4200] =	vst.add.f32.msk $0xffff, v2  }
0x176: {  	v2 =	vld [tilespmem:s8+$0x1A0]  }
0x177: {  	[tilespmem:s13+$0x4200] =	vst.add.f32.msk $0xffff, v3  }
0x178: {  	s1 =	sld [smem:$0x7EA]  }
0x179: {  	(v2sf) =	vpush v1, $0xF;
	v3 =	vld [tilespmem:s19+$0x1B0]  }
0x17a: {  	v1 =	vld [tilespmem:s8+$0xFFFFFFA0]  }
0x17b: {  	s22 =	spop (v2sf);
	[tilespmem:s1+$0x8200] =	vst.add.f32.msk $0xffff, v4  }
0x17c: {  	[tilespmem:s22+$0x4200] =	vst.add.f32.msk $0xffff, v2  }
0x17d: {  	v2 =	vld [tilespmem:s8+$0x1C0]  }
0x17e: {  	[tilespmem:s16+$0x8200] =	vst.add.f32.msk $0xffff, v3  }
0x17f: {  	[tilespmem:s18+$0x4200] =	vst.add.f32.msk $0xffff, v1  }
0x180: {  	v61 =	vld [tilespmem:s8+$0xFFFFFFC0]  }
0x181: {  	s30 =	spop (v2sf);
	v1 =	vld [tilespmem:s19+$0xFFFFFF50]  }
0x182: {  	[tilespmem:s30+$0x4200] =	vst.add.f32.msk $0xffff, v2  }
0x183: {  	s1 =	sld [smem:$0x7EB]  }
0x184: {  	v2 =	vld [tilespmem:s8+$0x1E0]  }
0x185: {  	[tilespmem:s14+$0x4200] =	vst.add.f32.msk $0xffff, v61  }
0x186: {  	[tilespmem:s1+$0x8200] =	vst.add.f32.msk $0xffff, v1  }
0x187: {  	v1 =	vld [tilespmem:s8+$0xFFFFFFE0]  }
0x188: {  	s2 =	spop (v2sf)  }
0x189: {  	[tilespmem:s2+$0x4200] =	vst.add.f32.msk $0xffff, v2  }
0x18a: {  	v2 =	vld [tilespmem:s8+$0x10]  }
0x18b: {  	v3 =	vld [tilespmem:s19+$0x1D0]  }
0x18c: {  	[tilespmem:s17+$0x4200] =	vst.add.f32.msk $0xffff, v1  }
0x18d: {  	v1 =	vld [tilespmem:s8+$0xFFFFFE10];
	s1 =	sld [smem:$0x7EC]  }
0x18e: {  	v62 =	vld [tilespmem:s19+$0xFFFFFF70]  }
0x18f: {  	[tilespmem:s28+$0x8200] =	vst.add.f32.msk $0xffff, v2  }
0x190: {  	[tilespmem:s1+$0x8200] =	vst.add.f32.msk $0xffff, v3  }
0x191: {  	v2 =	vld [tilespmem:s8+$0x30]  }
0x192: {  	s1 =	sld [smem:$0x7ED];
	[tilespmem:s29+$0x8200] =	vst.add.f32.msk $0xffff, v1  }
0x193: {  	v1 =	vld [tilespmem:s19+$0x1F0]  }
0x194: {  	v63 =	vld [tilespmem:s8+$0xFFFFFE30]  }
0x195: {  	[tilespmem:s1+$0x8200] =	vst.add.f32.msk $0xffff, v62  }
0x196: {  	v3 =	vld [tilespmem:s19+$0xFFFFFF90]  }
0x197: {  	[tilespmem:s7+$0x8200] =	vst.add.f32.msk $0xffff, v2  }
0x198: {  	[tilespmem:s12+$0x8200] =	vst.add.f32.msk $0xffff, v1  }
0x199: {  	s1 =	sld [smem:$0x7EE]  }
0x19a: {  	v2 =	vld [tilespmem:s8+$0x50]  }
0x19b: {  	[tilespmem:s21+$0x8200] =	vst.add.f32.msk $0xffff, v63  }
0x19c: {  	[tilespmem:s1+$0x8200] =	vst.add.f32.msk $0xffff, v3  }
0x19d: {  	s31 =	sshll.u32 s15, $0x1;
	v1 =	vld [tilespmem:s19+$0xFFFFFFB0];
	[smem:$0x7EF] =	sst s15  }
0x19e: {  	s11 =	simm.s32 $0x4050;
	s7 =	simm.s32 $0x2;
	[smem:$0x7F0] =	sst s31  }
.LBB2_5:
0x19f: {  	_ =	sdelay $0x1  }
0x1a0: {  	v3 =	vld [tilespmem:s11+$0x0]  }
0x1a1: {  	[tilespmem:s3+$0x8200] =	vst.add.f32.msk $0xffff, v2  }
0x1a2: {  	v2 =	vld [tilespmem:s8+$0x70]  }
0x1a3: {  	v4 =	vld [tilespmem:s11+$0xFFFFFFF0]  }
0x1a4: {  	v5 =	vld [tilespmem:s8+$0xFFFFFE50];
	s1 =	rddreg [dreg:$0x7]  }
0x1a5: {  	[tilespmem:s1+$0x8200] =	vst.add.f32.msk $0xffff, v1  }
0x1a6: {  	v1 =	vshll.u32 v3, $0x4;
	v3 =	vld [tilespmem:s19+$0xFFFFFFD0]  }
0x1a7: {  	(v2sf) =	vpush v1, $0x0;
	[tilespmem:s6+$0x8200] =	vst.add.f32.msk $0xffff, v2  }
0x1a8: {  	s31 =	rddreg [dreg:$0x1c];
	v2 =	vshll.u32 v4, $0x4;
	v62 =	vld [tilespmem:s8+$0x90]  }
0x1a9: {  	[tilespmem:s31+$0x8200] =	vst.add.f32.msk $0xffff, v5;
	(v2sf) =	vpush v2, $0x0  }
0x1aa: {  	s3 =	rddreg [dreg:$0x8];
	v5 =	vld [tilespmem:s8+$0xFFFFFE70]  }
0x1ab: {  	[tilespmem:s3+$0x8200] =	vst.add.f32.msk $0xffff, v3;
	(v2sf) =	vpush v2, $0x1  }
0x1ac: {  	v3 =	vld [tilespmem:s19+$0xFFFFFFF0];
	(v2sf) =	vpush v2, $0x2  }
0x1ad: {  	(v2sf) =	vpush v2, $0x3;
	[tilespmem:s10+$0x8200] =	vst.add.f32.msk $0xffff, v62  }
0x1ae: {  	(v2sf) =	vpush v1, $0x1;
	s10 =	rddreg [dreg:$0x1a];
	v4 =	vld [tilespmem:s8+$0xB0]  }
0x1af: {  	(v2sf) =	vpush v2, $0x4;
	[tilespmem:s10+$0x8200] =	vst.add.f32.msk $0xffff, v5  }
0x1b0: {  	s12 =	rddreg [dreg:$0x5];
	(v2sf) =	vpush v2, $0x5;
	v5 =	vld [tilespmem:s8+$0xFFFFFE90]  }
0x1b1: {  	s19 =	smov.u32 s8;
	(v2sf) =	vpush v2, $0x6;
	s8 =	sadd.s32 $0x400, s8;
	[tilespmem:s12+$0x8200] =	vst.add.f32.msk $0xffff, v3  }
0x1b2: {  	(v2sf) =	vpush v2, $0x7;
	v3 =	vld [tilespmem:s8+$0x0]  }
0x1b3: {  	v6 =	vld [tilespmem:s8+$0xFFFFFE00];
	(v2sf) =	vpush v2, $0x8  }
0x1b4: {  	(v2sf) =	vpush v1, $0x2;
	[tilespmem:s9+$0x8200] =	vst.add.f32.msk $0xffff, v4  }
0x1b5: {  	s6 =	smov.u32 s14;
	s14 =	rddreg [dreg:$0x18];
	(v2sf) =	vpush v2, $0x9;
	v4 =	vld [tilespmem:s19+$0xD0]  }
0x1b6: {  	s15 =	spop (v2sf);
	(v2sf) =	vpush v2, $0xA;
	[tilespmem:s14+$0x8200] =	vst.add.f32.msk $0xffff, v5  }
0x1b7: {  	(v2sf) =	vpush v2, $0xB;
	[tilespmem:s15+$0x4200] =	vst.add.f32.msk $0xffff, v3  }
0x1b8: {  	(v2sf) =	vpush v2, $0xC;
	v3 =	vld [tilespmem:s8+$0x20];
	s16 =	spop (v2sf)  }
0x1b9: {  	(v2sf) =	vpush v2, $0xD;
	[tilespmem:s16+$0x4200] =	vst.add.f32.msk $0xffff, v6  }
0x1ba: {  	[smem:$0x7E5] =	sst s13;
	s13 =	smov.u32 s17;
	s17 =	spop (v2sf);
	(v2sf) =	vpush v1, $0x3;
	[tilespmem:s24+$0x8200] =	vst.add.f32.msk $0xffff, v4  }
0x1bb: {  	s29 =	smov.u32 s18;
	s18 =	spop (v2sf);
	(v2sf) =	vpush v2, $0xE;
	v4 =	vld [tilespmem:s19+$0xF0]  }
0x1bc: {  	s9 =	spop (v2sf);
	(v2sf) =	vpush v2, $0xF;
	v2 =	vld [tilespmem:s8+$0xFFFFFE20]  }
0x1bd: {  	[dreg:$0x1f] =	wrdreg s16;
	s16 =	spop (v2sf)  }
0x1be: {  	[tilespmem:s16+$0x4200] =	vst.add.f32.msk $0xffff, v3  }
0x1bf: {  	s24 =	spop (v2sf);
	v3 =	vld [tilespmem:s8+$0x40]  }
0x1c0: {  	s1 =	spop (v2sf);
	[tilespmem:s23+$0x8200] =	vst.add.f32.msk $0xffff, v4  }
0x1c1: {  	[dreg:$0x5] =	wrdreg s13;
	s13 =	spop (v2sf);
	[tilespmem:s17+$0x4200] =	vst.add.f32.msk $0xffff, v2  }
0x1c2: {  	s20 =	spop (v2sf);
	v4 =	vld [tilespmem:s19+$0x110]  }
0x1c3: {  	(v2sf) =	vpush v1, $0x4;
	s21 =	spop (v2sf);
	v2 =	vld [tilespmem:s8+$0xFFFFFE40]  }
0x1c4: {  	s3 =	spop (v2sf)  }
0x1c5: {  	[tilespmem:s3+$0x4200] =	vst.add.f32.msk $0xffff, v3  }
0x1c6: {  	[dreg:$0x7] =	wrdreg s29;
	s29 =	spop (v2sf);
	v3 =	vld [tilespmem:s8+$0x60]  }
0x1c7: {  	s31 =	spop (v2sf);
	[tilespmem:s25+$0x8200] =	vst.add.f32.msk $0xffff, v4  }
0x1c8: {  	s28 =	spop (v2sf);
	[tilespmem:s18+$0x4200] =	vst.add.f32.msk $0xffff, v2  }
0x1c9: {  	s12 =	spop (v2sf);
	v4 =	vld [tilespmem:s19+$0x130]  }
0x1ca: {  	[dreg:$0x1c] =	wrdreg s18;
	(v2sf) =	vpush v1, $0x5;
	s18 =	spop (v2sf);
	v2 =	vld [tilespmem:s8+$0xFFFFFE60]  }
0x1cb: {  	[dreg:$0x8] =	wrdreg s6;
	s6 =	spop (v2sf)  }
0x1cc: {  	[tilespmem:s6+$0x4200] =	vst.add.f32.msk $0xffff, v3  }
0x1cd: {  	v3 =	vld [tilespmem:s8+$0x80]  }
0x1ce: {  	[tilespmem:s26+$0x8200] =	vst.add.f32.msk $0xffff, v4  }
0x1cf: {  	[tilespmem:s9+$0x4200] =	vst.add.f32.msk $0xffff, v2  }
0x1d0: {  	s14 =	spop (v2sf);
	v4 =	vld [tilespmem:s19+$0x150]  }
0x1d1: {  	[smem:$0x7E6] =	sst s17;
	s17 =	spop (v2sf);
	(v2sf) =	vpush v1, $0x6;
	v2 =	vld [tilespmem:s8+$0xFFFFFE80]  }
0x1d2: {  	s10 =	spop (v2sf)  }
0x1d3: {  	[tilespmem:s10+$0x4200] =	vst.add.f32.msk $0xffff, v3  }
0x1d4: {  	v3 =	vld [tilespmem:s8+$0xA0]  }
0x1d5: {  	[tilespmem:s5+$0x8200] =	vst.add.f32.msk $0xffff, v4  }
0x1d6: {  	[tilespmem:s24+$0x4200] =	vst.add.f32.msk $0xffff, v2  }
0x1d7: {  	v4 =	vld [tilespmem:s19+$0x170]  }
0x1d8: {  	(v2sf) =	vpush v1, $0x7;
	v2 =	vld [tilespmem:s8+$0xFFFFFEA0]  }
0x1d9: {  	[dreg:$0x1a] =	wrdreg s9;
	s9 =	spop (v2sf)  }
0x1da: {  	[tilespmem:s9+$0x4200] =	vst.add.f32.msk $0xffff, v3  }
0x1db: {  	v3 =	vld [tilespmem:s8+$0xC0]  }
0x1dc: {  	[tilespmem:s4+$0x8200] =	vst.add.f32.msk $0xffff, v4  }
0x1dd: {  	[tilespmem:s1+$0x4200] =	vst.add.f32.msk $0xffff, v2  }
0x1de: {  	v4 =	vld [tilespmem:s19+$0x190]  }
0x1df: {  	(v2sf) =	vpush v1, $0x8;
	v2 =	vld [tilespmem:s8+$0xFFFFFEC0]  }
0x1e0: {  	[dreg:$0x18] =	wrdreg s24;
	s24 =	spop (v2sf)  }
0x1e1: {  	[tilespmem:s24+$0x4200] =	vst.add.f32.msk $0xffff, v3  }
0x1e2: {  	v3 =	vld [tilespmem:s8+$0xE0]  }
0x1e3: {  	[tilespmem:s0+$0x8200] =	vst.add.f32.msk $0xffff, v4  }
0x1e4: {  	[tilespmem:s13+$0x4200] =	vst.add.f32.msk $0xffff, v2  }
0x1e5: {  	v4 =	vld [tilespmem:s19+$0x1B0]  }
0x1e6: {  	(v2sf) =	vpush v1, $0x9;
	v2 =	vld [tilespmem:s8+$0xFFFFFEE0]  }
0x1e7: {  	s23 =	spop (v2sf)  }
0x1e8: {  	[tilespmem:s23+$0x4200] =	vst.add.f32.msk $0xffff, v3  }
0x1e9: {  	v3 =	vld [tilespmem:s8+$0x100]  }
0x1ea: {  	[tilespmem:s22+$0x8200] =	vst.add.f32.msk $0xffff, v4  }
0x1eb: {  	[tilespmem:s20+$0x4200] =	vst.add.f32.msk $0xffff, v2  }
0x1ec: {  	v4 =	vld [tilespmem:s19+$0x1D0]  }
0x1ed: {  	(v2sf) =	vpush v1, $0xA;
	v2 =	vld [tilespmem:s8+$0xFFFFFF00]  }
0x1ee: {  	s25 =	spop (v2sf)  }
0x1ef: {  	[tilespmem:s25+$0x4200] =	vst.add.f32.msk $0xffff, v3  }
0x1f0: {  	v3 =	vld [tilespmem:s8+$0x120]  }
0x1f1: {  	[tilespmem:s30+$0x8200] =	vst.add.f32.msk $0xffff, v4  }
0x1f2: {  	[tilespmem:s21+$0x4200] =	vst.add.f32.msk $0xffff, v2  }
0x1f3: {  	(v2sf) =	vpush v1, $0xB;
	v4 =	vld [tilespmem:s19+$0x1F0]  }
0x1f4: {  	v2 =	vld [tilespmem:s8+$0xFFFFFF20]  }
0x1f5: {  	s26 =	spop (v2sf);
	v63 =	vld [tilespmem:s19+$0xFFFFFEB0]  }
0x1f6: {  	[tilespmem:s26+$0x4200] =	vst.add.f32.msk $0xffff, v3  }
0x1f7: {  	v3 =	vld [tilespmem:s8+$0x140]  }
0x1f8: {  	[tilespmem:s2+$0x8200] =	vst.add.f32.msk $0xffff, v4  }
0x1f9: {  	(v2sf) =	vpush v1, $0xC;
	[tilespmem:s29+$0x4200] =	vst.add.f32.msk $0xffff, v2  }
0x1fa: {  	s4 =	rddreg [dreg:$0x15];
	v2 =	vld [tilespmem:s8+$0xFFFFFF40]  }
0x1fb: {  	[tilespmem:s4+$0x8200] =	vst.add.f32.msk $0xffff, v63  }
0x1fc: {  	s5 =	spop (v2sf);
	v4 =	vld [tilespmem:s19+$0xFFFFFED0]  }
0x1fd: {  	[tilespmem:s5+$0x4200] =	vst.add.f32.msk $0xffff, v3  }
0x1fe: {  	v3 =	vld [tilespmem:s8+$0x160]  }
0x1ff: {  	(v2sf) =	vpush v1, $0xD;
	[tilespmem:s31+$0x4200] =	vst.add.f32.msk $0xffff, v2  }
0x200: {  	s22 =	smov.u32 s1;
	s1 =	rddreg [dreg:$0x14];
	v2 =	vld [tilespmem:s8+$0xFFFFFF60]  }
0x201: {  	[tilespmem:s1+$0x8200] =	vst.add.f32.msk $0xffff, v4  }
0x202: {  	s4 =	spop (v2sf);
	v4 =	vld [tilespmem:s19+$0xFFFFFEF0]  }
0x203: {  	[tilespmem:s4+$0x4200] =	vst.add.f32.msk $0xffff, v3  }
0x204: {  	v3 =	vld [tilespmem:s8+$0x180]  }
0x205: {  	(v2sf) =	vpush v1, $0xE;
	[tilespmem:s28+$0x4200] =	vst.add.f32.msk $0xffff, v2  }
0x206: {  	s2 =	smov.u32 s13;
	s13 =	rddreg [dreg:$0x12];
	v2 =	vld [tilespmem:s8+$0xFFFFFF80]  }
0x207: {  	[tilespmem:s13+$0x8200] =	vst.add.f32.msk $0xffff, v4  }
0x208: {  	s0 =	spop (v2sf);
	(v2sf) =	vpush v1, $0xF;
	v1 =	vld [tilespmem:s19+$0xFFFFFF10]  }
0x209: {  	[tilespmem:s0+$0x4200] =	vst.add.f32.msk $0xffff, v3  }
0x20a: {  	v3 =	vld [tilespmem:s8+$0x1A0]  }
0x20b: {  	[dreg:$0x14] =	wrdreg s2;
	[tilespmem:s12+$0x4200] =	vst.add.f32.msk $0xffff, v2  }
0x20c: {  	s2 =	rddreg [dreg:$0xe];
	v2 =	vld [tilespmem:s8+$0xFFFFFFA0]  }
0x20d: {  	[dreg:$0x15] =	wrdreg s22;
	s22 =	smov.u32 s20;
	[tilespmem:s2+$0x8200] =	vst.add.f32.msk $0xffff, v1  }
0x20e: {  	[dreg:$0x12] =	wrdreg s22;
	s22 =	spop (v2sf);
	v1 =	vld [tilespmem:s19+$0xFFFFFF30]  }
0x20f: {  	[tilespmem:s22+$0x4200] =	vst.add.f32.msk $0xffff, v3  }
0x210: {  	v3 =	vld [tilespmem:s8+$0x1C0]  }
0x211: {  	[tilespmem:s18+$0x4200] =	vst.add.f32.msk $0xffff, v2  }
0x212: {  	s20 =	rddreg [dreg:$0xf];
	v2 =	vld [tilespmem:s8+$0xFFFFFFC0]  }
0x213: {  	[tilespmem:s20+$0x8200] =	vst.add.f32.msk $0xffff, v1  }
0x214: {  	s30 =	spop (v2sf);
	v1 =	vld [tilespmem:s19+$0xFFFFFF50]  }
0x215: {  	[tilespmem:s30+$0x4200] =	vst.add.f32.msk $0xffff, v3  }
0x216: {  	v3 =	vld [tilespmem:s8+$0x1E0]  }
0x217: {  	[tilespmem:s14+$0x4200] =	vst.add.f32.msk $0xffff, v2  }
0x218: {  	s13 =	smov.u32 s21;
	s21 =	smov.u32 s29;
	s29 =	rddreg [dreg:$0xc];
	v2 =	vld [tilespmem:s8+$0xFFFFFFE0]  }
0x219: {  	[tilespmem:s29+$0x8200] =	vst.add.f32.msk $0xffff, v1  }
0x21a: {  	s2 =	spop (v2sf);
	v1 =	vld [tilespmem:s19+$0xFFFFFF70]  }
0x21b: {  	[tilespmem:s2+$0x4200] =	vst.add.f32.msk $0xffff, v3  }
0x21c: {  	v3 =	vld [tilespmem:s8+$0x10]  }
0x21d: {  	[tilespmem:s17+$0x4200] =	vst.add.f32.msk $0xffff, v2  }
0x21e: {  	s20 =	rddreg [dreg:$0xb];
	v2 =	vld [tilespmem:s8+$0xFFFFFE10]  }
0x21f: {  	[tilespmem:s20+$0x8200] =	vst.add.f32.msk $0xffff, v1  }
0x220: {  	[dreg:$0xf] =	wrdreg s21;
	v1 =	vld [tilespmem:s19+$0xFFFFFF90]  }
0x221: {  	s21 =	smov.u32 s28;
	s28 =	rddreg [dreg:$0x1f];
	[tilespmem:s15+$0x8200] =	vst.add.f32.msk $0xffff, v3  }
0x222: {  	s29 =	sld [smem:$0x7E5];
	v3 =	vld [tilespmem:s8+$0x30]  }
0x223: {  	s7 =	sadd.s32 $0x2, s7;
	[tilespmem:s28+$0x8200] =	vst.add.f32.msk $0xffff, v2  }
0x224: {  	p0 =	slt.u32 s7, $0xE;
	v4 =	vld [tilespmem:s8+$0xFFFFFE30]  }
.Ltmp1:
0x225: {  	[dreg:$0xe] =	wrdreg s13;
	[tilespmem:s29+$0x8200] =	vst.add.f32.msk $0xffff, v1;
	(pc) =	sbr.rel @p0 .LBB2_5-.Ltmp1, $4  }
0x226: {  	s13 =	smov.u32 s31;
	s31 =	sld [smem:$0x7E6];
	v1 =	vld [tilespmem:s19+$0xFFFFFFB0]  }
0x227: {  	[tilespmem:s16+$0x8200] =	vst.add.f32.msk $0xffff, v3  }
0x228: {  	[dreg:$0xc] =	wrdreg s13;
	v2 =	vld [tilespmem:s8+$0x50]  }
0x229: {  	s11 =	sadd.s32 $0x20, s11;
	s13 =	smov.u32 s12;
	[dreg:$0xb] =	wrdreg s21;
	[tilespmem:s31+$0x8200] =	vst.add.f32.msk $0xffff, v4  }
0x22a: {  	v3 =	vld [tilespmem:s8+$0xFFFFFE50];
	_ =	sdelay $0x2  }
0x22b: {  	[tilespmem:s3+$0x8200] =	vst.add.f32.msk $0xffff, v2  }
0x22c: {  	v2 =	vld [tilespmem:s8+$0x70];
	s1 =	rddreg [dreg:$0x1c]  }
0x22d: {  	[tilespmem:s1+$0x8200] =	vst.add.f32.msk $0xffff, v3  }
0x22e: {  	v3 =	vld [tilespmem:s8+$0xFFFFFE70];
	_ =	sdelay $0x2  }
0x22f: {  	[tilespmem:s6+$0x8200] =	vst.add.f32.msk $0xffff, v2  }
0x230: {  	v2 =	vld [tilespmem:s8+$0x90];
	s1 =	rddreg [dreg:$0x1a]  }
0x231: {  	[tilespmem:s1+$0x8200] =	vst.add.f32.msk $0xffff, v3  }
0x232: {  	v3 =	vld [tilespmem:s8+$0xFFFFFE90];
	_ =	sdelay $0x2  }
0x233: {  	[tilespmem:s10+$0x8200] =	vst.add.f32.msk $0xffff, v2  }
0x234: {  	v2 =	vld [tilespmem:s8+$0xB0];
	s1 =	rddreg [dreg:$0x18]  }
0x235: {  	[tilespmem:s1+$0x8200] =	vst.add.f32.msk $0xffff, v3  }
0x236: {  	v3 =	vld [tilespmem:s8+$0xFFFFFEB0];
	_ =	sdelay $0x2  }
0x237: {  	[tilespmem:s9+$0x8200] =	vst.add.f32.msk $0xffff, v2  }
0x238: {  	v2 =	vld [tilespmem:s8+$0xD0];
	s1 =	rddreg [dreg:$0x15]  }
0x239: {  	[tilespmem:s1+$0x8200] =	vst.add.f32.msk $0xffff, v3  }
0x23a: {  	v3 =	vld [tilespmem:s8+$0xFFFFFED0];
	_ =	sdelay $0x2  }
0x23b: {  	[tilespmem:s24+$0x8200] =	vst.add.f32.msk $0xffff, v2  }
0x23c: {  	v2 =	vld [tilespmem:s8+$0xF0];
	s1 =	rddreg [dreg:$0x14]  }
0x23d: {  	[tilespmem:s1+$0x8200] =	vst.add.f32.msk $0xffff, v3  }
0x23e: {  	v3 =	vld [tilespmem:s8+$0xFFFFFEF0];
	_ =	sdelay $0x2  }
0x23f: {  	[tilespmem:s23+$0x8200] =	vst.add.f32.msk $0xffff, v2  }
0x240: {  	v2 =	vld [tilespmem:s8+$0x110];
	s1 =	rddreg [dreg:$0x12]  }
0x241: {  	[tilespmem:s1+$0x8200] =	vst.add.f32.msk $0xffff, v3  }
0x242: {  	v3 =	vld [tilespmem:s8+$0xFFFFFF10];
	_ =	sdelay $0x2  }
0x243: {  	[tilespmem:s25+$0x8200] =	vst.add.f32.msk $0xffff, v2  }
0x244: {  	v2 =	vld [tilespmem:s8+$0x130];
	s1 =	rddreg [dreg:$0xe]  }
0x245: {  	[tilespmem:s1+$0x8200] =	vst.add.f32.msk $0xffff, v3  }
0x246: {  	v3 =	vld [tilespmem:s8+$0xFFFFFF30];
	_ =	sdelay $0x2  }
0x247: {  	[tilespmem:s26+$0x8200] =	vst.add.f32.msk $0xffff, v2  }
0x248: {  	v2 =	vld [tilespmem:s8+$0x150];
	s1 =	rddreg [dreg:$0xf]  }
0x249: {  	[tilespmem:s1+$0x8200] =	vst.add.f32.msk $0xffff, v3  }
0x24a: {  	v3 =	vld [tilespmem:s8+$0xFFFFFF50];
	_ =	sdelay $0x2  }
0x24b: {  	[tilespmem:s5+$0x8200] =	vst.add.f32.msk $0xffff, v2  }
0x24c: {  	v2 =	vld [tilespmem:s8+$0x170];
	s1 =	rddreg [dreg:$0xc]  }
0x24d: {  	[tilespmem:s1+$0x8200] =	vst.add.f32.msk $0xffff, v3  }
0x24e: {  	v3 =	vld [tilespmem:s8+$0xFFFFFF70];
	_ =	sdelay $0x2  }
0x24f: {  	[tilespmem:s4+$0x8200] =	vst.add.f32.msk $0xffff, v2  }
0x250: {  	v2 =	vld [tilespmem:s8+$0x190];
	s1 =	rddreg [dreg:$0xb]  }
0x251: {  	[tilespmem:s1+$0x8200] =	vst.add.f32.msk $0xffff, v3  }
0x252: {  	v3 =	vld [tilespmem:s8+$0xFFFFFF90];
	_ =	sdelay $0x2  }
0x253: {  	[tilespmem:s0+$0x8200] =	vst.add.f32.msk $0xffff, v2  }
0x254: {  	v2 =	vld [tilespmem:s8+$0x1B0]  }
0x255: {  	[tilespmem:s13+$0x8200] =	vst.add.f32.msk $0xffff, v3  }
0x256: {  	v3 =	vld [tilespmem:s8+$0xFFFFFFB0];
	s0 =	rddreg [dreg:$0x7]  }
0x257: {  	[tilespmem:s0+$0x8200] =	vst.add.f32.msk $0xffff, v1  }
0x258: {  	v1 =	vld [tilespmem:s19+$0xFFFFFFD0]  }
0x259: {  	[tilespmem:s22+$0x8200] =	vst.add.f32.msk $0xffff, v2  }
0x25a: {  	v2 =	vld [tilespmem:s8+$0x1D0]  }
0x25b: {  	[tilespmem:s18+$0x8200] =	vst.add.f32.msk $0xffff, v3  }
0x25c: {  	v3 =	vld [tilespmem:s8+$0xFFFFFFD0];
	s0 =	rddreg [dreg:$0x8]  }
0x25d: {  	[tilespmem:s0+$0x8200] =	vst.add.f32.msk $0xffff, v1  }
0x25e: {  	v1 =	vld [tilespmem:s19+$0xFFFFFFF0];
	_ =	sdelay $0x1  }
0x25f: {  	[tilespmem:s30+$0x8200] =	vst.add.f32.msk $0xffff, v2  }
0x260: {  	[tilespmem:s14+$0x8200] =	vst.add.f32.msk $0xffff, v3  }
0x261: {  	v2 =	vld [tilespmem:s8+$0x1F0];
	s0 =	rddreg [dreg:$0x5]  }
0x262: {  	[tilespmem:s0+$0x8200] =	vst.add.f32.msk $0xffff, v1  }
0x263: {  	s0 =	sld [smem:$0x7F6]  }
0x264: {  	s1 =	sld [smem:$0x7F0]  }
0x265: {  	v3 =	vld [tilespmem:s8+$0xFFFFFFF0]  }
0x266: {  	[tilespmem:s2+$0x8200] =	vst.add.f32.msk $0xffff, v2  }
0x267: {  	p0 =	slt.u32 s1, s0;
	s0 =	sld [smem:$0x7F7];
	_ =	sdelay $0x2  }
0x268: {  	p1 =	sge.u32 @!p0 s1, s0  }
0x269: {  	[tilespmem:s17+$0x8200] =	vst.add.f32.msk $0xffff, v3;
	p0 =	por p1, p0  }
0x26a: {  	v1 =	vld @!p0 [tilespmem:$0x4000];
	_ =	sdelay $0x6  }
0x26b: {  	v2 =	vimm.f32 @!p0 $1.000000000e+00;
	s0 =	simm.s32 @!p0 $0xC200  }
0x26c: {  	[tilespmem:v1+s0+$0x0] =	vst.idx.add.f32.msk @!p0 $0xffff, v2  }
0x26d: {  	v1 =	vld @!p0 [tilespmem:$0x4010];
	_ =	sdelay $0x7  }
0x26e: {  	[tilespmem:v1+s0+$0x0] =	vst.idx.add.f32.msk @!p0 $0xffff, v2  }
0x26f: {  	v1 =	vld @!p0 [tilespmem:$0x4020];
	_ =	sdelay $0x7  }
0x270: {  	[tilespmem:v1+s0+$0x0] =	vst.idx.add.f32.msk @!p0 $0xffff, v2  }
0x271: {  	v1 =	vld @!p0 [tilespmem:$0x4030];
	_ =	sdelay $0x7  }
0x272: {  	[tilespmem:v1+s0+$0x0] =	vst.idx.add.f32.msk @!p0 $0xffff, v2  }
0x273: {  	v1 =	vld @!p0 [tilespmem:$0x4040];
	_ =	sdelay $0x7  }
0x274: {  	[tilespmem:v1+s0+$0x0] =	vst.idx.add.f32.msk @!p0 $0xffff, v2  }
0x275: {  	v1 =	vld @!p0 [tilespmem:$0x4050];
	_ =	sdelay $0x7  }
0x276: {  	[tilespmem:v1+s0+$0x0] =	vst.idx.add.f32.msk @!p0 $0xffff, v2  }
0x277: {  	v1 =	vld @!p0 [tilespmem:$0x4060];
	_ =	sdelay $0x7  }
0x278: {  	[tilespmem:v1+s0+$0x0] =	vst.idx.add.f32.msk @!p0 $0xffff, v2  }
0x279: {  	v1 =	vld @!p0 [tilespmem:$0x4070];
	_ =	sdelay $0x7  }
0x27a: {  	[tilespmem:v1+s0+$0x0] =	vst.idx.add.f32.msk @!p0 $0xffff, v2  }
0x27b: {  	v1 =	vld @!p0 [tilespmem:$0x4080];
	_ =	sdelay $0x7  }
0x27c: {  	[tilespmem:v1+s0+$0x0] =	vst.idx.add.f32.msk @!p0 $0xffff, v2  }
0x27d: {  	v1 =	vld @!p0 [tilespmem:$0x4090];
	_ =	sdelay $0x7  }
0x27e: {  	[tilespmem:v1+s0+$0x0] =	vst.idx.add.f32.msk @!p0 $0xffff, v2  }
0x27f: {  	v1 =	vld @!p0 [tilespmem:$0x40A0];
	_ =	sdelay $0x7  }
0x280: {  	[tilespmem:v1+s0+$0x0] =	vst.idx.add.f32.msk @!p0 $0xffff, v2  }
0x281: {  	v1 =	vld @!p0 [tilespmem:$0x40B0];
	_ =	sdelay $0x7  }
0x282: {  	[tilespmem:v1+s0+$0x0] =	vst.idx.add.f32.msk @!p0 $0xffff, v2  }
0x283: {  	v1 =	vld @!p0 [tilespmem:$0x40C0];
	_ =	sdelay $0x7  }
0x284: {  	[tilespmem:v1+s0+$0x0] =	vst.idx.add.f32.msk @!p0 $0xffff, v2  }
0x285: {  	v1 =	vld @!p0 [tilespmem:$0x40D0];
	_ =	sdelay $0x7  }
0x286: {  	[tilespmem:v1+s0+$0x0] =	vst.idx.add.f32.msk @!p0 $0xffff, v2  }
0x287: {  	v1 =	vld @!p0 [tilespmem:$0x40E0];
	_ =	sdelay $0x7  }
0x288: {  	[tilespmem:v1+s0+$0x0] =	vst.idx.add.f32.msk @!p0 $0xffff, v2  }
0x289: {  	v1 =	vld @!p0 [tilespmem:$0x40F0];
	_ =	sdelay $0x4  }
0x28a: {  	s1 =	smin.u32 s1, $0x3D  }
0x28b: {  	s20 =	simm.s32 $0x0;
	s19 =	rddreg [dreg:$0x1];
	s1 =	sadd.s32 $0x2, s1  }
0x28c: {  	s21 =	simm.s32 $0x4000;
	s23 =	sld [smem:$0x7F2];
	s18 =	sshll.u32 s1, $0x5  }
0x28d: {  	s24 =	sld [smem:$0x7F4];
	s22 =	sshll.u32 s1, $0x12;
	[tilespmem:v1+s0+$0x0] =	vst.idx.add.f32.msk @!p0 $0xffff, v2;
	s0 =	sadd.s32 s19, s18  }
0x28e: {  	[tilespmem:s21], [sflag:$0x2] =	stream.linear.gather [hbm4b:s0+s20], $0x100, $0x38;
	[tilespmem:$0x15710] =	vst v63  }
0x28f: {  	s0 =	sor.u32 s23, s22  }
0x290: {  	s28 =	simm.s32 $0x4;
	s0 =	sshrl.u32 s0, $0x3  }
0x291: {  	s25 =	simm.s32 $0x20;
	s26 =	simm.s32 $0x400;
	s0 =	sadd.s32 s24, s0  }
0x292: {  	[tilespmem:s20], [sflag:$0x1] =	stream.strided.gather [hbm4b:s0+s25], $0x2000, s26, s25, $0x38;
	[tilespmem:$0x15710] =	vst v63  }
0x293: {  	_ =	swait.ge [sflag:s28], $0x100  }
0x294: {  	[sflag:s28] =	ssyncset.done $0x0  }
0x295: {  	s29 =	simm.s32 $0x3;
	[sflag:s28] =	ssyncadd.s32 $0xFFFFFF00  }
0x296: {  	_ =	swait.ge [sflag:s29], $0x2000  }
0x297: {  	[sflag:s29] =	ssyncset.done $0x0  }
0x298: {  	s31 =	simm.s32 $0x4110;
	[sflag:s29] =	ssyncadd.s32 $0xFFFFE000  }
0x299: {  	v1 =	vld [tilespmem:s31+$0x0];
	_ =	sdelay $0x1  }
0x29a: {  	v2 =	vld [tilespmem:s31+$0xFFFFFFF0];
	_ =	sdelay $0x2  }
0x29b: {  	v1 =	vshll.u32 v1, $0x4  }
0x29c: {  	(v2sf) =	vpush v1, $0x0  }
0x29d: {  	v2 =	vshll.u32 v2, $0x4  }
0x29e: {  	(v2sf) =	vpush v2, $0x0  }
0x29f: {  	(v2sf) =	vpush v2, $0x1  }
0x2a0: {  	(v2sf) =	vpush v2, $0x2  }
0x2a1: {  	(v2sf) =	vpush v2, $0x3  }
0x2a2: {  	(v2sf) =	vpush v1, $0x1  }
0x2a3: {  	(v2sf) =	vpush v2, $0x4  }
0x2a4: {  	(v2sf) =	vpush v2, $0x5  }
0x2a5: {  	(v2sf) =	vpush v2, $0x6  }
0x2a6: {  	s19 =	simm.s32 $0x2200;
	(v2sf) =	vpush v2, $0x7  }
0x2a7: {  	v3 =	vld [tilespmem:s19+$0x0];
	(v2sf) =	vpush v2, $0x8  }
0x2a8: {  	(v2sf) =	vpush v1, $0x2  }
0x2a9: {  	(v2sf) =	vpush v2, $0x9  }
0x2aa: {  	(v2sf) =	vpush v2, $0xA  }
0x2ab: {  	s21 =	spop (v2sf)  }
0x2ac: {  	(v2sf) =	vpush v2, $0xB;
	[tilespmem:s21+$0x4200] =	vst.add.f32.msk $0xffff, v3  }
0x2ad: {  	s18 =	spop (v2sf);
	v3 =	vld [tilespmem:s19+$0x20]  }
0x2ae: {  	(v2sf) =	vpush v2, $0xC;
	s17 =	spop (v2sf)  }
0x2af: {  	(v2sf) =	vpush v2, $0xD;
	s8 =	spop (v2sf)  }
0x2b0: {  	v4 =	vld [tilespmem:s19+$0xFFFFFE00];
	(v2sf) =	vpush v1, $0x3;
	s3 =	spop (v2sf)  }
0x2b1: {  	s23 =	spop (v2sf)  }
0x2b2: {  	(v2sf) =	vpush v2, $0xE;
	s1 =	spop (v2sf);
	[tilespmem:s23+$0x4200] =	vst.add.f32.msk $0xffff, v3  }
0x2b3: {  	(v2sf) =	vpush v2, $0xF;
	s15 =	spop (v2sf);
	v2 =	vld [tilespmem:s19+$0x40]  }
0x2b4: {  	s24 =	spop (v2sf)  }
0x2b5: {  	[tilespmem:s18+$0x4200] =	vst.add.f32.msk $0xffff, v4;
	s20 =	spop (v2sf)  }
0x2b6: {  	v3 =	vld [tilespmem:s19+$0xFFFFFE20];
	(v2sf) =	vpush v1, $0x4;
	s0 =	spop (v2sf)  }
0x2b7: {  	[smem:$0x7E0] =	sst s0;
	s26 =	spop (v2sf)  }
0x2b8: {  	s11 =	spop (v2sf);
	[tilespmem:s26+$0x4200] =	vst.add.f32.msk $0xffff, v2  }
0x2b9: {  	s2 =	spop (v2sf);
	[smem:$0x7E1] =	sst s11  }
0x2ba: {  	v2 =	vld [tilespmem:s19+$0x60];
	[smem:$0x7E2] =	sst s2  }
0x2bb: {  	s7 =	spop (v2sf);
	[tilespmem:s17+$0x4200] =	vst.add.f32.msk $0xffff, v3  }
0x2bc: {  	(v2sf) =	vpush v1, $0x5;
	[smem:$0x7E3] =	sst s7  }
0x2bd: {  	s16 =	spop (v2sf);
	v3 =	vld [tilespmem:s19+$0xFFFFFE40]  }
0x2be: {  	s12 =	spop (v2sf)  }
0x2bf: {  	s30 =	spop (v2sf);
	[smem:$0x7E4] =	sst s16  }
0x2c0: {  	[tilespmem:s30+$0x4200] =	vst.add.f32.msk $0xffff, v2  }
0x2c1: {  	v2 =	vld [tilespmem:s19+$0x80]  }
0x2c2: {  	(v2sf) =	vpush v1, $0x6;
	[tilespmem:s8+$0x4200] =	vst.add.f32.msk $0xffff, v3  }
0x2c3: {  	s25 =	spop (v2sf);
	v3 =	vld [tilespmem:s19+$0xFFFFFE60]  }
0x2c4: {  	s31 =	spop (v2sf)  }
0x2c5: {  	s29 =	spop (v2sf)  }
0x2c6: {  	[tilespmem:s29+$0x4200] =	vst.add.f32.msk $0xffff, v2  }
0x2c7: {  	v2 =	vld [tilespmem:s19+$0xA0]  }
0x2c8: {  	(v2sf) =	vpush v1, $0x7;
	[tilespmem:s3+$0x4200] =	vst.add.f32.msk $0xffff, v3  }
0x2c9: {  	v3 =	vld [tilespmem:s19+$0xFFFFFE80];
	_ =	sdelay $0x1  }
0x2ca: {  	s14 =	spop (v2sf)  }
0x2cb: {  	[tilespmem:s14+$0x4200] =	vst.add.f32.msk $0xffff, v2  }
0x2cc: {  	v2 =	vld [tilespmem:s19+$0xC0]  }
0x2cd: {  	(v2sf) =	vpush v1, $0x8;
	[tilespmem:s1+$0x4200] =	vst.add.f32.msk $0xffff, v3  }
0x2ce: {  	v3 =	vld [tilespmem:s19+$0xFFFFFEA0];
	_ =	sdelay $0x1  }
0x2cf: {  	s13 =	spop (v2sf)  }
0x2d0: {  	[tilespmem:s13+$0x4200] =	vst.add.f32.msk $0xffff, v2  }
0x2d1: {  	v2 =	vld [tilespmem:s19+$0xE0]  }
0x2d2: {  	(v2sf) =	vpush v1, $0x9;
	[tilespmem:s15+$0x4200] =	vst.add.f32.msk $0xffff, v3  }
0x2d3: {  	v3 =	vld [tilespmem:s19+$0xFFFFFEC0];
	_ =	sdelay $0x1  }
0x2d4: {  	s6 =	spop (v2sf)  }
0x2d5: {  	[tilespmem:s6+$0x4200] =	vst.add.f32.msk $0xffff, v2  }
0x2d6: {  	v2 =	vld [tilespmem:s19+$0x100]  }
0x2d7: {  	(v2sf) =	vpush v1, $0xA;
	[tilespmem:s24+$0x4200] =	vst.add.f32.msk $0xffff, v3  }
0x2d8: {  	v3 =	vld [tilespmem:s19+$0xFFFFFEE0];
	_ =	sdelay $0x1  }
0x2d9: {  	s4 =	spop (v2sf)  }
0x2da: {  	[tilespmem:s4+$0x4200] =	vst.add.f32.msk $0xffff, v2  }
0x2db: {  	v2 =	vld [tilespmem:s19+$0x120]  }
0x2dc: {  	(v2sf) =	vpush v1, $0xB;
	[tilespmem:s20+$0x4200] =	vst.add.f32.msk $0xffff, v3  }
0x2dd: {  	v3 =	vld [tilespmem:s19+$0xFFFFFF00];
	_ =	sdelay $0x1  }
0x2de: {  	s9 =	spop (v2sf)  }
0x2df: {  	[tilespmem:s9+$0x4200] =	vst.add.f32.msk $0xffff, v2  }
0x2e0: {  	v2 =	vld [tilespmem:s19+$0x140]  }
0x2e1: {  	(v2sf) =	vpush v1, $0xC;
	[tilespmem:s0+$0x4200] =	vst.add.f32.msk $0xffff, v3  }
0x2e2: {  	v3 =	vld [tilespmem:s19+$0xFFFFFF20];
	_ =	sdelay $0x1  }
0x2e3: {  	s5 =	spop (v2sf)  }
0x2e4: {  	[tilespmem:s5+$0x4200] =	vst.add.f32.msk $0xffff, v2  }
0x2e5: {  	v2 =	vld [tilespmem:s19+$0x160]  }
0x2e6: {  	(v2sf) =	vpush v1, $0xD;
	[tilespmem:s11+$0x4200] =	vst.add.f32.msk $0xffff, v3  }
0x2e7: {  	v3 =	vld [tilespmem:s19+$0xFFFFFF40];
	_ =	sdelay $0x1  }
0x2e8: {  	s22 =	spop (v2sf)  }
0x2e9: {  	[tilespmem:s22+$0x4200] =	vst.add.f32.msk $0xffff, v2  }
0x2ea: {  	v2 =	vld [tilespmem:s19+$0x180]  }
0x2eb: {  	(v2sf) =	vpush v1, $0xE;
	[tilespmem:s2+$0x4200] =	vst.add.f32.msk $0xffff, v3  }
0x2ec: {  	v3 =	vld [tilespmem:s19+$0xFFFFFF60];
	_ =	sdelay $0x1  }
0x2ed: {  	s10 =	spop (v2sf)  }
0x2ee: {  	[tilespmem:s10+$0x4200] =	vst.add.f32.msk $0xffff, v2  }
0x2ef: {  	v2 =	vld [tilespmem:s19+$0x1A0]  }
0x2f0: {  	(v2sf) =	vpush v1, $0xF;
	[tilespmem:s7+$0x4200] =	vst.add.f32.msk $0xffff, v3  }
0x2f1: {  	v1 =	vld [tilespmem:s19+$0xFFFFFF80];
	_ =	sdelay $0x1  }
0x2f2: {  	s28 =	spop (v2sf)  }
0x2f3: {  	[tilespmem:s28+$0x4200] =	vst.add.f32.msk $0xffff, v2  }
0x2f4: {  	v2 =	vld [tilespmem:s19+$0x1C0]  }
0x2f5: {  	[tilespmem:s16+$0x4200] =	vst.add.f32.msk $0xffff, v1  }
0x2f6: {  	v1 =	vld [tilespmem:s19+$0xFFFFFFA0];
	_ =	sdelay $0x1  }
0x2f7: {  	s16 =	spop (v2sf)  }
0x2f8: {  	[tilespmem:s16+$0x4200] =	vst.add.f32.msk $0xffff, v2  }
0x2f9: {  	v2 =	vld [tilespmem:s19+$0x1E0];
	[dreg:$0x9] =	wrdreg s12  }
0x2fa: {  	[tilespmem:s12+$0x4200] =	vst.add.f32.msk $0xffff, v1  }
0x2fb: {  	v1 =	vld [tilespmem:s19+$0xFFFFFFC0];
	_ =	sdelay $0x1  }
0x2fc: {  	s12 =	spop (v2sf)  }
0x2fd: {  	[tilespmem:s12+$0x4200] =	vst.add.f32.msk $0xffff, v2  }
0x2fe: {  	v2 =	vld [tilespmem:s19+$0x10];
	[dreg:$0xa] =	wrdreg s25  }
0x2ff: {  	[tilespmem:s25+$0x4200] =	vst.add.f32.msk $0xffff, v1  }
0x300: {  	v1 =	vld [tilespmem:s19+$0xFFFFFFE0];
	_ =	sdelay $0x2  }
0x301: {  	[tilespmem:s21+$0x8200] =	vst.add.f32.msk $0xffff, v2  }
0x302: {  	v2 =	vld [tilespmem:s19+$0x30];
	[dreg:$0x6] =	wrdreg s31  }
0x303: {  	[tilespmem:s31+$0x4200] =	vst.add.f32.msk $0xffff, v1  }
0x304: {  	v1 =	vld [tilespmem:s19+$0xFFFFFE10];
	_ =	sdelay $0x2  }
0x305: {  	[tilespmem:s23+$0x8200] =	vst.add.f32.msk $0xffff, v2  }
0x306: {  	v2 =	vld [tilespmem:s19+$0x50]  }
0x307: {  	s21 =	simm.s32 $0x4130;
	[tilespmem:s18+$0x8200] =	vst.add.f32.msk $0xffff, v1  }
0x308: {  	v1 =	vld [tilespmem:s21+$0x0]  }
0x309: {  	v3 =	vld [tilespmem:s19+$0xFFFFFE30]  }
0x30a: {  	v57 =	vld [tilespmem:s21+$0xFFFFFFF0]  }
0x30b: {  	[tilespmem:s26+$0x8200] =	vst.add.f32.msk $0xffff, v2  }
0x30c: {  	v2 =	vld [tilespmem:s19+$0x70]  }
0x30d: {  	v1 =	vshll.u32 v1, $0x4  }
0x30e: {  	[tilespmem:s17+$0x8200] =	vst.add.f32.msk $0xffff, v3;
	(v2sf) =	vpush v1, $0x0  }
0x30f: {  	v4 =	vshll.u32 v57, $0x4;
	v3 =	vld [tilespmem:s19+$0xFFFFFE50]  }
0x310: {  	(v2sf) =	vpush v4, $0x0  }
0x311: {  	(v2sf) =	vpush v4, $0x1;
	[tilespmem:s30+$0x8200] =	vst.add.f32.msk $0xffff, v2  }
0x312: {  	(v2sf) =	vpush v4, $0x2;
	v2 =	vld [tilespmem:s19+$0x90]  }
0x313: {  	(v2sf) =	vpush v4, $0x3  }
0x314: {  	(v2sf) =	vpush v1, $0x1;
	[tilespmem:s8+$0x8200] =	vst.add.f32.msk $0xffff, v3  }
0x315: {  	(v2sf) =	vpush v4, $0x4;
	v3 =	vld [tilespmem:s19+$0xFFFFFE70]  }
0x316: {  	(v2sf) =	vpush v4, $0x5  }
0x317: {  	(v2sf) =	vpush v4, $0x6;
	[tilespmem:s29+$0x8200] =	vst.add.f32.msk $0xffff, v2  }
0x318: {  	s8 =	simm.s32 $0x2600;
	(v2sf) =	vpush v4, $0x7;
	v2 =	vld [tilespmem:s19+$0xB0]  }
0x319: {  	v5 =	vld [tilespmem:s8+$0x0];
	(v2sf) =	vpush v4, $0x8  }
0x31a: {  	(v2sf) =	vpush v1, $0x2;
	[tilespmem:s3+$0x8200] =	vst.add.f32.msk $0xffff, v3  }
0x31b: {  	(v2sf) =	vpush v4, $0x9;
	v3 =	vld [tilespmem:s8+$0xFFFFFE00]  }
0x31c: {  	v6 =	vld [tilespmem:s19+$0xFFFFFE90];
	(v2sf) =	vpush v4, $0xA  }
0x31d: {  	(v2sf) =	vpush v4, $0xB;
	[tilespmem:s14+$0x8200] =	vst.add.f32.msk $0xffff, v2;
	s29 =	spop (v2sf)  }
0x31e: {  	(v2sf) =	vpush v4, $0xC;
	[tilespmem:s29+$0x4200] =	vst.add.f32.msk $0xffff, v5  }
0x31f: {  	s31 =	spop (v2sf);
	(v2sf) =	vpush v4, $0xD;
	v2 =	vld [tilespmem:s8+$0x20]  }
0x320: {  	(v2sf) =	vpush v1, $0x3;
	[tilespmem:s31+$0x4200] =	vst.add.f32.msk $0xffff, v3;
	s21 =	spop (v2sf)  }
0x321: {  	v3 =	vld [tilespmem:s8+$0xFFFFFE20];
	s23 =	spop (v2sf)  }
0x322: {  	v58 =	vld [tilespmem:s19+$0xD0];
	s17 =	spop (v2sf)  }
0x323: {  	[tilespmem:s1+$0x8200] =	vst.add.f32.msk $0xffff, v6;
	s11 =	spop (v2sf)  }
0x324: {  	(v2sf) =	vpush v4, $0xE;
	s0 =	spop (v2sf);
	[tilespmem:s11+$0x4200] =	vst.add.f32.msk $0xffff, v2  }
0x325: {  	(v2sf) =	vpush v4, $0xF;
	s1 =	spop (v2sf);
	v2 =	vld [tilespmem:s8+$0x40]  }
0x326: {  	(v2sf) =	vpush v1, $0x4;
	[tilespmem:s21+$0x4200] =	vst.add.f32.msk $0xffff, v3;
	s25 =	spop (v2sf)  }
0x327: {  	v3 =	vld [tilespmem:s8+$0xFFFFFE40];
	s2 =	spop (v2sf)  }
0x328: {  	[tilespmem:s13+$0x8200] =	vst.add.f32.msk $0xffff, v58;
	s30 =	spop (v2sf)  }
0x329: {  	v59 =	vld [tilespmem:s19+$0xF0];
	s3 =	spop (v2sf)  }
0x32a: {  	s7 =	spop (v2sf);
	[tilespmem:s3+$0x4200] =	vst.add.f32.msk $0xffff, v2  }
0x32b: {  	s26 =	spop (v2sf);
	v2 =	vld [tilespmem:s8+$0x60];
	[dreg:$0x1d] =	wrdreg s23  }
0x32c: {  	(v2sf) =	vpush v1, $0x5;
	[tilespmem:s23+$0x4200] =	vst.add.f32.msk $0xffff, v3;
	s23 =	spop (v2sf)  }
0x32d: {  	v3 =	vld [tilespmem:s8+$0xFFFFFE60];
	s13 =	spop (v2sf)  }
0x32e: {  	[tilespmem:s6+$0x8200] =	vst.add.f32.msk $0xffff, v59;
	s18 =	spop (v2sf)  }
0x32f: {  	v4 =	vld [tilespmem:s19+$0x110];
	s6 =	spop (v2sf)  }
0x330: {  	[tilespmem:s6+$0x4200] =	vst.add.f32.msk $0xffff, v2  }
0x331: {  	v2 =	vld [tilespmem:s8+$0x80];
	[dreg:$0x1b] =	wrdreg s17  }
0x332: {  	(v2sf) =	vpush v1, $0x6;
	[tilespmem:s17+$0x4200] =	vst.add.f32.msk $0xffff, v3  }
0x333: {  	s17 =	spop (v2sf);
	v3 =	vld [tilespmem:s8+$0xFFFFFE80]  }
0x334: {  	[tilespmem:s4+$0x8200] =	vst.add.f32.msk $0xffff, v4;
	s14 =	spop (v2sf)  }
0x335: {  	v4 =	vld [tilespmem:s19+$0x130];
	s4 =	spop (v2sf)  }
0x336: {  	[tilespmem:s4+$0x4200] =	vst.add.f32.msk $0xffff, v2  }
0x337: {  	v2 =	vld [tilespmem:s8+$0xA0];
	[dreg:$0x19] =	wrdreg s0  }
0x338: {  	(v2sf) =	vpush v1, $0x7;
	[tilespmem:s0+$0x4200] =	vst.add.f32.msk $0xffff, v3  }
0x339: {  	v3 =	vld [tilespmem:s8+$0xFFFFFEA0]  }
0x33a: {  	[tilespmem:s9+$0x8200] =	vst.add.f32.msk $0xffff, v4  }
0x33b: {  	s9 =	spop (v2sf);
	v4 =	vld [tilespmem:s19+$0x150]  }
0x33c: {  	[tilespmem:s9+$0x4200] =	vst.add.f32.msk $0xffff, v2  }
0x33d: {  	v2 =	vld [tilespmem:s8+$0xC0];
	[dreg:$0x17] =	wrdreg s1  }
0x33e: {  	(v2sf) =	vpush v1, $0x8;
	[tilespmem:s1+$0x4200] =	vst.add.f32.msk $0xffff, v3  }
0x33f: {  	v3 =	vld [tilespmem:s8+$0xFFFFFEC0]  }
0x340: {  	[tilespmem:s5+$0x8200] =	vst.add.f32.msk $0xffff, v4  }
0x341: {  	s5 =	spop (v2sf);
	v4 =	vld [tilespmem:s19+$0x170]  }
0x342: {  	[tilespmem:s5+$0x4200] =	vst.add.f32.msk $0xffff, v2  }
0x343: {  	v2 =	vld [tilespmem:s8+$0xE0];
	[dreg:$0x16] =	wrdreg s25  }
0x344: {  	(v2sf) =	vpush v1, $0x9;
	[tilespmem:s25+$0x4200] =	vst.add.f32.msk $0xffff, v3  }
0x345: {  	v3 =	vld [tilespmem:s8+$0xFFFFFEE0]  }
0x346: {  	[tilespmem:s22+$0x8200] =	vst.add.f32.msk $0xffff, v4  }
0x347: {  	s25 =	spop (v2sf);
	v4 =	vld [tilespmem:s19+$0x190]  }
0x348: {  	[tilespmem:s25+$0x4200] =	vst.add.f32.msk $0xffff, v2  }
0x349: {  	v2 =	vld [tilespmem:s8+$0x100];
	[dreg:$0x13] =	wrdreg s2  }
0x34a: {  	(v2sf) =	vpush v1, $0xA;
	[tilespmem:s2+$0x4200] =	vst.add.f32.msk $0xffff, v3  }
0x34b: {  	v3 =	vld [tilespmem:s8+$0xFFFFFF00]  }
0x34c: {  	[tilespmem:s10+$0x8200] =	vst.add.f32.msk $0xffff, v4  }
0x34d: {  	s22 =	spop (v2sf);
	v60 =	vld [tilespmem:s19+$0xFFFFFEB0]  }
0x34e: {  	[tilespmem:s22+$0x4200] =	vst.add.f32.msk $0xffff, v2  }
0x34f: {  	v2 =	vld [tilespmem:s8+$0x120];
	[dreg:$0x10] =	wrdreg s30  }
0x350: {  	[tilespmem:s30+$0x4200] =	vst.add.f32.msk $0xffff, v3  }
0x351: {  	(v2sf) =	vpush v1, $0xB;
	v3 =	vld [tilespmem:s8+$0xFFFFFF20]  }
0x352: {  	[tilespmem:s15+$0x8200] =	vst.add.f32.msk $0xffff, v60  }
0x353: {  	s15 =	smov.u32 s23;
	s23 =	spop (v2sf);
	v4 =	vld [tilespmem:s19+$0xFFFFFED0]  }
0x354: {  	[tilespmem:s23+$0x4200] =	vst.add.f32.msk $0xffff, v2  }
0x355: {  	v2 =	vld [tilespmem:s8+$0x140];
	[dreg:$0x11] =	wrdreg s7  }
0x356: {  	[tilespmem:s7+$0x4200] =	vst.add.f32.msk $0xffff, v3  }
0x357: {  	v3 =	vld [tilespmem:s8+$0xFFFFFF40]  }
0x358: {  	(v2sf) =	vpush v1, $0xC;
	[tilespmem:s24+$0x8200] =	vst.add.f32.msk $0xffff, v4  }
0x359: {  	s24 =	spop (v2sf);
	v4 =	vld [tilespmem:s19+$0xFFFFFEF0]  }
0x35a: {  	[tilespmem:s24+$0x4200] =	vst.add.f32.msk $0xffff, v2  }
0x35b: {  	v2 =	vld [tilespmem:s8+$0x160];
	[dreg:$0xd] =	wrdreg s26  }
0x35c: {  	[tilespmem:s26+$0x4200] =	vst.add.f32.msk $0xffff, v3  }
0x35d: {  	v3 =	vld [tilespmem:s8+$0xFFFFFF60];
	_ =	sdelay $0x1  }
0x35e: {  	(v2sf) =	vpush v1, $0xD;
	[tilespmem:s20+$0x8200] =	vst.add.f32.msk $0xffff, v4  }
0x35f: {  	s10 =	spop (v2sf);
	v4 =	vld [tilespmem:s19+$0xFFFFFF10]  }
0x360: {  	[tilespmem:s10+$0x4200] =	vst.add.f32.msk $0xffff, v2  }
0x361: {  	[tilespmem:s15+$0x4200] =	vst.add.f32.msk $0xffff, v3  }
0x362: {  	v2 =	vld [tilespmem:s8+$0x180];
	s0 =	sld [smem:$0x7E0];
	_ =	sdelay $0x1  }
0x363: {  	(v2sf) =	vpush v1, $0xE;
	v3 =	vld [tilespmem:s8+$0xFFFFFF80]  }
0x364: {  	[tilespmem:s0+$0x8200] =	vst.add.f32.msk $0xffff, v4  }
0x365: {  	s0 =	spop (v2sf);
	v4 =	vld [tilespmem:s19+$0xFFFFFF30]  }
0x366: {  	[tilespmem:s0+$0x4200] =	vst.add.f32.msk $0xffff, v2  }
0x367: {  	v2 =	vld [tilespmem:s8+$0x1A0]  }
0x368: {  	[tilespmem:s13+$0x4200] =	vst.add.f32.msk $0xffff, v3  }
0x369: {  	s1 =	sld [smem:$0x7E1]  }
0x36a: {  	v3 =	vld [tilespmem:s19+$0x1B0]  }
0x36b: {  	(v2sf) =	vpush v1, $0xF;
	v1 =	vld [tilespmem:s8+$0xFFFFFFA0]  }
0x36c: {  	s26 =	spop (v2sf);
	[tilespmem:s1+$0x8200] =	vst.add.f32.msk $0xffff, v4  }
0x36d: {  	[tilespmem:s26+$0x4200] =	vst.add.f32.msk $0xffff, v2  }
0x36e: {  	v2 =	vld [tilespmem:s8+$0x1C0]  }
0x36f: {  	[tilespmem:s28+$0x8200] =	vst.add.f32.msk $0xffff, v3  }
0x370: {  	[tilespmem:s18+$0x4200] =	vst.add.f32.msk $0xffff, v1  }
0x371: {  	v61 =	vld [tilespmem:s8+$0xFFFFFFC0]  }
0x372: {  	s30 =	spop (v2sf);
	v1 =	vld [tilespmem:s19+$0xFFFFFF50]  }
0x373: {  	[tilespmem:s30+$0x4200] =	vst.add.f32.msk $0xffff, v2  }
0x374: {  	s1 =	sld [smem:$0x7E2]  }
0x375: {  	v2 =	vld [tilespmem:s8+$0x1E0]  }
0x376: {  	[tilespmem:s17+$0x4200] =	vst.add.f32.msk $0xffff, v61  }
0x377: {  	[tilespmem:s1+$0x8200] =	vst.add.f32.msk $0xffff, v1  }
0x378: {  	v1 =	vld [tilespmem:s8+$0xFFFFFFE0];
	_ =	sdelay $0x1  }
0x379: {  	v3 =	vld [tilespmem:s19+$0x1D0];
	s2 =	spop (v2sf)  }
0x37a: {  	[tilespmem:s2+$0x4200] =	vst.add.f32.msk $0xffff, v2  }
0x37b: {  	v2 =	vld [tilespmem:s8+$0x10]  }
0x37c: {  	[tilespmem:s14+$0x4200] =	vst.add.f32.msk $0xffff, v1  }
0x37d: {  	v1 =	vld [tilespmem:s8+$0xFFFFFE10]  }
0x37e: {  	[tilespmem:s16+$0x8200] =	vst.add.f32.msk $0xffff, v3  }
0x37f: {  	v62 =	vld [tilespmem:s19+$0xFFFFFF70]  }
0x380: {  	[tilespmem:s29+$0x8200] =	vst.add.f32.msk $0xffff, v2  }
0x381: {  	s1 =	sld [smem:$0x7E3];
	v2 =	vld [tilespmem:s8+$0x30]  }
0x382: {  	[tilespmem:s31+$0x8200] =	vst.add.f32.msk $0xffff, v1  }
0x383: {  	v1 =	vld [tilespmem:s19+$0x1F0]  }
0x384: {  	[tilespmem:s1+$0x8200] =	vst.add.f32.msk $0xffff, v62  }
0x385: {  	v63 =	vld [tilespmem:s8+$0xFFFFFE30]  }
0x386: {  	v3 =	vld [tilespmem:s19+$0xFFFFFF90]  }
0x387: {  	[tilespmem:s11+$0x8200] =	vst.add.f32.msk $0xffff, v2  }
0x388: {  	[tilespmem:s12+$0x8200] =	vst.add.f32.msk $0xffff, v1  }
0x389: {  	s1 =	sld [smem:$0x7E4]  }
0x38a: {  	v2 =	vld [tilespmem:s8+$0x50]  }
0x38b: {  	[tilespmem:s21+$0x8200] =	vst.add.f32.msk $0xffff, v63  }
0x38c: {  	[tilespmem:s1+$0x8200] =	vst.add.f32.msk $0xffff, v3  }
0x38d: {  	s7 =	simm.s32 $0x2;
	s11 =	simm.s32 $0x4150;
	v1 =	vld [tilespmem:s19+$0xFFFFFFB0]  }
.LBB2_7:
0x38e: {  	v3 =	vld [tilespmem:s11+$0x0]  }
0x38f: {  	v4 =	vld [tilespmem:s11+$0xFFFFFFF0]  }
0x390: {  	v5 =	vld [tilespmem:s8+$0xFFFFFE50]  }
0x391: {  	[tilespmem:s3+$0x8200] =	vst.add.f32.msk $0xffff, v2  }
0x392: {  	s1 =	rddreg [dreg:$0x9];
	v2 =	vld [tilespmem:s8+$0x70]  }
0x393: {  	[smem:$0x7DE] =	sst s13;
	[tilespmem:s1+$0x8200] =	vst.add.f32.msk $0xffff, v1  }
0x394: {  	s13 =	rddreg [dreg:$0x1d];
	v1 =	vshll.u32 v3, $0x4;
	v3 =	vld [tilespmem:s19+$0xFFFFFFD0]  }
0x395: {  	[tilespmem:s13+$0x8200] =	vst.add.f32.msk $0xffff, v5  }
0x396: {  	(v2sf) =	vpush v1, $0x0;
	v5 =	vld [tilespmem:s8+$0xFFFFFE70]  }
0x397: {  	[tilespmem:s6+$0x8200] =	vst.add.f32.msk $0xffff, v2;
	v2 =	vshll.u32 v4, $0x4  }
0x398: {  	[dreg:$0x1e] =	wrdreg s15;
	v62 =	vld [tilespmem:s8+$0x90];
	(v2sf) =	vpush v2, $0x0  }
0x399: {  	s15 =	rddreg [dreg:$0xa]  }
0x39a: {  	[tilespmem:s15+$0x8200] =	vst.add.f32.msk $0xffff, v3;
	(v2sf) =	vpush v2, $0x1  }
0x39b: {  	s12 =	smov.u32 s18;
	s18 =	rddreg [dreg:$0x1b];
	v3 =	vld [tilespmem:s19+$0xFFFFFFF0];
	(v2sf) =	vpush v2, $0x2  }
0x39c: {  	[tilespmem:s18+$0x8200] =	vst.add.f32.msk $0xffff, v5;
	(v2sf) =	vpush v2, $0x3  }
0x39d: {  	(v2sf) =	vpush v1, $0x1;
	[tilespmem:s4+$0x8200] =	vst.add.f32.msk $0xffff, v62  }
0x39e: {  	(v2sf) =	vpush v2, $0x4;
	v4 =	vld [tilespmem:s8+$0xB0]  }
0x39f: {  	s20 =	rddreg [dreg:$0x6];
	v5 =	vld [tilespmem:s8+$0xFFFFFE90];
	(v2sf) =	vpush v2, $0x5  }
0x3a0: {  	s19 =	smov.u32 s8;
	[tilespmem:s20+$0x8200] =	vst.add.f32.msk $0xffff, v3;
	s8 =	sadd.s32 $0x400, s8;
	(v2sf) =	vpush v2, $0x6  }
0x3a1: {  	v3 =	vld [tilespmem:s8+$0x0];
	(v2sf) =	vpush v2, $0x7  }
0x3a2: {  	v6 =	vld [tilespmem:s8+$0xFFFFFE00];
	(v2sf) =	vpush v2, $0x8  }
0x3a3: {  	(v2sf) =	vpush v1, $0x2;
	[tilespmem:s9+$0x8200] =	vst.add.f32.msk $0xffff, v4  }
0x3a4: {  	s28 =	rddreg [dreg:$0x19];
	(v2sf) =	vpush v2, $0x9;
	v4 =	vld [tilespmem:s19+$0xD0]  }
0x3a5: {  	[tilespmem:s28+$0x8200] =	vst.add.f32.msk $0xffff, v5;
	s15 =	spop (v2sf);
	(v2sf) =	vpush v2, $0xA  }
0x3a6: {  	[tilespmem:s15+$0x4200] =	vst.add.f32.msk $0xffff, v3;
	(v2sf) =	vpush v2, $0xB  }
0x3a7: {  	v3 =	vld [tilespmem:s8+$0x20];
	(v2sf) =	vpush v2, $0xC;
	s29 =	spop (v2sf)  }
0x3a8: {  	(v2sf) =	vpush v2, $0xD;
	[tilespmem:s29+$0x4200] =	vst.add.f32.msk $0xffff, v6  }
0x3a9: {  	s31 =	spop (v2sf);
	(v2sf) =	vpush v1, $0x3;
	[tilespmem:s5+$0x8200] =	vst.add.f32.msk $0xffff, v4  }
0x3aa: {  	s4 =	spop (v2sf);
	(v2sf) =	vpush v2, $0xE;
	v4 =	vld [tilespmem:s19+$0xF0]  }
0x3ab: {  	s16 =	smov.u32 s17;
	s5 =	spop (v2sf);
	(v2sf) =	vpush v2, $0xF;
	v2 =	vld [tilespmem:s8+$0xFFFFFE20]  }
0x3ac: {  	[dreg:$0xa] =	wrdreg s16;
	s16 =	spop (v2sf)  }
0x3ad: {  	[tilespmem:s16+$0x4200] =	vst.add.f32.msk $0xffff, v3  }
0x3ae: {  	s9 =	spop (v2sf);
	v3 =	vld [tilespmem:s8+$0x40]  }
0x3af: {  	s1 =	spop (v2sf);
	[tilespmem:s25+$0x8200] =	vst.add.f32.msk $0xffff, v4  }
0x3b0: {  	s13 =	spop (v2sf);
	[tilespmem:s31+$0x4200] =	vst.add.f32.msk $0xffff, v2  }
0x3b1: {  	s21 =	smov.u32 s14;
	s20 =	spop (v2sf);
	v4 =	vld [tilespmem:s19+$0x110]  }
0x3b2: {  	[dreg:$0x6] =	wrdreg s21;
	(v2sf) =	vpush v1, $0x4;
	s21 =	spop (v2sf);
	v2 =	vld [tilespmem:s8+$0xFFFFFE40]  }
0x3b3: {  	s3 =	spop (v2sf)  }
0x3b4: {  	[tilespmem:s3+$0x4200] =	vst.add.f32.msk $0xffff, v3  }
0x3b5: {  	[smem:$0x7DD] =	sst s29;
	s29 =	spop (v2sf);
	v3 =	vld [tilespmem:s8+$0x60]  }
0x3b6: {  	[smem:$0x7DF] =	sst s31;
	s31 =	spop (v2sf);
	[tilespmem:s22+$0x8200] =	vst.add.f32.msk $0xffff, v4  }
0x3b7: {  	s28 =	spop (v2sf);
	[tilespmem:s4+$0x4200] =	vst.add.f32.msk $0xffff, v2  }
0x3b8: {  	[dreg:$0x9] =	wrdreg s12;
	s12 =	spop (v2sf);
	v4 =	vld [tilespmem:s19+$0x130]  }
0x3b9: {  	(v2sf) =	vpush v1, $0x5;
	s18 =	spop (v2sf);
	v2 =	vld [tilespmem:s8+$0xFFFFFE60]  }
0x3ba: {  	s6 =	spop (v2sf)  }
0x3bb: {  	[tilespmem:s6+$0x4200] =	vst.add.f32.msk $0xffff, v3  }
0x3bc: {  	v3 =	vld [tilespmem:s8+$0x80]  }
0x3bd: {  	[tilespmem:s23+$0x8200] =	vst.add.f32.msk $0xffff, v4  }
0x3be: {  	[tilespmem:s5+$0x4200] =	vst.add.f32.msk $0xffff, v2  }
0x3bf: {  	s17 =	spop (v2sf);
	v4 =	vld [tilespmem:s19+$0x150]  }
0x3c0: {  	s14 =	spop (v2sf);
	(v2sf) =	vpush v1, $0x6;
	v2 =	vld [tilespmem:s8+$0xFFFFFE80]  }
0x3c1: {  	[dreg:$0x1d] =	wrdreg s4;
	s4 =	spop (v2sf)  }
0x3c2: {  	[tilespmem:s4+$0x4200] =	vst.add.f32.msk $0xffff, v3  }
0x3c3: {  	v3 =	vld [tilespmem:s8+$0xA0]  }
0x3c4: {  	[tilespmem:s24+$0x8200] =	vst.add.f32.msk $0xffff, v4  }
0x3c5: {  	[tilespmem:s9+$0x4200] =	vst.add.f32.msk $0xffff, v2  }
0x3c6: {  	v4 =	vld [tilespmem:s19+$0x170]  }
0x3c7: {  	(v2sf) =	vpush v1, $0x7;
	v2 =	vld [tilespmem:s8+$0xFFFFFEA0]  }
0x3c8: {  	[dreg:$0x19] =	wrdreg s9;
	s9 =	spop (v2sf)  }
0x3c9: {  	[tilespmem:s9+$0x4200] =	vst.add.f32.msk $0xffff, v3  }
0x3ca: {  	v3 =	vld [tilespmem:s8+$0xC0]  }
0x3cb: {  	[tilespmem:s10+$0x8200] =	vst.add.f32.msk $0xffff, v4  }
0x3cc: {  	[tilespmem:s1+$0x4200] =	vst.add.f32.msk $0xffff, v2  }
0x3cd: {  	v4 =	vld [tilespmem:s19+$0x190]  }
0x3ce: {  	(v2sf) =	vpush v1, $0x8;
	v2 =	vld [tilespmem:s8+$0xFFFFFEC0]  }
0x3cf: {  	[dreg:$0x1b] =	wrdreg s5;
	s5 =	spop (v2sf)  }
0x3d0: {  	[tilespmem:s5+$0x4200] =	vst.add.f32.msk $0xffff, v3  }
0x3d1: {  	v3 =	vld [tilespmem:s8+$0xE0]  }
0x3d2: {  	[tilespmem:s0+$0x8200] =	vst.add.f32.msk $0xffff, v4  }
0x3d3: {  	[tilespmem:s13+$0x4200] =	vst.add.f32.msk $0xffff, v2  }
0x3d4: {  	v4 =	vld [tilespmem:s19+$0x1B0]  }
0x3d5: {  	(v2sf) =	vpush v1, $0x9;
	v2 =	vld [tilespmem:s8+$0xFFFFFEE0]  }
0x3d6: {  	s25 =	spop (v2sf)  }
0x3d7: {  	[tilespmem:s25+$0x4200] =	vst.add.f32.msk $0xffff, v3  }
0x3d8: {  	v3 =	vld [tilespmem:s8+$0x100]  }
0x3d9: {  	[tilespmem:s26+$0x8200] =	vst.add.f32.msk $0xffff, v4  }
0x3da: {  	[tilespmem:s20+$0x4200] =	vst.add.f32.msk $0xffff, v2  }
0x3db: {  	v4 =	vld [tilespmem:s19+$0x1D0]  }
0x3dc: {  	(v2sf) =	vpush v1, $0xA;
	v2 =	vld [tilespmem:s8+$0xFFFFFF00]  }
0x3dd: {  	s22 =	spop (v2sf)  }
0x3de: {  	[tilespmem:s22+$0x4200] =	vst.add.f32.msk $0xffff, v3  }
0x3df: {  	v3 =	vld [tilespmem:s8+$0x120]  }
0x3e0: {  	[tilespmem:s30+$0x8200] =	vst.add.f32.msk $0xffff, v4  }
0x3e1: {  	[tilespmem:s21+$0x4200] =	vst.add.f32.msk $0xffff, v2  }
0x3e2: {  	(v2sf) =	vpush v1, $0xB;
	v4 =	vld [tilespmem:s19+$0x1F0]  }
0x3e3: {  	v2 =	vld [tilespmem:s8+$0xFFFFFF20]  }
0x3e4: {  	s23 =	spop (v2sf);
	v63 =	vld [tilespmem:s19+$0xFFFFFEB0]  }
0x3e5: {  	[tilespmem:s23+$0x4200] =	vst.add.f32.msk $0xffff, v3  }
0x3e6: {  	v3 =	vld [tilespmem:s8+$0x140]  }
0x3e7: {  	[tilespmem:s2+$0x8200] =	vst.add.f32.msk $0xffff, v4  }
0x3e8: {  	(v2sf) =	vpush v1, $0xC;
	[tilespmem:s29+$0x4200] =	vst.add.f32.msk $0xffff, v2  }
0x3e9: {  	s10 =	rddreg [dreg:$0x17];
	v2 =	vld [tilespmem:s8+$0xFFFFFF40]  }
0x3ea: {  	[tilespmem:s10+$0x8200] =	vst.add.f32.msk $0xffff, v63  }
0x3eb: {  	s24 =	spop (v2sf);
	v4 =	vld [tilespmem:s19+$0xFFFFFED0]  }
0x3ec: {  	[tilespmem:s24+$0x4200] =	vst.add.f32.msk $0xffff, v3  }
0x3ed: {  	v3 =	vld [tilespmem:s8+$0x160]  }
0x3ee: {  	(v2sf) =	vpush v1, $0xD;
	[tilespmem:s31+$0x4200] =	vst.add.f32.msk $0xffff, v2  }
0x3ef: {  	s26 =	smov.u32 s1;
	s1 =	rddreg [dreg:$0x16];
	v2 =	vld [tilespmem:s8+$0xFFFFFF60]  }
0x3f0: {  	[tilespmem:s1+$0x8200] =	vst.add.f32.msk $0xffff, v4  }
0x3f1: {  	s10 =	spop (v2sf);
	v4 =	vld [tilespmem:s19+$0xFFFFFEF0]  }
0x3f2: {  	[tilespmem:s10+$0x4200] =	vst.add.f32.msk $0xffff, v3  }
0x3f3: {  	v3 =	vld [tilespmem:s8+$0x180]  }
0x3f4: {  	[dreg:$0x17] =	wrdreg s26;
	(v2sf) =	vpush v1, $0xE;
	[tilespmem:s28+$0x4200] =	vst.add.f32.msk $0xffff, v2  }
0x3f5: {  	s26 =	rddreg [dreg:$0x13];
	v2 =	vld [tilespmem:s8+$0xFFFFFF80]  }
0x3f6: {  	[tilespmem:s26+$0x8200] =	vst.add.f32.msk $0xffff, v4  }
0x3f7: {  	s0 =	spop (v2sf);
	(v2sf) =	vpush v1, $0xF;
	v1 =	vld [tilespmem:s19+$0xFFFFFF10]  }
0x3f8: {  	[tilespmem:s0+$0x4200] =	vst.add.f32.msk $0xffff, v3  }
0x3f9: {  	v3 =	vld [tilespmem:s8+$0x1A0]  }
0x3fa: {  	[tilespmem:s12+$0x4200] =	vst.add.f32.msk $0xffff, v2  }
0x3fb: {  	s2 =	smov.u32 s13;
	s13 =	rddreg [dreg:$0x10];
	v2 =	vld [tilespmem:s8+$0xFFFFFFA0]  }
0x3fc: {  	[tilespmem:s13+$0x8200] =	vst.add.f32.msk $0xffff, v1  }
0x3fd: {  	s26 =	spop (v2sf);
	v1 =	vld [tilespmem:s19+$0xFFFFFF30]  }
0x3fe: {  	[tilespmem:s26+$0x4200] =	vst.add.f32.msk $0xffff, v3  }
0x3ff: {  	v3 =	vld [tilespmem:s8+$0x1C0]  }
0x400: {  	[dreg:$0x16] =	wrdreg s2;
	[tilespmem:s18+$0x4200] =	vst.add.f32.msk $0xffff, v2  }
0x401: {  	s2 =	smov.u32 s20;
	s20 =	smov.u32 s21;
	s21 =	rddreg [dreg:$0x11];
	v2 =	vld [tilespmem:s8+$0xFFFFFFC0]  }
0x402: {  	[tilespmem:s21+$0x8200] =	vst.add.f32.msk $0xffff, v1  }
0x403: {  	s30 =	spop (v2sf);
	v1 =	vld [tilespmem:s19+$0xFFFFFF50]  }
0x404: {  	[tilespmem:s30+$0x4200] =	vst.add.f32.msk $0xffff, v3  }
0x405: {  	v3 =	vld [tilespmem:s8+$0x1E0]  }
0x406: {  	[tilespmem:s17+$0x4200] =	vst.add.f32.msk $0xffff, v2  }
0x407: {  	s13 =	rddreg [dreg:$0xd];
	v2 =	vld [tilespmem:s8+$0xFFFFFFE0]  }
0x408: {  	[dreg:$0x13] =	wrdreg s2;
	s2 =	smov.u32 s29;
	[tilespmem:s13+$0x8200] =	vst.add.f32.msk $0xffff, v1  }
0x409: {  	[dreg:$0x11] =	wrdreg s2;
	s2 =	spop (v2sf);
	v1 =	vld [tilespmem:s19+$0xFFFFFF70]  }
0x40a: {  	[tilespmem:s2+$0x4200] =	vst.add.f32.msk $0xffff, v3  }
0x40b: {  	v3 =	vld [tilespmem:s8+$0x10]  }
0x40c: {  	[tilespmem:s14+$0x4200] =	vst.add.f32.msk $0xffff, v2  }
0x40d: {  	s21 =	rddreg [dreg:$0x1e];
	v2 =	vld [tilespmem:s8+$0xFFFFFE10]  }
0x40e: {  	[tilespmem:s21+$0x8200] =	vst.add.f32.msk $0xffff, v1  }
0x40f: {  	v1 =	vld [tilespmem:s19+$0xFFFFFF90]  }
0x410: {  	[tilespmem:s15+$0x8200] =	vst.add.f32.msk $0xffff, v3;
	s15 =	smov.u32 s28;
	s28 =	sld [smem:$0x7DD];
	_ =	sdelay $0x1  }
0x411: {  	s29 =	sld [smem:$0x7DE];
	v3 =	vld [tilespmem:s8+$0x30]  }
0x412: {  	s7 =	sadd.s32 $0x2, s7;
	[tilespmem:s28+$0x8200] =	vst.add.f32.msk $0xffff, v2  }
0x413: {  	p0 =	slt.u32 s7, $0xE;
	v4 =	vld [tilespmem:s8+$0xFFFFFE30]  }
.Ltmp2:
0x414: {  	[dreg:$0x10] =	wrdreg s20;
	[tilespmem:s29+$0x8200] =	vst.add.f32.msk $0xffff, v1;
	(pc) =	sbr.rel @p0 .LBB2_7-.Ltmp2, $4  }
0x415: {  	s20 =	smov.u32 s31;
	s31 =	sld [smem:$0x7DF];
	v1 =	vld [tilespmem:s19+$0xFFFFFFB0]  }
0x416: {  	[tilespmem:s16+$0x8200] =	vst.add.f32.msk $0xffff, v3  }
0x417: {  	v2 =	vld [tilespmem:s8+$0x50]  }
0x418: {  	s11 =	sadd.s32 $0x20, s11;
	[dreg:$0xd] =	wrdreg s20;
	s13 =	smov.u32 s12;
	[tilespmem:s31+$0x8200] =	vst.add.f32.msk $0xffff, v4  }
0x419: {  	v3 =	vld [tilespmem:s8+$0xFFFFFE50];
	_ =	sdelay $0x2  }
0x41a: {  	[tilespmem:s3+$0x8200] =	vst.add.f32.msk $0xffff, v2  }
0x41b: {  	v2 =	vld [tilespmem:s8+$0x70];
	s1 =	rddreg [dreg:$0x1d]  }
0x41c: {  	[tilespmem:s1+$0x8200] =	vst.add.f32.msk $0xffff, v3  }
0x41d: {  	v3 =	vld [tilespmem:s8+$0xFFFFFE70];
	_ =	sdelay $0x2  }
0x41e: {  	[tilespmem:s6+$0x8200] =	vst.add.f32.msk $0xffff, v2  }
0x41f: {  	v2 =	vld [tilespmem:s8+$0x90];
	s1 =	rddreg [dreg:$0x1b]  }
0x420: {  	[tilespmem:s1+$0x8200] =	vst.add.f32.msk $0xffff, v3  }
0x421: {  	v3 =	vld [tilespmem:s8+$0xFFFFFE90];
	_ =	sdelay $0x2  }
0x422: {  	[tilespmem:s4+$0x8200] =	vst.add.f32.msk $0xffff, v2  }
0x423: {  	v2 =	vld [tilespmem:s8+$0xB0];
	s1 =	rddreg [dreg:$0x19]  }
0x424: {  	[tilespmem:s1+$0x8200] =	vst.add.f32.msk $0xffff, v3  }
0x425: {  	v3 =	vld [tilespmem:s8+$0xFFFFFEB0];
	_ =	sdelay $0x2  }
0x426: {  	[tilespmem:s9+$0x8200] =	vst.add.f32.msk $0xffff, v2  }
0x427: {  	v2 =	vld [tilespmem:s8+$0xD0];
	s1 =	rddreg [dreg:$0x17]  }
0x428: {  	[tilespmem:s1+$0x8200] =	vst.add.f32.msk $0xffff, v3  }
0x429: {  	v3 =	vld [tilespmem:s8+$0xFFFFFED0];
	_ =	sdelay $0x2  }
0x42a: {  	[tilespmem:s5+$0x8200] =	vst.add.f32.msk $0xffff, v2  }
0x42b: {  	v2 =	vld [tilespmem:s8+$0xF0];
	s1 =	rddreg [dreg:$0x16]  }
0x42c: {  	[tilespmem:s1+$0x8200] =	vst.add.f32.msk $0xffff, v3  }
0x42d: {  	v3 =	vld [tilespmem:s8+$0xFFFFFEF0];
	_ =	sdelay $0x2  }
0x42e: {  	[tilespmem:s25+$0x8200] =	vst.add.f32.msk $0xffff, v2  }
0x42f: {  	v2 =	vld [tilespmem:s8+$0x110];
	s1 =	rddreg [dreg:$0x13]  }
0x430: {  	[tilespmem:s1+$0x8200] =	vst.add.f32.msk $0xffff, v3  }
0x431: {  	v3 =	vld [tilespmem:s8+$0xFFFFFF10];
	_ =	sdelay $0x2  }
0x432: {  	[tilespmem:s22+$0x8200] =	vst.add.f32.msk $0xffff, v2  }
0x433: {  	v2 =	vld [tilespmem:s8+$0x130];
	s1 =	rddreg [dreg:$0x10]  }
0x434: {  	[tilespmem:s1+$0x8200] =	vst.add.f32.msk $0xffff, v3  }
0x435: {  	v3 =	vld [tilespmem:s8+$0xFFFFFF30];
	_ =	sdelay $0x2  }
0x436: {  	[tilespmem:s23+$0x8200] =	vst.add.f32.msk $0xffff, v2  }
0x437: {  	v2 =	vld [tilespmem:s8+$0x150];
	s1 =	rddreg [dreg:$0x11]  }
0x438: {  	[tilespmem:s1+$0x8200] =	vst.add.f32.msk $0xffff, v3  }
0x439: {  	v3 =	vld [tilespmem:s8+$0xFFFFFF50];
	_ =	sdelay $0x2  }
0x43a: {  	[tilespmem:s24+$0x8200] =	vst.add.f32.msk $0xffff, v2  }
0x43b: {  	v2 =	vld [tilespmem:s8+$0x170];
	s1 =	rddreg [dreg:$0xd]  }
0x43c: {  	[tilespmem:s1+$0x8200] =	vst.add.f32.msk $0xffff, v3  }
0x43d: {  	v3 =	vld [tilespmem:s8+$0xFFFFFF70];
	_ =	sdelay $0x2  }
0x43e: {  	[tilespmem:s10+$0x8200] =	vst.add.f32.msk $0xffff, v2  }
0x43f: {  	v2 =	vld [tilespmem:s8+$0x190]  }
0x440: {  	[tilespmem:s15+$0x8200] =	vst.add.f32.msk $0xffff, v3  }
0x441: {  	v3 =	vld [tilespmem:s8+$0xFFFFFF90];
	_ =	sdelay $0x2  }
0x442: {  	[tilespmem:s0+$0x8200] =	vst.add.f32.msk $0xffff, v2  }
0x443: {  	v2 =	vld [tilespmem:s8+$0x1B0]  }
0x444: {  	[tilespmem:s13+$0x8200] =	vst.add.f32.msk $0xffff, v3  }
0x445: {  	v3 =	vld [tilespmem:s8+$0xFFFFFFB0];
	s0 =	rddreg [dreg:$0x9]  }
0x446: {  	[tilespmem:s0+$0x8200] =	vst.add.f32.msk $0xffff, v1  }
0x447: {  	v1 =	vld [tilespmem:s19+$0xFFFFFFD0]  }
0x448: {  	[tilespmem:s26+$0x8200] =	vst.add.f32.msk $0xffff, v2  }
0x449: {  	v2 =	vld [tilespmem:s8+$0x1D0]  }
0x44a: {  	[tilespmem:s18+$0x8200] =	vst.add.f32.msk $0xffff, v3  }
0x44b: {  	v3 =	vld [tilespmem:s8+$0xFFFFFFD0];
	s0 =	rddreg [dreg:$0xa]  }
0x44c: {  	[tilespmem:s0+$0x8200] =	vst.add.f32.msk $0xffff, v1  }
0x44d: {  	v1 =	vld [tilespmem:s19+$0xFFFFFFF0];
	_ =	sdelay $0x1  }
0x44e: {  	[tilespmem:s30+$0x8200] =	vst.add.f32.msk $0xffff, v2  }
0x44f: {  	[tilespmem:s17+$0x8200] =	vst.add.f32.msk $0xffff, v3  }
0x450: {  	v2 =	vld [tilespmem:s8+$0x1F0];
	s0 =	rddreg [dreg:$0x6]  }
0x451: {  	[tilespmem:s0+$0x8200] =	vst.add.f32.msk $0xffff, v1  }
0x452: {  	s0 =	sld [smem:$0x7F6]  }
0x453: {  	s1 =	sld [smem:$0x7E7]  }
0x454: {  	v3 =	vld [tilespmem:s8+$0xFFFFFFF0]  }
0x455: {  	[tilespmem:s2+$0x8200] =	vst.add.f32.msk $0xffff, v2  }
0x456: {  	p0 =	slt.u32 s1, s0;
	s0 =	sld [smem:$0x7F7];
	_ =	sdelay $0x2  }
0x457: {  	p1 =	sge.u32 @!p0 s1, s0  }
0x458: {  	[tilespmem:s14+$0x8200] =	vst.add.f32.msk $0xffff, v3;
	p0 =	por p1, p0  }
0x459: {  	v1 =	vld @!p0 [tilespmem:$0x4100];
	_ =	sdelay $0x6  }
0x45a: {  	v2 =	vimm.f32 @!p0 $1.000000000e+00;
	s0 =	simm.s32 @!p0 $0xC200  }
0x45b: {  	[tilespmem:v1+s0+$0x0] =	vst.idx.add.f32.msk @!p0 $0xffff, v2  }
0x45c: {  	v1 =	vld @!p0 [tilespmem:$0x4110];
	_ =	sdelay $0x7  }
0x45d: {  	[tilespmem:v1+s0+$0x0] =	vst.idx.add.f32.msk @!p0 $0xffff, v2  }
0x45e: {  	v1 =	vld @!p0 [tilespmem:$0x4120];
	_ =	sdelay $0x7  }
0x45f: {  	[tilespmem:v1+s0+$0x0] =	vst.idx.add.f32.msk @!p0 $0xffff, v2  }
0x460: {  	v1 =	vld @!p0 [tilespmem:$0x4130];
	_ =	sdelay $0x7  }
0x461: {  	[tilespmem:v1+s0+$0x0] =	vst.idx.add.f32.msk @!p0 $0xffff, v2  }
0x462: {  	v1 =	vld @!p0 [tilespmem:$0x4140];
	_ =	sdelay $0x7  }
0x463: {  	[tilespmem:v1+s0+$0x0] =	vst.idx.add.f32.msk @!p0 $0xffff, v2  }
0x464: {  	v1 =	vld @!p0 [tilespmem:$0x4150];
	_ =	sdelay $0x7  }
0x465: {  	[tilespmem:v1+s0+$0x0] =	vst.idx.add.f32.msk @!p0 $0xffff, v2  }
0x466: {  	v1 =	vld @!p0 [tilespmem:$0x4160];
	_ =	sdelay $0x7  }
0x467: {  	[tilespmem:v1+s0+$0x0] =	vst.idx.add.f32.msk @!p0 $0xffff, v2  }
0x468: {  	v1 =	vld @!p0 [tilespmem:$0x4170];
	_ =	sdelay $0x7  }
0x469: {  	[tilespmem:v1+s0+$0x0] =	vst.idx.add.f32.msk @!p0 $0xffff, v2  }
0x46a: {  	v1 =	vld @!p0 [tilespmem:$0x4180];
	_ =	sdelay $0x7  }
0x46b: {  	[tilespmem:v1+s0+$0x0] =	vst.idx.add.f32.msk @!p0 $0xffff, v2  }
0x46c: {  	v1 =	vld @!p0 [tilespmem:$0x4190];
	_ =	sdelay $0x7  }
0x46d: {  	[tilespmem:v1+s0+$0x0] =	vst.idx.add.f32.msk @!p0 $0xffff, v2  }
0x46e: {  	v1 =	vld @!p0 [tilespmem:$0x41A0];
	_ =	sdelay $0x7  }
0x46f: {  	[tilespmem:v1+s0+$0x0] =	vst.idx.add.f32.msk @!p0 $0xffff, v2  }
0x470: {  	v1 =	vld @!p0 [tilespmem:$0x41B0];
	_ =	sdelay $0x7  }
0x471: {  	[tilespmem:v1+s0+$0x0] =	vst.idx.add.f32.msk @!p0 $0xffff, v2  }
0x472: {  	v1 =	vld @!p0 [tilespmem:$0x41C0];
	_ =	sdelay $0x7  }
0x473: {  	[tilespmem:v1+s0+$0x0] =	vst.idx.add.f32.msk @!p0 $0xffff, v2  }
0x474: {  	v1 =	vld @!p0 [tilespmem:$0x41D0];
	_ =	sdelay $0x7  }
0x475: {  	[tilespmem:v1+s0+$0x0] =	vst.idx.add.f32.msk @!p0 $0xffff, v2  }
0x476: {  	v1 =	vld @!p0 [tilespmem:$0x41E0];
	_ =	sdelay $0x7  }
0x477: {  	s15 =	sld [smem:$0x7EF];
	[tilespmem:v1+s0+$0x0] =	vst.idx.add.f32.msk @!p0 $0xffff, v2  }
0x478: {  	v1 =	vld @!p0 [tilespmem:$0x41F0];
	_ =	sdelay $0x1  }
0x479: {  	s15 =	sadd.s32 $0x1, s15  }
0x47a: {  	p1 =	sne.s32 s15, $0x20  }
.Ltmp3:
0x47b: {  	_ = 	snop;
	(pc) =	sbr.rel @p1 .LBB2_4-.Ltmp3, $2  }
0x47c: {  	_ =	sdelay $0x2  }
0x47d: {  	[tilespmem:v1+s0+$0x0] =	vst.idx.add.f32.msk @!p0 $0xffff, v2  }
0x47e: {  	s0 =	simm.s32 $0x2  }
0x47f: {  	_ =	swait.ge [sflag:s0], $0x100  }
0x480: {  	[sflag:s0] =	ssyncset.done $0x0  }
0x481: {  	s18 =	simm.s32 $0x1;
	[sflag:s0] =	ssyncadd.s32 $0xFFFFFF00  }
0x482: {  	_ =	swait.ge [sflag:s18], $0x2000  }
0x483: {  	s19 =	sld [smem:$0x7F8]  }
0x484: {  	[sflag:s18] =	ssyncset.done $0x0  }
0x485: {  	s1 =	simm.s32 $0xC200;
	s5 =	simm.s32 $0x6;
	[sflag:s18] =	ssyncadd.s32 $0xFFFFE000  }
0x486: {  	[spmem:s19] =	stream.linear.scatter [tilespmem:s1], [sflag:$0x6], $0x400, $0x38;
	[tilespmem:$0x15710] =	vst v63  }
0x487: {  	_ =	swait.ge [sflag:s5], $0x400  }
0x488: {  	[sflag:s5] =	ssyncset.done $0x0  }
0x489: {  	[sflag:s5] =	ssyncadd.s32 $0xFFFFFC00  }
0x48a: {  	[bflag:$0x0] =	sbarrier.arrive $0xFFFF  }
0x48b: {  	s20 =	sld [smem:$0x7F9];
	_ =	sdelay $0x1  }
0x48c: {  	s21 =	simm.s32 $0x400;
	s2 =	simm.s32 $0x40;
	s3 =	simm.s32 $0x14600  }
0x48d: {  	[tilespmem:s3], [sflag:$0x6] =	stream.strided.gather [spmem:s20], $0x400, s21, s2, $0x38;
	[tilespmem:$0x15710] =	vst v63  }
0x48e: {  	_ =	swait.ge [sflag:s5], $0x400  }
0x48f: {  	[sflag:s5] =	ssyncset.done $0x0  }
0x490: {  	[sflag:s5] =	ssyncadd.s32 $0xFFFFFC00  }
0x491: {  	v1 =	vld [tilespmem:$0x14600]  }
0x492: {  	v2 =	vld [tilespmem:$0x14640]  }
0x493: {  	v3 =	vld [tilespmem:$0x14680]  }
0x494: {  	v4 =	vld [tilespmem:$0x146C0]  }
0x495: {  	v5 =	vld [tilespmem:$0x14700]  }
0x496: {  	v6 =	vld [tilespmem:$0x14740]  }
0x497: {  	v7 =	vld [tilespmem:$0x14780]  }
0x498: {  	v8 =	vld [tilespmem:$0x147C0]  }
0x499: {  	v9 =	vld [tilespmem:$0x14800]  }
0x49a: {  	v10 =	vld [tilespmem:$0x14840]  }
0x49b: {  	v11 =	vld [tilespmem:$0x14880]  }
0x49c: {  	v12 =	vld [tilespmem:$0x148C0]  }
0x49d: {  	v13 =	vld [tilespmem:$0x14900]  }
0x49e: {  	v14 =	vld [tilespmem:$0x14940]  }
0x49f: {  	v15 =	vld [tilespmem:$0x14980]  }
0x4a0: {  	v16 =	vld [tilespmem:$0x149C0]  }
0x4a1: {  	v17 =	vld [tilespmem:$0x14610]  }
0x4a2: {  	v18 =	vld [tilespmem:$0x14650]  }
0x4a3: {  	v19 =	vld [tilespmem:$0x14690]  }
0x4a4: {  	v20 =	vld [tilespmem:$0x146D0]  }
0x4a5: {  	v21 =	vld [tilespmem:$0x14710]  }
0x4a6: {  	v22 =	vld [tilespmem:$0x14750]  }
0x4a7: {  	v23 =	vld [tilespmem:$0x14790]  }
0x4a8: {  	v24 =	vld [tilespmem:$0x147D0]  }
0x4a9: {  	v25 =	vld [tilespmem:$0x14810]  }
0x4aa: {  	v26 =	vld [tilespmem:$0x14850]  }
0x4ab: {  	v27 =	vld [tilespmem:$0x14890]  }
0x4ac: {  	v28 =	vld [tilespmem:$0x148D0]  }
0x4ad: {  	v29 =	vld [tilespmem:$0x14910]  }
0x4ae: {  	v30 =	vld [tilespmem:$0x14950]  }
0x4af: {  	v31 =	vld [tilespmem:$0x14990]  }
0x4b0: {  	v32 =	vld [tilespmem:$0x149D0]  }
0x4b1: {  	v33 =	vld [tilespmem:$0x14620]  }
0x4b2: {  	v34 =	vld [tilespmem:$0x14660];
	v1 =	vadd.f32 v2, v1  }
0x4b3: {  	v35 =	vld [tilespmem:$0x14630]  }
0x4b4: {  	v1 =	vadd.f32 v3, v1;
	v3 =	vadd.f32 v18, v17;
	v17 =	vld [tilespmem:$0x14670]  }
0x4b5: {  	v2 =	vld [tilespmem:$0x146A0]  }
0x4b6: {  	v1 =	vadd.f32 v4, v1;
	v4 =	vld [tilespmem:$0x146B0]  }
0x4b7: {  	v18 =	vld [tilespmem:$0x146E0];
	v3 =	vadd.f32 v19, v3  }
0x4b8: {  	v19 =	vadd.f32 v34, v33;
	v1 =	vadd.f32 v5, v1;
	v5 =	vld [tilespmem:$0x146F0]  }
0x4b9: {  	v62 =	vld [tilespmem:$0x14720];
	v17 =	vadd.f32 v17, v35  }
0x4ba: {  	v2 =	vadd.f32 v2, v19;
	v1 =	vadd.f32 v6, v1;
	v6 =	vld [tilespmem:$0x14730]  }
0x4bb: {  	v3 =	vadd.f32 v20, v3;
	v19 =	vld [tilespmem:$0x14760];
	v4 =	vadd.f32 v4, v17  }
0x4bc: {  	v2 =	vadd.f32 v18, v2;
	v1 =	vadd.f32 v7, v1;
	v7 =	vld [tilespmem:$0x14770]  }
0x4bd: {  	v3 =	vadd.f32 v21, v3;
	v18 =	vld [tilespmem:$0x147A0];
	v4 =	vadd.f32 v5, v4  }
0x4be: {  	v2 =	vadd.f32 v62, v2;
	v5 =	vld [tilespmem:$0x147B0]  }
0x4bf: {  	v17 =	vld [tilespmem:$0x147E0];
	v3 =	vadd.f32 v22, v3;
	v4 =	vadd.f32 v6, v4  }
0x4c0: {  	v1 =	vadd.f32 v8, v1;
	v2 =	vadd.f32 v19, v2;
	v6 =	vld [tilespmem:$0x147F0]  }
0x4c1: {  	v3 =	vadd.f32 v23, v3;
	v8 =	vld [tilespmem:$0x14820];
	v4 =	vadd.f32 v7, v4  }
0x4c2: {  	v1 =	vadd.f32 v9, v1;
	v2 =	vadd.f32 v18, v2;
	v7 =	vld [tilespmem:$0x14830]  }
0x4c3: {  	v3 =	vadd.f32 v24, v3;
	v9 =	vld [tilespmem:$0x14860];
	v4 =	vadd.f32 v5, v4  }
0x4c4: {  	v1 =	vadd.f32 v10, v1;
	v2 =	vadd.f32 v17, v2;
	v5 =	vld [tilespmem:$0x14870]  }
0x4c5: {  	v3 =	vadd.f32 v25, v3;
	v10 =	vld [tilespmem:$0x148A0];
	v4 =	vadd.f32 v6, v4  }
0x4c6: {  	v1 =	vadd.f32 v11, v1;
	v2 =	vadd.f32 v8, v2;
	v6 =	vld [tilespmem:$0x148B0]  }
0x4c7: {  	v3 =	vadd.f32 v26, v3;
	v8 =	vld [tilespmem:$0x148E0];
	v4 =	vadd.f32 v7, v4  }
0x4c8: {  	v1 =	vadd.f32 v12, v1;
	v2 =	vadd.f32 v9, v2;
	v7 =	vld [tilespmem:$0x148F0]  }
0x4c9: {  	v3 =	vadd.f32 v27, v3;
	v9 =	vld [tilespmem:$0x14920];
	v4 =	vadd.f32 v5, v4  }
0x4ca: {  	v1 =	vadd.f32 v13, v1;
	v2 =	vadd.f32 v10, v2;
	v5 =	vld [tilespmem:$0x14930]  }
0x4cb: {  	v3 =	vadd.f32 v28, v3;
	v10 =	vld [tilespmem:$0x14960];
	v4 =	vadd.f32 v6, v4  }
0x4cc: {  	v1 =	vadd.f32 v14, v1;
	v2 =	vadd.f32 v8, v2;
	v6 =	vld [tilespmem:$0x14970]  }
0x4cd: {  	v3 =	vadd.f32 v29, v3;
	v8 =	vld [tilespmem:$0x149A0];
	v4 =	vadd.f32 v7, v4  }
0x4ce: {  	v1 =	vadd.f32 v15, v1;
	v2 =	vadd.f32 v9, v2;
	v7 =	vld [tilespmem:$0x149B0]  }
0x4cf: {  	v3 =	vadd.f32 v30, v3;
	v9 =	vld [tilespmem:$0x149E0];
	v4 =	vadd.f32 v5, v4  }
0x4d0: {  	v1 =	vadd.f32 v16, v1;
	v2 =	vadd.f32 v10, v2;
	v5 =	vld [tilespmem:$0x149F0]  }
0x4d1: {  	v3 =	vadd.f32 v31, v3;
	v4 =	vadd.f32 v6, v4  }
0x4d2: {  	v10 =	vmax.f32 v1, $1.000000000e+00;
	v2 =	vadd.f32 v8, v2  }
0x4d3: {  	v3 =	vadd.f32 v32, v3;
	(erf) = vrcp.f32 v10;
	v4 =	vadd.f32 v7, v4  }
0x4d4: {  	v2 =	vadd.f32 v9, v2  }
0x4d5: {  	v6 =	vmax.f32 v3, $1.000000000e+00;
	v5 =	vadd.f32 v5, v4  }
0x4d6: {  	(erf) = vrcp.f32 v6;
	v6 =	vmax.f32 v2, $1.000000000e+00  }
0x4d7: {  	(erf) = vrcp.f32 v6;
	v4 =	vmax.f32 v5, $1.000000000e+00  }
0x4d8: {  	(erf) = vrcp.f32 v4;
	_ =	sdelay $0x1  }
0x4d9: {  	vm0 =	vgt.f32 v1, $0.0e+00;
	v4 =	vimm.f32 $0.0e+00  }
0x4da: {  	v1 =	vsel vm0, $0x3F800000, v4  }
0x4db: {  	vm13 =	vgt.f32 v3, $0.0e+00;
	v6 =	vpop (erf);
	[tilespmem:$0x14A40] =	vst v1  }
0x4dc: {  	vm14 =	vgt.f32 v2, $0.0e+00;
	v1 =	vsel vm13, $0x3F800000, v4;
	[tilespmem:$0x14A00] =	vst v6  }
0x4dd: {  	[tilespmem:$0x14A50] =	vst v1;
	v1 =	vsel vm14, $0x3F800000, v4  }
0x4de: {  	v6 =	vpop (erf);
	[tilespmem:$0x14A60] =	vst v1  }
0x4df: {  	[tilespmem:$0x14A10] =	vst v6;
	v3 =	vpop (erf)  }
0x4e0: {  	s22 =	sld [smem:$0x7FA];
	vm15 =	vgt.f32 v5, $0.0e+00;
	[tilespmem:$0x14A20] =	vst v3;
	v1 =	vpop (erf)  }
0x4e1: {  	[tilespmem:$0x14A30] =	vst v1;
	v1 =	vsel vm15, $0x3F800000, v4  }
0x4e2: {  	s23 =	simm.s32 $0x14A00;
	[tilespmem:$0x14A70] =	vst v1  }
0x4e3: {  	[spmem:s22] =	stream.linear.scatter [tilespmem:s23], [sflag:$0x6], $0x40, $0x38;
	[tilespmem:$0x15710] =	vst v63  }
0x4e4: {  	_ =	swait.ge [sflag:s5], $0x40  }
0x4e5: {  	s24 =	sld [smem:$0x7FB]  }
0x4e6: {  	[sflag:s5] =	ssyncset.done $0x0  }
0x4e7: {  	s25 =	simm.s32 $0x14A40;
	[sflag:s5] =	ssyncadd.s32 $0xFFFFFFC0  }
0x4e8: {  	[spmem:s24] =	stream.linear.scatter [tilespmem:s25], [sflag:$0x6], $0x40, $0x38;
	[tilespmem:$0x15710] =	vst v63  }
0x4e9: {  	_ =	swait.ge [sflag:s5], $0x40  }
0x4ea: {  	[sflag:s5] =	ssyncset.done $0x0  }
0x4eb: {  	[sflag:s5] =	ssyncadd.s32 $0xFFFFFFC0  }
0x4ec: {  	[bflag:$0x0] =	sbarrier.arrive $0xFFFF  }
0x4ed: {  	s28 =	simm.s32 $0x14A80;
	s26 =	rddreg [dreg:$0x3]  }
0x4ee: {  	[tilespmem:s28], [sflag:$0x6] =	stream.linear.gather [spmem:s26], $0x800, $0x38;
	[tilespmem:$0x15710] =	vst v63  }
0x4ef: {  	_ =	swait.ge [sflag:s5], $0x800  }
0x4f0: {  	[sflag:s5] =	ssyncset.done $0x0  }
0x4f1: {  	s29 =	simm.s32 $0x5;
	[sflag:s5] =	ssyncadd.s32 $0xFFFFF800  }
0x4f2: {  	_ =	swait.ge [sflag:s29], $0x7D00  }
0x4f3: {  	[sflag:s29] =	ssyncset.done $0x0  }
0x4f4: {  	s30 =	simm.s32 $0xC700;
	[sflag:s29] =	ssyncadd.s32 $0xFFFF8300  }
0x4f5: {  	s31 =	simm.s32 $0x0;
	v12 =	vld [tilespmem:s30+$0x40]  }
0x4f6: {  	v9 =	vld [tilespmem:s31+$0x4200]  }
0x4f7: {  	v1 =	vld [tilespmem:s31+$0x8200]  }
0x4f8: {  	v3 =	vld [tilespmem:s31+$0x4210]  }
0x4f9: {  	v6 =	vld [tilespmem:s31+$0x8210]  }
0x4fa: {  	v13 =	vld [tilespmem:s31+$0x8220]  }
0x4fb: {  	v5 =	vld [tilespmem:s31+$0x4250]  }
0x4fc: {  	v10 =	vld [tilespmem:s31+$0x8250]  }
0x4fd: {  	v11 =	vld [tilespmem:s31+$0x4260]  }
0x4fe: {  	v15 =	vld [tilespmem:s31+$0x8260]  }
0x4ff: {  	v7 =	vld [tilespmem:s31+$0x4270]  }
0x500: {  	v16 =	vld [tilespmem:s31+$0x8270]  }
0x501: {  	v21 =	vld [tilespmem:s31+$0x4280]  }
0x502: {  	v8 =	vld [tilespmem:s31+$0x8280]  }
0x503: {  	v17 =	vld [tilespmem:s30+$0xFFFFFFD0]  }
0x504: {  	s0 =	simm.s32 $0x14E80;
	v18 =	vld [tilespmem:s30+$0xFFFFFFC0]  }
0x505: {  	v25 =	vld [tilespmem:s0+$0xFFFFFC00]  }
0x506: {  	v19 =	vld [tilespmem:s31+$0x8240]  }
0x507: {  	v22 =	vld [tilespmem:s30+$0xFFFFFF30]  }
0x508: {  	v23 =	vld [tilespmem:s31+$0x4220]  }
0x509: {  	v24 =	vld [tilespmem:s30+$0xFFFFFFA0]  }
0x50a: {  	v26 =	vld [tilespmem:s30+$0xFFFFFF50];
	v29 =	vbroadcast v25, $0x0  }
0x50b: {  	v27 =	vld [tilespmem:s30+$0xFFFFFF10];
	v2 =	vbroadcast v25, $0xF;
	v63 =	vbroadcast v25, $0x5  }
0x50c: {  	v28 =	vld [tilespmem:s30+$0xFFFFFF00];
	v20 =	vbroadcast v25, $0xE;
	v14 =	vbroadcast v25, $0xD  }
0x50d: {  	v30 =	vld [tilespmem:s30+$0xFFFFFF40];
	v36 =	vbroadcast v25, $0x1;
	v38 =	vbroadcast v25, $0xB  }
0x50e: {  	v52 =	vld [tilespmem:s31+$0x4230];
	v39 =	vbroadcast v25, $0x3;
	v41 =	vbroadcast v25, $0xA  }
0x50f: {  	v53 =	vld [tilespmem:s31+$0x4240];
	v42 =	vbroadcast v25, $0x7;
	v44 =	vbroadcast v25, $0x4  }
0x510: {  	v40 =	vld [tilespmem:s31+$0x8230];
	v49 =	vbroadcast v25, $0x9;
	v57 =	vbroadcast v25, $0x6  }
0x511: {  	v43 =	vld [tilespmem:s30+$0xFFFFFF70];
	v60 =	vbroadcast v25, $0x2;
	v1 =	vmul.f32 v1, v29  }
0x512: {  	v46 =	vld [tilespmem:s31+$0x4290];
	v54 =	vmul.f32 v5, v63;
	v5 =	vbroadcast v25, $0xC  }
0x513: {  	v48 =	vld [tilespmem:s30+$0xFFFFFF80];
	v33 =	vmul.f32 v52, v39;
	v45 =	vmul.f32 v3, v36  }
0x514: {  	v55 =	vld [tilespmem:s30+$0xFFFFFF90];
	v47 =	vmul.f32 v7, v42;
	v36 =	vmul.f32 v6, v36  }
0x515: {  	v56 =	vld [tilespmem:s30+$0xFFFFFFB0];
	v6 =	vmul.f32 v40, v39;
	v34 =	vmul.f32 v53, v44  }
0x516: {  	v59 =	vld [tilespmem:s31+$0x42B0];
	v16 =	vmul.f32 v16, v42;
	v19 =	vmul.f32 v19, v44  }
0x517: {  	v31 =	vld [tilespmem:s30+$0xFFFFFF20];
	v10 =	vmul.f32 v10, v63;
	v58 =	vmul.f32 v11, v57  }
0x518: {  	v37 =	vld [tilespmem:s30+$0xFFFFFF60];
	v35 =	vmul.f32 v15, v57;
	v29 =	vmul.f32 v9, v29;
	v27 =	vsub.f32 v1, v27  }
0x519: {  	v61 =	vld [tilespmem:s31+$0x82C0];
	v23 =	vmul.f32 v23, v60;
	v6 =	vsub.f32 v6, v43;
	v34 =	vsub.f32 v34, v48  }
0x51a: {  	v40 =	vld [tilespmem:s31+$0x8290];
	v46 =	vmul.f32 v46, v49;
	v19 =	vsub.f32 v19, v55;
	v24 =	vsub.f32 v54, v24  }
0x51b: {  	v15 =	vld [tilespmem:s31+$0x82B0];
	v10 =	vsub.f32 v10, v56;
	v18 =	vsub.f32 v58, v18;
	v58 =	vmul.f32 v59, v38  }
0x51c: {  	v63 =	vld [tilespmem:s30+$0x60];
	v31 =	vsub.f32 v45, v31;
	v27 =	vmul.f32 v27, v27;
	v44 =	vmul.f32 v6, v6  }
0x51d: {  	v62 =	vld [tilespmem:s30+$0x70];
	v22 =	vsub.f32 v36, v22;
	v34 =	vmul.f32 v34, v34;
	v19 =	vmul.f32 v19, v19  }
0x51e: {  	v57 =	vld [tilespmem:s30+$0xFFFFFFE0];
	v30 =	vsub.f32 v23, v30;
	v9 =	vmul.f32 v24, v24;
	v10 =	vmul.f32 v10, v10  }
0x51f: {  	v1 =	vld [tilespmem:s0+$0x0];
	v22 =	vmul.f32 v22, v22;
	v31 =	vmul.f32 v31, v31  }
0x520: {  	v50 =	vld [tilespmem:s30+$0xFFFFFFF0];
	v33 =	vsub.f32 v33, v37;
	v23 =	vmul.f32 v18, v18;
	v30 =	vmul.f32 v30, v30  }
0x521: {  	v51 =	vld [tilespmem:s31+$0x42D0];
	v15 =	vmul.f32 v15, v38;
	v40 =	vmul.f32 v40, v49;
	v18 =	vsub.f32 v58, v63  }
0x522: {  	v42 =	vld [tilespmem:s31+$0x42A0];
	v63 =	vmul.f32 v33, v33;
	v19 =	vadd.f32 v19, v34;
	v22 =	vadd.f32 v22, v31  }
0x523: {  	v11 =	vld [tilespmem:s31+$0x42C0];
	v31 =	vmul.f32 v13, v60;
	v34 =	vsub.f32 v47, v57;
	v47 =	vbroadcast v25, $0x8  }
0x524: {  	v59 =	vld [tilespmem:s31+$0x82E0];
	v7 =	vbroadcast v1, $0x2;
	v3 =	vbroadcast v1, $0xC  }
0x525: {  	v39 =	vld [tilespmem:s31+$0x42E0];
	v6 =	vbroadcast v1, $0xA;
	v45 =	vbroadcast v1, $0x0  }
0x526: {  	v48 =	vld [tilespmem:s31+$0x82A0];
	v10 =	vadd.f32 v10, v9;
	v24 =	vbroadcast v1, $0x5;
	v9 =	vbroadcast v1, $0x6  }
0x527: {  	v28 =	vsub.f32 v29, v28;
	v54 =	vld [tilespmem:s31+$0x82D0];
	v29 =	vbroadcast v1, $0x4;
	v52 =	vbroadcast v1, $0x1  }
0x528: {  	v43 =	vld [tilespmem:s30+$0x20];
	v53 =	vbroadcast v1, $0x3;
	v36 =	vmul.f32 v34, v34  }
0x529: {  	v56 =	vld [tilespmem:s30+$0x50];
	v34 =	vmul.f32 v59, v20;
	v59 =	vmul.f32 v21, v47  }
0x52a: {  	v37 =	vld [tilespmem:s30+$0xA0];
	v15 =	vsub.f32 v15, v62;
	v20 =	vmul.f32 v39, v20;
	v10 =	vmul.f32 v10, v24  }
0x52b: {  	v60 =	vld [tilespmem:s30+$0x30];
	v13 =	vmul.f32 v19, v29;
	v29 =	vsub.f32 v16, v50;
	v19 =	vmul.f32 v28, v28  }
0x52c: {  	v38 =	vld [tilespmem:s30+$0xF0];
	v28 =	vsub.f32 v35, v17;
	v16 =	vmul.f32 v61, v5;
	v17 =	vmul.f32 v54, v14  }
0x52d: {  	v25 =	vld [tilespmem:s30+$0x0];
	v33 =	vsub.f32 v46, v43;
	v61 =	vmul.f32 v42, v41;
	v32 =	vmul.f32 v22, v52  }
0x52e: {  	v57 =	vld [tilespmem:s31+$0x82F0];
	v22 =	vsub.f32 v31, v26;
	v26 =	vmul.f32 v48, v41;
	v42 =	vmul.f32 v8, v47  }
0x52f: {  	v43 =	vld [tilespmem:s30+$0x90];
	v62 =	vadd.f32 v27, v19;
	v27 =	vbroadcast v1, $0x7;
	v12 =	vsub.f32 v61, v12  }
0x530: {  	v39 =	vld [tilespmem:s30+$0x80];
	v58 =	vmul.f32 v29, v29;
	v29 =	vsub.f32 v40, v60;
	v22 =	vmul.f32 v22, v22  }
0x531: {  	v60 =	vld [tilespmem:s30+$0xC0];
	v21 =	vmul.f32 v62, v45;
	v61 =	vmul.f32 v12, v12  }
0x532: {  	v24 =	vld [tilespmem:s30+$0x10];
	v12 =	vadd.f32 v44, v63;
	v29 =	vmul.f32 v29, v29;
	v62 =	vsub.f32 v26, v56  }
0x533: {  	v41 =	vld [tilespmem:s30+$0xD0];
	v26 =	vbroadcast v1, $0x8;
	v40 =	vadd.f32 v22, v30;
	v30 =	vbroadcast v1, $0x9  }
0x534: {  	v31 =	vld [tilespmem:s30+$0xB0];
	v35 =	vmul.f32 v12, v53;
	v12 =	vsub.f32 v59, v25;
	v63 =	vmul.f32 v62, v62  }
0x535: {  	v19 =	vld [tilespmem:s31+$0x42F0];
	v36 =	vadd.f32 v58, v36;
	v44 =	vmul.f32 v51, v14;
	v14 =	vmul.f32 v57, v2  }
0x536: {  	s4 =	simm.s32 $0x400;
	s1 =	simm.s32 $0xC900;
	v25 =	vld [tilespmem:s30+$0xE0];
	v20 =	vsub.f32 v20, v60;
	v12 =	vmul.f32 v12, v12;
	v22 =	vadd.f32 v63, v61  }
.LBB2_10:
0x537: {  	s2 =	smov.u32 s4  }
0x538: {  	s3 =	sshra.s32 s4, $0x2;
	v8 =	vld [tilespmem:s1+$0x40];
	v4 =	vadd.f32 v21, v4;
	v5 =	vmul.f32 v11, v5;
	v11 =	vsub.f32 v34, v41;
	s0 =	sadd.s32 $0x10, s0;
	s2 =	sadd.s32 $0x400, s4  }
0x539: {  	p0 =	sne.s32 s4, $0xFC00;
	v34 =	vmul.f32 v28, v28;
	v28 =	vsub.f32 v44, v37;
	v20 =	vmul.f32 v20, v20;
	v21 =	vld [tilespmem:s3+$0x4200]  }
0x53a: {  	v4 =	vadd.f32 v32, v4;
	v32 =	vbroadcast v1, $0xB;
	v41 =	vmul.f32 v11, v11;
	v37 =	vld [tilespmem:s3+$0x8200]  }
0x53b: {  	v14 =	vsub.f32 v14, v38;
	v11 =	vsub.f32 v16, v43;
	v43 =	vmul.f32 v28, v28;
	v44 =	vld [tilespmem:s3+$0x4210]  }
0x53c: {  	v27 =	vmul.f32 v36, v27;
	v33 =	vmul.f32 v33, v33;
	v5 =	vsub.f32 v5, v39;
	v28 =	vld [tilespmem:s3+$0x8210]  }
0x53d: {  	v7 =	vmul.f32 v40, v7;
	v24 =	vsub.f32 v42, v24;
	v36 =	vmul.f32 v11, v11;
	v16 =	vld [tilespmem:s3+$0x8220]  }
0x53e: {  	v6 =	vmul.f32 v22, v6;
	v17 =	vsub.f32 v17, v31;
	v5 =	vmul.f32 v5, v5;
	v38 =	vld [tilespmem:s3+$0x4250]  }
0x53f: {  	v22 =	vmul.f32 v24, v24;
	v4 =	vadd.f32 v7, v4;
	v7 =	vadd.f32 v34, v23;
	v11 =	vld [tilespmem:s3+$0x8250]  }
0x540: {  	v15 =	vmul.f32 v15, v15;
	v17 =	vmul.f32 v17, v17;
	v5 =	vadd.f32 v36, v5;
	v23 =	vld [tilespmem:s3+$0x4260]  }
0x541: {  	v18 =	vmul.f32 v18, v18;
	v20 =	vadd.f32 v41, v20;
	v4 =	vadd.f32 v35, v4;
	v24 =	vld [tilespmem:s3+$0x8260]  }
0x542: {  	v2 =	vmul.f32 v19, v2;
	v29 =	vadd.f32 v29, v33;
	v33 =	vadd.f32 v17, v43;
	v31 =	vld [tilespmem:s3+$0x4270]  }
0x543: {  	v4 =	vadd.f32 v13, v4;
	v13 =	vadd.f32 v15, v18;
	v18 =	vmul.f32 v14, v14;
	v34 =	vld [tilespmem:s3+$0x8270]  }
0x544: {  	v7 =	vmul.f32 v7, v9;
	v9 =	vadd.f32 v22, v12;
	v22 =	vmul.f32 v29, v30;
	v14 =	vld [tilespmem:s3+$0x4280]  }
0x545: {  	v4 =	vadd.f32 v10, v4;
	v10 =	vmul.f32 v13, v32;
	v3 =	vmul.f32 v5, v3;
	v12 =	vld [tilespmem:s3+$0x8280]  }
0x546: {  	v5 =	vmul.f32 v9, v26;
	v17 =	vld [tilespmem:s1+$0xFFFFFFD0]  }
0x547: {  	v4 =	vadd.f32 v7, v4;
	v9 =	vld [tilespmem:s1+$0xFFFFFFC0]  }
0x548: {  	v13 =	vld [tilespmem:s3+$0x8240]  }
0x549: {  	v2 =	vsub.f32 v2, v25;
	v4 =	vadd.f32 v27, v4;
	v26 =	vld [tilespmem:s1+$0xFFFFFF30]  }
0x54a: {  	v27 =	vld [tilespmem:s3+$0x4220]  }
0x54b: {  	v2 =	vmul.f32 v2, v2;
	v4 =	vadd.f32 v5, v4;
	v15 =	vld [tilespmem:s0+$0xFFFFFC00]  }
0x54c: {  	v7 =	vbroadcast v1, $0xF;
	v5 =	vbroadcast v1, $0xE;
	v29 =	vld [tilespmem:s1+$0xFFFFFFA0]  }
0x54d: {  	v2 =	vadd.f32 v18, v2;
	v1 =	vbroadcast v1, $0xD;
	v4 =	vadd.f32 v22, v4;
	v19 =	vld [tilespmem:s1+$0xFFFFFF50]  }
0x54e: {  	v30 =	vmul.f32 v20, v5;
	v18 =	vld [tilespmem:s1+$0xFFFFFF10]  }
0x54f: {  	v1 =	vmul.f32 v33, v1;
	v4 =	vadd.f32 v6, v4;
	v6 =	vmul.f32 v2, v7;
	v32 =	vld [tilespmem:s1+$0xFFFFFF00]  }
0x550: {  	v33 =	vbroadcast v15, $0x0;
	v35 =	vld [tilespmem:s1+$0xFFFFFF40];
	v2 =	vbroadcast v15, $0xF  }
0x551: {  	v4 =	vadd.f32 v10, v4;
	v36 =	vbroadcast v15, $0x5;
	v22 =	vbroadcast v15, $0xE;
	v7 =	vld [tilespmem:s1+$0xFFFFFF20]  }
0x552: {  	v20 =	vbroadcast v15, $0xD;
	v10 =	vmul.f32 v37, v33;
	v37 =	vld [tilespmem:s3+$0x4230]  }
0x553: {  	v3 =	vadd.f32 v3, v4;
	v5 =	vbroadcast v15, $0xC;
	v38 =	vmul.f32 v38, v36;
	v39 =	vld [tilespmem:s3+$0x4240]  }
0x554: {  	v40 =	vbroadcast v15, $0xB;
	v4 =	vsub.f32 v10, v18;
	v10 =	vbroadcast v15, $0x1;
	v18 =	vld [tilespmem:s1+$0xFFFFFF60]  }
0x555: {  	v41 =	vbroadcast v15, $0x3;
	v25 =	vbroadcast v15, $0xA;
	v3 =	vadd.f32 v1, v3;
	v42 =	vld [tilespmem:s3+$0x8230]  }
0x556: {  	v45 =	vbroadcast v15, $0x7;
	v1 =	vld [tilespmem:s0+$0x0];
	v43 =	vmul.f32 v4, v4  }
0x557: {  	v46 =	vbroadcast v15, $0x4;
	v3 =	vadd.f32 v30, v3;
	v4 =	vmul.f32 v37, v41;
	v37 =	vld [tilespmem:s1+$0xFFFFFF70]  }
0x558: {  	v31 =	vmul.f32 v31, v45;
	v30 =	vmul.f32 v44, v10;
	v44 =	vld [tilespmem:s3+$0x4290]  }
0x559: {  	v48 =	vbroadcast v15, $0x9;
	v47 =	vsub.f32 v4, v18;
	v18 =	vld [tilespmem:s1+$0xFFFFFF80];
	v4 =	vadd.f32 v6, v3  }
0x55a: {  	v10 =	vmul.f32 v28, v10;
	v30 =	vsub.f32 v30, v7;
	v6 =	vmul.f32 v42, v41;
	v28 =	vld [tilespmem:s1+$0xFFFFFF90]  }
0x55b: {  	v7 =	vbroadcast v1, $0x2;
	v41 =	vld [tilespmem:s3+$0x8290];
	v3 =	vbroadcast v1, $0xC  }
0x55c: {  	v34 =	vmul.f32 v34, v45;
	v6 =	vsub.f32 v6, v37;
	v37 =	vmul.f32 v39, v46;
	v39 =	vld [tilespmem:s1+$0xFFFFFFB0]  }
0x55d: {  	v13 =	vmul.f32 v13, v46;
	v29 =	vsub.f32 v38, v29;
	v38 =	vbroadcast v15, $0x6;
	v42 =	vld [tilespmem:s3+$0x42A0]  }
0x55e: {  	v45 =	vmul.f32 v6, v6;
	v18 =	vsub.f32 v37, v18;
	v6 =	vbroadcast v1, $0xA;
	v37 =	vld [tilespmem:s3+$0x82A0]  }
0x55f: {  	v11 =	vmul.f32 v11, v36;
	v23 =	vmul.f32 v23, v38;
	v13 =	vsub.f32 v13, v28;
	v28 =	vld [tilespmem:s3+$0x42B0]  }
0x560: {  	v10 =	vsub.f32 v10, v26;
	v26 =	vmul.f32 v24, v38;
	v18 =	vmul.f32 v18, v18;
	v24 =	vld [tilespmem:s3+$0x82B0]  }
0x561: {  	v36 =	vbroadcast v15, $0x2;
	v13 =	vmul.f32 v13, v13;
	v38 =	vsub.f32 v11, v39;
	v11 =	vld [tilespmem:s3+$0x42C0]  }
0x562: {  	v21 =	vmul.f32 v21, v33;
	v29 =	vmul.f32 v29, v29;
	v23 =	vsub.f32 v23, v9;
	v33 =	vld [tilespmem:s3+$0x82C0]  }
0x563: {  	v9 =	vmul.f32 v27, v36;
	v13 =	vadd.f32 v13, v18;
	v18 =	vmul.f32 v38, v38;
	v27 =	vld [tilespmem:s1+$0x70]  }
0x564: {  	v21 =	vsub.f32 v21, v32;
	v32 =	vbroadcast v1, $0x5;
	v38 =	vbroadcast v1, $0x0;
	v39 =	vld [tilespmem:s1+$0x60]  }
0x565: {  	v46 =	vmul.f32 v10, v10;
	v10 =	vadd.f32 v18, v29;
	v18 =	vld [tilespmem:s1+$0xFFFFFFF0];
	v29 =	vmul.f32 v44, v48  }
0x566: {  	v30 =	vmul.f32 v30, v30;
	v35 =	vsub.f32 v9, v35;
	v9 =	vbroadcast v1, $0x6;
	v44 =	vld [tilespmem:s1+$0xFFFFFFE0]  }
0x567: {  	v49 =	vbroadcast v1, $0x4;
	v10 =	vmul.f32 v10, v32;
	v50 =	vld [tilespmem:s3+$0x42D0]  }
0x568: {  	v30 =	vadd.f32 v46, v30;
	v46 =	vbroadcast v1, $0x3;
	v32 =	vbroadcast v1, $0x1;
	v51 =	vld [tilespmem:s3+$0x82D0]  }
0x569: {  	v36 =	vmul.f32 v16, v36;
	v52 =	vmul.f32 v28, v40;
	v53 =	vld [tilespmem:s3+$0x42E0]  }
0x56a: {  	v13 =	vmul.f32 v13, v49;
	v16 =	vmul.f32 v24, v40;
	v49 =	vsub.f32 v34, v18;
	v34 =	vld [tilespmem:s3+$0x82E0]  }
0x56b: {  	v21 =	vmul.f32 v21, v21;
	v18 =	vsub.f32 v31, v44;
	v24 =	vld [tilespmem:s1+$0x10];
	v31 =	vmul.f32 v41, v48  }
0x56c: {  	v23 =	vmul.f32 v23, v23;
	v44 =	vbroadcast v15, $0x8;
	v15 =	vsub.f32 v16, v27;
	v40 =	vld [tilespmem:s1+$0x0]  }
0x56d: {  	v28 =	vsub.f32 v26, v17;
	v16 =	vmul.f32 v33, v5;
	v26 =	vld [tilespmem:s1+$0x30];
	v17 =	vmul.f32 v51, v20  }
0x56e: {  	v42 =	vmul.f32 v42, v25;
	v41 =	vmul.f32 v18, v18;
	v18 =	vsub.f32 v52, v39;
	v33 =	vld [tilespmem:s1+$0x20]  }
0x56f: {  	v21 =	vadd.f32 v43, v21;
	v27 =	vbroadcast v1, $0x7;
	v39 =	vmul.f32 v47, v47;
	v43 =	vld [tilespmem:s1+$0x50]  }
0x570: {  	v25 =	vmul.f32 v37, v25;
	v32 =	vmul.f32 v30, v32;
	v30 =	vsub.f32 v36, v19;
	v19 =	vld [tilespmem:s3+$0x42F0]  }
0x571: {  	v8 =	vsub.f32 v42, v8;
	v47 =	vmul.f32 v35, v35;
	v34 =	vmul.f32 v34, v22;
	v48 =	vld [tilespmem:s3+$0x82F0]  }
0x572: {  	v35 =	vmul.f32 v49, v49;
	v14 =	vmul.f32 v14, v44;
	v26 =	vsub.f32 v31, v26;
	v49 =	vld [tilespmem:s1+$0xC0]  }
0x573: {  	v21 =	vmul.f32 v21, v38;
	v8 =	vmul.f32 v8, v8;
	v33 =	vsub.f32 v29, v33;
	v37 =	vld [tilespmem:s1+$0xA0]  }
0x574: {  	v38 =	vadd.f32 v45, v39;
	v29 =	vmul.f32 v26, v26;
	v25 =	vsub.f32 v25, v43;
	v31 =	vld [tilespmem:s1+$0xB0]  }
.Ltmp4:
0x575: {  	v30 =	vmul.f32 v30, v30;
	v36 =	vadd.f32 v35, v41;
	v26 =	vbroadcast v1, $0x8;
	v41 =	vld [tilespmem:s1+$0xD0];
	(pc) =	sbr.rel @p0 .LBB2_10-.Ltmp4, $4  }
0x576: {  	v35 =	vmul.f32 v38, v46;
	v14 =	vsub.f32 v14, v40;
	v39 =	vmul.f32 v25, v25;
	v25 =	vld [tilespmem:s1+$0xE0]  }
0x577: {  	v45 =	vmul.f32 v53, v22;
	v40 =	vadd.f32 v30, v47;
	v30 =	vbroadcast v1, $0x9;
	v38 =	vld [tilespmem:s1+$0xF0]  }
0x578: {  	v42 =	vmul.f32 v12, v44;
	v12 =	vmul.f32 v14, v14;
	v22 =	vadd.f32 v39, v8;
	v43 =	vld [tilespmem:s1+$0x90]  }
0x579: {  	s4 =	smov.u32 s2;
	v44 =	vmul.f32 v50, v20;
	v14 =	vmul.f32 v48, v2;
	v20 =	vsub.f32 v45, v49;
	v39 =	vld [tilespmem:s1+$0x80];
	s1 =	sadd.s32 $0x200, s1  }
0x57a: {  	v4 =	vadd.f32 v21, v4;
	_ =	sdelay $0x1  }
0x57b: {  	v7 =	vmul.f32 v40, v7;
	v4 =	vadd.f32 v32, v4;
	_ =	sdelay $0x1  }
0x57c: {  	v4 =	vadd.f32 v7, v4;
	_ =	sdelay $0x1  }
0x57d: {  	v40 =	vmul.f32 v28, v28;
	v4 =	vadd.f32 v35, v4  }
0x57e: {  	v8 =	vsub.f32 v42, v24  }
0x57f: {  	v5 =	vmul.f32 v11, v5;
	v7 =	vadd.f32 v40, v23;
	v4 =	vadd.f32 v13, v4  }
0x580: {  	v47 =	vmul.f32 v36, v27;
	v48 =	vmul.f32 v33, v33  }
0x581: {  	v8 =	vmul.f32 v8, v8;
	v7 =	vmul.f32 v7, v9;
	v4 =	vadd.f32 v10, v4  }
0x582: {  	v50 =	vbroadcast v1, $0xB;
	v51 =	vmul.f32 v15, v15  }
0x583: {  	v52 =	vmul.f32 v18, v18;
	v8 =	vadd.f32 v8, v12;
	v4 =	vadd.f32 v7, v4  }
0x584: {  	v6 =	vmul.f32 v22, v6;
	v54 =	vsub.f32 v17, v31;
	v2 =	vmul.f32 v19, v2  }
0x585: {  	v8 =	vmul.f32 v8, v26;
	v13 =	vadd.f32 v29, v48;
	v4 =	vadd.f32 v47, v4  }
0x586: {  	v60 =	vbroadcast v1, $0xD;
	v62 =	vbroadcast v1, $0xE;
	v16 =	vsub.f32 v16, v43  }
0x587: {  	v5 =	vsub.f32 v5, v39;
	v13 =	vmul.f32 v13, v30;
	v4 =	vadd.f32 v8, v4  }
0x588: {  	v46 =	vsub.f32 v44, v37;
	v49 =	vmul.f32 v20, v20;
	v11 =	vadd.f32 v51, v52  }
0x589: {  	v53 =	vmul.f32 v16, v16;
	v5 =	vmul.f32 v5, v5;
	v4 =	vadd.f32 v13, v4  }
0x58a: {  	v45 =	vsub.f32 v34, v41;
	v56 =	vmul.f32 v54, v54;
	v57 =	vmul.f32 v11, v50  }
0x58b: {  	v5 =	vadd.f32 v53, v5;
	v10 =	vmul.f32 v46, v46;
	v4 =	vadd.f32 v6, v4  }
0x58c: {  	v55 =	vsub.f32 v14, v38;
	v58 =	vmul.f32 v45, v45;
	v2 =	vsub.f32 v2, v25  }
0x58d: {  	v3 =	vmul.f32 v5, v3;
	v59 =	vadd.f32 v56, v10;
	v4 =	vadd.f32 v57, v4  }
0x58e: {  	v61 =	vmul.f32 v55, v55;
	v2 =	vmul.f32 v2, v2  }
0x58f: {  	v5 =	vmul.f32 v59, v60;
	v6 =	vadd.f32 v58, v49;
	v3 =	vadd.f32 v3, v4  }
0x590: {  	v1 =	vbroadcast v1, $0xF  }
0x591: {  	v2 =	vadd.f32 v61, v2;
	v63 =	vmul.f32 v6, v62;
	v3 =	vadd.f32 v5, v3;
	_ =	sdelay $0x1  }
0x592: {  	v1 =	vmul.f32 v2, v1;
	v2 =	vadd.f32 v63, v3;
	_ =	sdelay $0x1  }
0x593: {  	s1 =	sld [smem:$0x7FC];
	v1 =	vadd.f32 v1, v2;
	_ =	sdelay $0x1  }
0x594: {  	s0 =	simm.s32 $0x0;
	s2 =	simm.s32 $0x15280;
	[tilespmem:$0x15280] =	vst v1  }
0x595: {  	[hbm4b:s1+s0] =	stream.linear.scatter [tilespmem:s2], [sflag:$0x6], $0x10, $0x38;
	[tilespmem:$0x15710] =	vst v63  }
0x596: {  	_ =	swait.ge [sflag:s5], $0x10  }
0x597: {  	s30 =	sld [smem:$0x7F1]  }
0x598: {  	s31 =	sld [smem:$0x7FD];
	_ =	sdelay $0x1  }
0x599: {  	s1 =	sadd.s32 $0x1, s30  }
0x59a: {  	p0 =	sne.s32 s1, s31  }
.Ltmp5:
0x59b: {  	_ = 	snop;
	(pc) =	sbr.rel @p0 .LBB2_1-.Ltmp5, $3  }
0x59c: {  	_ =	sdelay $0x1  }
0x59d: {  	[sflag:s5] =	ssyncset.done $0x0  }
0x59e: {  	[sflag:s5] =	ssyncadd.s32 $0xFFFFFFF0  }
0x59f: {  	_ =	sfence.sel $0x180000  }
0x5a0: {  	[bflag:$0x0] =	sbarrier.arrive $0xFFFF  }
0x5a1: {  	_ =	strace $0x9000004A  }
0x5a2: {  	s0 =	stileid.u32;
	[bflag:$0x2] =	sbarrier.arrive $0xFFFF  }
0x5a3: {  	p0 =	sne.s32 s0, $0x0;
	s0 =	rddreg [dreg:$0x4]  }
0x5a4: {  	s0 =	sadd.s32 @!p0 $0x100000, s0  }
0x5a5: {  	[sflag:s0] =	ssyncadd.tile.s32 @!p0 $0x1;
	_ =	shalt  }
.Lfunc_end2:
_tile_overlayer_lowered:
.L_overlay_start_2:
0x5a6: {  	(tag) =	ssettag $0x2  }
0x5a7: {  	s0 =	rddreg [dreg:$0x0];
	s2 =	stileid.u32  }
0x5a8: {  	s1 =	rddreg [dreg:$0x1];
	p0 =	sne.s32 s2, $0x0  }
0x5a9: {  	s3 =	rddreg [dreg:$0x2];
	[bflag:$0x3] =	sbarrier.arrive $0xFFFF;
	s2 =	simm.s32 @!p0 $0x1C06  }
0x5aa: {  	[timem:s3], [sflag:s2] =	dma.local @!p0 [hbm:s0], s1  }
0x5ab: {  	s0 =	simm.s32 @!p0 $0x6  }
0x5ac: {  	_ =	swait.ge @!p0 [sflag:s0], s1  }
0x5ad: {  	s1 =	ssub.s32 @!p0 $0x0, s1;
	[sflag:s0] =	ssyncset.done @!p0 $0x0  }
0x5ae: {  	[sflag:s0] =	ssyncadd.s32 @!p0 s1  }
0x5af: {  	[bflag:$0x3] =	sbarrier.arrive $0xFFFF  }
0x5b0: {  	_ =	shalt  }

// kernel: sparse-core-data-format-call.cloned.1.call-start
scs
called_computation_lowered:
.L_overlay_start_0:
0x0: {  	s2 =	sld [smem:$0x3FD9]  }
0x1: {  	s3 =	sld [smem:$0x3FFE];
	_ =	sdelay $0x1  }
0x2: {  	s1 =	srdreg.scid  }
0x3: {  	s0 =	sand.u32 $0x1, s1  }
0x4: {  	s18 =	sshll.u32 s0, $0xA;
	s2 =	sadd.s32 s3, s2  }
0x5: {  	s2 =	sadd.s32 s2, s18  }
0x6: {  	[smem:$0x3FC5] =	sst s2  }
0x7: {  	_ = 	snop  }
0x8: {  	s2 =	sld [smem:$0x3FC9];
	(tm) =	ssettm $0x1  }
0x9: {  	s19 =	sld [smem:$0x3FFB];
	_ =	sdelay $0x3  }
0xa: {  	_ =	strace s19  }
0xb: {  	s3 =	sld [smem:$0x3FFC];
	_ =	sdelay $0x3  }
0xc: {  	_ =	strace s3  }
0xd: {  	s3 =	sld [smem:$0x3FFD];
	_ =	sdelay $0x3  }
0xe: {  	_ =	strace s3  }
0xf: {  	_ =	strace $0x8FFFFFFF  }
0x10: {  	s20 =	sld [smem:$0x3FDB];
	_ =	sdelay $0x1  }
0x11: {  	s4 =	simm.s32 $_scs_section_size  }
0x12: {  	s5 =	simm.s32 $_size__tile_overlayer_lowered;
	s6 =	simm.s32 $_tile_overlayer_lowered  }
0x13: {  	s23 =	simm.s32 $0x1BFF;
	s22 =	sshll.u32 s6, $0x1;
	s3 =	sadd.s32 s4, s20  }
0x14: {  	s7 =	simm.s32 $0x0;
	s21 =	sshll.u32 s5, $0x1;
	s5 =	sadd.s32 s22, s3  }
0x15: {  	[timem:s7], [sflag:s23] =	dma.local [hbm:s5], s21  }
0x16: {  	_ =	swait.ge [sflag:s23], s21  }
0x17: {  	s4 =	ssub.s32 $0x0, s21;
	[sflag:s23] =	ssyncset.done $0x0  }
0x18: {  	[sflag:s23] =	ssyncadd.s32 s4;
	_ =	sdelay $0x1  }
0x19: {  	s24 =	simm.s32 $0x1B8B  }
0x1a: {  	_ =	swait.ge [sflag:s24], $0x1  }
0x1b: {  	[sflag:s24] =	ssyncset.done $0x0  }
0x1c: {  	s26 =	simm.s32 $0x1B8E;
	s25 =	sld [smem:$0x3FFE];
	[sflag:s24] =	ssyncadd.s32 $0xFFFFFFFF  }
0x1d: {  	s27 =	simm.s32 $execute0_lowered;
	[smem:$0x3FD2] =	sst s26  }
0x1e: {  	s5 =	sshll.u32 s27, $0x1;
	_ =	strace $0x80000046;
	[dreg:$0x1] =	wrdreg $0xFFFFFFFF  }
0x1f: {  	s28 =	simm.s32 $_size_execute0_lowered;
	s3 =	sadd.s32 s3, s5;
	[dreg:$0x0] =	wrdreg $0x0  }
0x20: {  	s5 =	sshll.u32 s28, $0x1;
	[dreg:$0x2] =	wrdreg s3  }
0x21: {  	[dreg:$0x3] =	wrdreg s5  }
0x22: {  	[dreg:$0x4] =	wrdreg $0xC0  }
0x23: {  	_ =	task [dreg:s7], $0x5FFFF  }
0x24: {  	[dreg:$0x1] =	wrdreg $0xFFFFFFFF  }
0x25: {  	[dreg:$0x0] =	wrdreg $0x60  }
0x26: {  	[dreg:$0x2] =	wrdreg s2  }
0x27: {  	[dreg:$0x3] =	wrdreg s25  }
0x28: {  	[dreg:$0x4] =	wrdreg $0x9  }
0x29: {  	_ =	task.clear_ibuf [dreg:s7], $0x5FFFF;
	_ =	strace $0x90000046  }
0x2a: {  	s29 =	simm.s32 $0x9;
	_ =	strace $0x80000048  }
0x2b: {  	_ =	swait.ge [sflag:s29], $0x1  }
0x2c: {  	[sflag:s29] =	ssyncadd.s32 $0xFFFFFFFF  }
0x2d: {  	_ =	strace $0x90000048  }
0x2e: {  	_ =	sfence  }
0x2f: {  	s30 =	sld [smem:$0x0];
	_ =	sdelay $0x2  }
0x30: {  	s31 =	sshll.u32 s1, $0xD;
	s1 =	sshrl.u32 s1, $0x2  }
0x31: {  	s3 =	sand.u32 $0x4000, s31;
	s1 =	sadd.s32 s1, s30  }
0x32: {  	s0 =	sor.u32 s3, s0;
	s1 =	sshll.u32 s1, $0x11  }
0x33: {  	s0 =	sor.u32 s1, s0  }
0x34: {  	s0 =	sadd.s32 $0x8F2B, s0  }
0x35: {  	[sflag:s0] =	ssyncadd.remote.s32 $0x1  }
0x36: {  	_ =	sfence.sel $0xFFFF  }
0x37: {  	[dreg:$0x0] =	wrdreg $0xFFFFFFFF;
	(pc) =	sbr.abs _section_cstart, $3  }
0x38: {  	[dreg:$0x1] =	wrdreg $0xFFFFFFFF  }
0x39: {  	_ =	task.clear_ibuf [dreg:s7], $0x2FFFF;
	_ =	strace $0x9FFFFFFF  }
0x3a: {  	(tm) =	ssettm $0x7FFFFFFF  }
0x3b: {  	_ =	shalt  }
tec
execute0_lowered:
.L_overlay_start_1:
0x0: {  	(tag) =	ssettag $0x1  }
0x1: {  	s0 =	srdreg.scid  }
0x2: {  	s1 =	sshll.u32 s0, $0x4  }
0x3: {  	s2 =	rddreg [dreg:$0x0];
	s0 =	stileid.u32;
	s1 =	sand.u32 $0x10, s1  }
0x4: {  	s4 =	rddreg [dreg:$0x1];
	s7 =	simm.s32 $0x1;
	s1 =	sor.u32 s0, s1  }
0x5: {  	s8 =	simm.s32 $0x2;
	s9 =	simm.s32 $0x0;
	s3 =	sshll.u32 s1, $0x1  }
0x6: {  	s12 =	simm.s32 $0x0;
	s11 =	simm.s32 $0x0;
	s6 =	ssub.s32 $0x800, s3  }
.Ltmp0:
0x7: {  	s4 =	sadd.s32 $0x600, s4;
	s5 =	sand.u32 $0x3E, s6;
	(pc) =	sbr.rel .LBB1_1-.Ltmp0, $4  }
0x8: {  	s1 =	rddreg [dreg:$0x2];
	_ =	strace $0x80000047;
	p0 =	sne.s32 s5, $0x0  }
0x9: {  	s6 =	sshrl.u32 s6, $0x6;
	s5 =	simm.s32 $0x1;
	s7 =	simm.s32 @!p0 $0x0  }
0xa: {  	s10 =	smov.u32 s3;
	[sflag:s5] =	ssyncpa.u1 $0x0;
	s6 =	sadd.s32 s7, s6  }
0xb: {  	[sflag:s8] =	ssyncpa.u1 $0x0;
	s8 =	simm.s32 $0x0;
	s7 =	sadd.s32 $0x1, s6  }
.LBB1_9:
0xc: {  	s14 =	sadd.s32 $0x40, s10  }
0xd: {  	p1 =	sgt.s32 s14, $0x7FF  }
0xe: {  	s14 =	smov.u32 @p1 s3;
	p1 =	sne.s32 s11, s7  }
.Ltmp1:
0xf: {  	p0 =	slt.u32 s11, $0x2;
	(pc) =	sbr.rel @!p1 .LBB1_10-.Ltmp1, $4  }
0x10: {  	s13 =	simm.s32 @!p0 $0x2  }
0x11: {  	s15 =	sadd.s32 $0x1, s11;
	_ =	swait.ge @!p0 [sflag:s13], $0x4000  }
0x12: {  	s12 =	smov.u32 s10;
	s9 =	sadd.s32 $0x4000, s9;
	[sflag:s13] =	ssyncset.done @!p0 $0x0  }
0x13: {  	s11 =	smov.u32 s15;
	s10 =	smov.u32 s14;
	[sflag:s13] =	ssyncadd.s32 @!p0 $0xFFFFC000  }
.LBB1_1:
0x14: {  	p0 =	sge.u32 s11, s6  }
0x15: {  	s13 =	sxor.u32 @!p0 $0xFFFFFFFF, s11  }
0x16: {  	s31 =	sadd.s32 $0xFFFFFFFF, s11;
	s14 =	sshll.u32 @!p0 s10, $0xA;
	s13 =	sshll.u32 @!p0 s13, $0xE  }
0x17: {  	s15 =	simm.s32 @!p0 $0x0;
	s14 =	sadd.s32 @!p0 s2, s14;
	s13 =	sand.u32 @!p0 $0x4000, s13  }
0x18: {  	[tilespmem:s13], [sflag:$0x1] =	stream.linear.gather @!p0 [hbm4b:s14+s15], $0x4000, $0x38;
	[tilespmem:$0x10000] =	vst v63  }
0x19: {  	p0 =	sge.u32 s31, s6  }
.Ltmp2:
0x1a: {  	_ = 	snop;
	(pc) =	sbr.rel @p0 .LBB1_9-.Ltmp2, $1  }
0x1b: {  	_ =	sdelay $0x3  }
0x1c: {  	s13 =	sshll.u32 s9, $0x2  }
0x1d: {  	_ =	swait.ge [sflag:s5], $0x4000;
	s14 =	sshll.u32 s11, $0xE;
	s16 =	simm.s32 $0x0  }
0x1e: {  	p1 =	por $0x1, $0x1;
	s13 =	sand.u32 $0x10000, s13;
	[sflag:s5] =	ssyncset.done $0x0  }
0x1f: {  	s14 =	sand.u32 $0x4000, s14;
	s15 =	sshrl.u32 s13, $0x2;
	[sflag:s5] =	ssyncadd.s32 $0xFFFFC000  }
0x20: {  	s13 =	sor.u32 $0x8000, s14;
	s14 =	sadd.s32 $0x8040, s15;
	s15 =	sadd.s32 $0x40, s15  }
.LBB1_3:
0x21: {  	s16 =	sshll.u32 s16, $0x2  }
0x22: {  	p0 =	por p1, p1;
	s17 =	sshra.s32 s16, $0x2  }
0x23: {  	s18 =	simm.s32 $0x0;
	s16 =	sadd.s32 s17, s14;
	s17 =	sadd.s32 s17, s15  }
.LBB1_4:
0x24: {  	v0 =	vmov s17;
	_ =	sdelay $0x3  }
0x25: {  	s20 =	simm.s32 $0x0  }
0x26: {  	v6 =	vld.idx.msk [tilespmem:v0+s20+$0x30 ss:$0x1], $0xffff  }
0x27: {  	v7 =	vld.idx.msk [tilespmem:v0+s20+$0xFFFFFFC0 ss:$0x1], $0xffff  }
0x28: {  	v5 =	vld.idx.msk [tilespmem:v0+s20+$0xFFFFFFD0 ss:$0x1], $0xffff  }
0x29: {  	v4 =	vld.idx.msk [tilespmem:v0+s20+$0xFFFFFFE0 ss:$0x1], $0xffff  }
0x2a: {  	v3 =	vld.idx.msk [tilespmem:v0+s20+$0xFFFFFFF0 ss:$0x1], $0xffff  }
0x2b: {  	v1 =	vld.idx.msk [tilespmem:v0+s20+$0x0 ss:$0x1], $0xffff  }
0x2c: {  	v2 =	vld.idx.msk [tilespmem:v0+s20+$0x10 ss:$0x1], $0xffff;
	[tilespmem:s16+$0x30] =	vst v6  }
0x2d: {  	s19 =	simm.s32 $0x80;
	s21 =	simm.s32 $0x400;
	[tilespmem:s16+$0xFFFFFFC0] =	vst v7;
	v6 =	vld.idx.msk [tilespmem:v0+s20+$0x20 ss:$0x1], $0xffff;
	s20 =	smov.u32 s16  }
.LBB1_5:
0x2e: {  	p1 =	sne.s32 s21, $0xE00;
	v7 =	vld.idx.msk [tilespmem:v0+s19+$0x30 ss:$0x1], $0xffff;
	[tilespmem:s20+$0xFFFFFFD0] =	vst v5  }
0x2f: {  	v8 =	vld.idx.msk [tilespmem:v0+s19+$0xFFFFFFC0 ss:$0x1], $0xffff;
	[tilespmem:s20+$0xFFFFFFE0] =	vst v4  }
0x30: {  	v5 =	vld.idx.msk [tilespmem:v0+s19+$0xFFFFFFD0 ss:$0x1], $0xffff;
	[tilespmem:s20+$0xFFFFFFF0] =	vst v3  }
.Ltmp3:
0x31: {  	v4 =	vld.idx.msk [tilespmem:v0+s19+$0xFFFFFFE0 ss:$0x1], $0xffff;
	[tilespmem:s20+$0x0] =	vst v1;
	(pc) =	sbr.rel @p1 .LBB1_5-.Ltmp3, $4  }
0x32: {  	v3 =	vld.idx.msk [tilespmem:v0+s19+$0xFFFFFFF0 ss:$0x1], $0xffff;
	[tilespmem:s20+$0x10] =	vst v2  }
0x33: {  	v1 =	vld.idx.msk [tilespmem:v0+s19+$0x0 ss:$0x1], $0xffff;
	[tilespmem:s20+$0x20] =	vst v6;
	s20 =	sadd.s32 $0x400, s20  }
0x34: {  	v2 =	vld.idx.msk [tilespmem:v0+s19+$0x10 ss:$0x1], $0xffff;
	[tilespmem:s20+$0x30] =	vst v7  }
0x35: {  	[tilespmem:s20+$0xFFFFFFC0] =	vst v8;
	v6 =	vld.idx.msk [tilespmem:v0+s19+$0x20 ss:$0x1], $0xffff;
	s19 =	sshra.s32 s21, $0x2;
	s21 =	sadd.s32 $0x200, s21  }
0x36: {  	_ =	sdelay $0x2  }
0x37: {  	[tilespmem:s20+$0xFFFFFFD0] =	vst v5  }
0x38: {  	v56 =	vld.idx.msk [tilespmem:v0+s19+$0x30 ss:$0x1], $0xffff;
	[tilespmem:s20+$0xFFFFFFE0] =	vst v4  }
0x39: {  	v57 =	vld.idx.msk [tilespmem:v0+s19+$0xFFFFFFC0 ss:$0x1], $0xffff;
	[tilespmem:s20+$0xFFFFFFF0] =	vst v3  }
0x3a: {  	v58 =	vld.idx.msk [tilespmem:v0+s19+$0xFFFFFFD0 ss:$0x1], $0xffff;
	[tilespmem:s20+$0x0] =	vst v1  }
0x3b: {  	v59 =	vld.idx.msk [tilespmem:v0+s19+$0xFFFFFFE0 ss:$0x1], $0xffff;
	[tilespmem:s20+$0x10] =	vst v2  }
0x3c: {  	v60 =	vld.idx.msk [tilespmem:v0+s19+$0xFFFFFFF0 ss:$0x1], $0xffff;
	s31 =	sadd.s32 $0x400, s20;
	[tilespmem:s20+$0x20] =	vst v6  }
0x3d: {  	v61 =	vld.idx.msk [tilespmem:v0+s19+$0x0 ss:$0x1], $0xffff;
	[tilespmem:s31+$0x30] =	vst v56  }
0x3e: {  	v62 =	vld.idx.msk [tilespmem:v0+s19+$0x10 ss:$0x1], $0xffff;
	s18 =	sadd.s32 $0x1, s18;
	[tilespmem:s31+$0xFFFFFFC0] =	vst v57  }
0x3f: {  	v63 =	vld.idx.msk [tilespmem:v0+s19+$0x20 ss:$0x1], $0xffff;
	p1 =	sne.s32 s18, $0x8;
	[tilespmem:s31+$0xFFFFFFD0] =	vst v58  }
.Ltmp4:
0x40: {  	[tilespmem:s31+$0xFFFFFFE0] =	vst v59;
	(pc) =	sbr.rel @p1 .LBB1_4-.Ltmp4, $4  }
0x41: {  	[tilespmem:s31+$0xFFFFFFF0] =	vst v60  }
0x42: {  	[tilespmem:s31+$0x0] =	vst v61  }
0x43: {  	[tilespmem:s31+$0x10] =	vst v62  }
0x44: {  	s16 =	sadd.s32 $0x80, s16;
	s17 =	sadd.s32 $0x400, s17;
	[tilespmem:s31+$0x20] =	vst v63  }
.Ltmp5:
0x45: {  	(pc) =	sbr.rel @p0 .LBB1_3-.Ltmp5, $2  }
0x46: {  	_ =	sdelay $0x2  }
0x47: {  	s16 =	simm.s32 $0x2000;
	p1 =	por $0x0, $0x0  }
.Ltmp6:
0x48: {  	(pc) =	sbr.rel .LBB1_9-.Ltmp6, $4  }
0x49: {  	_ = 	snop  }
0x4a: {  	s12 =	sshll.u32 s12, $0xA  }
0x4b: {  	s12 =	sadd.s32 s4, s12  }
0x4c: {  	[hbm4b:s12+s8] =	stream.linear.scatter [tilespmem:s13], [sflag:$0x2], $0x4000, $0x38;
	[tilespmem:$0x10000] =	vst v63  }
.LBB1_10:
0x4d: {  	_ =	sfence.sel $0x180000  }
0x4e: {  	s2 =	simm.s32 $0x1;
	[bflag:$0x0] =	sbarrier.arrive $0xFFFF  }
0x4f: {  	s31 =	simm.s32 $0x2;
	[sflag:s2] =	ssyncpa.u1 $0x1  }
0x50: {  	[sflag:s31] =	ssyncpa.u1 $0x1  }
0x51: {  	p0 =	sne.s32 s0, $0x0;
	_ =	strace $0x90000047  }
0x52: {  	s0 =	sadd.s32 @!p0 $0x100000, s1;
	[bflag:$0x2] =	sbarrier.arrive $0xFFFF  }
0x53: {  	[sflag:s0] =	ssyncadd.tile.s32 @!p0 $0x1;
	_ =	shalt  }
.Lfunc_end1:
_tile_overlayer_lowered:
.L_overlay_start_2:
0x54: {  	(tag) =	ssettag $0x2  }
0x55: {  	s0 =	rddreg [dreg:$0x0];
	s2 =	stileid.u32  }
0x56: {  	s1 =	rddreg [dreg:$0x1];
	p0 =	sne.s32 s2, $0x0  }
0x57: {  	s3 =	rddreg [dreg:$0x2];
	[bflag:$0x3] =	sbarrier.arrive $0xFFFF;
	s2 =	simm.s32 @!p0 $0x1C01  }
0x58: {  	[timem:s3], [sflag:s2] =	dma.local @!p0 [hbm:s0], s1  }
0x59: {  	s0 =	simm.s32 @!p0 $0x1  }
0x5a: {  	_ =	swait.ge @!p0 [sflag:s0], s1  }
0x5b: {  	s1 =	ssub.s32 @!p0 $0x0, s1;
	[sflag:s0] =	ssyncset.done @!p0 $0x0  }
0x5c: {  	[sflag:s0] =	ssyncadd.s32 @!p0 s1  }
0x5d: {  	[bflag:$0x3] =	sbarrier.arrive $0xFFFF  }
0x5e: {  	_ =	shalt  }

</sc_bundles>
